<compile_context>
chip_gen: v7x
topology: tpu7x:2x2x1
jax: 0.10.2.dev20260603
libtpu: 0.0.44.dev20260713+nightly
codegen_flags: <defaults>
</compile_context>

<pallas_src>
import functools

import jax
import jax.numpy as jnp
from jax import lax
from jax.experimental import pallas as pl
from jax.experimental.pallas import tpu as pltpu
from jax.experimental.pallas import tpu_sc as plsc

N = 10000
E = 320000
D = 128

NC = 2
NS = 16
LANES = 16

EPW = E // (NC * NS)
CHUNK = 128
NCHUNK = EPW // CHUNK
TAIL = EPW - NCHUNK * CHUNK
NR = 3
NSV = 4
NDV = 2
UNROLL = 12
NMAIN = (NCHUNK // UNROLL) * UNROLL
NPAD = 10112
ROWS_PW = NPAD // NS
ZROWS = 32


def _segsum_body(vals, eidx, out,
                 sv0, sv1, sv2, sv3, dv0, dv1, dvt,
                 rows0, rows1, rows2, agg,
                 isem0, isem1, isem2, isem3, dsem0, dsem1,
                 gsem0, gsem1, gsem2):
    c = lax.axis_index("c")
    s = lax.axis_index("s")
    rows = (rows0, rows1, rows2)
    sv = (sv0, sv1, sv2, sv3)
    dv = (dv0, dv1)
    isem = (isem0, isem1, isem2, isem3)
    dsem = (dsem0, dsem1)
    gsem = (gsem0, gsem1, gsem2)

    base = (c * NS + s) * EPW

    def issue_isrc(chunk, slot):
        pltpu.async_copy(eidx.at[pl.ds(base + chunk * CHUNK, CHUNK)],
                         sv[slot], isem[slot])

    def wait_isrc(slot):
        pltpu.make_async_copy(eidx.at[pl.ds(0, CHUNK)], sv[slot],
                              isem[slot]).wait()

    def issue_idst(chunk, slot):
        pltpu.async_copy(eidx.at[pl.ds(E + base + chunk * CHUNK, CHUNK)],
                         dv[slot], dsem[slot])

    def wait_idst(slot):
        pltpu.make_async_copy(eidx.at[pl.ds(0, CHUNK)], dv[slot],
                              dsem[slot]).wait()

    def issue_gather(sslot, rslot):
        pltpu.async_copy(vals.at[sv[sslot]], rows[rslot], gsem[rslot])

    def wait_g(rslot):
        pltpu.make_async_copy(vals.at[pl.ds(0, CHUNK)], rows[rslot],
                              gsem[rslot]).wait()

    def scatter_sync(rslot, dslot):
        pltpu.sync_copy(rows[rslot], agg.at[dv[dslot]], add=True)

    for k in range(NSV):
        issue_isrc(k, k)
    issue_idst(0, 0)

    zvec = jnp.zeros((LANES,), jnp.float32)

    def _zb_loop(t, _):
        rows0[t // (D // LANES), pl.ds((t % (D // LANES)) * LANES, LANES)] = (
            zvec)
        return 0

    lax.fori_loop(0, ZROWS * (D // LANES), _zb_loop, 0)

    def _zero_loop(j, _):
        pltpu.async_copy(rows0.at[pl.ds(0, ZROWS)],
                         agg.at[pl.ds(s * ROWS_PW + j * ZROWS, ZROWS)],
                         gsem0)
        return 0

    lax.fori_loop(0, (ROWS_PW // ZROWS), _zero_loop, 0)
    pltpu.async_copy(rows0.at[pl.ds(0, ROWS_PW % ZROWS)],
                     agg.at[pl.ds(s * ROWS_PW + (ROWS_PW // ZROWS) * ZROWS,
                                  ROWS_PW % ZROWS)],
                     gsem0)

    def _zero_drain(j, _):
        pltpu.make_async_copy(rows0.at[pl.ds(0, ZROWS)],
                              agg.at[pl.ds(0, ZROWS)], gsem0).wait()
        return 0

    lax.fori_loop(0, (ROWS_PW // ZROWS), _zero_drain, 0)
    pltpu.make_async_copy(rows0.at[pl.ds(0, ROWS_PW % ZROWS)],
                          agg.at[pl.ds(0, ROWS_PW % ZROWS)], gsem0).wait()

    plsc.subcore_barrier()

    wait_isrc(0)
    issue_gather(0, 0)
    wait_isrc(1)
    issue_gather(1, 1)

    def _step(i, u, g4=True, g2=True, g1=True):
        wait_g(u % NR)
        if g4:
            issue_isrc(i + 4, u % NSV)
        if g2:
            wait_isrc((u + 2) % NSV)
            issue_gather((u + 2) % NSV, (u + 2) % NR)
        wait_idst(u % NDV)
        scatter_sync(u % NR, u % NDV)
        if g1:
            issue_idst(i + 1, (u + 1) % NDV)

    def _pipe_body(i2, _):
        for u in range(UNROLL):
            _step(UNROLL * i2 + u, u)
        return 0

    lax.fori_loop(0, NMAIN // UNROLL, _pipe_body, 0)

    for i in range(NMAIN, NCHUNK):
        _step(i, i, g4=i + 4 < NCHUNK, g2=i + 2 < NCHUNK,
              g1=i + 1 < NCHUNK)

    pltpu.async_copy(eidx.at[pl.ds(E + base + NCHUNK * CHUNK, TAIL)],
                     dvt, dsem0)
    pltpu.async_copy(eidx.at[pl.ds(base + NCHUNK * CHUNK, TAIL)],
                     sv0.at[pl.ds(0, TAIL)], isem0)
    pltpu.make_async_copy(eidx.at[pl.ds(0, TAIL)], dvt, dsem0).wait()
    pltpu.make_async_copy(eidx.at[pl.ds(0, TAIL)], sv0.at[pl.ds(0, TAIL)],
                          isem0).wait()
    pltpu.async_copy(vals.at[sv0.at[pl.ds(0, TAIL)]],
                     rows0.at[pl.ds(0, TAIL)], gsem0).wait()
    pltpu.sync_copy(rows0.at[pl.ds(0, TAIL)], agg.at[dvt], add=True)

    plsc.subcore_barrier()

    pltpu.sync_copy(
        agg.at[pl.ds(s * ROWS_PW, ROWS_PW)],
        out.at[c].at[pl.ds(s * ROWS_PW, ROWS_PW)],
    )


def _segsum_sc(vals, edge_index):
    mesh = plsc.VectorSubcoreMesh(
        core_axis_name="c", subcore_axis_name="s",
        num_cores=NC, num_subcores=NS,
    )
    f = pl.kernel(
        _segsum_body,
        out_type=jax.ShapeDtypeStruct((NC, NPAD, D), jnp.float32),
        mesh=mesh,
        scratch_types=(
            [pltpu.VMEM((CHUNK,), jnp.int32)] * NSV
            + [pltpu.VMEM((CHUNK,), jnp.int32)] * NDV
            + [pltpu.VMEM((TAIL,), jnp.int32)]
            + [pltpu.VMEM((CHUNK, D), jnp.float32)] * NR
            + [pltpu.VMEM_SHARED((NPAD, D), jnp.float32)]
            + [pltpu.SemaphoreType.DMA] * (NSV + NDV + NR)
        ),
    )
    return f(vals, edge_index.reshape(2 * E))


_BM = 2000
_ROW_SPEC = pl.BlockSpec((_BM, D), lambda i: (i, 0))
_W_SPEC = pl.BlockSpec((D, D), lambda i: (0, 0))


def _root_body(xr, wroot, br, o):
    o[...] = jnp.dot(xr[...], wroot[...],
                     preferred_element_type=jnp.float32) + br[...]


def _root_tc(xin, wroot, b):
    return pl.pallas_call(
        _root_body,
        grid=(N // _BM,),
        in_specs=[_ROW_SPEC, _W_SPEC, pl.BlockSpec((1, D), lambda i: (0, 0))],
        out_specs=_ROW_SPEC,
        out_shape=jax.ShapeDtypeStruct((N, D), jnp.float32),
    )(xin, wroot, b.reshape(1, D))


def _combine_body(relu, a0, a1, root, wrel, o):
    acc = jnp.dot(a0[0] + a1[0], wrel[...],
                  preferred_element_type=jnp.float32)
    acc += root[...]
    o[...] = jnp.maximum(acc, 0.0) if relu else acc


def _combine_tc(aggp, root, wrel, relu):
    return pl.pallas_call(
        functools.partial(_combine_body, relu),
        grid=(N // _BM,),
        in_specs=[pl.BlockSpec((1, _BM, D), lambda i: (0, i, 0)),
                  pl.BlockSpec((1, _BM, D), lambda i: (1, i, 0)),
                  _ROW_SPEC, _W_SPEC],
        out_specs=_ROW_SPEC,
        out_shape=jax.ShapeDtypeStruct((N, D), jnp.float32),
    )(aggp, aggp, root, wrel)


def kernel(x, edge_index, W_rel0, b_rel0, W_root0, W_rel1, b_rel1, W_root1):
    root0 = _root_tc(x, W_root0, b_rel0)
    agg0 = _segsum_sc(x, edge_index)
    h = _combine_tc(agg0, root0, W_rel0, relu=True)
    root1 = _root_tc(h, W_root1, b_rel1)
    agg1 = _segsum_sc(h, edge_index)
    out = _combine_tc(agg1, root1, W_rel1, relu=False)
    return out

# --- scband reference (transcript-rebuilt; emitter-appended) ---
"""Pipeline reference for scband-kgnn-8246337208547 (READ-ONLY COPY).

The authoritative reference and input builder live on the scoring server;
editing this copy changes nothing except your own understanding.
"""

import jax, jax.numpy as jnp
import numpy as np

N = 10000
E = 320000
D_IN = 128
D_HID = 128
D_OUT = 128


def setup_inputs(seed: int = 0) -> dict:
    key = jax.random.key(seed)
    ks = jax.random.split(key, 9)
    x = jax.random.normal(ks[0], (N, D_IN), dtype=jnp.float32)
    edge_index = jax.random.randint(ks[1], (2, E), 0, N, dtype=jnp.int32)
    s0 = 1.0 / np.sqrt(D_IN)
    s1 = 1.0 / np.sqrt(D_HID)
    W_rel0 = jax.random.normal(ks[2], (D_IN, D_HID), dtype=jnp.float32) * s0
    b_rel0 = jnp.zeros((D_HID,), dtype=jnp.float32)
    W_root0 = jax.random.normal(ks[3], (D_IN, D_HID), dtype=jnp.float32) * s0
    W_rel1 = jax.random.normal(ks[4], (D_HID, D_OUT), dtype=jnp.float32) * s1
    b_rel1 = jnp.zeros((D_OUT,), dtype=jnp.float32)
    W_root1 = jax.random.normal(ks[5], (D_HID, D_OUT), dtype=jnp.float32) * s1
    return {
        "x": x,
        "edge_index": edge_index,
        "W_rel0": W_rel0,
        "b_rel0": b_rel0,
        "W_root0": W_root0,
        "W_rel1": W_rel1,
        "b_rel1": b_rel1,
        "W_root1": W_root1,
    }


def _graph_conv(x, src, dst, W_rel, b_rel, W_root):
    # PyG GraphConv with aggr='add': out = lin_rel(sum_{j in N(i)} x_j) + lin_root(x_i)
    msgs = x[src]
    agg = jax.ops.segment_sum(msgs, dst, num_segments=N)
    return agg @ W_rel + b_rel + x @ W_root


def reference(x, edge_index, W_rel0, b_rel0, W_root0, W_rel1, b_rel1, W_root1):
    src = edge_index[0]
    dst = edge_index[1]
    # layer 0
    h = _graph_conv(x, src, dst, W_rel0, b_rel0, W_root0)
    h = jnp.maximum(h, 0.0)  # ReLU; dropout p=0.0 is identity
    # layer 1 (final, no activation)
    out = _graph_conv(h, src, dst, W_rel1, b_rel1, W_root1)
    return out

if __name__ == "__main__":
    import jax
    _d = setup_inputs()
    print(jax.jit(kernel)(*tuple(_d.values())))

</pallas_src>

<mosaic_0001>
#map = affine_map<(d0, d1) -> (0, 0)>
#map1 = affine_map<(d0, d1) -> (0)>
#map2 = affine_map<(d0, d1) -> (0, 0, 0)>
module attributes {stable_mosaic.version = 14 : i64} {
  func.func @_segsum_body(%arg0: i32, %arg1: i32, %arg2: memref<10000x128xf32, #tpu.memory_space<hbm>>, %arg3: memref<640000xi32, #tpu.memory_space<hbm>>, %arg4: memref<2x10112x128xf32, #tpu.memory_space<hbm>>, %arg5: memref<128xi32, #tpu.memory_space<vmem>>, %arg6: memref<128xi32, #tpu.memory_space<vmem>>, %arg7: memref<128xi32, #tpu.memory_space<vmem>>, %arg8: memref<128xi32, #tpu.memory_space<vmem>>, %arg9: memref<128xi32, #tpu.memory_space<vmem>>, %arg10: memref<128xi32, #tpu.memory_space<vmem>>, %arg11: memref<16xi32, #tpu.memory_space<vmem>>, %arg12: memref<128x128xf32, #tpu.memory_space<vmem>>, %arg13: memref<128x128xf32, #tpu.memory_space<vmem>>, %arg14: memref<128x128xf32, #tpu.memory_space<vmem>>, %arg15: memref<10112x128xf32, #tpu.memory_space<vmem_shared>>, %arg16: memref<!tpu.dma_semaphore, #tpu.memory_space<semaphore_mem>>, %arg17: memref<!tpu.dma_semaphore, #tpu.memory_space<semaphore_mem>>, %arg18: memref<!tpu.dma_semaphore, #tpu.memory_space<semaphore_mem>>, %arg19: memref<!tpu.dma_semaphore, #tpu.memory_space<semaphore_mem>>, %arg20: memref<!tpu.dma_semaphore, #tpu.memory_space<semaphore_mem>>, %arg21: memref<!tpu.dma_semaphore, #tpu.memory_space<semaphore_mem>>, %arg22: memref<!tpu.dma_semaphore, #tpu.memory_space<semaphore_mem>>, %arg23: memref<!tpu.dma_semaphore, #tpu.memory_space<semaphore_mem>>, %arg24: memref<!tpu.dma_semaphore, #tpu.memory_space<semaphore_mem>>) attributes {dimension_semantics = [#tpu.dimension_semantics<core_parallel>, #tpu.dimension_semantics<subcore_parallel>], iteration_bounds = array<i64: 2, 16>, scalar_prefetch = 0 : i64, scratch_operands = 20 : i64, tpu.core_type = #tpu.core_type<sc_vector_subcore>, window_params = [{transform_indices = #map}, {transform_indices = #map1}, {transform_indices = #map2}]} {
    %mul3A = arith.constant 16 : i32
    %mul3A_0 = arith.muli %arg0, %mul3A : i32
    %add3A = arith.addi %mul3A_0, %arg1 : i32
    %mul3A_1 = arith.constant 10000 : i32
    %mul3A_2 = arith.muli %add3A, %mul3A_1 : i32
    %add3A_3 = arith.constant 0 : i32
    %add3A_4 = arith.addi %mul3A_2, %add3A_3 : i32
    %dma_start3A = tpu.memref_slice %arg3[%add3A_4] : memref<640000xi32, #tpu.memory_space<hbm>> -> memref<128xi32, #tpu.memory_space<hbm>>
    %dma_start3A_5 = tpu.memref_slice %arg3[%add3A_4] : memref<640000xi32, #tpu.memory_space<hbm>> -> memref<128xi32, #tpu.memory_space<hbm>>
    tpu.enqueue_dma source(%dma_start3A_5 : memref<128xi32, #tpu.memory_space<hbm>>) target(%arg5 : memref<128xi32, #tpu.memory_space<vmem>>) target_semaphore(%arg16 : memref<!tpu.dma_semaphore, #tpu.memory_space<semaphore_mem>>)
    %add3A_6 = arith.constant 128 : i32
    %add3A_7 = arith.addi %mul3A_2, %add3A_6 : i32
    %dma_start3A_8 = tpu.memref_slice %arg3[%add3A_7] : memref<640000xi32, #tpu.memory_space<hbm>> -> memref<128xi32, #tpu.memory_space<hbm>>
    %dma_start3A_9 = tpu.memref_slice %arg3[%add3A_7] : memref<640000xi32, #tpu.memory_space<hbm>> -> memref<128xi32, #tpu.memory_space<hbm>>
    tpu.enqueue_dma source(%dma_start3A_9 : memref<128xi32, #tpu.memory_space<hbm>>) target(%arg6 : memref<128xi32, #tpu.memory_space<vmem>>) target_semaphore(%arg17 : memref<!tpu.dma_semaphore, #tpu.memory_space<semaphore_mem>>)
    %add3A_10 = arith.constant 256 : i32
    %add3A_11 = arith.addi %mul3A_2, %add3A_10 : i32
    %dma_start3A_12 = tpu.memref_slice %arg3[%add3A_11] : memref<640000xi32, #tpu.memory_space<hbm>> -> memref<128xi32, #tpu.memory_space<hbm>>
    %dma_start3A_13 = tpu.memref_slice %arg3[%add3A_11] : memref<640000xi32, #tpu.memory_space<hbm>> -> memref<128xi32, #tpu.memory_space<hbm>>
    tpu.enqueue_dma source(%dma_start3A_13 : memref<128xi32, #tpu.memory_space<hbm>>) target(%arg7 : memref<128xi32, #tpu.memory_space<vmem>>) target_semaphore(%arg18 : memref<!tpu.dma_semaphore, #tpu.memory_space<semaphore_mem>>)
    %add3A_14 = arith.constant 384 : i32
    %add3A_15 = arith.addi %mul3A_2, %add3A_14 : i32
    %dma_start3A_16 = tpu.memref_slice %arg3[%add3A_15] : memref<640000xi32, #tpu.memory_space<hbm>> -> memref<128xi32, #tpu.memory_space<hbm>>
    %dma_start3A_17 = tpu.memref_slice %arg3[%add3A_15] : memref<640000xi32, #tpu.memory_space<hbm>> -> memref<128xi32, #tpu.memory_space<hbm>>
    tpu.enqueue_dma source(%dma_start3A_17 : memref<128xi32, #tpu.memory_space<hbm>>) target(%arg8 : memref<128xi32, #tpu.memory_space<vmem>>) target_semaphore(%arg19 : memref<!tpu.dma_semaphore, #tpu.memory_space<semaphore_mem>>)
    %add3A_18 = arith.constant 320000 : i32
    %add3A_19 = arith.addi %add3A_18, %mul3A_2 : i32
    %add3A_20 = arith.constant 0 : i32
    %add3A_21 = arith.addi %add3A_19, %add3A_20 : i32
    %dma_start3A_22 = tpu.memref_slice %arg3[%add3A_21] : memref<640000xi32, #tpu.memory_space<hbm>> -> memref<128xi32, #tpu.memory_space<hbm>>
    %dma_start3A_23 = tpu.memref_slice %arg3[%add3A_21] : memref<640000xi32, #tpu.memory_space<hbm>> -> memref<128xi32, #tpu.memory_space<hbm>>
    tpu.enqueue_dma source(%dma_start3A_23 : memref<128xi32, #tpu.memory_space<hbm>>) target(%arg9 : memref<128xi32, #tpu.memory_space<vmem>>) target_semaphore(%arg20 : memref<!tpu.dma_semaphore, #tpu.memory_space<semaphore_mem>>)
    %broadcast_in_dim3A = arith.constant 0.000000e+00 : f32
    %broadcast_in_dim3A_24 = vector.broadcast %broadcast_in_dim3A : f32 to vector<16xf32>
    %scan3A = arith.constant 0 : i32
    %scan3A_25 = arith.constant 0 : i32
    %scan3A_26 = arith.constant 256 : i32
    %scan3A_27 = arith.addi %scan3A_25, %scan3A_26 : i32
    %scan3A_28 = arith.constant 1 : i32
    %scan3A_29 = scf.for %scan3A_264 = %scan3A_25 to %scan3A_27 step %scan3A_28 iter_args(%scan3A_265 = %scan3A) -> (i32)  : i32 {
      %jit3A = arith.constant 8 : i32
      %div3A = arith.divsi %scan3A_264, %jit3A : i32
      %sign3A = arith.constant 0 : i32
      %sign3A_266 = arith.cmpi sgt, %scan3A_264, %sign3A : i32
      %sign3A_267 = arith.extui %sign3A_266 : i1 to i32
      %sign3A_268 = arith.constant 0 : i32
      %sign3A_269 = arith.cmpi slt, %scan3A_264, %sign3A_268 : i32
      %sign3A_270 = arith.extui %sign3A_269 : i1 to i32
      %sign3A_271 = arith.subi %sign3A_267, %sign3A_270 : i32
      %sign3A_272 = arith.constant 0 : i32
      %sign3A_273 = arith.cmpi sgt, %jit3A, %sign3A_272 : i32
      %sign3A_274 = arith.extui %sign3A_273 : i1 to i32
      %sign3A_275 = arith.constant 0 : i32
      %sign3A_276 = arith.cmpi slt, %jit3A, %sign3A_275 : i32
      %sign3A_277 = arith.extui %sign3A_276 : i1 to i32
      %sign3A_278 = arith.subi %sign3A_274, %sign3A_277 : i32
      %ne3A = arith.cmpi ne, %sign3A_271, %sign3A_278 : i32
      %rem3A = arith.remsi %scan3A_264, %jit3A : i32
      %ne3A_279 = arith.constant 0 : i32
      %ne3A_280 = arith.cmpi ne, %rem3A, %ne3A_279 : i32
      %and3A = arith.andi %ne3A, %ne3A_280 : i1
      %sub3A = arith.constant 1 : i32
      %sub3A_281 = arith.subi %div3A, %sub3A : i32
      %select_n3A = arith.select %and3A, %sub3A_281, %div3A : i32
      %jit3A_282 = arith.constant 8 : i32
      %eq3A = arith.constant 0 : i32
      %eq3A_283 = arith.cmpi eq, %jit3A_282, %eq3A : i32
      %jit3A_284 = arith.constant 1 : i32
      %select_n3A_285 = arith.select %eq3A_283, %jit3A_284, %jit3A_282 : i32
      %rem3A_286 = arith.remsi %scan3A_264, %select_n3A_285 : i32
      %ne3A_287 = arith.constant 0 : i32
      %ne3A_288 = arith.cmpi ne, %rem3A_286, %ne3A_287 : i32
      %lt3A = arith.constant 0 : i32
      %lt3A_289 = arith.cmpi slt, %rem3A_286, %lt3A : i32
      %lt3A_290 = arith.constant 0 : i32
      %lt3A_291 = arith.cmpi slt, %select_n3A_285, %lt3A_290 : i32
      %ne3A_292 = arith.xori %lt3A_289, %lt3A_291 : i1
      %and3A_293 = arith.andi %ne3A_292, %ne3A_288 : i1
      %add3A_294 = arith.addi %rem3A_286, %select_n3A_285 : i32
      %select_n3A_295 = arith.select %and3A_293, %add3A_294, %rem3A_286 : i32
      %mul3A_296 = arith.constant 16 : i32
      %mul3A_297 = arith.muli %select_n3A_295, %mul3A_296 : i32
      %swap3A = arith.index_cast %select_n3A : i32 to index
      %swap3A_298 = arith.index_cast %mul3A_297 : i32 to index
      %swap3A_299 = tpu.vector_load %arg12[%swap3A, %swap3A_298] {strides = array<i32>} : memref<128x128xf32, #tpu.memory_space<vmem>>, vector<1x16xf32>,
      %swap3A_300 = vector.shape_cast %swap3A_299 : vector<1x16xf32> to vector<16xf32>
      %swap3A_301 = vector.shape_cast %broadcast_in_dim3A_24 : vector<16xf32> to vector<1x16xf32>
      tpu.vector_store %arg12[%swap3A, %swap3A_298], %swap3A_301 {strides = array<i32>} : memref<128x128xf32, #tpu.memory_space<vmem>>, vector<1x16xf32>,
      %scan3A_302 = arith.constant 0 : i32
      scf.yield %scan3A_302 : i32
    }
    %scan3A_30 = arith.constant 256 : i32
    %scan3A_31 = arith.constant 0 : i32
    %scan3A_32 = arith.constant 0 : i32
    %scan3A_33 = arith.constant 19 : i32
    %scan3A_34 = arith.addi %scan3A_32, %scan3A_33 : i32
    %scan3A_35 = arith.constant 1 : i32
    %scan3A_36 = scf.for %scan3A_264 = %scan3A_32 to %scan3A_34 step %scan3A_35 iter_args(%scan3A_265 = %scan3A_31) -> (i32)  : i32 {
      %mul3A_266 = arith.constant 632 : i32
      %mul3A_267 = arith.muli %arg1, %mul3A_266 : i32
      %mul3A_268 = arith.constant 32 : i32
      %mul3A_269 = arith.muli %scan3A_264, %mul3A_268 : i32
      %add3A_270 = arith.addi %mul3A_267, %mul3A_269 : i32
      %dma_start3A_271 = arith.constant 0 : i32
      %dma_start3A_272 = arith.constant 0 : i32
      %dma_start3A_273 = tpu.memref_slice %arg12[%dma_start3A_271, %dma_start3A_272] : memref<128x128xf32, #tpu.memory_space<vmem>> -> memref<32x128xf32, #tpu.memory_space<vmem>>
      %dma_start3A_274 = arith.constant 0 : i32
      %dma_start3A_275 = tpu.memref_slice %arg15[%add3A_270, %dma_start3A_274] : memref<10112x128xf32, #tpu.memory_space<vmem_shared>> -> memref<32x128xf32, #tpu.memory_space<vmem_shared>>
      %dma_start3A_276 = arith.constant 0 : i32
      %dma_start3A_277 = tpu.memref_slice %arg15[%add3A_270, %dma_start3A_276] : memref<10112x128xf32, #tpu.memory_space<vmem_shared>> -> memref<32x128xf32, #tpu.memory_space<vmem_shared>>
      %dma_start3A_278 = arith.constant 0 : i32
      %dma_start3A_279 = arith.constant 0 : i32
      %dma_start3A_280 = tpu.memref_slice %arg12[%dma_start3A_278, %dma_start3A_279] : memref<128x128xf32, #tpu.memory_space<vmem>> -> memref<32x128xf32, #tpu.memory_space<vmem>>
      tpu.enqueue_dma source(%dma_start3A_280 : memref<32x128xf32, #tpu.memory_space<vmem>>) target(%dma_start3A_277 : memref<32x128xf32, #tpu.memory_space<vmem_shared>>) target_semaphore(%arg22 : memref<!tpu.dma_semaphore, #tpu.memory_space<semaphore_mem>>)
      %scan3A_281 = arith.constant 0 : i32
      scf.yield %scan3A_281 : i32
    }
    %scan3A_37 = arith.constant 19 : i32
    %mul3A_38 = arith.constant 632 : i32
    %mul3A_39 = arith.muli %arg1, %mul3A_38 : i32
    %add3A_40 = arith.constant 608 : i32
    %add3A_41 = arith.addi %mul3A_39, %add3A_40 : i32
    %dma_start3A_42 = arith.constant 0 : i32
    %dma_start3A_43 = arith.constant 0 : i32
    %dma_start3A_44 = tpu.memref_slice %arg12[%dma_start3A_42, %dma_start3A_43] : memref<128x128xf32, #tpu.memory_space<vmem>> -> memref<24x128xf32, #tpu.memory_space<vmem>>
    %dma_start3A_45 = arith.constant 0 : i32
    %dma_start3A_46 = tpu.memref_slice %arg15[%add3A_41, %dma_start3A_45] : memref<10112x128xf32, #tpu.memory_space<vmem_shared>> -> memref<24x128xf32, #tpu.memory_space<vmem_shared>>
    %dma_start3A_47 = arith.constant 0 : i32
    %dma_start3A_48 = tpu.memref_slice %arg15[%add3A_41, %dma_start3A_47] : memref<10112x128xf32, #tpu.memory_space<vmem_shared>> -> memref<24x128xf32, #tpu.memory_space<vmem_shared>>
    %dma_start3A_49 = arith.constant 0 : i32
    %dma_start3A_50 = arith.constant 0 : i32
    %dma_start3A_51 = tpu.memref_slice %arg12[%dma_start3A_49, %dma_start3A_50] : memref<128x128xf32, #tpu.memory_space<vmem>> -> memref<24x128xf32, #tpu.memory_space<vmem>>
    tpu.enqueue_dma source(%dma_start3A_51 : memref<24x128xf32, #tpu.memory_space<vmem>>) target(%dma_start3A_48 : memref<24x128xf32, #tpu.memory_space<vmem_shared>>) target_semaphore(%arg22 : memref<!tpu.dma_semaphore, #tpu.memory_space<semaphore_mem>>)
    %scan3A_52 = arith.constant 0 : i32
    %scan3A_53 = arith.constant 0 : i32
    %scan3A_54 = arith.constant 19 : i32
    %scan3A_55 = arith.addi %scan3A_53, %scan3A_54 : i32
    %scan3A_56 = arith.constant 1 : i32
    %scan3A_57 = scf.for %scan3A_264 = %scan3A_53 to %scan3A_55 step %scan3A_56 iter_args(%scan3A_265 = %scan3A_52) -> (i32)  : i32 {
      %dma_wait3A_266 = arith.constant 0 : i32
      %dma_wait3A_267 = arith.constant 0 : i32
      %dma_wait3A_268 = tpu.memref_slice %arg12[%dma_wait3A_266, %dma_wait3A_267] : memref<128x128xf32, #tpu.memory_space<vmem>> -> memref<32x128xf32, #tpu.memory_space<vmem>>
      %dma_wait3A_269 = arith.constant 0 : i32
      %dma_wait3A_270 = arith.constant 0 : i32
      %dma_wait3A_271 = tpu.memref_slice %arg15[%dma_wait3A_269, %dma_wait3A_270] : memref<10112x128xf32, #tpu.memory_space<vmem_shared>> -> memref<32x128xf32, #tpu.memory_space<vmem_shared>>
      %dma_wait3A_272 = arith.constant 0 : i32
      %dma_wait3A_273 = arith.constant 0 : i32
      %dma_wait3A_274 = tpu.memref_slice %arg15[%dma_wait3A_272, %dma_wait3A_273] : memref<10112x128xf32, #tpu.memory_space<vmem_shared>> -> memref<32x128xf32, #tpu.memory_space<vmem_shared>>
      %dma_wait3A_275 = arith.constant 0 : i32
      %dma_wait3A_276 = arith.constant 0 : i32
      %dma_wait3A_277 = tpu.memref_slice %arg12[%dma_wait3A_275, %dma_wait3A_276] : memref<128x128xf32, #tpu.memory_space<vmem>> -> memref<32x128xf32, #tpu.memory_space<vmem>>
      tpu.wait_dma2 semaphore(%arg22 : memref<!tpu.dma_semaphore, #tpu.memory_space<semaphore_mem>>) src(%dma_wait3A_277 : memref<32x128xf32, #tpu.memory_space<vmem>>) dst(%dma_wait3A_274 : memref<32x128xf32, #tpu.memory_space<vmem_shared>>)
      %scan3A_278 = arith.constant 0 : i32
      scf.yield %scan3A_278 : i32
    }
    %scan3A_58 = arith.constant 19 : i32
    %dma_wait3A = arith.constant 0 : i32
    %dma_wait3A_59 = arith.constant 0 : i32
    %dma_wait3A_60 = tpu.memref_slice %arg12[%dma_wait3A, %dma_wait3A_59] : memref<128x128xf32, #tpu.memory_space<vmem>> -> memref<24x128xf32, #tpu.memory_space<vmem>>
    %dma_wait3A_61 = arith.constant 0 : i32
    %dma_wait3A_62 = arith.constant 0 : i32
    %dma_wait3A_63 = tpu.memref_slice %arg15[%dma_wait3A_61, %dma_wait3A_62] : memref<10112x128xf32, #tpu.memory_space<vmem_shared>> -> memref<24x128xf32, #tpu.memory_space<vmem_shared>>
    %dma_wait3A_64 = arith.constant 0 : i32
    %dma_wait3A_65 = arith.constant 0 : i32
    %dma_wait3A_66 = tpu.memref_slice %arg15[%dma_wait3A_64, %dma_wait3A_65] : memref<10112x128xf32, #tpu.memory_space<vmem_shared>> -> memref<24x128xf32, #tpu.memory_space<vmem_shared>>
    %dma_wait3A_67 = arith.constant 0 : i32
    %dma_wait3A_68 = arith.constant 0 : i32
    %dma_wait3A_69 = tpu.memref_slice %arg12[%dma_wait3A_67, %dma_wait3A_68] : memref<128x128xf32, #tpu.memory_space<vmem>> -> memref<24x128xf32, #tpu.memory_space<vmem>>
    tpu.wait_dma2 semaphore(%arg22 : memref<!tpu.dma_semaphore, #tpu.memory_space<semaphore_mem>>) src(%dma_wait3A_69 : memref<24x128xf32, #tpu.memory_space<vmem>>) dst(%dma_wait3A_66 : memref<24x128xf32, #tpu.memory_space<vmem_shared>>)
    %barrier3A = arith.constant 0 : index
    tpu.barrier barrier_id(%barrier3A)
    %dma_wait3A_70 = arith.constant 0 : i32
    %dma_wait3A_71 = tpu.memref_slice %arg3[%dma_wait3A_70] : memref<640000xi32, #tpu.memory_space<hbm>> -> memref<128xi32, #tpu.memory_space<hbm>>
    %dma_wait3A_72 = arith.constant 0 : i32
    %dma_wait3A_73 = tpu.memref_slice %arg3[%dma_wait3A_72] : memref<640000xi32, #tpu.memory_space<hbm>> -> memref<128xi32, #tpu.memory_space<hbm>>
    tpu.wait_dma2 semaphore(%arg16 : memref<!tpu.dma_semaphore, #tpu.memory_space<semaphore_mem>>) src(%dma_wait3A_73 : memref<128xi32, #tpu.memory_space<hbm>>) dst(%arg5 : memref<128xi32, #tpu.memory_space<vmem>>)
    %dma_start3A_74 = arith.constant 0 : i32
    %dma_start3A_75 = arith.constant 0 : i32
    %dma_start3A_76 = tpu.memref_slice %arg2[%dma_start3A_74, %dma_start3A_75] : memref<10000x128xf32, #tpu.memory_space<hbm>> -> memref<10000x128xf32, #tpu.memory_space<hbm>>
    tpu.enqueue_indirect_dma source(%dma_start3A_76 : memref<10000x128xf32, #tpu.memory_space<hbm>>) target(%arg12 : memref<128x128xf32, #tpu.memory_space<vmem>>) offsets(%arg5 : memref<128xi32, #tpu.memory_space<vmem>>) semaphore(%arg22 : memref<!tpu.dma_semaphore, #tpu.memory_space<semaphore_mem>>)
    %dma_wait3A_77 = arith.constant 0 : i32
    %dma_wait3A_78 = tpu.memref_slice %arg3[%dma_wait3A_77] : memref<640000xi32, #tpu.memory_space<hbm>> -> memref<128xi32, #tpu.memory_space<hbm>>
    %dma_wait3A_79 = arith.constant 0 : i32
    %dma_wait3A_80 = tpu.memref_slice %arg3[%dma_wait3A_79] : memref<640000xi32, #tpu.memory_space<hbm>> -> memref<128xi32, #tpu.memory_space<hbm>>
    tpu.wait_dma2 semaphore(%arg17 : memref<!tpu.dma_semaphore, #tpu.memory_space<semaphore_mem>>) src(%dma_wait3A_80 : memref<128xi32, #tpu.memory_space<hbm>>) dst(%arg6 : memref<128xi32, #tpu.memory_space<vmem>>)
    %dma_start3A_81 = arith.constant 0 : i32
    %dma_start3A_82 = arith.constant 0 : i32
    %dma_start3A_83 = tpu.memref_slice %arg2[%dma_start3A_81, %dma_start3A_82] : memref<10000x128xf32, #tpu.memory_space<hbm>> -> memref<10000x128xf32, #tpu.memory_space<hbm>>
    tpu.enqueue_indirect_dma source(%dma_start3A_83 : memref<10000x128xf32, #tpu.memory_space<hbm>>) target(%arg13 : memref<128x128xf32, #tpu.memory_space<vmem>>) offsets(%arg6 : memref<128xi32, #tpu.memory_space<vmem>>) semaphore(%arg23 : memref<!tpu.dma_semaphore, #tpu.memory_space<semaphore_mem>>)
    %scan3A_84 = arith.constant 0 : i32
    %scan3A_85 = arith.constant 0 : i32
    %scan3A_86 = arith.constant 6 : i32
    %scan3A_87 = arith.addi %scan3A_85, %scan3A_86 : i32
    %scan3A_88 = arith.constant 1 : i32
    %scan3A_89 = scf.for %scan3A_264 = %scan3A_85 to %scan3A_87 step %scan3A_88 iter_args(%scan3A_265 = %scan3A_84) -> (i32)  : i32 {
      %mul3A_266 = arith.constant 12 : i32
      %mul3A_267 = arith.muli %mul3A_266, %scan3A_264 : i32
      %add3A_268 = arith.constant 0 : i32
      %add3A_269 = arith.addi %mul3A_267, %add3A_268 : i32
      %dma_wait3A_270 = arith.constant 0 : i32
      %dma_wait3A_271 = arith.constant 0 : i32
      %dma_wait3A_272 = tpu.memref_slice %arg2[%dma_wait3A_270, %dma_wait3A_271] : memref<10000x128xf32, #tpu.memory_space<hbm>> -> memref<128x128xf32, #tpu.memory_space<hbm>>
      %dma_wait3A_273 = arith.constant 0 : i32
      %dma_wait3A_274 = arith.constant 0 : i32
      %dma_wait3A_275 = tpu.memref_slice %arg2[%dma_wait3A_273, %dma_wait3A_274] : memref<10000x128xf32, #tpu.memory_space<hbm>> -> memref<128x128xf32, #tpu.memory_space<hbm>>
      tpu.wait_dma2 semaphore(%arg22 : memref<!tpu.dma_semaphore, #tpu.memory_space<semaphore_mem>>) src(%dma_wait3A_275 : memref<128x128xf32, #tpu.memory_space<hbm>>) dst(%arg12 : memref<128x128xf32, #tpu.memory_space<vmem>>)
      %add3A_276 = arith.constant 4 : i32
      %add3A_277 = arith.addi %add3A_269, %add3A_276 : i32
      %mul3A_278 = arith.constant 128 : i32
      %mul3A_279 = arith.muli %add3A_277, %mul3A_278 : i32
      %add3A_280 = arith.addi %mul3A_2, %mul3A_279 : i32
      %dma_start3A_281 = tpu.memref_slice %arg3[%add3A_280] : memref<640000xi32, #tpu.memory_space<hbm>> -> memref<128xi32, #tpu.memory_space<hbm>>
      %dma_start3A_282 = tpu.memref_slice %arg3[%add3A_280] : memref<640000xi32, #tpu.memory_space<hbm>> -> memref<128xi32, #tpu.memory_space<hbm>>
      tpu.enqueue_dma source(%dma_start3A_282 : memref<128xi32, #tpu.memory_space<hbm>>) target(%arg5 : memref<128xi32, #tpu.memory_space<vmem>>) target_semaphore(%arg16 : memref<!tpu.dma_semaphore, #tpu.memory_space<semaphore_mem>>)
      %dma_wait3A_283 = arith.constant 0 : i32
      %dma_wait3A_284 = tpu.memref_slice %arg3[%dma_wait3A_283] : memref<640000xi32, #tpu.memory_space<hbm>> -> memref<128xi32, #tpu.memory_space<hbm>>
      %dma_wait3A_285 = arith.constant 0 : i32
      %dma_wait3A_286 = tpu.memref_slice %arg3[%dma_wait3A_285] : memref<640000xi32, #tpu.memory_space<hbm>> -> memref<128xi32, #tpu.memory_space<hbm>>
      tpu.wait_dma2 semaphore(%arg18 : memref<!tpu.dma_semaphore, #tpu.memory_space<semaphore_mem>>) src(%dma_wait3A_286 : memref<128xi32, #tpu.memory_space<hbm>>) dst(%arg7 : memref<128xi32, #tpu.memory_space<vmem>>)
      %dma_start3A_287 = arith.constant 0 : i32
      %dma_start3A_288 = arith.constant 0 : i32
      %dma_start3A_289 = tpu.memref_slice %arg2[%dma_start3A_287, %dma_start3A_288] : memref<10000x128xf32, #tpu.memory_space<hbm>> -> memref<10000x128xf32, #tpu.memory_space<hbm>>
      tpu.enqueue_indirect_dma source(%dma_start3A_289 : memref<10000x128xf32, #tpu.memory_space<hbm>>) target(%arg14 : memref<128x128xf32, #tpu.memory_space<vmem>>) offsets(%arg7 : memref<128xi32, #tpu.memory_space<vmem>>) semaphore(%arg24 : memref<!tpu.dma_semaphore, #tpu.memory_space<semaphore_mem>>)
      %dma_wait3A_290 = arith.constant 0 : i32
      %dma_wait3A_291 = tpu.memref_slice %arg3[%dma_wait3A_290] : memref<640000xi32, #tpu.memory_space<hbm>> -> memref<128xi32, #tpu.memory_space<hbm>>
      %dma_wait3A_292 = arith.constant 0 : i32
      %dma_wait3A_293 = tpu.memref_slice %arg3[%dma_wait3A_292] : memref<640000xi32, #tpu.memory_space<hbm>> -> memref<128xi32, #tpu.memory_space<hbm>>
      tpu.wait_dma2 semaphore(%arg20 : memref<!tpu.dma_semaphore, #tpu.memory_space<semaphore_mem>>) src(%dma_wait3A_293 : memref<128xi32, #tpu.memory_space<hbm>>) dst(%arg9 : memref<128xi32, #tpu.memory_space<vmem>>)
      "tpu.region"() ({
        %run_scoped3A = tpu.sem_alloc : memref<!tpu.dma_semaphore, #tpu.memory_space<semaphore_mem>>
        %dma_start3A_711 = arith.constant 0 : i32
        %dma_start3A_712 = arith.constant 0 : i32
        %dma_start3A_713 = tpu.memref_slice %arg15[%dma_start3A_711, %dma_start3A_712] : memref<10112x128xf32, #tpu.memory_space<vmem_shared>> -> memref<10112x128xf32, #tpu.memory_space<vmem_shared>>
        tpu.enqueue_indirect_dma source(%arg12 : memref<128x128xf32, #tpu.memory_space<vmem>>) target(%dma_start3A_713 : memref<10112x128xf32, #tpu.memory_space<vmem_shared>>) offsets(%arg9 : memref<128xi32, #tpu.memory_space<vmem>>) semaphore(%run_scoped3A : memref<!tpu.dma_semaphore, #tpu.memory_space<semaphore_mem>>) {add = true}
        %dma_wait3A_714 = arith.constant 0 : i32
        %dma_wait3A_715 = arith.constant 0 : i32
        %dma_wait3A_716 = tpu.memref_slice %arg15[%dma_wait3A_714, %dma_wait3A_715] : memref<10112x128xf32, #tpu.memory_space<vmem_shared>> -> memref<10112x128xf32, #tpu.memory_space<vmem_shared>>
        tpu.wait_indirect_dma semaphore(%run_scoped3A : memref<!tpu.dma_semaphore, #tpu.memory_space<semaphore_mem>>) src(%arg12 : memref<128x128xf32, #tpu.memory_space<vmem>>) dst(%dma_wait3A_716 : memref<10112x128xf32, #tpu.memory_space<vmem_shared>>)
        tpu.yield
      }) : () -> ()
      %add3A_294 = arith.constant 1 : i32
      %add3A_295 = arith.addi %add3A_269, %add3A_294 : i32
      %add3A_296 = arith.constant 320000 : i32
      %add3A_297 = arith.addi %add3A_296, %mul3A_2 : i32
      %mul3A_298 = arith.constant 128 : i32
      %mul3A_299 = arith.muli %add3A_295, %mul3A_298 : i32
      %add3A_300 = arith.addi %add3A_297, %mul3A_299 : i32
      %dma_start3A_301 = tpu.memref_slice %arg3[%add3A_300] : memref<640000xi32, #tpu.memory_space<hbm>> -> memref<128xi32, #tpu.memory_space<hbm>>
      %dma_start3A_302 = tpu.memref_slice %arg3[%add3A_300] : memref<640000xi32, #tpu.memory_space<hbm>> -> memref<128xi32, #tpu.memory_space<hbm>>
      tpu.enqueue_dma source(%dma_start3A_302 : memref<128xi32, #tpu.memory_space<hbm>>) target(%arg10 : memref<128xi32, #tpu.memory_space<vmem>>) target_semaphore(%arg21 : memref<!tpu.dma_semaphore, #tpu.memory_space<semaphore_mem>>)
      %mul3A_303 = arith.constant 12 : i32
      %mul3A_304 = arith.muli %mul3A_303, %scan3A_264 : i32
      %add3A_305 = arith.constant 1 : i32
      %add3A_306 = arith.addi %mul3A_304, %add3A_305 : i32
      %dma_wait3A_307 = arith.constant 0 : i32
      %dma_wait3A_308 = arith.constant 0 : i32
      %dma_wait3A_309 = tpu.memref_slice %arg2[%dma_wait3A_307, %dma_wait3A_308] : memref<10000x128xf32, #tpu.memory_space<hbm>> -> memref<128x128xf32, #tpu.memory_space<hbm>>
      %dma_wait3A_310 = arith.constant 0 : i32
      %dma_wait3A_311 = arith.constant 0 : i32
      %dma_wait3A_312 = tpu.memref_slice %arg2[%dma_wait3A_310, %dma_wait3A_311] : memref<10000x128xf32, #tpu.memory_space<hbm>> -> memref<128x128xf32, #tpu.memory_space<hbm>>
      tpu.wait_dma2 semaphore(%arg23 : memref<!tpu.dma_semaphore, #tpu.memory_space<semaphore_mem>>) src(%dma_wait3A_312 : memref<128x128xf32, #tpu.memory_space<hbm>>) dst(%arg13 : memref<128x128xf32, #tpu.memory_space<vmem>>)
      %add3A_313 = arith.constant 4 : i32
      %add3A_314 = arith.addi %add3A_306, %add3A_313 : i32
      %mul3A_315 = arith.constant 128 : i32
      %mul3A_316 = arith.muli %add3A_314, %mul3A_315 : i32
      %add3A_317 = arith.addi %mul3A_2, %mul3A_316 : i32
      %dma_start3A_318 = tpu.memref_slice %arg3[%add3A_317] : memref<640000xi32, #tpu.memory_space<hbm>> -> memref<128xi32, #tpu.memory_space<hbm>>
      %dma_start3A_319 = tpu.memref_slice %arg3[%add3A_317] : memref<640000xi32, #tpu.memory_space<hbm>> -> memref<128xi32, #tpu.memory_space<hbm>>
      tpu.enqueue_dma source(%dma_start3A_319 : memref<128xi32, #tpu.memory_space<hbm>>) target(%arg6 : memref<128xi32, #tpu.memory_space<vmem>>) target_semaphore(%arg17 : memref<!tpu.dma_semaphore, #tpu.memory_space<semaphore_mem>>)
      %dma_wait3A_320 = arith.constant 0 : i32
      %dma_wait3A_321 = tpu.memref_slice %arg3[%dma_wait3A_320] : memref<640000xi32, #tpu.memory_space<hbm>> -> memref<128xi32, #tpu.memory_space<hbm>>
      %dma_wait3A_322 = arith.constant 0 : i32
      %dma_wait3A_323 = tpu.memref_slice %arg3[%dma_wait3A_322] : memref<640000xi32, #tpu.memory_space<hbm>> -> memref<128xi32, #tpu.memory_space<hbm>>
      tpu.wait_dma2 semaphore(%arg19 : memref<!tpu.dma_semaphore, #tpu.memory_space<semaphore_mem>>) src(%dma_wait3A_323 : memref<128xi32, #tpu.memory_space<hbm>>) dst(%arg8 : memref<128xi32, #tpu.memory_space<vmem>>)
      %dma_start3A_324 = arith.constant 0 : i32
      %dma_start3A_325 = arith.constant 0 : i32
      %dma_start3A_326 = tpu.memref_slice %arg2[%dma_start3A_324, %dma_start3A_325] : memref<10000x128xf32, #tpu.memory_space<hbm>> -> memref<10000x128xf32, #tpu.memory_space<hbm>>
      tpu.enqueue_indirect_dma source(%dma_start3A_326 : memref<10000x128xf32, #tpu.memory_space<hbm>>) target(%arg12 : memref<128x128xf32, #tpu.memory_space<vmem>>) offsets(%arg8 : memref<128xi32, #tpu.memory_space<vmem>>) semaphore(%arg22 : memref<!tpu.dma_semaphore, #tpu.memory_space<semaphore_mem>>)
      %dma_wait3A_327 = arith.constant 0 : i32
      %dma_wait3A_328 = tpu.memref_slice %arg3[%dma_wait3A_327] : memref<640000xi32, #tpu.memory_space<hbm>> -> memref<128xi32, #tpu.memory_space<hbm>>
      %dma_wait3A_329 = arith.constant 0 : i32
      %dma_wait3A_330 = tpu.memref_slice %arg3[%dma_wait3A_329] : memref<640000xi32, #tpu.memory_space<hbm>> -> memref<128xi32, #tpu.memory_space<hbm>>
      tpu.wait_dma2 semaphore(%arg21 : memref<!tpu.dma_semaphore, #tpu.memory_space<semaphore_mem>>) src(%dma_wait3A_330 : memref<128xi32, #tpu.memory_space<hbm>>) dst(%arg10 : memref<128xi32, #tpu.memory_space<vmem>>)
      "tpu.region"() ({
        %run_scoped3A = tpu.sem_alloc : memref<!tpu.dma_semaphore, #tpu.memory_space<semaphore_mem>>
        %dma_start3A_711 = arith.constant 0 : i32
        %dma_start3A_712 = arith.constant 0 : i32
        %dma_start3A_713 = tpu.memref_slice %arg15[%dma_start3A_711, %dma_start3A_712] : memref<10112x128xf32, #tpu.memory_space<vmem_shared>> -> memref<10112x128xf32, #tpu.memory_space<vmem_shared>>
        tpu.enqueue_indirect_dma source(%arg13 : memref<128x128xf32, #tpu.memory_space<vmem>>) target(%dma_start3A_713 : memref<10112x128xf32, #tpu.memory_space<vmem_shared>>) offsets(%arg10 : memref<128xi32, #tpu.memory_space<vmem>>) semaphore(%run_scoped3A : memref<!tpu.dma_semaphore, #tpu.memory_space<semaphore_mem>>) {add = true}
        %dma_wait3A_714 = arith.constant 0 : i32
        %dma_wait3A_715 = arith.constant 0 : i32
        %dma_wait3A_716 = tpu.memref_slice %arg15[%dma_wait3A_714, %dma_wait3A_715] : memref<10112x128xf32, #tpu.memory_space<vmem_shared>> -> memref<10112x128xf32, #tpu.memory_space<vmem_shared>>
        tpu.wait_indirect_dma semaphore(%run_scoped3A : memref<!tpu.dma_semaphore, #tpu.memory_space<semaphore_mem>>) src(%arg13 : memref<128x128xf32, #tpu.memory_space<vmem>>) dst(%dma_wait3A_716 : memref<10112x128xf32, #tpu.memory_space<vmem_shared>>)
        tpu.yield
      }) : () -> ()
      %add3A_331 = arith.constant 1 : i32
      %add3A_332 = arith.addi %add3A_306, %add3A_331 : i32
      %add3A_333 = arith.constant 320000 : i32
      %add3A_334 = arith.addi %add3A_333, %mul3A_2 : i32
      %mul3A_335 = arith.constant 128 : i32
      %mul3A_336 = arith.muli %add3A_332, %mul3A_335 : i32
      %add3A_337 = arith.addi %add3A_334, %mul3A_336 : i32
      %dma_start3A_338 = tpu.memref_slice %arg3[%add3A_337] : memref<640000xi32, #tpu.memory_space<hbm>> -> memref<128xi32, #tpu.memory_space<hbm>>
      %dma_start3A_339 = tpu.memref_slice %arg3[%add3A_337] : memref<640000xi32, #tpu.memory_space<hbm>> -> memref<128xi32, #tpu.memory_space<hbm>>
      tpu.enqueue_dma source(%dma_start3A_339 : memref<128xi32, #tpu.memory_space<hbm>>) target(%arg9 : memref<128xi32, #tpu.memory_space<vmem>>) target_semaphore(%arg20 : memref<!tpu.dma_semaphore, #tpu.memory_space<semaphore_mem>>)
      %mul3A_340 = arith.constant 12 : i32
      %mul3A_341 = arith.muli %mul3A_340, %scan3A_264 : i32
      %add3A_342 = arith.constant 2 : i32
      %add3A_343 = arith.addi %mul3A_341, %add3A_342 : i32
      %dma_wait3A_344 = arith.constant 0 : i32
      %dma_wait3A_345 = arith.constant 0 : i32
      %dma_wait3A_346 = tpu.memref_slice %arg2[%dma_wait3A_344, %dma_wait3A_345] : memref<10000x128xf32, #tpu.memory_space<hbm>> -> memref<128x128xf32, #tpu.memory_space<hbm>>
      %dma_wait3A_347 = arith.constant 0 : i32
      %dma_wait3A_348 = arith.constant 0 : i32
      %dma_wait3A_349 = tpu.memref_slice %arg2[%dma_wait3A_347, %dma_wait3A_348] : memref<10000x128xf32, #tpu.memory_space<hbm>> -> memref<128x128xf32, #tpu.memory_space<hbm>>
      tpu.wait_dma2 semaphore(%arg24 : memref<!tpu.dma_semaphore, #tpu.memory_space<semaphore_mem>>) src(%dma_wait3A_349 : memref<128x128xf32, #tpu.memory_space<hbm>>) dst(%arg14 : memref<128x128xf32, #tpu.memory_space<vmem>>)
      %add3A_350 = arith.constant 4 : i32
      %add3A_351 = arith.addi %add3A_343, %add3A_350 : i32
      %mul3A_352 = arith.constant 128 : i32
      %mul3A_353 = arith.muli %add3A_351, %mul3A_352 : i32
      %add3A_354 = arith.addi %mul3A_2, %mul3A_353 : i32
      %dma_start3A_355 = tpu.memref_slice %arg3[%add3A_354] : memref<640000xi32, #tpu.memory_space<hbm>> -> memref<128xi32, #tpu.memory_space<hbm>>
      %dma_start3A_356 = tpu.memref_slice %arg3[%add3A_354] : memref<640000xi32, #tpu.memory_space<hbm>> -> memref<128xi32, #tpu.memory_space<hbm>>
      tpu.enqueue_dma source(%dma_start3A_356 : memref<128xi32, #tpu.memory_space<hbm>>) target(%arg7 : memref<128xi32, #tpu.memory_space<vmem>>) target_semaphore(%arg18 : memref<!tpu.dma_semaphore, #tpu.memory_space<semaphore_mem>>)
      %dma_wait3A_357 = arith.constant 0 : i32
      %dma_wait3A_358 = tpu.memref_slice %arg3[%dma_wait3A_357] : memref<640000xi32, #tpu.memory_space<hbm>> -> memref<128xi32, #tpu.memory_space<hbm>>
      %dma_wait3A_359 = arith.constant 0 : i32
      %dma_wait3A_360 = tpu.memref_slice %arg3[%dma_wait3A_359] : memref<640000xi32, #tpu.memory_space<hbm>> -> memref<128xi32, #tpu.memory_space<hbm>>
      tpu.wait_dma2 semaphore(%arg16 : memref<!tpu.dma_semaphore, #tpu.memory_space<semaphore_mem>>) src(%dma_wait3A_360 : memref<128xi32, #tpu.memory_space<hbm>>) dst(%arg5 : memref<128xi32, #tpu.memory_space<vmem>>)
      %dma_start3A_361 = arith.constant 0 : i32
      %dma_start3A_362 = arith.constant 0 : i32
      %dma_start3A_363 = tpu.memref_slice %arg2[%dma_start3A_361, %dma_start3A_362] : memref<10000x128xf32, #tpu.memory_space<hbm>> -> memref<10000x128xf32, #tpu.memory_space<hbm>>
      tpu.enqueue_indirect_dma source(%dma_start3A_363 : memref<10000x128xf32, #tpu.memory_space<hbm>>) target(%arg13 : memref<128x128xf32, #tpu.memory_space<vmem>>) offsets(%arg5 : memref<128xi32, #tpu.memory_space<vmem>>) semaphore(%arg23 : memref<!tpu.dma_semaphore, #tpu.memory_space<semaphore_mem>>)
      %dma_wait3A_364 = arith.constant 0 : i32
      %dma_wait3A_365 = tpu.memref_slice %arg3[%dma_wait3A_364] : memref<640000xi32, #tpu.memory_space<hbm>> -> memref<128xi32, #tpu.memory_space<hbm>>
      %dma_wait3A_366 = arith.constant 0 : i32
      %dma_wait3A_367 = tpu.memref_slice %arg3[%dma_wait3A_366] : memref<640000xi32, #tpu.memory_space<hbm>> -> memref<128xi32, #tpu.memory_space<hbm>>
      tpu.wait_dma2 semaphore(%arg20 : memref<!tpu.dma_semaphore, #tpu.memory_space<semaphore_mem>>) src(%dma_wait3A_367 : memref<128xi32, #tpu.memory_space<hbm>>) dst(%arg9 : memref<128xi32, #tpu.memory_space<vmem>>)
      "tpu.region"() ({
        %run_scoped3A = tpu.sem_alloc : memref<!tpu.dma_semaphore, #tpu.memory_space<semaphore_mem>>
        %dma_start3A_711 = arith.constant 0 : i32
        %dma_start3A_712 = arith.constant 0 : i32
        %dma_start3A_713 = tpu.memref_slice %arg15[%dma_start3A_711, %dma_start3A_712] : memref<10112x128xf32, #tpu.memory_space<vmem_shared>> -> memref<10112x128xf32, #tpu.memory_space<vmem_shared>>
        tpu.enqueue_indirect_dma source(%arg14 : memref<128x128xf32, #tpu.memory_space<vmem>>) target(%dma_start3A_713 : memref<10112x128xf32, #tpu.memory_space<vmem_shared>>) offsets(%arg9 : memref<128xi32, #tpu.memory_space<vmem>>) semaphore(%run_scoped3A : memref<!tpu.dma_semaphore, #tpu.memory_space<semaphore_mem>>) {add = true}
        %dma_wait3A_714 = arith.constant 0 : i32
        %dma_wait3A_715 = arith.constant 0 : i32
        %dma_wait3A_716 = tpu.memref_slice %arg15[%dma_wait3A_714, %dma_wait3A_715] : memref<10112x128xf32, #tpu.memory_space<vmem_shared>> -> memref<10112x128xf32, #tpu.memory_space<vmem_shared>>
        tpu.wait_indirect_dma semaphore(%run_scoped3A : memref<!tpu.dma_semaphore, #tpu.memory_space<semaphore_mem>>) src(%arg14 : memref<128x128xf32, #tpu.memory_space<vmem>>) dst(%dma_wait3A_716 : memref<10112x128xf32, #tpu.memory_space<vmem_shared>>)
        tpu.yield
      }) : () -> ()
      %add3A_368 = arith.constant 1 : i32
      %add3A_369 = arith.addi %add3A_343, %add3A_368 : i32
      %add3A_370 = arith.constant 320000 : i32
      %add3A_371 = arith.addi %add3A_370, %mul3A_2 : i32
      %mul3A_372 = arith.constant 128 : i32
      %mul3A_373 = arith.muli %add3A_369, %mul3A_372 : i32
      %add3A_374 = arith.addi %add3A_371, %mul3A_373 : i32
      %dma_start3A_375 = tpu.memref_slice %arg3[%add3A_374] : memref<640000xi32, #tpu.memory_space<hbm>> -> memref<128xi32, #tpu.memory_space<hbm>>
      %dma_start3A_376 = tpu.memref_slice %arg3[%add3A_374] : memref<640000xi32, #tpu.memory_space<hbm>> -> memref<128xi32, #tpu.memory_space<hbm>>
      tpu.enqueue_dma source(%dma_start3A_376 : memref<128xi32, #tpu.memory_space<hbm>>) target(%arg10 : memref<128xi32, #tpu.memory_space<vmem>>) target_semaphore(%arg21 : memref<!tpu.dma_semaphore, #tpu.memory_space<semaphore_mem>>)
      %mul3A_377 = arith.constant 12 : i32
      %mul3A_378 = arith.muli %mul3A_377, %scan3A_264 : i32
      %add3A_379 = arith.constant 3 : i32
      %add3A_380 = arith.addi %mul3A_378, %add3A_379 : i32
      %dma_wait3A_381 = arith.constant 0 : i32
      %dma_wait3A_382 = arith.constant 0 : i32
      %dma_wait3A_383 = tpu.memref_slice %arg2[%dma_wait3A_381, %dma_wait3A_382] : memref<10000x128xf32, #tpu.memory_space<hbm>> -> memref<128x128xf32, #tpu.memory_space<hbm>>
      %dma_wait3A_384 = arith.constant 0 : i32
      %dma_wait3A_385 = arith.constant 0 : i32
      %dma_wait3A_386 = tpu.memref_slice %arg2[%dma_wait3A_384, %dma_wait3A_385] : memref<10000x128xf32, #tpu.memory_space<hbm>> -> memref<128x128xf32, #tpu.memory_space<hbm>>
      tpu.wait_dma2 semaphore(%arg22 : memref<!tpu.dma_semaphore, #tpu.memory_space<semaphore_mem>>) src(%dma_wait3A_386 : memref<128x128xf32, #tpu.memory_space<hbm>>) dst(%arg12 : memref<128x128xf32, #tpu.memory_space<vmem>>)
      %add3A_387 = arith.constant 4 : i32
      %add3A_388 = arith.addi %add3A_380, %add3A_387 : i32
      %mul3A_389 = arith.constant 128 : i32
      %mul3A_390 = arith.muli %add3A_388, %mul3A_389 : i32
      %add3A_391 = arith.addi %mul3A_2, %mul3A_390 : i32
      %dma_start3A_392 = tpu.memref_slice %arg3[%add3A_391] : memref<640000xi32, #tpu.memory_space<hbm>> -> memref<128xi32, #tpu.memory_space<hbm>>
      %dma_start3A_393 = tpu.memref_slice %arg3[%add3A_391] : memref<640000xi32, #tpu.memory_space<hbm>> -> memref<128xi32, #tpu.memory_space<hbm>>
      tpu.enqueue_dma source(%dma_start3A_393 : memref<128xi32, #tpu.memory_space<hbm>>) target(%arg8 : memref<128xi32, #tpu.memory_space<vmem>>) target_semaphore(%arg19 : memref<!tpu.dma_semaphore, #tpu.memory_space<semaphore_mem>>)
      %dma_wait3A_394 = arith.constant 0 : i32
      %dma_wait3A_395 = tpu.memref_slice %arg3[%dma_wait3A_394] : memref<640000xi32, #tpu.memory_space<hbm>> -> memref<128xi32, #tpu.memory_space<hbm>>
      %dma_wait3A_396 = arith.constant 0 : i32
      %dma_wait3A_397 = tpu.memref_slice %arg3[%dma_wait3A_396] : memref<640000xi32, #tpu.memory_space<hbm>> -> memref<128xi32, #tpu.memory_space<hbm>>
      tpu.wait_dma2 semaphore(%arg17 : memref<!tpu.dma_semaphore, #tpu.memory_space<semaphore_mem>>) src(%dma_wait3A_397 : memref<128xi32, #tpu.memory_space<hbm>>) dst(%arg6 : memref<128xi32, #tpu.memory_space<vmem>>)
      %dma_start3A_398 = arith.constant 0 : i32
      %dma_start3A_399 = arith.constant 0 : i32
      %dma_start3A_400 = tpu.memref_slice %arg2[%dma_start3A_398, %dma_start3A_399] : memref<10000x128xf32, #tpu.memory_space<hbm>> -> memref<10000x128xf32, #tpu.memory_space<hbm>>
      tpu.enqueue_indirect_dma source(%dma_start3A_400 : memref<10000x128xf32, #tpu.memory_space<hbm>>) target(%arg14 : memref<128x128xf32, #tpu.memory_space<vmem>>) offsets(%arg6 : memref<128xi32, #tpu.memory_space<vmem>>) semaphore(%arg24 : memref<!tpu.dma_semaphore, #tpu.memory_space<semaphore_mem>>)
      %dma_wait3A_401 = arith.constant 0 : i32
      %dma_wait3A_402 = tpu.memref_slice %arg3[%dma_wait3A_401] : memref<640000xi32, #tpu.memory_space<hbm>> -> memref<128xi32, #tpu.memory_space<hbm>>
      %dma_wait3A_403 = arith.constant 0 : i32
      %dma_wait3A_404 = tpu.memref_slice %arg3[%dma_wait3A_403] : memref<640000xi32, #tpu.memory_space<hbm>> -> memref<128xi32, #tpu.memory_space<hbm>>
      tpu.wait_dma2 semaphore(%arg21 : memref<!tpu.dma_semaphore, #tpu.memory_space<semaphore_mem>>) src(%dma_wait3A_404 : memref<128xi32, #tpu.memory_space<hbm>>) dst(%arg10 : memref<128xi32, #tpu.memory_space<vmem>>)
      "tpu.region"() ({
        %run_scoped3A = tpu.sem_alloc : memref<!tpu.dma_semaphore, #tpu.memory_space<semaphore_mem>>
        %dma_start3A_711 = arith.constant 0 : i32
        %dma_start3A_712 = arith.constant 0 : i32
        %dma_start3A_713 = tpu.memref_slice %arg15[%dma_start3A_711, %dma_start3A_712] : memref<10112x128xf32, #tpu.memory_space<vmem_shared>> -> memref<10112x128xf32, #tpu.memory_space<vmem_shared>>
        tpu.enqueue_indirect_dma source(%arg12 : memref<128x128xf32, #tpu.memory_space<vmem>>) target(%dma_start3A_713 : memref<10112x128xf32, #tpu.memory_space<vmem_shared>>) offsets(%arg10 : memref<128xi32, #tpu.memory_space<vmem>>) semaphore(%run_scoped3A : memref<!tpu.dma_semaphore, #tpu.memory_space<semaphore_mem>>) {add = true}
        %dma_wait3A_714 = arith.constant 0 : i32
        %dma_wait3A_715 = arith.constant 0 : i32
        %dma_wait3A_716 = tpu.memref_slice %arg15[%dma_wait3A_714, %dma_wait3A_715] : memref<10112x128xf32, #tpu.memory_space<vmem_shared>> -> memref<10112x128xf32, #tpu.memory_space<vmem_shared>>
        tpu.wait_indirect_dma semaphore(%run_scoped3A : memref<!tpu.dma_semaphore, #tpu.memory_space<semaphore_mem>>) src(%arg12 : memref<128x128xf32, #tpu.memory_space<vmem>>) dst(%dma_wait3A_716 : memref<10112x128xf32, #tpu.memory_space<vmem_shared>>)
        tpu.yield
      }) : () -> ()
      %add3A_405 = arith.constant 1 : i32
      %add3A_406 = arith.addi %add3A_380, %add3A_405 : i32
      %add3A_407 = arith.constant 320000 : i32
      %add3A_408 = arith.addi %add3A_407, %mul3A_2 : i32
      %mul3A_409 = arith.constant 128 : i32
      %mul3A_410 = arith.muli %add3A_406, %mul3A_409 : i32
      %add3A_411 = arith.addi %add3A_408, %mul3A_410 : i32
      %dma_start3A_412 = tpu.memref_slice %arg3[%add3A_411] : memref<640000xi32, #tpu.memory_space<hbm>> -> memref<128xi32, #tpu.memory_space<hbm>>
      %dma_start3A_413 = tpu.memref_slice %arg3[%add3A_411] : memref<640000xi32, #tpu.memory_space<hbm>> -> memref<128xi32, #tpu.memory_space<hbm>>
      tpu.enqueue_dma source(%dma_start3A_413 : memref<128xi32, #tpu.memory_space<hbm>>) target(%arg9 : memref<128xi32, #tpu.memory_space<vmem>>) target_semaphore(%arg20 : memref<!tpu.dma_semaphore, #tpu.memory_space<semaphore_mem>>)
      %mul3A_414 = arith.constant 12 : i32
      %mul3A_415 = arith.muli %mul3A_414, %scan3A_264 : i32
      %add3A_416 = arith.constant 4 : i32
      %add3A_417 = arith.addi %mul3A_415, %add3A_416 : i32
      %dma_wait3A_418 = arith.constant 0 : i32
      %dma_wait3A_419 = arith.constant 0 : i32
      %dma_wait3A_420 = tpu.memref_slice %arg2[%dma_wait3A_418, %dma_wait3A_419] : memref<10000x128xf32, #tpu.memory_space<hbm>> -> memref<128x128xf32, #tpu.memory_space<hbm>>
      %dma_wait3A_421 = arith.constant 0 : i32
      %dma_wait3A_422 = arith.constant 0 : i32
      %dma_wait3A_423 = tpu.memref_slice %arg2[%dma_wait3A_421, %dma_wait3A_422] : memref<10000x128xf32, #tpu.memory_space<hbm>> -> memref<128x128xf32, #tpu.memory_space<hbm>>
      tpu.wait_dma2 semaphore(%arg23 : memref<!tpu.dma_semaphore, #tpu.memory_space<semaphore_mem>>) src(%dma_wait3A_423 : memref<128x128xf32, #tpu.memory_space<hbm>>) dst(%arg13 : memref<128x128xf32, #tpu.memory_space<vmem>>)
      %add3A_424 = arith.constant 4 : i32
      %add3A_425 = arith.addi %add3A_417, %add3A_424 : i32
      %mul3A_426 = arith.constant 128 : i32
      %mul3A_427 = arith.muli %add3A_425, %mul3A_426 : i32
      %add3A_428 = arith.addi %mul3A_2, %mul3A_427 : i32
      %dma_start3A_429 = tpu.memref_slice %arg3[%add3A_428] : memref<640000xi32, #tpu.memory_space<hbm>> -> memref<128xi32, #tpu.memory_space<hbm>>
      %dma_start3A_430 = tpu.memref_slice %arg3[%add3A_428] : memref<640000xi32, #tpu.memory_space<hbm>> -> memref<128xi32, #tpu.memory_space<hbm>>
      tpu.enqueue_dma source(%dma_start3A_430 : memref<128xi32, #tpu.memory_space<hbm>>) target(%arg5 : memref<128xi32, #tpu.memory_space<vmem>>) target_semaphore(%arg16 : memref<!tpu.dma_semaphore, #tpu.memory_space<semaphore_mem>>)
      %dma_wait3A_431 = arith.constant 0 : i32
      %dma_wait3A_432 = tpu.memref_slice %arg3[%dma_wait3A_431] : memref<640000xi32, #tpu.memory_space<hbm>> -> memref<128xi32, #tpu.memory_space<hbm>>
      %dma_wait3A_433 = arith.constant 0 : i32
      %dma_wait3A_434 = tpu.memref_slice %arg3[%dma_wait3A_433] : memref<640000xi32, #tpu.memory_space<hbm>> -> memref<128xi32, #tpu.memory_space<hbm>>
      tpu.wait_dma2 semaphore(%arg18 : memref<!tpu.dma_semaphore, #tpu.memory_space<semaphore_mem>>) src(%dma_wait3A_434 : memref<128xi32, #tpu.memory_space<hbm>>) dst(%arg7 : memref<128xi32, #tpu.memory_space<vmem>>)
      %dma_start3A_435 = arith.constant 0 : i32
      %dma_start3A_436 = arith.constant 0 : i32
      %dma_start3A_437 = tpu.memref_slice %arg2[%dma_start3A_435, %dma_start3A_436] : memref<10000x128xf32, #tpu.memory_space<hbm>> -> memref<10000x128xf32, #tpu.memory_space<hbm>>
      tpu.enqueue_indirect_dma source(%dma_start3A_437 : memref<10000x128xf32, #tpu.memory_space<hbm>>) target(%arg12 : memref<128x128xf32, #tpu.memory_space<vmem>>) offsets(%arg7 : memref<128xi32, #tpu.memory_space<vmem>>) semaphore(%arg22 : memref<!tpu.dma_semaphore, #tpu.memory_space<semaphore_mem>>)
      %dma_wait3A_438 = arith.constant 0 : i32
      %dma_wait3A_439 = tpu.memref_slice %arg3[%dma_wait3A_438] : memref<640000xi32, #tpu.memory_space<hbm>> -> memref<128xi32, #tpu.memory_space<hbm>>
      %dma_wait3A_440 = arith.constant 0 : i32
      %dma_wait3A_441 = tpu.memref_slice %arg3[%dma_wait3A_440] : memref<640000xi32, #tpu.memory_space<hbm>> -> memref<128xi32, #tpu.memory_space<hbm>>
      tpu.wait_dma2 semaphore(%arg20 : memref<!tpu.dma_semaphore, #tpu.memory_space<semaphore_mem>>) src(%dma_wait3A_441 : memref<128xi32, #tpu.memory_space<hbm>>) dst(%arg9 : memref<128xi32, #tpu.memory_space<vmem>>)
      "tpu.region"() ({
        %run_scoped3A = tpu.sem_alloc : memref<!tpu.dma_semaphore, #tpu.memory_space<semaphore_mem>>
        %dma_start3A_711 = arith.constant 0 : i32
        %dma_start3A_712 = arith.constant 0 : i32
        %dma_start3A_713 = tpu.memref_slice %arg15[%dma_start3A_711, %dma_start3A_712] : memref<10112x128xf32, #tpu.memory_space<vmem_shared>> -> memref<10112x128xf32, #tpu.memory_space<vmem_shared>>
        tpu.enqueue_indirect_dma source(%arg13 : memref<128x128xf32, #tpu.memory_space<vmem>>) target(%dma_start3A_713 : memref<10112x128xf32, #tpu.memory_space<vmem_shared>>) offsets(%arg9 : memref<128xi32, #tpu.memory_space<vmem>>) semaphore(%run_scoped3A : memref<!tpu.dma_semaphore, #tpu.memory_space<semaphore_mem>>) {add = true}
        %dma_wait3A_714 = arith.constant 0 : i32
        %dma_wait3A_715 = arith.constant 0 : i32
        %dma_wait3A_716 = tpu.memref_slice %arg15[%dma_wait3A_714, %dma_wait3A_715] : memref<10112x128xf32, #tpu.memory_space<vmem_shared>> -> memref<10112x128xf32, #tpu.memory_space<vmem_shared>>
        tpu.wait_indirect_dma semaphore(%run_scoped3A : memref<!tpu.dma_semaphore, #tpu.memory_space<semaphore_mem>>) src(%arg13 : memref<128x128xf32, #tpu.memory_space<vmem>>) dst(%dma_wait3A_716 : memref<10112x128xf32, #tpu.memory_space<vmem_shared>>)
        tpu.yield
      }) : () -> ()
      %add3A_442 = arith.constant 1 : i32
      %add3A_443 = arith.addi %add3A_417, %add3A_442 : i32
      %add3A_444 = arith.constant 320000 : i32
      %add3A_445 = arith.addi %add3A_444, %mul3A_2 : i32
      %mul3A_446 = arith.constant 128 : i32
      %mul3A_447 = arith.muli %add3A_443, %mul3A_446 : i32
      %add3A_448 = arith.addi %add3A_445, %mul3A_447 : i32
      %dma_start3A_449 = tpu.memref_slice %arg3[%add3A_448] : memref<640000xi32, #tpu.memory_space<hbm>> -> memref<128xi32, #tpu.memory_space<hbm>>
      %dma_start3A_450 = tpu.memref_slice %arg3[%add3A_448] : memref<640000xi32, #tpu.memory_space<hbm>> -> memref<128xi32, #tpu.memory_space<hbm>>
      tpu.enqueue_dma source(%dma_start3A_450 : memref<128xi32, #tpu.memory_space<hbm>>) target(%arg10 : memref<128xi32, #tpu.memory_space<vmem>>) target_semaphore(%arg21 : memref<!tpu.dma_semaphore, #tpu.memory_space<semaphore_mem>>)
      %mul3A_451 = arith.constant 12 : i32
      %mul3A_452 = arith.muli %mul3A_451, %scan3A_264 : i32
      %add3A_453 = arith.constant 5 : i32
      %add3A_454 = arith.addi %mul3A_452, %add3A_453 : i32
      %dma_wait3A_455 = arith.constant 0 : i32
      %dma_wait3A_456 = arith.constant 0 : i32
      %dma_wait3A_457 = tpu.memref_slice %arg2[%dma_wait3A_455, %dma_wait3A_456] : memref<10000x128xf32, #tpu.memory_space<hbm>> -> memref<128x128xf32, #tpu.memory_space<hbm>>
      %dma_wait3A_458 = arith.constant 0 : i32
      %dma_wait3A_459 = arith.constant 0 : i32
      %dma_wait3A_460 = tpu.memref_slice %arg2[%dma_wait3A_458, %dma_wait3A_459] : memref<10000x128xf32, #tpu.memory_space<hbm>> -> memref<128x128xf32, #tpu.memory_space<hbm>>
      tpu.wait_dma2 semaphore(%arg24 : memref<!tpu.dma_semaphore, #tpu.memory_space<semaphore_mem>>) src(%dma_wait3A_460 : memref<128x128xf32, #tpu.memory_space<hbm>>) dst(%arg14 : memref<128x128xf32, #tpu.memory_space<vmem>>)
      %add3A_461 = arith.constant 4 : i32
      %add3A_462 = arith.addi %add3A_454, %add3A_461 : i32
      %mul3A_463 = arith.constant 128 : i32
      %mul3A_464 = arith.muli %add3A_462, %mul3A_463 : i32
      %add3A_465 = arith.addi %mul3A_2, %mul3A_464 : i32
      %dma_start3A_466 = tpu.memref_slice %arg3[%add3A_465] : memref<640000xi32, #tpu.memory_space<hbm>> -> memref<128xi32, #tpu.memory_space<hbm>>
      %dma_start3A_467 = tpu.memref_slice %arg3[%add3A_465] : memref<640000xi32, #tpu.memory_space<hbm>> -> memref<128xi32, #tpu.memory_space<hbm>>
      tpu.enqueue_dma source(%dma_start3A_467 : memref<128xi32, #tpu.memory_space<hbm>>) target(%arg6 : memref<128xi32, #tpu.memory_space<vmem>>) target_semaphore(%arg17 : memref<!tpu.dma_semaphore, #tpu.memory_space<semaphore_mem>>)
      %dma_wait3A_468 = arith.constant 0 : i32
      %dma_wait3A_469 = tpu.memref_slice %arg3[%dma_wait3A_468] : memref<640000xi32, #tpu.memory_space<hbm>> -> memref<128xi32, #tpu.memory_space<hbm>>
      %dma_wait3A_470 = arith.constant 0 : i32
      %dma_wait3A_471 = tpu.memref_slice %arg3[%dma_wait3A_470] : memref<640000xi32, #tpu.memory_space<hbm>> -> memref<128xi32, #tpu.memory_space<hbm>>
      tpu.wait_dma2 semaphore(%arg19 : memref<!tpu.dma_semaphore, #tpu.memory_space<semaphore_mem>>) src(%dma_wait3A_471 : memref<128xi32, #tpu.memory_space<hbm>>) dst(%arg8 : memref<128xi32, #tpu.memory_space<vmem>>)
      %dma_start3A_472 = arith.constant 0 : i32
      %dma_start3A_473 = arith.constant 0 : i32
      %dma_start3A_474 = tpu.memref_slice %arg2[%dma_start3A_472, %dma_start3A_473] : memref<10000x128xf32, #tpu.memory_space<hbm>> -> memref<10000x128xf32, #tpu.memory_space<hbm>>
      tpu.enqueue_indirect_dma source(%dma_start3A_474 : memref<10000x128xf32, #tpu.memory_space<hbm>>) target(%arg13 : memref<128x128xf32, #tpu.memory_space<vmem>>) offsets(%arg8 : memref<128xi32, #tpu.memory_space<vmem>>) semaphore(%arg23 : memref<!tpu.dma_semaphore, #tpu.memory_space<semaphore_mem>>)
      %dma_wait3A_475 = arith.constant 0 : i32
      %dma_wait3A_476 = tpu.memref_slice %arg3[%dma_wait3A_475] : memref<640000xi32, #tpu.memory_space<hbm>> -> memref<128xi32, #tpu.memory_space<hbm>>
      %dma_wait3A_477 = arith.constant 0 : i32
      %dma_wait3A_478 = tpu.memref_slice %arg3[%dma_wait3A_477] : memref<640000xi32, #tpu.memory_space<hbm>> -> memref<128xi32, #tpu.memory_space<hbm>>
      tpu.wait_dma2 semaphore(%arg21 : memref<!tpu.dma_semaphore, #tpu.memory_space<semaphore_mem>>) src(%dma_wait3A_478 : memref<128xi32, #tpu.memory_space<hbm>>) dst(%arg10 : memref<128xi32, #tpu.memory_space<vmem>>)
      "tpu.region"() ({
        %run_scoped3A = tpu.sem_alloc : memref<!tpu.dma_semaphore, #tpu.memory_space<semaphore_mem>>
        %dma_start3A_711 = arith.constant 0 : i32
        %dma_start3A_712 = arith.constant 0 : i32
        %dma_start3A_713 = tpu.memref_slice %arg15[%dma_start3A_711, %dma_start3A_712] : memref<10112x128xf32, #tpu.memory_space<vmem_shared>> -> memref<10112x128xf32, #tpu.memory_space<vmem_shared>>
        tpu.enqueue_indirect_dma source(%arg14 : memref<128x128xf32, #tpu.memory_space<vmem>>) target(%dma_start3A_713 : memref<10112x128xf32, #tpu.memory_space<vmem_shared>>) offsets(%arg10 : memref<128xi32, #tpu.memory_space<vmem>>) semaphore(%run_scoped3A : memref<!tpu.dma_semaphore, #tpu.memory_space<semaphore_mem>>) {add = true}
        %dma_wait3A_714 = arith.constant 0 : i32
        %dma_wait3A_715 = arith.constant 0 : i32
        %dma_wait3A_716 = tpu.memref_slice %arg15[%dma_wait3A_714, %dma_wait3A_715] : memref<10112x128xf32, #tpu.memory_space<vmem_shared>> -> memref<10112x128xf32, #tpu.memory_space<vmem_shared>>
        tpu.wait_indirect_dma semaphore(%run_scoped3A : memref<!tpu.dma_semaphore, #tpu.memory_space<semaphore_mem>>) src(%arg14 : memref<128x128xf32, #tpu.memory_space<vmem>>) dst(%dma_wait3A_716 : memref<10112x128xf32, #tpu.memory_space<vmem_shared>>)
        tpu.yield
      }) : () -> ()
      %add3A_479 = arith.constant 1 : i32
      %add3A_480 = arith.addi %add3A_454, %add3A_479 : i32
      %add3A_481 = arith.constant 320000 : i32
      %add3A_482 = arith.addi %add3A_481, %mul3A_2 : i32
      %mul3A_483 = arith.constant 128 : i32
      %mul3A_484 = arith.muli %add3A_480, %mul3A_483 : i32
      %add3A_485 = arith.addi %add3A_482, %mul3A_484 : i32
      %dma_start3A_486 = tpu.memref_slice %arg3[%add3A_485] : memref<640000xi32, #tpu.memory_space<hbm>> -> memref<128xi32, #tpu.memory_space<hbm>>
      %dma_start3A_487 = tpu.memref_slice %arg3[%add3A_485] : memref<640000xi32, #tpu.memory_space<hbm>> -> memref<128xi32, #tpu.memory_space<hbm>>
      tpu.enqueue_dma source(%dma_start3A_487 : memref<128xi32, #tpu.memory_space<hbm>>) target(%arg9 : memref<128xi32, #tpu.memory_space<vmem>>) target_semaphore(%arg20 : memref<!tpu.dma_semaphore, #tpu.memory_space<semaphore_mem>>)
      %mul3A_488 = arith.constant 12 : i32
      %mul3A_489 = arith.muli %mul3A_488, %scan3A_264 : i32
      %add3A_490 = arith.constant 6 : i32
      %add3A_491 = arith.addi %mul3A_489, %add3A_490 : i32
      %dma_wait3A_492 = arith.constant 0 : i32
      %dma_wait3A_493 = arith.constant 0 : i32
      %dma_wait3A_494 = tpu.memref_slice %arg2[%dma_wait3A_492, %dma_wait3A_493] : memref<10000x128xf32, #tpu.memory_space<hbm>> -> memref<128x128xf32, #tpu.memory_space<hbm>>
      %dma_wait3A_495 = arith.constant 0 : i32
      %dma_wait3A_496 = arith.constant 0 : i32
      %dma_wait3A_497 = tpu.memref_slice %arg2[%dma_wait3A_495, %dma_wait3A_496] : memref<10000x128xf32, #tpu.memory_space<hbm>> -> memref<128x128xf32, #tpu.memory_space<hbm>>
      tpu.wait_dma2 semaphore(%arg22 : memref<!tpu.dma_semaphore, #tpu.memory_space<semaphore_mem>>) src(%dma_wait3A_497 : memref<128x128xf32, #tpu.memory_space<hbm>>) dst(%arg12 : memref<128x128xf32, #tpu.memory_space<vmem>>)
      %add3A_498 = arith.constant 4 : i32
      %add3A_499 = arith.addi %add3A_491, %add3A_498 : i32
      %mul3A_500 = arith.constant 128 : i32
      %mul3A_501 = arith.muli %add3A_499, %mul3A_500 : i32
      %add3A_502 = arith.addi %mul3A_2, %mul3A_501 : i32
      %dma_start3A_503 = tpu.memref_slice %arg3[%add3A_502] : memref<640000xi32, #tpu.memory_space<hbm>> -> memref<128xi32, #tpu.memory_space<hbm>>
      %dma_start3A_504 = tpu.memref_slice %arg3[%add3A_502] : memref<640000xi32, #tpu.memory_space<hbm>> -> memref<128xi32, #tpu.memory_space<hbm>>
      tpu.enqueue_dma source(%dma_start3A_504 : memref<128xi32, #tpu.memory_space<hbm>>) target(%arg7 : memref<128xi32, #tpu.memory_space<vmem>>) target_semaphore(%arg18 : memref<!tpu.dma_semaphore, #tpu.memory_space<semaphore_mem>>)
      %dma_wait3A_505 = arith.constant 0 : i32
      %dma_wait3A_506 = tpu.memref_slice %arg3[%dma_wait3A_505] : memref<640000xi32, #tpu.memory_space<hbm>> -> memref<128xi32, #tpu.memory_space<hbm>>
      %dma_wait3A_507 = arith.constant 0 : i32
      %dma_wait3A_508 = tpu.memref_slice %arg3[%dma_wait3A_507] : memref<640000xi32, #tpu.memory_space<hbm>> -> memref<128xi32, #tpu.memory_space<hbm>>
      tpu.wait_dma2 semaphore(%arg16 : memref<!tpu.dma_semaphore, #tpu.memory_space<semaphore_mem>>) src(%dma_wait3A_508 : memref<128xi32, #tpu.memory_space<hbm>>) dst(%arg5 : memref<128xi32, #tpu.memory_space<vmem>>)
      %dma_start3A_509 = arith.constant 0 : i32
      %dma_start3A_510 = arith.constant 0 : i32
      %dma_start3A_511 = tpu.memref_slice %arg2[%dma_start3A_509, %dma_start3A_510] : memref<10000x128xf32, #tpu.memory_space<hbm>> -> memref<10000x128xf32, #tpu.memory_space<hbm>>
      tpu.enqueue_indirect_dma source(%dma_start3A_511 : memref<10000x128xf32, #tpu.memory_space<hbm>>) target(%arg14 : memref<128x128xf32, #tpu.memory_space<vmem>>) offsets(%arg5 : memref<128xi32, #tpu.memory_space<vmem>>) semaphore(%arg24 : memref<!tpu.dma_semaphore, #tpu.memory_space<semaphore_mem>>)
      %dma_wait3A_512 = arith.constant 0 : i32
      %dma_wait3A_513 = tpu.memref_slice %arg3[%dma_wait3A_512] : memref<640000xi32, #tpu.memory_space<hbm>> -> memref<128xi32, #tpu.memory_space<hbm>>
      %dma_wait3A_514 = arith.constant 0 : i32
      %dma_wait3A_515 = tpu.memref_slice %arg3[%dma_wait3A_514] : memref<640000xi32, #tpu.memory_space<hbm>> -> memref<128xi32, #tpu.memory_space<hbm>>
      tpu.wait_dma2 semaphore(%arg20 : memref<!tpu.dma_semaphore, #tpu.memory_space<semaphore_mem>>) src(%dma_wait3A_515 : memref<128xi32, #tpu.memory_space<hbm>>) dst(%arg9 : memref<128xi32, #tpu.memory_space<vmem>>)
      "tpu.region"() ({
        %run_scoped3A = tpu.sem_alloc : memref<!tpu.dma_semaphore, #tpu.memory_space<semaphore_mem>>
        %dma_start3A_711 = arith.constant 0 : i32
        %dma_start3A_712 = arith.constant 0 : i32
        %dma_start3A_713 = tpu.memref_slice %arg15[%dma_start3A_711, %dma_start3A_712] : memref<10112x128xf32, #tpu.memory_space<vmem_shared>> -> memref<10112x128xf32, #tpu.memory_space<vmem_shared>>
        tpu.enqueue_indirect_dma source(%arg12 : memref<128x128xf32, #tpu.memory_space<vmem>>) target(%dma_start3A_713 : memref<10112x128xf32, #tpu.memory_space<vmem_shared>>) offsets(%arg9 : memref<128xi32, #tpu.memory_space<vmem>>) semaphore(%run_scoped3A : memref<!tpu.dma_semaphore, #tpu.memory_space<semaphore_mem>>) {add = true}
        %dma_wait3A_714 = arith.constant 0 : i32
        %dma_wait3A_715 = arith.constant 0 : i32
        %dma_wait3A_716 = tpu.memref_slice %arg15[%dma_wait3A_714, %dma_wait3A_715] : memref<10112x128xf32, #tpu.memory_space<vmem_shared>> -> memref<10112x128xf32, #tpu.memory_space<vmem_shared>>
        tpu.wait_indirect_dma semaphore(%run_scoped3A : memref<!tpu.dma_semaphore, #tpu.memory_space<semaphore_mem>>) src(%arg12 : memref<128x128xf32, #tpu.memory_space<vmem>>) dst(%dma_wait3A_716 : memref<10112x128xf32, #tpu.memory_space<vmem_shared>>)
        tpu.yield
      }) : () -> ()
      %add3A_516 = arith.constant 1 : i32
      %add3A_517 = arith.addi %add3A_491, %add3A_516 : i32
      %add3A_518 = arith.constant 320000 : i32
      %add3A_519 = arith.addi %add3A_518, %mul3A_2 : i32
      %mul3A_520 = arith.constant 128 : i32
      %mul3A_521 = arith.muli %add3A_517, %mul3A_520 : i32
      %add3A_522 = arith.addi %add3A_519, %mul3A_521 : i32
      %dma_start3A_523 = tpu.memref_slice %arg3[%add3A_522] : memref<640000xi32, #tpu.memory_space<hbm>> -> memref<128xi32, #tpu.memory_space<hbm>>
      %dma_start3A_524 = tpu.memref_slice %arg3[%add3A_522] : memref<640000xi32, #tpu.memory_space<hbm>> -> memref<128xi32, #tpu.memory_space<hbm>>
      tpu.enqueue_dma source(%dma_start3A_524 : memref<128xi32, #tpu.memory_space<hbm>>) target(%arg10 : memref<128xi32, #tpu.memory_space<vmem>>) target_semaphore(%arg21 : memref<!tpu.dma_semaphore, #tpu.memory_space<semaphore_mem>>)
      %mul3A_525 = arith.constant 12 : i32
      %mul3A_526 = arith.muli %mul3A_525, %scan3A_264 : i32
      %add3A_527 = arith.constant 7 : i32
      %add3A_528 = arith.addi %mul3A_526, %add3A_527 : i32
      %dma_wait3A_529 = arith.constant 0 : i32
      %dma_wait3A_530 = arith.constant 0 : i32
      %dma_wait3A_531 = tpu.memref_slice %arg2[%dma_wait3A_529, %dma_wait3A_530] : memref<10000x128xf32, #tpu.memory_space<hbm>> -> memref<128x128xf32, #tpu.memory_space<hbm>>
      %dma_wait3A_532 = arith.constant 0 : i32
      %dma_wait3A_533 = arith.constant 0 : i32
      %dma_wait3A_534 = tpu.memref_slice %arg2[%dma_wait3A_532, %dma_wait3A_533] : memref<10000x128xf32, #tpu.memory_space<hbm>> -> memref<128x128xf32, #tpu.memory_space<hbm>>
      tpu.wait_dma2 semaphore(%arg23 : memref<!tpu.dma_semaphore, #tpu.memory_space<semaphore_mem>>) src(%dma_wait3A_534 : memref<128x128xf32, #tpu.memory_space<hbm>>) dst(%arg13 : memref<128x128xf32, #tpu.memory_space<vmem>>)
      %add3A_535 = arith.constant 4 : i32
      %add3A_536 = arith.addi %add3A_528, %add3A_535 : i32
      %mul3A_537 = arith.constant 128 : i32
      %mul3A_538 = arith.muli %add3A_536, %mul3A_537 : i32
      %add3A_539 = arith.addi %mul3A_2, %mul3A_538 : i32
      %dma_start3A_540 = tpu.memref_slice %arg3[%add3A_539] : memref<640000xi32, #tpu.memory_space<hbm>> -> memref<128xi32, #tpu.memory_space<hbm>>
      %dma_start3A_541 = tpu.memref_slice %arg3[%add3A_539] : memref<640000xi32, #tpu.memory_space<hbm>> -> memref<128xi32, #tpu.memory_space<hbm>>
      tpu.enqueue_dma source(%dma_start3A_541 : memref<128xi32, #tpu.memory_space<hbm>>) target(%arg8 : memref<128xi32, #tpu.memory_space<vmem>>) target_semaphore(%arg19 : memref<!tpu.dma_semaphore, #tpu.memory_space<semaphore_mem>>)
      %dma_wait3A_542 = arith.constant 0 : i32
      %dma_wait3A_543 = tpu.memref_slice %arg3[%dma_wait3A_542] : memref<640000xi32, #tpu.memory_space<hbm>> -> memref<128xi32, #tpu.memory_space<hbm>>
      %dma_wait3A_544 = arith.constant 0 : i32
      %dma_wait3A_545 = tpu.memref_slice %arg3[%dma_wait3A_544] : memref<640000xi32, #tpu.memory_space<hbm>> -> memref<128xi32, #tpu.memory_space<hbm>>
      tpu.wait_dma2 semaphore(%arg17 : memref<!tpu.dma_semaphore, #tpu.memory_space<semaphore_mem>>) src(%dma_wait3A_545 : memref<128xi32, #tpu.memory_space<hbm>>) dst(%arg6 : memref<128xi32, #tpu.memory_space<vmem>>)
      %dma_start3A_546 = arith.constant 0 : i32
      %dma_start3A_547 = arith.constant 0 : i32
      %dma_start3A_548 = tpu.memref_slice %arg2[%dma_start3A_546, %dma_start3A_547] : memref<10000x128xf32, #tpu.memory_space<hbm>> -> memref<10000x128xf32, #tpu.memory_space<hbm>>
      tpu.enqueue_indirect_dma source(%dma_start3A_548 : memref<10000x128xf32, #tpu.memory_space<hbm>>) target(%arg12 : memref<128x128xf32, #tpu.memory_space<vmem>>) offsets(%arg6 : memref<128xi32, #tpu.memory_space<vmem>>) semaphore(%arg22 : memref<!tpu.dma_semaphore, #tpu.memory_space<semaphore_mem>>)
      %dma_wait3A_549 = arith.constant 0 : i32
      %dma_wait3A_550 = tpu.memref_slice %arg3[%dma_wait3A_549] : memref<640000xi32, #tpu.memory_space<hbm>> -> memref<128xi32, #tpu.memory_space<hbm>>
      %dma_wait3A_551 = arith.constant 0 : i32
      %dma_wait3A_552 = tpu.memref_slice %arg3[%dma_wait3A_551] : memref<640000xi32, #tpu.memory_space<hbm>> -> memref<128xi32, #tpu.memory_space<hbm>>
      tpu.wait_dma2 semaphore(%arg21 : memref<!tpu.dma_semaphore, #tpu.memory_space<semaphore_mem>>) src(%dma_wait3A_552 : memref<128xi32, #tpu.memory_space<hbm>>) dst(%arg10 : memref<128xi32, #tpu.memory_space<vmem>>)
      "tpu.region"() ({
        %run_scoped3A = tpu.sem_alloc : memref<!tpu.dma_semaphore, #tpu.memory_space<semaphore_mem>>
        %dma_start3A_711 = arith.constant 0 : i32
        %dma_start3A_712 = arith.constant 0 : i32
        %dma_start3A_713 = tpu.memref_slice %arg15[%dma_start3A_711, %dma_start3A_712] : memref<10112x128xf32, #tpu.memory_space<vmem_shared>> -> memref<10112x128xf32, #tpu.memory_space<vmem_shared>>
        tpu.enqueue_indirect_dma source(%arg13 : memref<128x128xf32, #tpu.memory_space<vmem>>) target(%dma_start3A_713 : memref<10112x128xf32, #tpu.memory_space<vmem_shared>>) offsets(%arg10 : memref<128xi32, #tpu.memory_space<vmem>>) semaphore(%run_scoped3A : memref<!tpu.dma_semaphore, #tpu.memory_space<semaphore_mem>>) {add = true}
        %dma_wait3A_714 = arith.constant 0 : i32
        %dma_wait3A_715 = arith.constant 0 : i32
        %dma_wait3A_716 = tpu.memref_slice %arg15[%dma_wait3A_714, %dma_wait3A_715] : memref<10112x128xf32, #tpu.memory_space<vmem_shared>> -> memref<10112x128xf32, #tpu.memory_space<vmem_shared>>
        tpu.wait_indirect_dma semaphore(%run_scoped3A : memref<!tpu.dma_semaphore, #tpu.memory_space<semaphore_mem>>) src(%arg13 : memref<128x128xf32, #tpu.memory_space<vmem>>) dst(%dma_wait3A_716 : memref<10112x128xf32, #tpu.memory_space<vmem_shared>>)
        tpu.yield
      }) : () -> ()
      %add3A_553 = arith.constant 1 : i32
      %add3A_554 = arith.addi %add3A_528, %add3A_553 : i32
      %add3A_555 = arith.constant 320000 : i32
      %add3A_556 = arith.addi %add3A_555, %mul3A_2 : i32
      %mul3A_557 = arith.constant 128 : i32
      %mul3A_558 = arith.muli %add3A_554, %mul3A_557 : i32
      %add3A_559 = arith.addi %add3A_556, %mul3A_558 : i32
      %dma_start3A_560 = tpu.memref_slice %arg3[%add3A_559] : memref<640000xi32, #tpu.memory_space<hbm>> -> memref<128xi32, #tpu.memory_space<hbm>>
      %dma_start3A_561 = tpu.memref_slice %arg3[%add3A_559] : memref<640000xi32, #tpu.memory_space<hbm>> -> memref<128xi32, #tpu.memory_space<hbm>>
      tpu.enqueue_dma source(%dma_start3A_561 : memref<128xi32, #tpu.memory_space<hbm>>) target(%arg9 : memref<128xi32, #tpu.memory_space<vmem>>) target_semaphore(%arg20 : memref<!tpu.dma_semaphore, #tpu.memory_space<semaphore_mem>>)
      %mul3A_562 = arith.constant 12 : i32
      %mul3A_563 = arith.muli %mul3A_562, %scan3A_264 : i32
      %add3A_564 = arith.constant 8 : i32
      %add3A_565 = arith.addi %mul3A_563, %add3A_564 : i32
      %dma_wait3A_566 = arith.constant 0 : i32
      %dma_wait3A_567 = arith.constant 0 : i32
      %dma_wait3A_568 = tpu.memref_slice %arg2[%dma_wait3A_566, %dma_wait3A_567] : memref<10000x128xf32, #tpu.memory_space<hbm>> -> memref<128x128xf32, #tpu.memory_space<hbm>>
      %dma_wait3A_569 = arith.constant 0 : i32
      %dma_wait3A_570 = arith.constant 0 : i32
      %dma_wait3A_571 = tpu.memref_slice %arg2[%dma_wait3A_569, %dma_wait3A_570] : memref<10000x128xf32, #tpu.memory_space<hbm>> -> memref<128x128xf32, #tpu.memory_space<hbm>>
      tpu.wait_dma2 semaphore(%arg24 : memref<!tpu.dma_semaphore, #tpu.memory_space<semaphore_mem>>) src(%dma_wait3A_571 : memref<128x128xf32, #tpu.memory_space<hbm>>) dst(%arg14 : memref<128x128xf32, #tpu.memory_space<vmem>>)
      %add3A_572 = arith.constant 4 : i32
      %add3A_573 = arith.addi %add3A_565, %add3A_572 : i32
      %mul3A_574 = arith.constant 128 : i32
      %mul3A_575 = arith.muli %add3A_573, %mul3A_574 : i32
      %add3A_576 = arith.addi %mul3A_2, %mul3A_575 : i32
      %dma_start3A_577 = tpu.memref_slice %arg3[%add3A_576] : memref<640000xi32, #tpu.memory_space<hbm>> -> memref<128xi32, #tpu.memory_space<hbm>>
      %dma_start3A_578 = tpu.memref_slice %arg3[%add3A_576] : memref<640000xi32, #tpu.memory_space<hbm>> -> memref<128xi32, #tpu.memory_space<hbm>>
      tpu.enqueue_dma source(%dma_start3A_578 : memref<128xi32, #tpu.memory_space<hbm>>) target(%arg5 : memref<128xi32, #tpu.memory_space<vmem>>) target_semaphore(%arg16 : memref<!tpu.dma_semaphore, #tpu.memory_space<semaphore_mem>>)
      %dma_wait3A_579 = arith.constant 0 : i32
      %dma_wait3A_580 = tpu.memref_slice %arg3[%dma_wait3A_579] : memref<640000xi32, #tpu.memory_space<hbm>> -> memref<128xi32, #tpu.memory_space<hbm>>
      %dma_wait3A_581 = arith.constant 0 : i32
      %dma_wait3A_582 = tpu.memref_slice %arg3[%dma_wait3A_581] : memref<640000xi32, #tpu.memory_space<hbm>> -> memref<128xi32, #tpu.memory_space<hbm>>
      tpu.wait_dma2 semaphore(%arg18 : memref<!tpu.dma_semaphore, #tpu.memory_space<semaphore_mem>>) src(%dma_wait3A_582 : memref<128xi32, #tpu.memory_space<hbm>>) dst(%arg7 : memref<128xi32, #tpu.memory_space<vmem>>)
      %dma_start3A_583 = arith.constant 0 : i32
      %dma_start3A_584 = arith.constant 0 : i32
      %dma_start3A_585 = tpu.memref_slice %arg2[%dma_start3A_583, %dma_start3A_584] : memref<10000x128xf32, #tpu.memory_space<hbm>> -> memref<10000x128xf32, #tpu.memory_space<hbm>>
      tpu.enqueue_indirect_dma source(%dma_start3A_585 : memref<10000x128xf32, #tpu.memory_space<hbm>>) target(%arg13 : memref<128x128xf32, #tpu.memory_space<vmem>>) offsets(%arg7 : memref<128xi32, #tpu.memory_space<vmem>>) semaphore(%arg23 : memref<!tpu.dma_semaphore, #tpu.memory_space<semaphore_mem>>)
      %dma_wait3A_586 = arith.constant 0 : i32
      %dma_wait3A_587 = tpu.memref_slice %arg3[%dma_wait3A_586] : memref<640000xi32, #tpu.memory_space<hbm>> -> memref<128xi32, #tpu.memory_space<hbm>>
      %dma_wait3A_588 = arith.constant 0 : i32
      %dma_wait3A_589 = tpu.memref_slice %arg3[%dma_wait3A_588] : memref<640000xi32, #tpu.memory_space<hbm>> -> memref<128xi32, #tpu.memory_space<hbm>>
      tpu.wait_dma2 semaphore(%arg20 : memref<!tpu.dma_semaphore, #tpu.memory_space<semaphore_mem>>) src(%dma_wait3A_589 : memref<128xi32, #tpu.memory_space<hbm>>) dst(%arg9 : memref<128xi32, #tpu.memory_space<vmem>>)
      "tpu.region"() ({
        %run_scoped3A = tpu.sem_alloc : memref<!tpu.dma_semaphore, #tpu.memory_space<semaphore_mem>>
        %dma_start3A_711 = arith.constant 0 : i32
        %dma_start3A_712 = arith.constant 0 : i32
        %dma_start3A_713 = tpu.memref_slice %arg15[%dma_start3A_711, %dma_start3A_712] : memref<10112x128xf32, #tpu.memory_space<vmem_shared>> -> memref<10112x128xf32, #tpu.memory_space<vmem_shared>>
        tpu.enqueue_indirect_dma source(%arg14 : memref<128x128xf32, #tpu.memory_space<vmem>>) target(%dma_start3A_713 : memref<10112x128xf32, #tpu.memory_space<vmem_shared>>) offsets(%arg9 : memref<128xi32, #tpu.memory_space<vmem>>) semaphore(%run_scoped3A : memref<!tpu.dma_semaphore, #tpu.memory_space<semaphore_mem>>) {add = true}
        %dma_wait3A_714 = arith.constant 0 : i32
        %dma_wait3A_715 = arith.constant 0 : i32
        %dma_wait3A_716 = tpu.memref_slice %arg15[%dma_wait3A_714, %dma_wait3A_715] : memref<10112x128xf32, #tpu.memory_space<vmem_shared>> -> memref<10112x128xf32, #tpu.memory_space<vmem_shared>>
        tpu.wait_indirect_dma semaphore(%run_scoped3A : memref<!tpu.dma_semaphore, #tpu.memory_space<semaphore_mem>>) src(%arg14 : memref<128x128xf32, #tpu.memory_space<vmem>>) dst(%dma_wait3A_716 : memref<10112x128xf32, #tpu.memory_space<vmem_shared>>)
        tpu.yield
      }) : () -> ()
      %add3A_590 = arith.constant 1 : i32
      %add3A_591 = arith.addi %add3A_565, %add3A_590 : i32
      %add3A_592 = arith.constant 320000 : i32
      %add3A_593 = arith.addi %add3A_592, %mul3A_2 : i32
      %mul3A_594 = arith.constant 128 : i32
      %mul3A_595 = arith.muli %add3A_591, %mul3A_594 : i32
      %add3A_596 = arith.addi %add3A_593, %mul3A_595 : i32
      %dma_start3A_597 = tpu.memref_slice %arg3[%add3A_596] : memref<640000xi32, #tpu.memory_space<hbm>> -> memref<128xi32, #tpu.memory_space<hbm>>
      %dma_start3A_598 = tpu.memref_slice %arg3[%add3A_596] : memref<640000xi32, #tpu.memory_space<hbm>> -> memref<128xi32, #tpu.memory_space<hbm>>
      tpu.enqueue_dma source(%dma_start3A_598 : memref<128xi32, #tpu.memory_space<hbm>>) target(%arg10 : memref<128xi32, #tpu.memory_space<vmem>>) target_semaphore(%arg21 : memref<!tpu.dma_semaphore, #tpu.memory_space<semaphore_mem>>)
      %mul3A_599 = arith.constant 12 : i32
      %mul3A_600 = arith.muli %mul3A_599, %scan3A_264 : i32
      %add3A_601 = arith.constant 9 : i32
      %add3A_602 = arith.addi %mul3A_600, %add3A_601 : i32
      %dma_wait3A_603 = arith.constant 0 : i32
      %dma_wait3A_604 = arith.constant 0 : i32
      %dma_wait3A_605 = tpu.memref_slice %arg2[%dma_wait3A_603, %dma_wait3A_604] : memref<10000x128xf32, #tpu.memory_space<hbm>> -> memref<128x128xf32, #tpu.memory_space<hbm>>
      %dma_wait3A_606 = arith.constant 0 : i32
      %dma_wait3A_607 = arith.constant 0 : i32
      %dma_wait3A_608 = tpu.memref_slice %arg2[%dma_wait3A_606, %dma_wait3A_607] : memref<10000x128xf32, #tpu.memory_space<hbm>> -> memref<128x128xf32, #tpu.memory_space<hbm>>
      tpu.wait_dma2 semaphore(%arg22 : memref<!tpu.dma_semaphore, #tpu.memory_space<semaphore_mem>>) src(%dma_wait3A_608 : memref<128x128xf32, #tpu.memory_space<hbm>>) dst(%arg12 : memref<128x128xf32, #tpu.memory_space<vmem>>)
      %add3A_609 = arith.constant 4 : i32
      %add3A_610 = arith.addi %add3A_602, %add3A_609 : i32
      %mul3A_611 = arith.constant 128 : i32
      %mul3A_612 = arith.muli %add3A_610, %mul3A_611 : i32
      %add3A_613 = arith.addi %mul3A_2, %mul3A_612 : i32
      %dma_start3A_614 = tpu.memref_slice %arg3[%add3A_613] : memref<640000xi32, #tpu.memory_space<hbm>> -> memref<128xi32, #tpu.memory_space<hbm>>
      %dma_start3A_615 = tpu.memref_slice %arg3[%add3A_613] : memref<640000xi32, #tpu.memory_space<hbm>> -> memref<128xi32, #tpu.memory_space<hbm>>
      tpu.enqueue_dma source(%dma_start3A_615 : memref<128xi32, #tpu.memory_space<hbm>>) target(%arg6 : memref<128xi32, #tpu.memory_space<vmem>>) target_semaphore(%arg17 : memref<!tpu.dma_semaphore, #tpu.memory_space<semaphore_mem>>)
      %dma_wait3A_616 = arith.constant 0 : i32
      %dma_wait3A_617 = tpu.memref_slice %arg3[%dma_wait3A_616] : memref<640000xi32, #tpu.memory_space<hbm>> -> memref<128xi32, #tpu.memory_space<hbm>>
      %dma_wait3A_618 = arith.constant 0 : i32
      %dma_wait3A_619 = tpu.memref_slice %arg3[%dma_wait3A_618] : memref<640000xi32, #tpu.memory_space<hbm>> -> memref<128xi32, #tpu.memory_space<hbm>>
      tpu.wait_dma2 semaphore(%arg19 : memref<!tpu.dma_semaphore, #tpu.memory_space<semaphore_mem>>) src(%dma_wait3A_619 : memref<128xi32, #tpu.memory_space<hbm>>) dst(%arg8 : memref<128xi32, #tpu.memory_space<vmem>>)
      %dma_start3A_620 = arith.constant 0 : i32
      %dma_start3A_621 = arith.constant 0 : i32
      %dma_start3A_622 = tpu.memref_slice %arg2[%dma_start3A_620, %dma_start3A_621] : memref<10000x128xf32, #tpu.memory_space<hbm>> -> memref<10000x128xf32, #tpu.memory_space<hbm>>
      tpu.enqueue_indirect_dma source(%dma_start3A_622 : memref<10000x128xf32, #tpu.memory_space<hbm>>) target(%arg14 : memref<128x128xf32, #tpu.memory_space<vmem>>) offsets(%arg8 : memref<128xi32, #tpu.memory_space<vmem>>) semaphore(%arg24 : memref<!tpu.dma_semaphore, #tpu.memory_space<semaphore_mem>>)
      %dma_wait3A_623 = arith.constant 0 : i32
      %dma_wait3A_624 = tpu.memref_slice %arg3[%dma_wait3A_623] : memref<640000xi32, #tpu.memory_space<hbm>> -> memref<128xi32, #tpu.memory_space<hbm>>
      %dma_wait3A_625 = arith.constant 0 : i32
      %dma_wait3A_626 = tpu.memref_slice %arg3[%dma_wait3A_625] : memref<640000xi32, #tpu.memory_space<hbm>> -> memref<128xi32, #tpu.memory_space<hbm>>
      tpu.wait_dma2 semaphore(%arg21 : memref<!tpu.dma_semaphore, #tpu.memory_space<semaphore_mem>>) src(%dma_wait3A_626 : memref<128xi32, #tpu.memory_space<hbm>>) dst(%arg10 : memref<128xi32, #tpu.memory_space<vmem>>)
      "tpu.region"() ({
        %run_scoped3A = tpu.sem_alloc : memref<!tpu.dma_semaphore, #tpu.memory_space<semaphore_mem>>
        %dma_start3A_711 = arith.constant 0 : i32
        %dma_start3A_712 = arith.constant 0 : i32
        %dma_start3A_713 = tpu.memref_slice %arg15[%dma_start3A_711, %dma_start3A_712] : memref<10112x128xf32, #tpu.memory_space<vmem_shared>> -> memref<10112x128xf32, #tpu.memory_space<vmem_shared>>
        tpu.enqueue_indirect_dma source(%arg12 : memref<128x128xf32, #tpu.memory_space<vmem>>) target(%dma_start3A_713 : memref<10112x128xf32, #tpu.memory_space<vmem_shared>>) offsets(%arg10 : memref<128xi32, #tpu.memory_space<vmem>>) semaphore(%run_scoped3A : memref<!tpu.dma_semaphore, #tpu.memory_space<semaphore_mem>>) {add = true}
        %dma_wait3A_714 = arith.constant 0 : i32
        %dma_wait3A_715 = arith.constant 0 : i32
        %dma_wait3A_716 = tpu.memref_slice %arg15[%dma_wait3A_714, %dma_wait3A_715] : memref<10112x128xf32, #tpu.memory_space<vmem_shared>> -> memref<10112x128xf32, #tpu.memory_space<vmem_shared>>
        tpu.wait_indirect_dma semaphore(%run_scoped3A : memref<!tpu.dma_semaphore, #tpu.memory_space<semaphore_mem>>) src(%arg12 : memref<128x128xf32, #tpu.memory_space<vmem>>) dst(%dma_wait3A_716 : memref<10112x128xf32, #tpu.memory_space<vmem_shared>>)
        tpu.yield
      }) : () -> ()
      %add3A_627 = arith.constant 1 : i32
      %add3A_628 = arith.addi %add3A_602, %add3A_627 : i32
      %add3A_629 = arith.constant 320000 : i32
      %add3A_630 = arith.addi %add3A_629, %mul3A_2 : i32
      %mul3A_631 = arith.constant 128 : i32
      %mul3A_632 = arith.muli %add3A_628, %mul3A_631 : i32
      %add3A_633 = arith.addi %add3A_630, %mul3A_632 : i32
      %dma_start3A_634 = tpu.memref_slice %arg3[%add3A_633] : memref<640000xi32, #tpu.memory_space<hbm>> -> memref<128xi32, #tpu.memory_space<hbm>>
      %dma_start3A_635 = tpu.memref_slice %arg3[%add3A_633] : memref<640000xi32, #tpu.memory_space<hbm>> -> memref<128xi32, #tpu.memory_space<hbm>>
      tpu.enqueue_dma source(%dma_start3A_635 : memref<128xi32, #tpu.memory_space<hbm>>) target(%arg9 : memref<128xi32, #tpu.memory_space<vmem>>) target_semaphore(%arg20 : memref<!tpu.dma_semaphore, #tpu.memory_space<semaphore_mem>>)
      %mul3A_636 = arith.constant 12 : i32
      %mul3A_637 = arith.muli %mul3A_636, %scan3A_264 : i32
      %add3A_638 = arith.constant 10 : i32
      %add3A_639 = arith.addi %mul3A_637, %add3A_638 : i32
      %dma_wait3A_640 = arith.constant 0 : i32
      %dma_wait3A_641 = arith.constant 0 : i32
      %dma_wait3A_642 = tpu.memref_slice %arg2[%dma_wait3A_640, %dma_wait3A_641] : memref<10000x128xf32, #tpu.memory_space<hbm>> -> memref<128x128xf32, #tpu.memory_space<hbm>>
      %dma_wait3A_643 = arith.constant 0 : i32
      %dma_wait3A_644 = arith.constant 0 : i32
      %dma_wait3A_645 = tpu.memref_slice %arg2[%dma_wait3A_643, %dma_wait3A_644] : memref<10000x128xf32, #tpu.memory_space<hbm>> -> memref<128x128xf32, #tpu.memory_space<hbm>>
      tpu.wait_dma2 semaphore(%arg23 : memref<!tpu.dma_semaphore, #tpu.memory_space<semaphore_mem>>) src(%dma_wait3A_645 : memref<128x128xf32, #tpu.memory_space<hbm>>) dst(%arg13 : memref<128x128xf32, #tpu.memory_space<vmem>>)
      %add3A_646 = arith.constant 4 : i32
      %add3A_647 = arith.addi %add3A_639, %add3A_646 : i32
      %mul3A_648 = arith.constant 128 : i32
      %mul3A_649 = arith.muli %add3A_647, %mul3A_648 : i32
      %add3A_650 = arith.addi %mul3A_2, %mul3A_649 : i32
      %dma_start3A_651 = tpu.memref_slice %arg3[%add3A_650] : memref<640000xi32, #tpu.memory_space<hbm>> -> memref<128xi32, #tpu.memory_space<hbm>>
      %dma_start3A_652 = tpu.memref_slice %arg3[%add3A_650] : memref<640000xi32, #tpu.memory_space<hbm>> -> memref<128xi32, #tpu.memory_space<hbm>>
      tpu.enqueue_dma source(%dma_start3A_652 : memref<128xi32, #tpu.memory_space<hbm>>) target(%arg7 : memref<128xi32, #tpu.memory_space<vmem>>) target_semaphore(%arg18 : memref<!tpu.dma_semaphore, #tpu.memory_space<semaphore_mem>>)
      %dma_wait3A_653 = arith.constant 0 : i32
      %dma_wait3A_654 = tpu.memref_slice %arg3[%dma_wait3A_653] : memref<640000xi32, #tpu.memory_space<hbm>> -> memref<128xi32, #tpu.memory_space<hbm>>
      %dma_wait3A_655 = arith.constant 0 : i32
      %dma_wait3A_656 = tpu.memref_slice %arg3[%dma_wait3A_655] : memref<640000xi32, #tpu.memory_space<hbm>> -> memref<128xi32, #tpu.memory_space<hbm>>
      tpu.wait_dma2 semaphore(%arg16 : memref<!tpu.dma_semaphore, #tpu.memory_space<semaphore_mem>>) src(%dma_wait3A_656 : memref<128xi32, #tpu.memory_space<hbm>>) dst(%arg5 : memref<128xi32, #tpu.memory_space<vmem>>)
      %dma_start3A_657 = arith.constant 0 : i32
      %dma_start3A_658 = arith.constant 0 : i32
      %dma_start3A_659 = tpu.memref_slice %arg2[%dma_start3A_657, %dma_start3A_658] : memref<10000x128xf32, #tpu.memory_space<hbm>> -> memref<10000x128xf32, #tpu.memory_space<hbm>>
      tpu.enqueue_indirect_dma source(%dma_start3A_659 : memref<10000x128xf32, #tpu.memory_space<hbm>>) target(%arg12 : memref<128x128xf32, #tpu.memory_space<vmem>>) offsets(%arg5 : memref<128xi32, #tpu.memory_space<vmem>>) semaphore(%arg22 : memref<!tpu.dma_semaphore, #tpu.memory_space<semaphore_mem>>)
      %dma_wait3A_660 = arith.constant 0 : i32
      %dma_wait3A_661 = tpu.memref_slice %arg3[%dma_wait3A_660] : memref<640000xi32, #tpu.memory_space<hbm>> -> memref<128xi32, #tpu.memory_space<hbm>>
      %dma_wait3A_662 = arith.constant 0 : i32
      %dma_wait3A_663 = tpu.memref_slice %arg3[%dma_wait3A_662] : memref<640000xi32, #tpu.memory_space<hbm>> -> memref<128xi32, #tpu.memory_space<hbm>>
      tpu.wait_dma2 semaphore(%arg20 : memref<!tpu.dma_semaphore, #tpu.memory_space<semaphore_mem>>) src(%dma_wait3A_663 : memref<128xi32, #tpu.memory_space<hbm>>) dst(%arg9 : memref<128xi32, #tpu.memory_space<vmem>>)
      "tpu.region"() ({
        %run_scoped3A = tpu.sem_alloc : memref<!tpu.dma_semaphore, #tpu.memory_space<semaphore_mem>>
        %dma_start3A_711 = arith.constant 0 : i32
        %dma_start3A_712 = arith.constant 0 : i32
        %dma_start3A_713 = tpu.memref_slice %arg15[%dma_start3A_711, %dma_start3A_712] : memref<10112x128xf32, #tpu.memory_space<vmem_shared>> -> memref<10112x128xf32, #tpu.memory_space<vmem_shared>>
        tpu.enqueue_indirect_dma source(%arg13 : memref<128x128xf32, #tpu.memory_space<vmem>>) target(%dma_start3A_713 : memref<10112x128xf32, #tpu.memory_space<vmem_shared>>) offsets(%arg9 : memref<128xi32, #tpu.memory_space<vmem>>) semaphore(%run_scoped3A : memref<!tpu.dma_semaphore, #tpu.memory_space<semaphore_mem>>) {add = true}
        %dma_wait3A_714 = arith.constant 0 : i32
        %dma_wait3A_715 = arith.constant 0 : i32
        %dma_wait3A_716 = tpu.memref_slice %arg15[%dma_wait3A_714, %dma_wait3A_715] : memref<10112x128xf32, #tpu.memory_space<vmem_shared>> -> memref<10112x128xf32, #tpu.memory_space<vmem_shared>>
        tpu.wait_indirect_dma semaphore(%run_scoped3A : memref<!tpu.dma_semaphore, #tpu.memory_space<semaphore_mem>>) src(%arg13 : memref<128x128xf32, #tpu.memory_space<vmem>>) dst(%dma_wait3A_716 : memref<10112x128xf32, #tpu.memory_space<vmem_shared>>)
        tpu.yield
      }) : () -> ()
      %add3A_664 = arith.constant 1 : i32
      %add3A_665 = arith.addi %add3A_639, %add3A_664 : i32
      %add3A_666 = arith.constant 320000 : i32
      %add3A_667 = arith.addi %add3A_666, %mul3A_2 : i32
      %mul3A_668 = arith.constant 128 : i32
      %mul3A_669 = arith.muli %add3A_665, %mul3A_668 : i32
      %add3A_670 = arith.addi %add3A_667, %mul3A_669 : i32
      %dma_start3A_671 = tpu.memref_slice %arg3[%add3A_670] : memref<640000xi32, #tpu.memory_space<hbm>> -> memref<128xi32, #tpu.memory_space<hbm>>
      %dma_start3A_672 = tpu.memref_slice %arg3[%add3A_670] : memref<640000xi32, #tpu.memory_space<hbm>> -> memref<128xi32, #tpu.memory_space<hbm>>
      tpu.enqueue_dma source(%dma_start3A_672 : memref<128xi32, #tpu.memory_space<hbm>>) target(%arg10 : memref<128xi32, #tpu.memory_space<vmem>>) target_semaphore(%arg21 : memref<!tpu.dma_semaphore, #tpu.memory_space<semaphore_mem>>)
      %mul3A_673 = arith.constant 12 : i32
      %mul3A_674 = arith.muli %mul3A_673, %scan3A_264 : i32
      %add3A_675 = arith.constant 11 : i32
      %add3A_676 = arith.addi %mul3A_674, %add3A_675 : i32
      %dma_wait3A_677 = arith.constant 0 : i32
      %dma_wait3A_678 = arith.constant 0 : i32
      %dma_wait3A_679 = tpu.memref_slice %arg2[%dma_wait3A_677, %dma_wait3A_678] : memref<10000x128xf32, #tpu.memory_space<hbm>> -> memref<128x128xf32, #tpu.memory_space<hbm>>
      %dma_wait3A_680 = arith.constant 0 : i32
      %dma_wait3A_681 = arith.constant 0 : i32
      %dma_wait3A_682 = tpu.memref_slice %arg2[%dma_wait3A_680, %dma_wait3A_681] : memref<10000x128xf32, #tpu.memory_space<hbm>> -> memref<128x128xf32, #tpu.memory_space<hbm>>
      tpu.wait_dma2 semaphore(%arg24 : memref<!tpu.dma_semaphore, #tpu.memory_space<semaphore_mem>>) src(%dma_wait3A_682 : memref<128x128xf32, #tpu.memory_space<hbm>>) dst(%arg14 : memref<128x128xf32, #tpu.memory_space<vmem>>)
      %add3A_683 = arith.constant 4 : i32
      %add3A_684 = arith.addi %add3A_676, %add3A_683 : i32
      %mul3A_685 = arith.constant 128 : i32
      %mul3A_686 = arith.muli %add3A_684, %mul3A_685 : i32
      %add3A_687 = arith.addi %mul3A_2, %mul3A_686 : i32
      %dma_start3A_688 = tpu.memref_slice %arg3[%add3A_687] : memref<640000xi32, #tpu.memory_space<hbm>> -> memref<128xi32, #tpu.memory_space<hbm>>
      %dma_start3A_689 = tpu.memref_slice %arg3[%add3A_687] : memref<640000xi32, #tpu.memory_space<hbm>> -> memref<128xi32, #tpu.memory_space<hbm>>
      tpu.enqueue_dma source(%dma_start3A_689 : memref<128xi32, #tpu.memory_space<hbm>>) target(%arg8 : memref<128xi32, #tpu.memory_space<vmem>>) target_semaphore(%arg19 : memref<!tpu.dma_semaphore, #tpu.memory_space<semaphore_mem>>)
      %dma_wait3A_690 = arith.constant 0 : i32
      %dma_wait3A_691 = tpu.memref_slice %arg3[%dma_wait3A_690] : memref<640000xi32, #tpu.memory_space<hbm>> -> memref<128xi32, #tpu.memory_space<hbm>>
      %dma_wait3A_692 = arith.constant 0 : i32
      %dma_wait3A_693 = tpu.memref_slice %arg3[%dma_wait3A_692] : memref<640000xi32, #tpu.memory_space<hbm>> -> memref<128xi32, #tpu.memory_space<hbm>>
      tpu.wait_dma2 semaphore(%arg17 : memref<!tpu.dma_semaphore, #tpu.memory_space<semaphore_mem>>) src(%dma_wait3A_693 : memref<128xi32, #tpu.memory_space<hbm>>) dst(%arg6 : memref<128xi32, #tpu.memory_space<vmem>>)
      %dma_start3A_694 = arith.constant 0 : i32
      %dma_start3A_695 = arith.constant 0 : i32
      %dma_start3A_696 = tpu.memref_slice %arg2[%dma_start3A_694, %dma_start3A_695] : memref<10000x128xf32, #tpu.memory_space<hbm>> -> memref<10000x128xf32, #tpu.memory_space<hbm>>
      tpu.enqueue_indirect_dma source(%dma_start3A_696 : memref<10000x128xf32, #tpu.memory_space<hbm>>) target(%arg13 : memref<128x128xf32, #tpu.memory_space<vmem>>) offsets(%arg6 : memref<128xi32, #tpu.memory_space<vmem>>) semaphore(%arg23 : memref<!tpu.dma_semaphore, #tpu.memory_space<semaphore_mem>>)
      %dma_wait3A_697 = arith.constant 0 : i32
      %dma_wait3A_698 = tpu.memref_slice %arg3[%dma_wait3A_697] : memref<640000xi32, #tpu.memory_space<hbm>> -> memref<128xi32, #tpu.memory_space<hbm>>
      %dma_wait3A_699 = arith.constant 0 : i32
      %dma_wait3A_700 = tpu.memref_slice %arg3[%dma_wait3A_699] : memref<640000xi32, #tpu.memory_space<hbm>> -> memref<128xi32, #tpu.memory_space<hbm>>
      tpu.wait_dma2 semaphore(%arg21 : memref<!tpu.dma_semaphore, #tpu.memory_space<semaphore_mem>>) src(%dma_wait3A_700 : memref<128xi32, #tpu.memory_space<hbm>>) dst(%arg10 : memref<128xi32, #tpu.memory_space<vmem>>)
      "tpu.region"() ({
        %run_scoped3A = tpu.sem_alloc : memref<!tpu.dma_semaphore, #tpu.memory_space<semaphore_mem>>
        %dma_start3A_711 = arith.constant 0 : i32
        %dma_start3A_712 = arith.constant 0 : i32
        %dma_start3A_713 = tpu.memref_slice %arg15[%dma_start3A_711, %dma_start3A_712] : memref<10112x128xf32, #tpu.memory_space<vmem_shared>> -> memref<10112x128xf32, #tpu.memory_space<vmem_shared>>
        tpu.enqueue_indirect_dma source(%arg14 : memref<128x128xf32, #tpu.memory_space<vmem>>) target(%dma_start3A_713 : memref<10112x128xf32, #tpu.memory_space<vmem_shared>>) offsets(%arg10 : memref<128xi32, #tpu.memory_space<vmem>>) semaphore(%run_scoped3A : memref<!tpu.dma_semaphore, #tpu.memory_space<semaphore_mem>>) {add = true}
        %dma_wait3A_714 = arith.constant 0 : i32
        %dma_wait3A_715 = arith.constant 0 : i32
        %dma_wait3A_716 = tpu.memref_slice %arg15[%dma_wait3A_714, %dma_wait3A_715] : memref<10112x128xf32, #tpu.memory_space<vmem_shared>> -> memref<10112x128xf32, #tpu.memory_space<vmem_shared>>
        tpu.wait_indirect_dma semaphore(%run_scoped3A : memref<!tpu.dma_semaphore, #tpu.memory_space<semaphore_mem>>) src(%arg14 : memref<128x128xf32, #tpu.memory_space<vmem>>) dst(%dma_wait3A_716 : memref<10112x128xf32, #tpu.memory_space<vmem_shared>>)
        tpu.yield
      }) : () -> ()
      %add3A_701 = arith.constant 1 : i32
      %add3A_702 = arith.addi %add3A_676, %add3A_701 : i32
      %add3A_703 = arith.constant 320000 : i32
      %add3A_704 = arith.addi %add3A_703, %mul3A_2 : i32
      %mul3A_705 = arith.constant 128 : i32
      %mul3A_706 = arith.muli %add3A_702, %mul3A_705 : i32
      %add3A_707 = arith.addi %add3A_704, %mul3A_706 : i32
      %dma_start3A_708 = tpu.memref_slice %arg3[%add3A_707] : memref<640000xi32, #tpu.memory_space<hbm>> -> memref<128xi32, #tpu.memory_space<hbm>>
      %dma_start3A_709 = tpu.memref_slice %arg3[%add3A_707] : memref<640000xi32, #tpu.memory_space<hbm>> -> memref<128xi32, #tpu.memory_space<hbm>>
      tpu.enqueue_dma source(%dma_start3A_709 : memref<128xi32, #tpu.memory_space<hbm>>) target(%arg9 : memref<128xi32, #tpu.memory_space<vmem>>) target_semaphore(%arg20 : memref<!tpu.dma_semaphore, #tpu.memory_space<semaphore_mem>>)
      %scan3A_710 = arith.constant 0 : i32
      scf.yield %scan3A_710 : i32
    }
    %scan3A_90 = arith.constant 6 : i32
    %dma_wait3A_91 = arith.constant 0 : i32
    %dma_wait3A_92 = arith.constant 0 : i32
    %dma_wait3A_93 = tpu.memref_slice %arg2[%dma_wait3A_91, %dma_wait3A_92] : memref<10000x128xf32, #tpu.memory_space<hbm>> -> memref<128x128xf32, #tpu.memory_space<hbm>>
    %dma_wait3A_94 = arith.constant 0 : i32
    %dma_wait3A_95 = arith.constant 0 : i32
    %dma_wait3A_96 = tpu.memref_slice %arg2[%dma_wait3A_94, %dma_wait3A_95] : memref<10000x128xf32, #tpu.memory_space<hbm>> -> memref<128x128xf32, #tpu.memory_space<hbm>>
    tpu.wait_dma2 semaphore(%arg22 : memref<!tpu.dma_semaphore, #tpu.memory_space<semaphore_mem>>) src(%dma_wait3A_96 : memref<128x128xf32, #tpu.memory_space<hbm>>) dst(%arg12 : memref<128x128xf32, #tpu.memory_space<vmem>>)
    %add3A_97 = arith.constant 9728 : i32
    %add3A_98 = arith.addi %mul3A_2, %add3A_97 : i32
    %dma_start3A_99 = tpu.memref_slice %arg3[%add3A_98] : memref<640000xi32, #tpu.memory_space<hbm>> -> memref<128xi32, #tpu.memory_space<hbm>>
    %dma_start3A_100 = tpu.memref_slice %arg3[%add3A_98] : memref<640000xi32, #tpu.memory_space<hbm>> -> memref<128xi32, #tpu.memory_space<hbm>>
    tpu.enqueue_dma source(%dma_start3A_100 : memref<128xi32, #tpu.memory_space<hbm>>) target(%arg5 : memref<128xi32, #tpu.memory_space<vmem>>) target_semaphore(%arg16 : memref<!tpu.dma_semaphore, #tpu.memory_space<semaphore_mem>>)
    %dma_wait3A_101 = arith.constant 0 : i32
    %dma_wait3A_102 = tpu.memref_slice %arg3[%dma_wait3A_101] : memref<640000xi32, #tpu.memory_space<hbm>> -> memref<128xi32, #tpu.memory_space<hbm>>
    %dma_wait3A_103 = arith.constant 0 : i32
    %dma_wait3A_104 = tpu.memref_slice %arg3[%dma_wait3A_103] : memref<640000xi32, #tpu.memory_space<hbm>> -> memref<128xi32, #tpu.memory_space<hbm>>
    tpu.wait_dma2 semaphore(%arg18 : memref<!tpu.dma_semaphore, #tpu.memory_space<semaphore_mem>>) src(%dma_wait3A_104 : memref<128xi32, #tpu.memory_space<hbm>>) dst(%arg7 : memref<128xi32, #tpu.memory_space<vmem>>)
    %dma_start3A_105 = arith.constant 0 : i32
    %dma_start3A_106 = arith.constant 0 : i32
    %dma_start3A_107 = tpu.memref_slice %arg2[%dma_start3A_105, %dma_start3A_106] : memref<10000x128xf32, #tpu.memory_space<hbm>> -> memref<10000x128xf32, #tpu.memory_space<hbm>>
    tpu.enqueue_indirect_dma source(%dma_start3A_107 : memref<10000x128xf32, #tpu.memory_space<hbm>>) target(%arg14 : memref<128x128xf32, #tpu.memory_space<vmem>>) offsets(%arg7 : memref<128xi32, #tpu.memory_space<vmem>>) semaphore(%arg24 : memref<!tpu.dma_semaphore, #tpu.memory_space<semaphore_mem>>)
    %dma_wait3A_108 = arith.constant 0 : i32
    %dma_wait3A_109 = tpu.memref_slice %arg3[%dma_wait3A_108] : memref<640000xi32, #tpu.memory_space<hbm>> -> memref<128xi32, #tpu.memory_space<hbm>>
    %dma_wait3A_110 = arith.constant 0 : i32
    %dma_wait3A_111 = tpu.memref_slice %arg3[%dma_wait3A_110] : memref<640000xi32, #tpu.memory_space<hbm>> -> memref<128xi32, #tpu.memory_space<hbm>>
    tpu.wait_dma2 semaphore(%arg20 : memref<!tpu.dma_semaphore, #tpu.memory_space<semaphore_mem>>) src(%dma_wait3A_111 : memref<128xi32, #tpu.memory_space<hbm>>) dst(%arg9 : memref<128xi32, #tpu.memory_space<vmem>>)
    "tpu.region"() ({
      %run_scoped3A = tpu.sem_alloc : memref<!tpu.dma_semaphore, #tpu.memory_space<semaphore_mem>>
      %dma_start3A_264 = arith.constant 0 : i32
      %dma_start3A_265 = arith.constant 0 : i32
      %dma_start3A_266 = tpu.memref_slice %arg15[%dma_start3A_264, %dma_start3A_265] : memref<10112x128xf32, #tpu.memory_space<vmem_shared>> -> memref<10112x128xf32, #tpu.memory_space<vmem_shared>>
      tpu.enqueue_indirect_dma source(%arg12 : memref<128x128xf32, #tpu.memory_space<vmem>>) target(%dma_start3A_266 : memref<10112x128xf32, #tpu.memory_space<vmem_shared>>) offsets(%arg9 : memref<128xi32, #tpu.memory_space<vmem>>) semaphore(%run_scoped3A : memref<!tpu.dma_semaphore, #tpu.memory_space<semaphore_mem>>) {add = true}
      %dma_wait3A_267 = arith.constant 0 : i32
      %dma_wait3A_268 = arith.constant 0 : i32
      %dma_wait3A_269 = tpu.memref_slice %arg15[%dma_wait3A_267, %dma_wait3A_268] : memref<10112x128xf32, #tpu.memory_space<vmem_shared>> -> memref<10112x128xf32, #tpu.memory_space<vmem_shared>>
      tpu.wait_indirect_dma semaphore(%run_scoped3A : memref<!tpu.dma_semaphore, #tpu.memory_space<semaphore_mem>>) src(%arg12 : memref<128x128xf32, #tpu.memory_space<vmem>>) dst(%dma_wait3A_269 : memref<10112x128xf32, #tpu.memory_space<vmem_shared>>)
      tpu.yield
    }) : () -> ()
    %add3A_112 = arith.constant 320000 : i32
    %add3A_113 = arith.addi %add3A_112, %mul3A_2 : i32
    %add3A_114 = arith.constant 9344 : i32
    %add3A_115 = arith.addi %add3A_113, %add3A_114 : i32
    %dma_start3A_116 = tpu.memref_slice %arg3[%add3A_115] : memref<640000xi32, #tpu.memory_space<hbm>> -> memref<128xi32, #tpu.memory_space<hbm>>
    %dma_start3A_117 = tpu.memref_slice %arg3[%add3A_115] : memref<640000xi32, #tpu.memory_space<hbm>> -> memref<128xi32, #tpu.memory_space<hbm>>
    tpu.enqueue_dma source(%dma_start3A_117 : memref<128xi32, #tpu.memory_space<hbm>>) target(%arg10 : memref<128xi32, #tpu.memory_space<vmem>>) target_semaphore(%arg21 : memref<!tpu.dma_semaphore, #tpu.memory_space<semaphore_mem>>)
    %dma_wait3A_118 = arith.constant 0 : i32
    %dma_wait3A_119 = arith.constant 0 : i32
    %dma_wait3A_120 = tpu.memref_slice %arg2[%dma_wait3A_118, %dma_wait3A_119] : memref<10000x128xf32, #tpu.memory_space<hbm>> -> memref<128x128xf32, #tpu.memory_space<hbm>>
    %dma_wait3A_121 = arith.constant 0 : i32
    %dma_wait3A_122 = arith.constant 0 : i32
    %dma_wait3A_123 = tpu.memref_slice %arg2[%dma_wait3A_121, %dma_wait3A_122] : memref<10000x128xf32, #tpu.memory_space<hbm>> -> memref<128x128xf32, #tpu.memory_space<hbm>>
    tpu.wait_dma2 semaphore(%arg23 : memref<!tpu.dma_semaphore, #tpu.memory_space<semaphore_mem>>) src(%dma_wait3A_123 : memref<128x128xf32, #tpu.memory_space<hbm>>) dst(%arg13 : memref<128x128xf32, #tpu.memory_space<vmem>>)
    %add3A_124 = arith.constant 9856 : i32
    %add3A_125 = arith.addi %mul3A_2, %add3A_124 : i32
    %dma_start3A_126 = tpu.memref_slice %arg3[%add3A_125] : memref<640000xi32, #tpu.memory_space<hbm>> -> memref<128xi32, #tpu.memory_space<hbm>>
    %dma_start3A_127 = tpu.memref_slice %arg3[%add3A_125] : memref<640000xi32, #tpu.memory_space<hbm>> -> memref<128xi32, #tpu.memory_space<hbm>>
    tpu.enqueue_dma source(%dma_start3A_127 : memref<128xi32, #tpu.memory_space<hbm>>) target(%arg6 : memref<128xi32, #tpu.memory_space<vmem>>) target_semaphore(%arg17 : memref<!tpu.dma_semaphore, #tpu.memory_space<semaphore_mem>>)
    %dma_wait3A_128 = arith.constant 0 : i32
    %dma_wait3A_129 = tpu.memref_slice %arg3[%dma_wait3A_128] : memref<640000xi32, #tpu.memory_space<hbm>> -> memref<128xi32, #tpu.memory_space<hbm>>
    %dma_wait3A_130 = arith.constant 0 : i32
    %dma_wait3A_131 = tpu.memref_slice %arg3[%dma_wait3A_130] : memref<640000xi32, #tpu.memory_space<hbm>> -> memref<128xi32, #tpu.memory_space<hbm>>
    tpu.wait_dma2 semaphore(%arg19 : memref<!tpu.dma_semaphore, #tpu.memory_space<semaphore_mem>>) src(%dma_wait3A_131 : memref<128xi32, #tpu.memory_space<hbm>>) dst(%arg8 : memref<128xi32, #tpu.memory_space<vmem>>)
    %dma_start3A_132 = arith.constant 0 : i32
    %dma_start3A_133 = arith.constant 0 : i32
    %dma_start3A_134 = tpu.memref_slice %arg2[%dma_start3A_132, %dma_start3A_133] : memref<10000x128xf32, #tpu.memory_space<hbm>> -> memref<10000x128xf32, #tpu.memory_space<hbm>>
    tpu.enqueue_indirect_dma source(%dma_start3A_134 : memref<10000x128xf32, #tpu.memory_space<hbm>>) target(%arg12 : memref<128x128xf32, #tpu.memory_space<vmem>>) offsets(%arg8 : memref<128xi32, #tpu.memory_space<vmem>>) semaphore(%arg22 : memref<!tpu.dma_semaphore, #tpu.memory_space<semaphore_mem>>)
    %dma_wait3A_135 = arith.constant 0 : i32
    %dma_wait3A_136 = tpu.memref_slice %arg3[%dma_wait3A_135] : memref<640000xi32, #tpu.memory_space<hbm>> -> memref<128xi32, #tpu.memory_space<hbm>>
    %dma_wait3A_137 = arith.constant 0 : i32
    %dma_wait3A_138 = tpu.memref_slice %arg3[%dma_wait3A_137] : memref<640000xi32, #tpu.memory_space<hbm>> -> memref<128xi32, #tpu.memory_space<hbm>>
    tpu.wait_dma2 semaphore(%arg21 : memref<!tpu.dma_semaphore, #tpu.memory_space<semaphore_mem>>) src(%dma_wait3A_138 : memref<128xi32, #tpu.memory_space<hbm>>) dst(%arg10 : memref<128xi32, #tpu.memory_space<vmem>>)
    "tpu.region"() ({
      %run_scoped3A = tpu.sem_alloc : memref<!tpu.dma_semaphore, #tpu.memory_space<semaphore_mem>>
      %dma_start3A_264 = arith.constant 0 : i32
      %dma_start3A_265 = arith.constant 0 : i32
      %dma_start3A_266 = tpu.memref_slice %arg15[%dma_start3A_264, %dma_start3A_265] : memref<10112x128xf32, #tpu.memory_space<vmem_shared>> -> memref<10112x128xf32, #tpu.memory_space<vmem_shared>>
      tpu.enqueue_indirect_dma source(%arg13 : memref<128x128xf32, #tpu.memory_space<vmem>>) target(%dma_start3A_266 : memref<10112x128xf32, #tpu.memory_space<vmem_shared>>) offsets(%arg10 : memref<128xi32, #tpu.memory_space<vmem>>) semaphore(%run_scoped3A : memref<!tpu.dma_semaphore, #tpu.memory_space<semaphore_mem>>) {add = true}
      %dma_wait3A_267 = arith.constant 0 : i32
      %dma_wait3A_268 = arith.constant 0 : i32
      %dma_wait3A_269 = tpu.memref_slice %arg15[%dma_wait3A_267, %dma_wait3A_268] : memref<10112x128xf32, #tpu.memory_space<vmem_shared>> -> memref<10112x128xf32, #tpu.memory_space<vmem_shared>>
      tpu.wait_indirect_dma semaphore(%run_scoped3A : memref<!tpu.dma_semaphore, #tpu.memory_space<semaphore_mem>>) src(%arg13 : memref<128x128xf32, #tpu.memory_space<vmem>>) dst(%dma_wait3A_269 : memref<10112x128xf32, #tpu.memory_space<vmem_shared>>)
      tpu.yield
    }) : () -> ()
    %add3A_139 = arith.constant 320000 : i32
    %add3A_140 = arith.addi %add3A_139, %mul3A_2 : i32
    %add3A_141 = arith.constant 9472 : i32
    %add3A_142 = arith.addi %add3A_140, %add3A_141 : i32
    %dma_start3A_143 = tpu.memref_slice %arg3[%add3A_142] : memref<640000xi32, #tpu.memory_space<hbm>> -> memref<128xi32, #tpu.memory_space<hbm>>
    %dma_start3A_144 = tpu.memref_slice %arg3[%add3A_142] : memref<640000xi32, #tpu.memory_space<hbm>> -> memref<128xi32, #tpu.memory_space<hbm>>
    tpu.enqueue_dma source(%dma_start3A_144 : memref<128xi32, #tpu.memory_space<hbm>>) target(%arg9 : memref<128xi32, #tpu.memory_space<vmem>>) target_semaphore(%arg20 : memref<!tpu.dma_semaphore, #tpu.memory_space<semaphore_mem>>)
    %dma_wait3A_145 = arith.constant 0 : i32
    %dma_wait3A_146 = arith.constant 0 : i32
    %dma_wait3A_147 = tpu.memref_slice %arg2[%dma_wait3A_145, %dma_wait3A_146] : memref<10000x128xf32, #tpu.memory_space<hbm>> -> memref<128x128xf32, #tpu.memory_space<hbm>>
    %dma_wait3A_148 = arith.constant 0 : i32
    %dma_wait3A_149 = arith.constant 0 : i32
    %dma_wait3A_150 = tpu.memref_slice %arg2[%dma_wait3A_148, %dma_wait3A_149] : memref<10000x128xf32, #tpu.memory_space<hbm>> -> memref<128x128xf32, #tpu.memory_space<hbm>>
    tpu.wait_dma2 semaphore(%arg24 : memref<!tpu.dma_semaphore, #tpu.memory_space<semaphore_mem>>) src(%dma_wait3A_150 : memref<128x128xf32, #tpu.memory_space<hbm>>) dst(%arg14 : memref<128x128xf32, #tpu.memory_space<vmem>>)
    %dma_wait3A_151 = arith.constant 0 : i32
    %dma_wait3A_152 = tpu.memref_slice %arg3[%dma_wait3A_151] : memref<640000xi32, #tpu.memory_space<hbm>> -> memref<128xi32, #tpu.memory_space<hbm>>
    %dma_wait3A_153 = arith.constant 0 : i32
    %dma_wait3A_154 = tpu.memref_slice %arg3[%dma_wait3A_153] : memref<640000xi32, #tpu.memory_space<hbm>> -> memref<128xi32, #tpu.memory_space<hbm>>
    tpu.wait_dma2 semaphore(%arg16 : memref<!tpu.dma_semaphore, #tpu.memory_space<semaphore_mem>>) src(%dma_wait3A_154 : memref<128xi32, #tpu.memory_space<hbm>>) dst(%arg5 : memref<128xi32, #tpu.memory_space<vmem>>)
    %dma_start3A_155 = arith.constant 0 : i32
    %dma_start3A_156 = arith.constant 0 : i32
    %dma_start3A_157 = tpu.memref_slice %arg2[%dma_start3A_155, %dma_start3A_156] : memref<10000x128xf32, #tpu.memory_space<hbm>> -> memref<10000x128xf32, #tpu.memory_space<hbm>>
    tpu.enqueue_indirect_dma source(%dma_start3A_157 : memref<10000x128xf32, #tpu.memory_space<hbm>>) target(%arg13 : memref<128x128xf32, #tpu.memory_space<vmem>>) offsets(%arg5 : memref<128xi32, #tpu.memory_space<vmem>>) semaphore(%arg23 : memref<!tpu.dma_semaphore, #tpu.memory_space<semaphore_mem>>)
    %dma_wait3A_158 = arith.constant 0 : i32
    %dma_wait3A_159 = tpu.memref_slice %arg3[%dma_wait3A_158] : memref<640000xi32, #tpu.memory_space<hbm>> -> memref<128xi32, #tpu.memory_space<hbm>>
    %dma_wait3A_160 = arith.constant 0 : i32
    %dma_wait3A_161 = tpu.memref_slice %arg3[%dma_wait3A_160] : memref<640000xi32, #tpu.memory_space<hbm>> -> memref<128xi32, #tpu.memory_space<hbm>>
    tpu.wait_dma2 semaphore(%arg20 : memref<!tpu.dma_semaphore, #tpu.memory_space<semaphore_mem>>) src(%dma_wait3A_161 : memref<128xi32, #tpu.memory_space<hbm>>) dst(%arg9 : memref<128xi32, #tpu.memory_space<vmem>>)
    "tpu.region"() ({
      %run_scoped3A = tpu.sem_alloc : memref<!tpu.dma_semaphore, #tpu.memory_space<semaphore_mem>>
      %dma_start3A_264 = arith.constant 0 : i32
      %dma_start3A_265 = arith.constant 0 : i32
      %dma_start3A_266 = tpu.memref_slice %arg15[%dma_start3A_264, %dma_start3A_265] : memref<10112x128xf32, #tpu.memory_space<vmem_shared>> -> memref<10112x128xf32, #tpu.memory_space<vmem_shared>>
      tpu.enqueue_indirect_dma source(%arg14 : memref<128x128xf32, #tpu.memory_space<vmem>>) target(%dma_start3A_266 : memref<10112x128xf32, #tpu.memory_space<vmem_shared>>) offsets(%arg9 : memref<128xi32, #tpu.memory_space<vmem>>) semaphore(%run_scoped3A : memref<!tpu.dma_semaphore, #tpu.memory_space<semaphore_mem>>) {add = true}
      %dma_wait3A_267 = arith.constant 0 : i32
      %dma_wait3A_268 = arith.constant 0 : i32
      %dma_wait3A_269 = tpu.memref_slice %arg15[%dma_wait3A_267, %dma_wait3A_268] : memref<10112x128xf32, #tpu.memory_space<vmem_shared>> -> memref<10112x128xf32, #tpu.memory_space<vmem_shared>>
      tpu.wait_indirect_dma semaphore(%run_scoped3A : memref<!tpu.dma_semaphore, #tpu.memory_space<semaphore_mem>>) src(%arg14 : memref<128x128xf32, #tpu.memory_space<vmem>>) dst(%dma_wait3A_269 : memref<10112x128xf32, #tpu.memory_space<vmem_shared>>)
      tpu.yield
    }) : () -> ()
    %add3A_162 = arith.constant 320000 : i32
    %add3A_163 = arith.addi %add3A_162, %mul3A_2 : i32
    %add3A_164 = arith.constant 9600 : i32
    %add3A_165 = arith.addi %add3A_163, %add3A_164 : i32
    %dma_start3A_166 = tpu.memref_slice %arg3[%add3A_165] : memref<640000xi32, #tpu.memory_space<hbm>> -> memref<128xi32, #tpu.memory_space<hbm>>
    %dma_start3A_167 = tpu.memref_slice %arg3[%add3A_165] : memref<640000xi32, #tpu.memory_space<hbm>> -> memref<128xi32, #tpu.memory_space<hbm>>
    tpu.enqueue_dma source(%dma_start3A_167 : memref<128xi32, #tpu.memory_space<hbm>>) target(%arg10 : memref<128xi32, #tpu.memory_space<vmem>>) target_semaphore(%arg21 : memref<!tpu.dma_semaphore, #tpu.memory_space<semaphore_mem>>)
    %dma_wait3A_168 = arith.constant 0 : i32
    %dma_wait3A_169 = arith.constant 0 : i32
    %dma_wait3A_170 = tpu.memref_slice %arg2[%dma_wait3A_168, %dma_wait3A_169] : memref<10000x128xf32, #tpu.memory_space<hbm>> -> memref<128x128xf32, #tpu.memory_space<hbm>>
    %dma_wait3A_171 = arith.constant 0 : i32
    %dma_wait3A_172 = arith.constant 0 : i32
    %dma_wait3A_173 = tpu.memref_slice %arg2[%dma_wait3A_171, %dma_wait3A_172] : memref<10000x128xf32, #tpu.memory_space<hbm>> -> memref<128x128xf32, #tpu.memory_space<hbm>>
    tpu.wait_dma2 semaphore(%arg22 : memref<!tpu.dma_semaphore, #tpu.memory_space<semaphore_mem>>) src(%dma_wait3A_173 : memref<128x128xf32, #tpu.memory_space<hbm>>) dst(%arg12 : memref<128x128xf32, #tpu.memory_space<vmem>>)
    %dma_wait3A_174 = arith.constant 0 : i32
    %dma_wait3A_175 = tpu.memref_slice %arg3[%dma_wait3A_174] : memref<640000xi32, #tpu.memory_space<hbm>> -> memref<128xi32, #tpu.memory_space<hbm>>
    %dma_wait3A_176 = arith.constant 0 : i32
    %dma_wait3A_177 = tpu.memref_slice %arg3[%dma_wait3A_176] : memref<640000xi32, #tpu.memory_space<hbm>> -> memref<128xi32, #tpu.memory_space<hbm>>
    tpu.wait_dma2 semaphore(%arg17 : memref<!tpu.dma_semaphore, #tpu.memory_space<semaphore_mem>>) src(%dma_wait3A_177 : memref<128xi32, #tpu.memory_space<hbm>>) dst(%arg6 : memref<128xi32, #tpu.memory_space<vmem>>)
    %dma_start3A_178 = arith.constant 0 : i32
    %dma_start3A_179 = arith.constant 0 : i32
    %dma_start3A_180 = tpu.memref_slice %arg2[%dma_start3A_178, %dma_start3A_179] : memref<10000x128xf32, #tpu.memory_space<hbm>> -> memref<10000x128xf32, #tpu.memory_space<hbm>>
    tpu.enqueue_indirect_dma source(%dma_start3A_180 : memref<10000x128xf32, #tpu.memory_space<hbm>>) target(%arg14 : memref<128x128xf32, #tpu.memory_space<vmem>>) offsets(%arg6 : memref<128xi32, #tpu.memory_space<vmem>>) semaphore(%arg24 : memref<!tpu.dma_semaphore, #tpu.memory_space<semaphore_mem>>)
    %dma_wait3A_181 = arith.constant 0 : i32
    %dma_wait3A_182 = tpu.memref_slice %arg3[%dma_wait3A_181] : memref<640000xi32, #tpu.memory_space<hbm>> -> memref<128xi32, #tpu.memory_space<hbm>>
    %dma_wait3A_183 = arith.constant 0 : i32
    %dma_wait3A_184 = tpu.memref_slice %arg3[%dma_wait3A_183] : memref<640000xi32, #tpu.memory_space<hbm>> -> memref<128xi32, #tpu.memory_space<hbm>>
    tpu.wait_dma2 semaphore(%arg21 : memref<!tpu.dma_semaphore, #tpu.memory_space<semaphore_mem>>) src(%dma_wait3A_184 : memref<128xi32, #tpu.memory_space<hbm>>) dst(%arg10 : memref<128xi32, #tpu.memory_space<vmem>>)
    "tpu.region"() ({
      %run_scoped3A = tpu.sem_alloc : memref<!tpu.dma_semaphore, #tpu.memory_space<semaphore_mem>>
      %dma_start3A_264 = arith.constant 0 : i32
      %dma_start3A_265 = arith.constant 0 : i32
      %dma_start3A_266 = tpu.memref_slice %arg15[%dma_start3A_264, %dma_start3A_265] : memref<10112x128xf32, #tpu.memory_space<vmem_shared>> -> memref<10112x128xf32, #tpu.memory_space<vmem_shared>>
      tpu.enqueue_indirect_dma source(%arg12 : memref<128x128xf32, #tpu.memory_space<vmem>>) target(%dma_start3A_266 : memref<10112x128xf32, #tpu.memory_space<vmem_shared>>) offsets(%arg10 : memref<128xi32, #tpu.memory_space<vmem>>) semaphore(%run_scoped3A : memref<!tpu.dma_semaphore, #tpu.memory_space<semaphore_mem>>) {add = true}
      %dma_wait3A_267 = arith.constant 0 : i32
      %dma_wait3A_268 = arith.constant 0 : i32
      %dma_wait3A_269 = tpu.memref_slice %arg15[%dma_wait3A_267, %dma_wait3A_268] : memref<10112x128xf32, #tpu.memory_space<vmem_shared>> -> memref<10112x128xf32, #tpu.memory_space<vmem_shared>>
      tpu.wait_indirect_dma semaphore(%run_scoped3A : memref<!tpu.dma_semaphore, #tpu.memory_space<semaphore_mem>>) src(%arg12 : memref<128x128xf32, #tpu.memory_space<vmem>>) dst(%dma_wait3A_269 : memref<10112x128xf32, #tpu.memory_space<vmem_shared>>)
      tpu.yield
    }) : () -> ()
    %add3A_185 = arith.constant 320000 : i32
    %add3A_186 = arith.addi %add3A_185, %mul3A_2 : i32
    %add3A_187 = arith.constant 9728 : i32
    %add3A_188 = arith.addi %add3A_186, %add3A_187 : i32
    %dma_start3A_189 = tpu.memref_slice %arg3[%add3A_188] : memref<640000xi32, #tpu.memory_space<hbm>> -> memref<128xi32, #tpu.memory_space<hbm>>
    %dma_start3A_190 = tpu.memref_slice %arg3[%add3A_188] : memref<640000xi32, #tpu.memory_space<hbm>> -> memref<128xi32, #tpu.memory_space<hbm>>
    tpu.enqueue_dma source(%dma_start3A_190 : memref<128xi32, #tpu.memory_space<hbm>>) target(%arg9 : memref<128xi32, #tpu.memory_space<vmem>>) target_semaphore(%arg20 : memref<!tpu.dma_semaphore, #tpu.memory_space<semaphore_mem>>)
    %dma_wait3A_191 = arith.constant 0 : i32
    %dma_wait3A_192 = arith.constant 0 : i32
    %dma_wait3A_193 = tpu.memref_slice %arg2[%dma_wait3A_191, %dma_wait3A_192] : memref<10000x128xf32, #tpu.memory_space<hbm>> -> memref<128x128xf32, #tpu.memory_space<hbm>>
    %dma_wait3A_194 = arith.constant 0 : i32
    %dma_wait3A_195 = arith.constant 0 : i32
    %dma_wait3A_196 = tpu.memref_slice %arg2[%dma_wait3A_194, %dma_wait3A_195] : memref<10000x128xf32, #tpu.memory_space<hbm>> -> memref<128x128xf32, #tpu.memory_space<hbm>>
    tpu.wait_dma2 semaphore(%arg23 : memref<!tpu.dma_semaphore, #tpu.memory_space<semaphore_mem>>) src(%dma_wait3A_196 : memref<128x128xf32, #tpu.memory_space<hbm>>) dst(%arg13 : memref<128x128xf32, #tpu.memory_space<vmem>>)
    %dma_wait3A_197 = arith.constant 0 : i32
    %dma_wait3A_198 = tpu.memref_slice %arg3[%dma_wait3A_197] : memref<640000xi32, #tpu.memory_space<hbm>> -> memref<128xi32, #tpu.memory_space<hbm>>
    %dma_wait3A_199 = arith.constant 0 : i32
    %dma_wait3A_200 = tpu.memref_slice %arg3[%dma_wait3A_199] : memref<640000xi32, #tpu.memory_space<hbm>> -> memref<128xi32, #tpu.memory_space<hbm>>
    tpu.wait_dma2 semaphore(%arg20 : memref<!tpu.dma_semaphore, #tpu.memory_space<semaphore_mem>>) src(%dma_wait3A_200 : memref<128xi32, #tpu.memory_space<hbm>>) dst(%arg9 : memref<128xi32, #tpu.memory_space<vmem>>)
    "tpu.region"() ({
      %run_scoped3A = tpu.sem_alloc : memref<!tpu.dma_semaphore, #tpu.memory_space<semaphore_mem>>
      %dma_start3A_264 = arith.constant 0 : i32
      %dma_start3A_265 = arith.constant 0 : i32
      %dma_start3A_266 = tpu.memref_slice %arg15[%dma_start3A_264, %dma_start3A_265] : memref<10112x128xf32, #tpu.memory_space<vmem_shared>> -> memref<10112x128xf32, #tpu.memory_space<vmem_shared>>
      tpu.enqueue_indirect_dma source(%arg13 : memref<128x128xf32, #tpu.memory_space<vmem>>) target(%dma_start3A_266 : memref<10112x128xf32, #tpu.memory_space<vmem_shared>>) offsets(%arg9 : memref<128xi32, #tpu.memory_space<vmem>>) semaphore(%run_scoped3A : memref<!tpu.dma_semaphore, #tpu.memory_space<semaphore_mem>>) {add = true}
      %dma_wait3A_267 = arith.constant 0 : i32
      %dma_wait3A_268 = arith.constant 0 : i32
      %dma_wait3A_269 = tpu.memref_slice %arg15[%dma_wait3A_267, %dma_wait3A_268] : memref<10112x128xf32, #tpu.memory_space<vmem_shared>> -> memref<10112x128xf32, #tpu.memory_space<vmem_shared>>
      tpu.wait_indirect_dma semaphore(%run_scoped3A : memref<!tpu.dma_semaphore, #tpu.memory_space<semaphore_mem>>) src(%arg13 : memref<128x128xf32, #tpu.memory_space<vmem>>) dst(%dma_wait3A_269 : memref<10112x128xf32, #tpu.memory_space<vmem_shared>>)
      tpu.yield
    }) : () -> ()
    %add3A_201 = arith.constant 320000 : i32
    %add3A_202 = arith.addi %add3A_201, %mul3A_2 : i32
    %add3A_203 = arith.constant 9856 : i32
    %add3A_204 = arith.addi %add3A_202, %add3A_203 : i32
    %dma_start3A_205 = tpu.memref_slice %arg3[%add3A_204] : memref<640000xi32, #tpu.memory_space<hbm>> -> memref<128xi32, #tpu.memory_space<hbm>>
    %dma_start3A_206 = tpu.memref_slice %arg3[%add3A_204] : memref<640000xi32, #tpu.memory_space<hbm>> -> memref<128xi32, #tpu.memory_space<hbm>>
    tpu.enqueue_dma source(%dma_start3A_206 : memref<128xi32, #tpu.memory_space<hbm>>) target(%arg10 : memref<128xi32, #tpu.memory_space<vmem>>) target_semaphore(%arg21 : memref<!tpu.dma_semaphore, #tpu.memory_space<semaphore_mem>>)
    %dma_wait3A_207 = arith.constant 0 : i32
    %dma_wait3A_208 = arith.constant 0 : i32
    %dma_wait3A_209 = tpu.memref_slice %arg2[%dma_wait3A_207, %dma_wait3A_208] : memref<10000x128xf32, #tpu.memory_space<hbm>> -> memref<128x128xf32, #tpu.memory_space<hbm>>
    %dma_wait3A_210 = arith.constant 0 : i32
    %dma_wait3A_211 = arith.constant 0 : i32
    %dma_wait3A_212 = tpu.memref_slice %arg2[%dma_wait3A_210, %dma_wait3A_211] : memref<10000x128xf32, #tpu.memory_space<hbm>> -> memref<128x128xf32, #tpu.memory_space<hbm>>
    tpu.wait_dma2 semaphore(%arg24 : memref<!tpu.dma_semaphore, #tpu.memory_space<semaphore_mem>>) src(%dma_wait3A_212 : memref<128x128xf32, #tpu.memory_space<hbm>>) dst(%arg14 : memref<128x128xf32, #tpu.memory_space<vmem>>)
    %dma_wait3A_213 = arith.constant 0 : i32
    %dma_wait3A_214 = tpu.memref_slice %arg3[%dma_wait3A_213] : memref<640000xi32, #tpu.memory_space<hbm>> -> memref<128xi32, #tpu.memory_space<hbm>>
    %dma_wait3A_215 = arith.constant 0 : i32
    %dma_wait3A_216 = tpu.memref_slice %arg3[%dma_wait3A_215] : memref<640000xi32, #tpu.memory_space<hbm>> -> memref<128xi32, #tpu.memory_space<hbm>>
    tpu.wait_dma2 semaphore(%arg21 : memref<!tpu.dma_semaphore, #tpu.memory_space<semaphore_mem>>) src(%dma_wait3A_216 : memref<128xi32, #tpu.memory_space<hbm>>) dst(%arg10 : memref<128xi32, #tpu.memory_space<vmem>>)
    "tpu.region"() ({
      %run_scoped3A = tpu.sem_alloc : memref<!tpu.dma_semaphore, #tpu.memory_space<semaphore_mem>>
      %dma_start3A_264 = arith.constant 0 : i32
      %dma_start3A_265 = arith.constant 0 : i32
      %dma_start3A_266 = tpu.memref_slice %arg15[%dma_start3A_264, %dma_start3A_265] : memref<10112x128xf32, #tpu.memory_space<vmem_shared>> -> memref<10112x128xf32, #tpu.memory_space<vmem_shared>>
      tpu.enqueue_indirect_dma source(%arg14 : memref<128x128xf32, #tpu.memory_space<vmem>>) target(%dma_start3A_266 : memref<10112x128xf32, #tpu.memory_space<vmem_shared>>) offsets(%arg10 : memref<128xi32, #tpu.memory_space<vmem>>) semaphore(%run_scoped3A : memref<!tpu.dma_semaphore, #tpu.memory_space<semaphore_mem>>) {add = true}
      %dma_wait3A_267 = arith.constant 0 : i32
      %dma_wait3A_268 = arith.constant 0 : i32
      %dma_wait3A_269 = tpu.memref_slice %arg15[%dma_wait3A_267, %dma_wait3A_268] : memref<10112x128xf32, #tpu.memory_space<vmem_shared>> -> memref<10112x128xf32, #tpu.memory_space<vmem_shared>>
      tpu.wait_indirect_dma semaphore(%run_scoped3A : memref<!tpu.dma_semaphore, #tpu.memory_space<semaphore_mem>>) src(%arg14 : memref<128x128xf32, #tpu.memory_space<vmem>>) dst(%dma_wait3A_269 : memref<10112x128xf32, #tpu.memory_space<vmem_shared>>)
      tpu.yield
    }) : () -> ()
    %add3A_217 = arith.constant 320000 : i32
    %add3A_218 = arith.addi %add3A_217, %mul3A_2 : i32
    %add3A_219 = arith.constant 9984 : i32
    %add3A_220 = arith.addi %add3A_218, %add3A_219 : i32
    %dma_start3A_221 = tpu.memref_slice %arg3[%add3A_220] : memref<640000xi32, #tpu.memory_space<hbm>> -> memref<16xi32, #tpu.memory_space<hbm>>
    %dma_start3A_222 = tpu.memref_slice %arg3[%add3A_220] : memref<640000xi32, #tpu.memory_space<hbm>> -> memref<16xi32, #tpu.memory_space<hbm>>
    tpu.enqueue_dma source(%dma_start3A_222 : memref<16xi32, #tpu.memory_space<hbm>>) target(%arg11 : memref<16xi32, #tpu.memory_space<vmem>>) target_semaphore(%arg20 : memref<!tpu.dma_semaphore, #tpu.memory_space<semaphore_mem>>)
    %add3A_223 = arith.constant 9984 : i32
    %add3A_224 = arith.addi %mul3A_2, %add3A_223 : i32
    %dma_start3A_225 = arith.constant 0 : i32
    %dma_start3A_226 = tpu.memref_slice %arg5[%dma_start3A_225] : memref<128xi32, #tpu.memory_space<vmem>> -> memref<16xi32, #tpu.memory_space<vmem>>
    %dma_start3A_227 = tpu.memref_slice %arg3[%add3A_224] : memref<640000xi32, #tpu.memory_space<hbm>> -> memref<16xi32, #tpu.memory_space<hbm>>
    %dma_start3A_228 = arith.constant 0 : i32
    %dma_start3A_229 = tpu.memref_slice %arg5[%dma_start3A_228] : memref<128xi32, #tpu.memory_space<vmem>> -> memref<16xi32, #tpu.memory_space<vmem>>
    %dma_start3A_230 = tpu.memref_slice %arg3[%add3A_224] : memref<640000xi32, #tpu.memory_space<hbm>> -> memref<16xi32, #tpu.memory_space<hbm>>
    tpu.enqueue_dma source(%dma_start3A_230 : memref<16xi32, #tpu.memory_space<hbm>>) target(%dma_start3A_229 : memref<16xi32, #tpu.memory_space<vmem>>) target_semaphore(%arg16 : memref<!tpu.dma_semaphore, #tpu.memory_space<semaphore_mem>>)
    %dma_wait3A_231 = arith.constant 0 : i32
    %dma_wait3A_232 = tpu.memref_slice %arg3[%dma_wait3A_231] : memref<640000xi32, #tpu.memory_space<hbm>> -> memref<16xi32, #tpu.memory_space<hbm>>
    %dma_wait3A_233 = arith.constant 0 : i32
    %dma_wait3A_234 = tpu.memref_slice %arg3[%dma_wait3A_233] : memref<640000xi32, #tpu.memory_space<hbm>> -> memref<16xi32, #tpu.memory_space<hbm>>
    tpu.wait_dma2 semaphore(%arg20 : memref<!tpu.dma_semaphore, #tpu.memory_space<semaphore_mem>>) src(%dma_wait3A_234 : memref<16xi32, #tpu.memory_space<hbm>>) dst(%arg11 : memref<16xi32, #tpu.memory_space<vmem>>)
    %dma_wait3A_235 = arith.constant 0 : i32
    %dma_wait3A_236 = tpu.memref_slice %arg5[%dma_wait3A_235] : memref<128xi32, #tpu.memory_space<vmem>> -> memref<16xi32, #tpu.memory_space<vmem>>
    %dma_wait3A_237 = arith.constant 0 : i32
    %dma_wait3A_238 = tpu.memref_slice %arg3[%dma_wait3A_237] : memref<640000xi32, #tpu.memory_space<hbm>> -> memref<16xi32, #tpu.memory_space<hbm>>
    %dma_wait3A_239 = arith.constant 0 : i32
    %dma_wait3A_240 = tpu.memref_slice %arg5[%dma_wait3A_239] : memref<128xi32, #tpu.memory_space<vmem>> -> memref<16xi32, #tpu.memory_space<vmem>>
    %dma_wait3A_241 = arith.constant 0 : i32
    %dma_wait3A_242 = tpu.memref_slice %arg3[%dma_wait3A_241] : memref<640000xi32, #tpu.memory_space<hbm>> -> memref<16xi32, #tpu.memory_space<hbm>>
    tpu.wait_dma2 semaphore(%arg16 : memref<!tpu.dma_semaphore, #tpu.memory_space<semaphore_mem>>) src(%dma_wait3A_242 : memref<16xi32, #tpu.memory_space<hbm>>) dst(%dma_wait3A_240 : memref<16xi32, #tpu.memory_space<vmem>>)
    %dma_start3A_243 = arith.constant 0 : i32
    %dma_start3A_244 = arith.constant 0 : i32
    %dma_start3A_245 = tpu.memref_slice %arg12[%dma_start3A_243, %dma_start3A_244] : memref<128x128xf32, #tpu.memory_space<vmem>> -> memref<16x128xf32, #tpu.memory_space<vmem>>
    %dma_start3A_246 = arith.constant 0 : i32
    %dma_start3A_247 = tpu.memref_slice %arg5[%dma_start3A_246] : memref<128xi32, #tpu.memory_space<vmem>> -> memref<16xi32, #tpu.memory_space<vmem>>
    %dma_start3A_248 = arith.constant 0 : i32
    %dma_start3A_249 = arith.constant 0 : i32
    %dma_start3A_250 = tpu.memref_slice %arg2[%dma_start3A_248, %dma_start3A_249] : memref<10000x128xf32, #tpu.memory_space<hbm>> -> memref<10000x128xf32, #tpu.memory_space<hbm>>
    tpu.enqueue_indirect_dma source(%dma_start3A_250 : memref<10000x128xf32, #tpu.memory_space<hbm>>) target(%dma_start3A_245 : memref<16x128xf32, #tpu.memory_space<vmem>>) offsets(%dma_start3A_247 : memref<16xi32, #tpu.memory_space<vmem>>) semaphore(%arg22 : memref<!tpu.dma_semaphore, #tpu.memory_space<semaphore_mem>>)
    %dma_wait3A_251 = arith.constant 0 : i32
    %dma_wait3A_252 = arith.constant 0 : i32
    %dma_wait3A_253 = tpu.memref_slice %arg12[%dma_wait3A_251, %dma_wait3A_252] : memref<128x128xf32, #tpu.memory_space<vmem>> -> memref<16x128xf32, #tpu.memory_space<vmem>>
    %dma_wait3A_254 = arith.constant 0 : i32
    %dma_wait3A_255 = tpu.memref_slice %arg5[%dma_wait3A_254] : memref<128xi32, #tpu.memory_space<vmem>> -> memref<16xi32, #tpu.memory_space<vmem>>
    %dma_wait3A_256 = arith.constant 0 : i32
    %dma_wait3A_257 = arith.constant 0 : i32
    %dma_wait3A_258 = tpu.memref_slice %arg2[%dma_wait3A_256, %dma_wait3A_257] : memref<10000x128xf32, #tpu.memory_space<hbm>> -> memref<10000x128xf32, #tpu.memory_space<hbm>>
    tpu.wait_indirect_dma semaphore(%arg22 : memref<!tpu.dma_semaphore, #tpu.memory_space<semaphore_mem>>) src(%dma_wait3A_258 : memref<10000x128xf32, #tpu.memory_space<hbm>>) dst(%dma_wait3A_253 : memref<16x128xf32, #tpu.memory_space<vmem>>)
    "tpu.region"() ({
      %run_scoped3A = tpu.sem_alloc : memref<!tpu.dma_semaphore, #tpu.memory_space<semaphore_mem>>
      %dma_start3A_264 = arith.constant 0 : i32
      %dma_start3A_265 = arith.constant 0 : i32
      %dma_start3A_266 = tpu.memref_slice %arg12[%dma_start3A_264, %dma_start3A_265] : memref<128x128xf32, #tpu.memory_space<vmem>> -> memref<16x128xf32, #tpu.memory_space<vmem>>
      %dma_start3A_267 = arith.constant 0 : i32
      %dma_start3A_268 = arith.constant 0 : i32
      %dma_start3A_269 = tpu.memref_slice %arg15[%dma_start3A_267, %dma_start3A_268] : memref<10112x128xf32, #tpu.memory_space<vmem_shared>> -> memref<10112x128xf32, #tpu.memory_space<vmem_shared>>
      tpu.enqueue_indirect_dma source(%dma_start3A_266 : memref<16x128xf32, #tpu.memory_space<vmem>>) target(%dma_start3A_269 : memref<10112x128xf32, #tpu.memory_space<vmem_shared>>) offsets(%arg11 : memref<16xi32, #tpu.memory_space<vmem>>) semaphore(%run_scoped3A : memref<!tpu.dma_semaphore, #tpu.memory_space<semaphore_mem>>) {add = true}
      %dma_wait3A_270 = arith.constant 0 : i32
      %dma_wait3A_271 = arith.constant 0 : i32
      %dma_wait3A_272 = tpu.memref_slice %arg12[%dma_wait3A_270, %dma_wait3A_271] : memref<128x128xf32, #tpu.memory_space<vmem>> -> memref<16x128xf32, #tpu.memory_space<vmem>>
      %dma_wait3A_273 = arith.constant 0 : i32
      %dma_wait3A_274 = arith.constant 0 : i32
      %dma_wait3A_275 = tpu.memref_slice %arg15[%dma_wait3A_273, %dma_wait3A_274] : memref<10112x128xf32, #tpu.memory_space<vmem_shared>> -> memref<10112x128xf32, #tpu.memory_space<vmem_shared>>
      tpu.wait_indirect_dma semaphore(%run_scoped3A : memref<!tpu.dma_semaphore, #tpu.memory_space<semaphore_mem>>) src(%dma_wait3A_272 : memref<16x128xf32, #tpu.memory_space<vmem>>) dst(%dma_wait3A_275 : memref<10112x128xf32, #tpu.memory_space<vmem_shared>>)
      tpu.yield
    }) : () -> ()
    %barrier3A_259 = arith.constant 0 : index
    tpu.barrier barrier_id(%barrier3A_259)
    %mul3A_260 = arith.constant 632 : i32
    %mul3A_261 = arith.muli %arg1, %mul3A_260 : i32
    %mul3A_262 = arith.constant 632 : i32
    %mul3A_263 = arith.muli %arg1, %mul3A_262 : i32
    "tpu.region"() ({
      %run_scoped3A = tpu.sem_alloc : memref<!tpu.dma_semaphore, #tpu.memory_space<semaphore_mem>>
      %dma_start3A_264 = arith.constant 0 : i32
      %dma_start3A_265 = arith.constant 0 : i32
      %dma_start3A_266 = tpu.memref_slice %arg4[%arg0, %dma_start3A_264, %dma_start3A_265] : memref<2x10112x128xf32, #tpu.memory_space<hbm>> -> memref<1x10112x128xf32, #tpu.memory_space<hbm>>
      %dma_start3A_267 = tpu.memref_squeeze %dma_start3A_266 : memref<1x10112x128xf32, #tpu.memory_space<hbm>> -> memref<10112x128xf32, #tpu.memory_space<hbm>>
      %dma_start3A_268 = arith.constant 0 : i32
      %dma_start3A_269 = tpu.memref_slice %dma_start3A_267[%mul3A_263, %dma_start3A_268] : memref<10112x128xf32, #tpu.memory_space<hbm>> -> memref<632x128xf32, #tpu.memory_space<hbm>>
      %dma_start3A_270 = arith.constant 0 : i32
      %dma_start3A_271 = tpu.memref_slice %arg15[%mul3A_261, %dma_start3A_270] : memref<10112x128xf32, #tpu.memory_space<vmem_shared>> -> memref<632x128xf32, #tpu.memory_space<vmem_shared>>
      tpu.enqueue_dma source(%dma_start3A_271 : memref<632x128xf32, #tpu.memory_space<vmem_shared>>) target(%dma_start3A_269 : memref<632x128xf32, #tpu.memory_space<hbm>>) target_semaphore(%run_scoped3A : memref<!tpu.dma_semaphore, #tpu.memory_space<semaphore_mem>>)
      %dma_wait3A_272 = arith.constant 0 : i32
      %dma_wait3A_273 = arith.constant 0 : i32
      %dma_wait3A_274 = tpu.memref_slice %arg4[%arg0, %dma_wait3A_272, %dma_wait3A_273] : memref<2x10112x128xf32, #tpu.memory_space<hbm>> -> memref<1x10112x128xf32, #tpu.memory_space<hbm>>
      %dma_wait3A_275 = tpu.memref_squeeze %dma_wait3A_274 : memref<1x10112x128xf32, #tpu.memory_space<hbm>> -> memref<10112x128xf32, #tpu.memory_space<hbm>>
      %dma_wait3A_276 = arith.constant 0 : i32
      %dma_wait3A_277 = tpu.memref_slice %dma_wait3A_275[%mul3A_263, %dma_wait3A_276] : memref<10112x128xf32, #tpu.memory_space<hbm>> -> memref<632x128xf32, #tpu.memory_space<hbm>>
      %dma_wait3A_278 = arith.constant 0 : i32
      %dma_wait3A_279 = tpu.memref_slice %arg15[%mul3A_261, %dma_wait3A_278] : memref<10112x128xf32, #tpu.memory_space<vmem_shared>> -> memref<632x128xf32, #tpu.memory_space<vmem_shared>>
      tpu.wait_dma2 semaphore(%run_scoped3A : memref<!tpu.dma_semaphore, #tpu.memory_space<semaphore_mem>>) src(%dma_wait3A_279 : memref<632x128xf32, #tpu.memory_space<vmem_shared>>) dst(%dma_wait3A_277 : memref<632x128xf32, #tpu.memory_space<hbm>>)
      tpu.yield
    }) : () -> ()
    return
  }
}

#map = affine_map<(d0, d1) -> (0, 0)>
#map1 = affine_map<(d0, d1) -> (0)>
#map2 = affine_map<(d0, d1) -> (0, 0, 0)>
module attributes {stable_mosaic.version = 14 : i64} {
  func.func @_segsum_body(%arg0: i32, %arg1: i32, %arg2: memref<10000x128xf32, #tpu.memory_space<hbm>>, %arg3: memref<640000xi32, #tpu.memory_space<hbm>>, %arg4: memref<2x10112x128xf32, #tpu.memory_space<hbm>>, %arg5: memref<128xi32, #tpu.memory_space<vmem>>, %arg6: memref<128xi32, #tpu.memory_space<vmem>>, %arg7: memref<128xi32, #tpu.memory_space<vmem>>, %arg8: memref<128xi32, #tpu.memory_space<vmem>>, %arg9: memref<128xi32, #tpu.memory_space<vmem>>, %arg10: memref<128xi32, #tpu.memory_space<vmem>>, %arg11: memref<16xi32, #tpu.memory_space<vmem>>, %arg12: memref<128x128xf32, #tpu.memory_space<vmem>>, %arg13: memref<128x128xf32, #tpu.memory_space<vmem>>, %arg14: memref<128x128xf32, #tpu.memory_space<vmem>>, %arg15: memref<10112x128xf32, #tpu.memory_space<vmem_shared>>, %arg16: memref<!tpu.dma_semaphore, #tpu.memory_space<semaphore_mem>>, %arg17: memref<!tpu.dma_semaphore, #tpu.memory_space<semaphore_mem>>, %arg18: memref<!tpu.dma_semaphore, #tpu.memory_space<semaphore_mem>>, %arg19: memref<!tpu.dma_semaphore, #tpu.memory_space<semaphore_mem>>, %arg20: memref<!tpu.dma_semaphore, #tpu.memory_space<semaphore_mem>>, %arg21: memref<!tpu.dma_semaphore, #tpu.memory_space<semaphore_mem>>, %arg22: memref<!tpu.dma_semaphore, #tpu.memory_space<semaphore_mem>>, %arg23: memref<!tpu.dma_semaphore, #tpu.memory_space<semaphore_mem>>, %arg24: memref<!tpu.dma_semaphore, #tpu.memory_space<semaphore_mem>>) attributes {dimension_semantics = [#tpu.dimension_semantics<core_parallel>, #tpu.dimension_semantics<subcore_parallel>], iteration_bounds = array<i64: 2, 16>, scalar_prefetch = 0 : i64, scratch_operands = 20 : i64, tpu.core_type = #tpu.core_type<sc_vector_subcore>, window_params = [{transform_indices = #map}, {transform_indices = #map1}, {transform_indices = #map2}]} {
    %mul3A = arith.constant 16 : i32
    %mul3A_0 = arith.muli %arg0, %mul3A : i32
    %add3A = arith.addi %mul3A_0, %arg1 : i32
    %mul3A_1 = arith.constant 10000 : i32
    %mul3A_2 = arith.muli %add3A, %mul3A_1 : i32
    %add3A_3 = arith.constant 0 : i32
    %add3A_4 = arith.addi %mul3A_2, %add3A_3 : i32
    %dma_start3A = tpu.memref_slice %arg3[%add3A_4] : memref<640000xi32, #tpu.memory_space<hbm>> -> memref<128xi32, #tpu.memory_space<hbm>>
    %dma_start3A_5 = tpu.memref_slice %arg3[%add3A_4] : memref<640000xi32, #tpu.memory_space<hbm>> -> memref<128xi32, #tpu.memory_space<hbm>>
    tpu.enqueue_dma source(%dma_start3A_5 : memref<128xi32, #tpu.memory_space<hbm>>) target(%arg5 : memref<128xi32, #tpu.memory_space<vmem>>) target_semaphore(%arg16 : memref<!tpu.dma_semaphore, #tpu.memory_space<semaphore_mem>>)
    %add3A_6 = arith.constant 128 : i32
    %add3A_7 = arith.addi %mul3A_2, %add3A_6 : i32
    %dma_start3A_8 = tpu.memref_slice %arg3[%add3A_7] : memref<640000xi32, #tpu.memory_space<hbm>> -> memref<128xi32, #tpu.memory_space<hbm>>
    %dma_start3A_9 = tpu.memref_slice %arg3[%add3A_7] : memref<640000xi32, #tpu.memory_space<hbm>> -> memref<128xi32, #tpu.memory_space<hbm>>
    tpu.enqueue_dma source(%dma_start3A_9 : memref<128xi32, #tpu.memory_space<hbm>>) target(%arg6 : memref<128xi32, #tpu.memory_space<vmem>>) target_semaphore(%arg17 : memref<!tpu.dma_semaphore, #tpu.memory_space<semaphore_mem>>)
    %add3A_10 = arith.constant 256 : i32
    %add3A_11 = arith.addi %mul3A_2, %add3A_10 : i32
    %dma_start3A_12 = tpu.memref_slice %arg3[%add3A_11] : memref<640000xi32, #tpu.memory_space<hbm>> -> memref<128xi32, #tpu.memory_space<hbm>>
    %dma_start3A_13 = tpu.memref_slice %arg3[%add3A_11] : memref<640000xi32, #tpu.memory_space<hbm>> -> memref<128xi32, #tpu.memory_space<hbm>>
    tpu.enqueue_dma source(%dma_start3A_13 : memref<128xi32, #tpu.memory_space<hbm>>) target(%arg7 : memref<128xi32, #tpu.memory_space<vmem>>) target_semaphore(%arg18 : memref<!tpu.dma_semaphore, #tpu.memory_space<semaphore_mem>>)
    %add3A_14 = arith.constant 384 : i32
    %add3A_15 = arith.addi %mul3A_2, %add3A_14 : i32
    %dma_start3A_16 = tpu.memref_slice %arg3[%add3A_15] : memref<640000xi32, #tpu.memory_space<hbm>> -> memref<128xi32, #tpu.memory_space<hbm>>
    %dma_start3A_17 = tpu.memref_slice %arg3[%add3A_15] : memref<640000xi32, #tpu.memory_space<hbm>> -> memref<128xi32, #tpu.memory_space<hbm>>
    tpu.enqueue_dma source(%dma_start3A_17 : memref<128xi32, #tpu.memory_space<hbm>>) target(%arg8 : memref<128xi32, #tpu.memory_space<vmem>>) target_semaphore(%arg19 : memref<!tpu.dma_semaphore, #tpu.memory_space<semaphore_mem>>)
    %add3A_18 = arith.constant 320000 : i32
    %add3A_19 = arith.addi %add3A_18, %mul3A_2 : i32
    %add3A_20 = arith.constant 0 : i32
    %add3A_21 = arith.addi %add3A_19, %add3A_20 : i32
    %dma_start3A_22 = tpu.memref_slice %arg3[%add3A_21] : memref<640000xi32, #tpu.memory_space<hbm>> -> memref<128xi32, #tpu.memory_space<hbm>>
    %dma_start3A_23 = tpu.memref_slice %arg3[%add3A_21] : memref<640000xi32, #tpu.memory_space<hbm>> -> memref<128xi32, #tpu.memory_space<hbm>>
    tpu.enqueue_dma source(%dma_start3A_23 : memref<128xi32, #tpu.memory_space<hbm>>) target(%arg9 : memref<128xi32, #tpu.memory_space<vmem>>) target_semaphore(%arg20 : memref<!tpu.dma_semaphore, #tpu.memory_space<semaphore_mem>>)
    %broadcast_in_dim3A = arith.constant 0.000000e+00 : f32
    %broadcast_in_dim3A_24 = vector.broadcast %broadcast_in_dim3A : f32 to vector<16xf32>
    %scan3A = arith.constant 0 : i32
    %scan3A_25 = arith.constant 0 : i32
    %scan3A_26 = arith.constant 256 : i32
    %scan3A_27 = arith.addi %scan3A_25, %scan3A_26 : i32
    %scan3A_28 = arith.constant 1 : i32
    %scan3A_29 = scf.for %scan3A_264 = %scan3A_25 to %scan3A_27 step %scan3A_28 iter_args(%scan3A_265 = %scan3A) -> (i32)  : i32 {
      %jit3A = arith.constant 8 : i32
      %div3A = arith.divsi %scan3A_264, %jit3A : i32
      %sign3A = arith.constant 0 : i32
      %sign3A_266 = arith.cmpi sgt, %scan3A_264, %sign3A : i32
      %sign3A_267 = arith.extui %sign3A_266 : i1 to i32
      %sign3A_268 = arith.constant 0 : i32
      %sign3A_269 = arith.cmpi slt, %scan3A_264, %sign3A_268 : i32
      %sign3A_270 = arith.extui %sign3A_269 : i1 to i32
      %sign3A_271 = arith.subi %sign3A_267, %sign3A_270 : i32
      %sign3A_272 = arith.constant 0 : i32
      %sign3A_273 = arith.cmpi sgt, %jit3A, %sign3A_272 : i32
      %sign3A_274 = arith.extui %sign3A_273 : i1 to i32
      %sign3A_275 = arith.constant 0 : i32
      %sign3A_276 = arith.cmpi slt, %jit3A, %sign3A_275 : i32
      %sign3A_277 = arith.extui %sign3A_276 : i1 to i32
      %sign3A_278 = arith.subi %sign3A_274, %sign3A_277 : i32
      %ne3A = arith.cmpi ne, %sign3A_271, %sign3A_278 : i32
      %rem3A = arith.remsi %scan3A_264, %jit3A : i32
      %ne3A_279 = arith.constant 0 : i32
      %ne3A_280 = arith.cmpi ne, %rem3A, %ne3A_279 : i32
      %and3A = arith.andi %ne3A, %ne3A_280 : i1
      %sub3A = arith.constant 1 : i32
      %sub3A_281 = arith.subi %div3A, %sub3A : i32
      %select_n3A = arith.select %and3A, %sub3A_281, %div3A : i32
      %jit3A_282 = arith.constant 8 : i32
      %eq3A = arith.constant 0 : i32
      %eq3A_283 = arith.cmpi eq, %jit3A_282, %eq3A : i32
      %jit3A_284 = arith.constant 1 : i32
      %select_n3A_285 = arith.select %eq3A_283, %jit3A_284, %jit3A_282 : i32
      %rem3A_286 = arith.remsi %scan3A_264, %select_n3A_285 : i32
      %ne3A_287 = arith.constant 0 : i32
      %ne3A_288 = arith.cmpi ne, %rem3A_286, %ne3A_287 : i32
      %lt3A = arith.constant 0 : i32
      %lt3A_289 = arith.cmpi slt, %rem3A_286, %lt3A : i32
      %lt3A_290 = arith.constant 0 : i32
      %lt3A_291 = arith.cmpi slt, %select_n3A_285, %lt3A_290 : i32
      %ne3A_292 = arith.xori %lt3A_289, %lt3A_291 : i1
      %and3A_293 = arith.andi %ne3A_292, %ne3A_288 : i1
      %add3A_294 = arith.addi %rem3A_286, %select_n3A_285 : i32
      %select_n3A_295 = arith.select %and3A_293, %add3A_294, %rem3A_286 : i32
      %mul3A_296 = arith.constant 16 : i32
      %mul3A_297 = arith.muli %select_n3A_295, %mul3A_296 : i32
      %swap3A = arith.index_cast %select_n3A : i32 to index
      %swap3A_298 = arith.index_cast %mul3A_297 : i32 to index
      %swap3A_299 = tpu.vector_load %arg12[%swap3A, %swap3A_298] {strides = array<i32>} : memref<128x128xf32, #tpu.memory_space<vmem>>, vector<1x16xf32>,
      %swap3A_300 = vector.shape_cast %swap3A_299 : vector<1x16xf32> to vector<16xf32>
      %swap3A_301 = vector.shape_cast %broadcast_in_dim3A_24 : vector<16xf32> to vector<1x16xf32>
      tpu.vector_store %arg12[%swap3A, %swap3A_298], %swap3A_301 {strides = array<i32>} : memref<128x128xf32, #tpu.memory_space<vmem>>, vector<1x16xf32>,
      %scan3A_302 = arith.constant 0 : i32
      scf.yield %scan3A_302 : i32
    }
    %scan3A_30 = arith.constant 256 : i32
    %scan3A_31 = arith.constant 0 : i32
    %scan3A_32 = arith.constant 0 : i32
    %scan3A_33 = arith.constant 19 : i32
    %scan3A_34 = arith.addi %scan3A_32, %scan3A_33 : i32
    %scan3A_35 = arith.constant 1 : i32
    %scan3A_36 = scf.for %scan3A_264 = %scan3A_32 to %scan3A_34 step %scan3A_35 iter_args(%scan3A_265 = %scan3A_31) -> (i32)  : i32 {
      %mul3A_266 = arith.constant 632 : i32
      %mul3A_267 = arith.muli %arg1, %mul3A_266 : i32
      %mul3A_268 = arith.constant 32 : i32
      %mul3A_269 = arith.muli %scan3A_264, %mul3A_268 : i32
      %add3A_270 = arith.addi %mul3A_267, %mul3A_269 : i32
      %dma_start3A_271 = arith.constant 0 : i32
      %dma_start3A_272 = arith.constant 0 : i32
      %dma_start3A_273 = tpu.memref_slice %arg12[%dma_start3A_271, %dma_start3A_272] : memref<128x128xf32, #tpu.memory_space<vmem>> -> memref<32x128xf32, #tpu.memory_space<vmem>>
      %dma_start3A_274 = arith.constant 0 : i32
      %dma_start3A_275 = tpu.memref_slice %arg15[%add3A_270, %dma_start3A_274] : memref<10112x128xf32, #tpu.memory_space<vmem_shared>> -> memref<32x128xf32, #tpu.memory_space<vmem_shared>>
      %dma_start3A_276 = arith.constant 0 : i32
      %dma_start3A_277 = tpu.memref_slice %arg15[%add3A_270, %dma_start3A_276] : memref<10112x128xf32, #tpu.memory_space<vmem_shared>> -> memref<32x128xf32, #tpu.memory_space<vmem_shared>>
      %dma_start3A_278 = arith.constant 0 : i32
      %dma_start3A_279 = arith.constant 0 : i32
      %dma_start3A_280 = tpu.memref_slice %arg12[%dma_start3A_278, %dma_start3A_279] : memref<128x128xf32, #tpu.memory_space<vmem>> -> memref<32x128xf32, #tpu.memory_space<vmem>>
      tpu.enqueue_dma source(%dma_start3A_280 : memref<32x128xf32, #tpu.memory_space<vmem>>) target(%dma_start3A_277 : memref<32x128xf32, #tpu.memory_space<vmem_shared>>) target_semaphore(%arg22 : memref<!tpu.dma_semaphore, #tpu.memory_space<semaphore_mem>>)
      %scan3A_281 = arith.constant 0 : i32
      scf.yield %scan3A_281 : i32
    }
    %scan3A_37 = arith.constant 19 : i32
    %mul3A_38 = arith.constant 632 : i32
    %mul3A_39 = arith.muli %arg1, %mul3A_38 : i32
    %add3A_40 = arith.constant 608 : i32
    %add3A_41 = arith.addi %mul3A_39, %add3A_40 : i32
    %dma_start3A_42 = arith.constant 0 : i32
    %dma_start3A_43 = arith.constant 0 : i32
    %dma_start3A_44 = tpu.memref_slice %arg12[%dma_start3A_42, %dma_start3A_43] : memref<128x128xf32, #tpu.memory_space<vmem>> -> memref<24x128xf32, #tpu.memory_space<vmem>>
    %dma_start3A_45 = arith.constant 0 : i32
    %dma_start3A_46 = tpu.memref_slice %arg15[%add3A_41, %dma_start3A_45] : memref<10112x128xf32, #tpu.memory_space<vmem_shared>> -> memref<24x128xf32, #tpu.memory_space<vmem_shared>>
    %dma_start3A_47 = arith.constant 0 : i32
    %dma_start3A_48 = tpu.memref_slice %arg15[%add3A_41, %dma_start3A_47] : memref<10112x128xf32, #tpu.memory_space<vmem_shared>> -> memref<24x128xf32, #tpu.memory_space<vmem_shared>>
    %dma_start3A_49 = arith.constant 0 : i32
    %dma_start3A_50 = arith.constant 0 : i32
    %dma_start3A_51 = tpu.memref_slice %arg12[%dma_start3A_49, %dma_start3A_50] : memref<128x128xf32, #tpu.memory_space<vmem>> -> memref<24x128xf32, #tpu.memory_space<vmem>>
    tpu.enqueue_dma source(%dma_start3A_51 : memref<24x128xf32, #tpu.memory_space<vmem>>) target(%dma_start3A_48 : memref<24x128xf32, #tpu.memory_space<vmem_shared>>) target_semaphore(%arg22 : memref<!tpu.dma_semaphore, #tpu.memory_space<semaphore_mem>>)
    %scan3A_52 = arith.constant 0 : i32
    %scan3A_53 = arith.constant 0 : i32
    %scan3A_54 = arith.constant 19 : i32
    %scan3A_55 = arith.addi %scan3A_53, %scan3A_54 : i32
    %scan3A_56 = arith.constant 1 : i32
    %scan3A_57 = scf.for %scan3A_264 = %scan3A_53 to %scan3A_55 step %scan3A_56 iter_args(%scan3A_265 = %scan3A_52) -> (i32)  : i32 {
      %dma_wait3A_266 = arith.constant 0 : i32
      %dma_wait3A_267 = arith.constant 0 : i32
      %dma_wait3A_268 = tpu.memref_slice %arg12[%dma_wait3A_266, %dma_wait3A_267] : memref<128x128xf32, #tpu.memory_space<vmem>> -> memref<32x128xf32, #tpu.memory_space<vmem>>
      %dma_wait3A_269 = arith.constant 0 : i32
      %dma_wait3A_270 = arith.constant 0 : i32
      %dma_wait3A_271 = tpu.memref_slice %arg15[%dma_wait3A_269, %dma_wait3A_270] : memref<10112x128xf32, #tpu.memory_space<vmem_shared>> -> memref<32x128xf32, #tpu.memory_space<vmem_shared>>
      %dma_wait3A_272 = arith.constant 0 : i32
      %dma_wait3A_273 = arith.constant 0 : i32
      %dma_wait3A_274 = tpu.memref_slice %arg15[%dma_wait3A_272, %dma_wait3A_273] : memref<10112x128xf32, #tpu.memory_space<vmem_shared>> -> memref<32x128xf32, #tpu.memory_space<vmem_shared>>
      %dma_wait3A_275 = arith.constant 0 : i32
      %dma_wait3A_276 = arith.constant 0 : i32
      %dma_wait3A_277 = tpu.memref_slice %arg12[%dma_wait3A_275, %dma_wait3A_276] : memref<128x128xf32, #tpu.memory_space<vmem>> -> memref<32x128xf32, #tpu.memory_space<vmem>>
      tpu.wait_dma2 semaphore(%arg22 : memref<!tpu.dma_semaphore, #tpu.memory_space<semaphore_mem>>) src(%dma_wait3A_277 : memref<32x128xf32, #tpu.memory_space<vmem>>) dst(%dma_wait3A_274 : memref<32x128xf32, #tpu.memory_space<vmem_shared>>)
      %scan3A_278 = arith.constant 0 : i32
      scf.yield %scan3A_278 : i32
    }
    %scan3A_58 = arith.constant 19 : i32
    %dma_wait3A = arith.constant 0 : i32
    %dma_wait3A_59 = arith.constant 0 : i32
    %dma_wait3A_60 = tpu.memref_slice %arg12[%dma_wait3A, %dma_wait3A_59] : memref<128x128xf32, #tpu.memory_space<vmem>> -> memref<24x128xf32, #tpu.memory_space<vmem>>
    %dma_wait3A_61 = arith.constant 0 : i32
    %dma_wait3A_62 = arith.constant 0 : i32
    %dma_wait3A_63 = tpu.memref_slice %arg15[%dma_wait3A_61, %dma_wait3A_62] : memref<10112x128xf32, #tpu.memory_space<vmem_shared>> -> memref<24x128xf32, #tpu.memory_space<vmem_shared>>
    %dma_wait3A_64 = arith.constant 0 : i32
    %dma_wait3A_65 = arith.constant 0 : i32
    %dma_wait3A_66 = tpu.memref_slice %arg15[%dma_wait3A_64, %dma_wait3A_65] : memref<10112x128xf32, #tpu.memory_space<vmem_shared>> -> memref<24x128xf32, #tpu.memory_space<vmem_shared>>
    %dma_wait3A_67 = arith.constant 0 : i32
    %dma_wait3A_68 = arith.constant 0 : i32
    %dma_wait3A_69 = tpu.memref_slice %arg12[%dma_wait3A_67, %dma_wait3A_68] : memref<128x128xf32, #tpu.memory_space<vmem>> -> memref<24x128xf32, #tpu.memory_space<vmem>>
    tpu.wait_dma2 semaphore(%arg22 : memref<!tpu.dma_semaphore, #tpu.memory_space<semaphore_mem>>) src(%dma_wait3A_69 : memref<24x128xf32, #tpu.memory_space<vmem>>) dst(%dma_wait3A_66 : memref<24x128xf32, #tpu.memory_space<vmem_shared>>)
    %barrier3A = arith.constant 0 : index
    tpu.barrier barrier_id(%barrier3A)
    %dma_wait3A_70 = arith.constant 0 : i32
    %dma_wait3A_71 = tpu.memref_slice %arg3[%dma_wait3A_70] : memref<640000xi32, #tpu.memory_space<hbm>> -> memref<128xi32, #tpu.memory_space<hbm>>
    %dma_wait3A_72 = arith.constant 0 : i32
    %dma_wait3A_73 = tpu.memref_slice %arg3[%dma_wait3A_72] : memref<640000xi32, #tpu.memory_space<hbm>> -> memref<128xi32, #tpu.memory_space<hbm>>
    tpu.wait_dma2 semaphore(%arg16 : memref<!tpu.dma_semaphore, #tpu.memory_space<semaphore_mem>>) src(%dma_wait3A_73 : memref<128xi32, #tpu.memory_space<hbm>>) dst(%arg5 : memref<128xi32, #tpu.memory_space<vmem>>)
    %dma_start3A_74 = arith.constant 0 : i32
    %dma_start3A_75 = arith.constant 0 : i32
    %dma_start3A_76 = tpu.memref_slice %arg2[%dma_start3A_74, %dma_start3A_75] : memref<10000x128xf32, #tpu.memory_space<hbm>> -> memref<10000x128xf32, #tpu.memory_space<hbm>>
    tpu.enqueue_indirect_dma source(%dma_start3A_76 : memref<10000x128xf32, #tpu.memory_space<hbm>>) target(%arg12 : memref<128x128xf32, #tpu.memory_space<vmem>>) offsets(%arg5 : memref<128xi32, #tpu.memory_space<vmem>>) semaphore(%arg22 : memref<!tpu.dma_semaphore, #tpu.memory_space<semaphore_mem>>)
    %dma_wait3A_77 = arith.constant 0 : i32
    %dma_wait3A_78 = tpu.memref_slice %arg3[%dma_wait3A_77] : memref<640000xi32, #tpu.memory_space<hbm>> -> memref<128xi32, #tpu.memory_space<hbm>>
    %dma_wait3A_79 = arith.constant 0 : i32
    %dma_wait3A_80 = tpu.memref_slice %arg3[%dma_wait3A_79] : memref<640000xi32, #tpu.memory_space<hbm>> -> memref<128xi32, #tpu.memory_space<hbm>>
    tpu.wait_dma2 semaphore(%arg17 : memref<!tpu.dma_semaphore, #tpu.memory_space<semaphore_mem>>) src(%dma_wait3A_80 : memref<128xi32, #tpu.memory_space<hbm>>) dst(%arg6 : memref<128xi32, #tpu.memory_space<vmem>>)
    %dma_start3A_81 = arith.constant 0 : i32
    %dma_start3A_82 = arith.constant 0 : i32
    %dma_start3A_83 = tpu.memref_slice %arg2[%dma_start3A_81, %dma_start3A_82] : memref<10000x128xf32, #tpu.memory_space<hbm>> -> memref<10000x128xf32, #tpu.memory_space<hbm>>
    tpu.enqueue_indirect_dma source(%dma_start3A_83 : memref<10000x128xf32, #tpu.memory_space<hbm>>) target(%arg13 : memref<128x128xf32, #tpu.memory_space<vmem>>) offsets(%arg6 : memref<128xi32, #tpu.memory_space<vmem>>) semaphore(%arg23 : memref<!tpu.dma_semaphore, #tpu.memory_space<semaphore_mem>>)
    %scan3A_84 = arith.constant 0 : i32
    %scan3A_85 = arith.constant 0 : i32
    %scan3A_86 = arith.constant 6 : i32
    %scan3A_87 = arith.addi %scan3A_85, %scan3A_86 : i32
    %scan3A_88 = arith.constant 1 : i32
    %scan3A_89 = scf.for %scan3A_264 = %scan3A_85 to %scan3A_87 step %scan3A_88 iter_args(%scan3A_265 = %scan3A_84) -> (i32)  : i32 {
      %mul3A_266 = arith.constant 12 : i32
      %mul3A_267 = arith.muli %mul3A_266, %scan3A_264 : i32
      %add3A_268 = arith.constant 0 : i32
      %add3A_269 = arith.addi %mul3A_267, %add3A_268 : i32
      %dma_wait3A_270 = arith.constant 0 : i32
      %dma_wait3A_271 = arith.constant 0 : i32
      %dma_wait3A_272 = tpu.memref_slice %arg2[%dma_wait3A_270, %dma_wait3A_271] : memref<10000x128xf32, #tpu.memory_space<hbm>> -> memref<128x128xf32, #tpu.memory_space<hbm>>
      %dma_wait3A_273 = arith.constant 0 : i32
      %dma_wait3A_274 = arith.constant 0 : i32
      %dma_wait3A_275 = tpu.memref_slice %arg2[%dma_wait3A_273, %dma_wait3A_274] : memref<10000x128xf32, #tpu.memory_space<hbm>> -> memref<128x128xf32, #tpu.memory_space<hbm>>
      tpu.wait_dma2 semaphore(%arg22 : memref<!tpu.dma_semaphore, #tpu.memory_space<semaphore_mem>>) src(%dma_wait3A_275 : memref<128x128xf32, #tpu.memory_space<hbm>>) dst(%arg12 : memref<128x128xf32, #tpu.memory_space<vmem>>)
      %add3A_276 = arith.constant 4 : i32
      %add3A_277 = arith.addi %add3A_269, %add3A_276 : i32
      %mul3A_278 = arith.constant 128 : i32
      %mul3A_279 = arith.muli %add3A_277, %mul3A_278 : i32
      %add3A_280 = arith.addi %mul3A_2, %mul3A_279 : i32
      %dma_start3A_281 = tpu.memref_slice %arg3[%add3A_280] : memref<640000xi32, #tpu.memory_space<hbm>> -> memref<128xi32, #tpu.memory_space<hbm>>
      %dma_start3A_282 = tpu.memref_slice %arg3[%add3A_280] : memref<640000xi32, #tpu.memory_space<hbm>> -> memref<128xi32, #tpu.memory_space<hbm>>
      tpu.enqueue_dma source(%dma_start3A_282 : memref<128xi32, #tpu.memory_space<hbm>>) target(%arg5 : memref<128xi32, #tpu.memory_space<vmem>>) target_semaphore(%arg16 : memref<!tpu.dma_semaphore, #tpu.memory_space<semaphore_mem>>)
      %dma_wait3A_283 = arith.constant 0 : i32
      %dma_wait3A_284 = tpu.memref_slice %arg3[%dma_wait3A_283] : memref<640000xi32, #tpu.memory_space<hbm>> -> memref<128xi32, #tpu.memory_space<hbm>>
      %dma_wait3A_285 = arith.constant 0 : i32
      %dma_wait3A_286 = tpu.memref_slice %arg3[%dma_wait3A_285] : memref<640000xi32, #tpu.memory_space<hbm>> -> memref<128xi32, #tpu.memory_space<hbm>>
      tpu.wait_dma2 semaphore(%arg18 : memref<!tpu.dma_semaphore, #tpu.memory_space<semaphore_mem>>) src(%dma_wait3A_286 : memref<128xi32, #tpu.memory_space<hbm>>) dst(%arg7 : memref<128xi32, #tpu.memory_space<vmem>>)
      %dma_start3A_287 = arith.constant 0 : i32
      %dma_start3A_288 = arith.constant 0 : i32
      %dma_start3A_289 = tpu.memref_slice %arg2[%dma_start3A_287, %dma_start3A_288] : memref<10000x128xf32, #tpu.memory_space<hbm>> -> memref<10000x128xf32, #tpu.memory_space<hbm>>
      tpu.enqueue_indirect_dma source(%dma_start3A_289 : memref<10000x128xf32, #tpu.memory_space<hbm>>) target(%arg14 : memref<128x128xf32, #tpu.memory_space<vmem>>) offsets(%arg7 : memref<128xi32, #tpu.memory_space<vmem>>) semaphore(%arg24 : memref<!tpu.dma_semaphore, #tpu.memory_space<semaphore_mem>>)
      %dma_wait3A_290 = arith.constant 0 : i32
      %dma_wait3A_291 = tpu.memref_slice %arg3[%dma_wait3A_290] : memref<640000xi32, #tpu.memory_space<hbm>> -> memref<128xi32, #tpu.memory_space<hbm>>
      %dma_wait3A_292 = arith.constant 0 : i32
      %dma_wait3A_293 = tpu.memref_slice %arg3[%dma_wait3A_292] : memref<640000xi32, #tpu.memory_space<hbm>> -> memref<128xi32, #tpu.memory_space<hbm>>
      tpu.wait_dma2 semaphore(%arg20 : memref<!tpu.dma_semaphore, #tpu.memory_space<semaphore_mem>>) src(%dma_wait3A_293 : memref<128xi32, #tpu.memory_space<hbm>>) dst(%arg9 : memref<128xi32, #tpu.memory_space<vmem>>)
      "tpu.region"() ({
        %run_scoped3A = tpu.sem_alloc : memref<!tpu.dma_semaphore, #tpu.memory_space<semaphore_mem>>
        %dma_start3A_711 = arith.constant 0 : i32
        %dma_start3A_712 = arith.constant 0 : i32
        %dma_start3A_713 = tpu.memref_slice %arg15[%dma_start3A_711, %dma_start3A_712] : memref<10112x128xf32, #tpu.memory_space<vmem_shared>> -> memref<10112x128xf32, #tpu.memory_space<vmem_shared>>
        tpu.enqueue_indirect_dma source(%arg12 : memref<128x128xf32, #tpu.memory_space<vmem>>) target(%dma_start3A_713 : memref<10112x128xf32, #tpu.memory_space<vmem_shared>>) offsets(%arg9 : memref<128xi32, #tpu.memory_space<vmem>>) semaphore(%run_scoped3A : memref<!tpu.dma_semaphore, #tpu.memory_space<semaphore_mem>>) {add = true}
        %dma_wait3A_714 = arith.constant 0 : i32
        %dma_wait3A_715 = arith.constant 0 : i32
        %dma_wait3A_716 = tpu.memref_slice %arg15[%dma_wait3A_714, %dma_wait3A_715] : memref<10112x128xf32, #tpu.memory_space<vmem_shared>> -> memref<10112x128xf32, #tpu.memory_space<vmem_shared>>
        tpu.wait_indirect_dma semaphore(%run_scoped3A : memref<!tpu.dma_semaphore, #tpu.memory_space<semaphore_mem>>) src(%arg12 : memref<128x128xf32, #tpu.memory_space<vmem>>) dst(%dma_wait3A_716 : memref<10112x128xf32, #tpu.memory_space<vmem_shared>>)
        tpu.yield
      }) : () -> ()
      %add3A_294 = arith.constant 1 : i32
      %add3A_295 = arith.addi %add3A_269, %add3A_294 : i32
      %add3A_296 = arith.constant 320000 : i32
      %add3A_297 = arith.addi %add3A_296, %mul3A_2 : i32
      %mul3A_298 = arith.constant 128 : i32
      %mul3A_299 = arith.muli %add3A_295, %mul3A_298 : i32
      %add3A_300 = arith.addi %add3A_297, %mul3A_299 : i32
      %dma_start3A_301 = tpu.memref_slice %arg3[%add3A_300] : memref<640000xi32, #tpu.memory_space<hbm>> -> memref<128xi32, #tpu.memory_space<hbm>>
      %dma_start3A_302 = tpu.memref_slice %arg3[%add3A_300] : memref<640000xi32, #tpu.memory_space<hbm>> -> memref<128xi32, #tpu.memory_space<hbm>>
      tpu.enqueue_dma source(%dma_start3A_302 : memref<128xi32, #tpu.memory_space<hbm>>) target(%arg10 : memref<128xi32, #tpu.memory_space<vmem>>) target_semaphore(%arg21 : memref<!tpu.dma_semaphore, #tpu.memory_space<semaphore_mem>>)
      %mul3A_303 = arith.constant 12 : i32
      %mul3A_304 = arith.muli %mul3A_303, %scan3A_264 : i32
      %add3A_305 = arith.constant 1 : i32
      %add3A_306 = arith.addi %mul3A_304, %add3A_305 : i32
      %dma_wait3A_307 = arith.constant 0 : i32
      %dma_wait3A_308 = arith.constant 0 : i32
      %dma_wait3A_309 = tpu.memref_slice %arg2[%dma_wait3A_307, %dma_wait3A_308] : memref<10000x128xf32, #tpu.memory_space<hbm>> -> memref<128x128xf32, #tpu.memory_space<hbm>>
      %dma_wait3A_310 = arith.constant 0 : i32
      %dma_wait3A_311 = arith.constant 0 : i32
      %dma_wait3A_312 = tpu.memref_slice %arg2[%dma_wait3A_310, %dma_wait3A_311] : memref<10000x128xf32, #tpu.memory_space<hbm>> -> memref<128x128xf32, #tpu.memory_space<hbm>>
      tpu.wait_dma2 semaphore(%arg23 : memref<!tpu.dma_semaphore, #tpu.memory_space<semaphore_mem>>) src(%dma_wait3A_312 : memref<128x128xf32, #tpu.memory_space<hbm>>) dst(%arg13 : memref<128x128xf32, #tpu.memory_space<vmem>>)
      %add3A_313 = arith.constant 4 : i32
      %add3A_314 = arith.addi %add3A_306, %add3A_313 : i32
      %mul3A_315 = arith.constant 128 : i32
      %mul3A_316 = arith.muli %add3A_314, %mul3A_315 : i32
      %add3A_317 = arith.addi %mul3A_2, %mul3A_316 : i32
      %dma_start3A_318 = tpu.memref_slice %arg3[%add3A_317] : memref<640000xi32, #tpu.memory_space<hbm>> -> memref<128xi32, #tpu.memory_space<hbm>>
      %dma_start3A_319 = tpu.memref_slice %arg3[%add3A_317] : memref<640000xi32, #tpu.memory_space<hbm>> -> memref<128xi32, #tpu.memory_space<hbm>>
      tpu.enqueue_dma source(%dma_start3A_319 : memref<128xi32, #tpu.memory_space<hbm>>) target(%arg6 : memref<128xi32, #tpu.memory_space<vmem>>) target_semaphore(%arg17 : memref<!tpu.dma_semaphore, #tpu.memory_space<semaphore_mem>>)
      %dma_wait3A_320 = arith.constant 0 : i32
      %dma_wait3A_321 = tpu.memref_slice %arg3[%dma_wait3A_320] : memref<640000xi32, #tpu.memory_space<hbm>> -> memref<128xi32, #tpu.memory_space<hbm>>
      %dma_wait3A_322 = arith.constant 0 : i32
      %dma_wait3A_323 = tpu.memref_slice %arg3[%dma_wait3A_322] : memref<640000xi32, #tpu.memory_space<hbm>> -> memref<128xi32, #tpu.memory_space<hbm>>
      tpu.wait_dma2 semaphore(%arg19 : memref<!tpu.dma_semaphore, #tpu.memory_space<semaphore_mem>>) src(%dma_wait3A_323 : memref<128xi32, #tpu.memory_space<hbm>>) dst(%arg8 : memref<128xi32, #tpu.memory_space<vmem>>)
      %dma_start3A_324 = arith.constant 0 : i32
      %dma_start3A_325 = arith.constant 0 : i32
      %dma_start3A_326 = tpu.memref_slice %arg2[%dma_start3A_324, %dma_start3A_325] : memref<10000x128xf32, #tpu.memory_space<hbm>> -> memref<10000x128xf32, #tpu.memory_space<hbm>>
      tpu.enqueue_indirect_dma source(%dma_start3A_326 : memref<10000x128xf32, #tpu.memory_space<hbm>>) target(%arg12 : memref<128x128xf32, #tpu.memory_space<vmem>>) offsets(%arg8 : memref<128xi32, #tpu.memory_space<vmem>>) semaphore(%arg22 : memref<!tpu.dma_semaphore, #tpu.memory_space<semaphore_mem>>)
      %dma_wait3A_327 = arith.constant 0 : i32
      %dma_wait3A_328 = tpu.memref_slice %arg3[%dma_wait3A_327] : memref<640000xi32, #tpu.memory_space<hbm>> -> memref<128xi32, #tpu.memory_space<hbm>>
      %dma_wait3A_329 = arith.constant 0 : i32
      %dma_wait3A_330 = tpu.memref_slice %arg3[%dma_wait3A_329] : memref<640000xi32, #tpu.memory_space<hbm>> -> memref<128xi32, #tpu.memory_space<hbm>>
      tpu.wait_dma2 semaphore(%arg21 : memref<!tpu.dma_semaphore, #tpu.memory_space<semaphore_mem>>) src(%dma_wait3A_330 : memref<128xi32, #tpu.memory_space<hbm>>) dst(%arg10 : memref<128xi32, #tpu.memory_space<vmem>>)
      "tpu.region"() ({
        %run_scoped3A = tpu.sem_alloc : memref<!tpu.dma_semaphore, #tpu.memory_space<semaphore_mem>>
        %dma_start3A_711 = arith.constant 0 : i32
        %dma_start3A_712 = arith.constant 0 : i32
        %dma_start3A_713 = tpu.memref_slice %arg15[%dma_start3A_711, %dma_start3A_712] : memref<10112x128xf32, #tpu.memory_space<vmem_shared>> -> memref<10112x128xf32, #tpu.memory_space<vmem_shared>>
        tpu.enqueue_indirect_dma source(%arg13 : memref<128x128xf32, #tpu.memory_space<vmem>>) target(%dma_start3A_713 : memref<10112x128xf32, #tpu.memory_space<vmem_shared>>) offsets(%arg10 : memref<128xi32, #tpu.memory_space<vmem>>) semaphore(%run_scoped3A : memref<!tpu.dma_semaphore, #tpu.memory_space<semaphore_mem>>) {add = true}
        %dma_wait3A_714 = arith.constant 0 : i32
        %dma_wait3A_715 = arith.constant 0 : i32
        %dma_wait3A_716 = tpu.memref_slice %arg15[%dma_wait3A_714, %dma_wait3A_715] : memref<10112x128xf32, #tpu.memory_space<vmem_shared>> -> memref<10112x128xf32, #tpu.memory_space<vmem_shared>>
        tpu.wait_indirect_dma semaphore(%run_scoped3A : memref<!tpu.dma_semaphore, #tpu.memory_space<semaphore_mem>>) src(%arg13 : memref<128x128xf32, #tpu.memory_space<vmem>>) dst(%dma_wait3A_716 : memref<10112x128xf32, #tpu.memory_space<vmem_shared>>)
        tpu.yield
      }) : () -> ()
      %add3A_331 = arith.constant 1 : i32
      %add3A_332 = arith.addi %add3A_306, %add3A_331 : i32
      %add3A_333 = arith.constant 320000 : i32
      %add3A_334 = arith.addi %add3A_333, %mul3A_2 : i32
      %mul3A_335 = arith.constant 128 : i32
      %mul3A_336 = arith.muli %add3A_332, %mul3A_335 : i32
      %add3A_337 = arith.addi %add3A_334, %mul3A_336 : i32
      %dma_start3A_338 = tpu.memref_slice %arg3[%add3A_337] : memref<640000xi32, #tpu.memory_space<hbm>> -> memref<128xi32, #tpu.memory_space<hbm>>
      %dma_start3A_339 = tpu.memref_slice %arg3[%add3A_337] : memref<640000xi32, #tpu.memory_space<hbm>> -> memref<128xi32, #tpu.memory_space<hbm>>
      tpu.enqueue_dma source(%dma_start3A_339 : memref<128xi32, #tpu.memory_space<hbm>>) target(%arg9 : memref<128xi32, #tpu.memory_space<vmem>>) target_semaphore(%arg20 : memref<!tpu.dma_semaphore, #tpu.memory_space<semaphore_mem>>)
      %mul3A_340 = arith.constant 12 : i32
      %mul3A_341 = arith.muli %mul3A_340, %scan3A_264 : i32
      %add3A_342 = arith.constant 2 : i32
      %add3A_343 = arith.addi %mul3A_341, %add3A_342 : i32
      %dma_wait3A_344 = arith.constant 0 : i32
      %dma_wait3A_345 = arith.constant 0 : i32
      %dma_wait3A_346 = tpu.memref_slice %arg2[%dma_wait3A_344, %dma_wait3A_345] : memref<10000x128xf32, #tpu.memory_space<hbm>> -> memref<128x128xf32, #tpu.memory_space<hbm>>
      %dma_wait3A_347 = arith.constant 0 : i32
      %dma_wait3A_348 = arith.constant 0 : i32
      %dma_wait3A_349 = tpu.memref_slice %arg2[%dma_wait3A_347, %dma_wait3A_348] : memref<10000x128xf32, #tpu.memory_space<hbm>> -> memref<128x128xf32, #tpu.memory_space<hbm>>
      tpu.wait_dma2 semaphore(%arg24 : memref<!tpu.dma_semaphore, #tpu.memory_space<semaphore_mem>>) src(%dma_wait3A_349 : memref<128x128xf32, #tpu.memory_space<hbm>>) dst(%arg14 : memref<128x128xf32, #tpu.memory_space<vmem>>)
      %add3A_350 = arith.constant 4 : i32
      %add3A_351 = arith.addi %add3A_343, %add3A_350 : i32
      %mul3A_352 = arith.constant 128 : i32
      %mul3A_353 = arith.muli %add3A_351, %mul3A_352 : i32
      %add3A_354 = arith.addi %mul3A_2, %mul3A_353 : i32
      %dma_start3A_355 = tpu.memref_slice %arg3[%add3A_354] : memref<640000xi32, #tpu.memory_space<hbm>> -> memref<128xi32, #tpu.memory_space<hbm>>
      %dma_start3A_356 = tpu.memref_slice %arg3[%add3A_354] : memref<640000xi32, #tpu.memory_space<hbm>> -> memref<128xi32, #tpu.memory_space<hbm>>
      tpu.enqueue_dma source(%dma_start3A_356 : memref<128xi32, #tpu.memory_space<hbm>>) target(%arg7 : memref<128xi32, #tpu.memory_space<vmem>>) target_semaphore(%arg18 : memref<!tpu.dma_semaphore, #tpu.memory_space<semaphore_mem>>)
      %dma_wait3A_357 = arith.constant 0 : i32
      %dma_wait3A_358 = tpu.memref_slice %arg3[%dma_wait3A_357] : memref<640000xi32, #tpu.memory_space<hbm>> -> memref<128xi32, #tpu.memory_space<hbm>>
      %dma_wait3A_359 = arith.constant 0 : i32
      %dma_wait3A_360 = tpu.memref_slice %arg3[%dma_wait3A_359] : memref<640000xi32, #tpu.memory_space<hbm>> -> memref<128xi32, #tpu.memory_space<hbm>>
      tpu.wait_dma2 semaphore(%arg16 : memref<!tpu.dma_semaphore, #tpu.memory_space<semaphore_mem>>) src(%dma_wait3A_360 : memref<128xi32, #tpu.memory_space<hbm>>) dst(%arg5 : memref<128xi32, #tpu.memory_space<vmem>>)
      %dma_start3A_361 = arith.constant 0 : i32
      %dma_start3A_362 = arith.constant 0 : i32
      %dma_start3A_363 = tpu.memref_slice %arg2[%dma_start3A_361, %dma_start3A_362] : memref<10000x128xf32, #tpu.memory_space<hbm>> -> memref<10000x128xf32, #tpu.memory_space<hbm>>
      tpu.enqueue_indirect_dma source(%dma_start3A_363 : memref<10000x128xf32, #tpu.memory_space<hbm>>) target(%arg13 : memref<128x128xf32, #tpu.memory_space<vmem>>) offsets(%arg5 : memref<128xi32, #tpu.memory_space<vmem>>) semaphore(%arg23 : memref<!tpu.dma_semaphore, #tpu.memory_space<semaphore_mem>>)
      %dma_wait3A_364 = arith.constant 0 : i32
      %dma_wait3A_365 = tpu.memref_slice %arg3[%dma_wait3A_364] : memref<640000xi32, #tpu.memory_space<hbm>> -> memref<128xi32, #tpu.memory_space<hbm>>
      %dma_wait3A_366 = arith.constant 0 : i32
      %dma_wait3A_367 = tpu.memref_slice %arg3[%dma_wait3A_366] : memref<640000xi32, #tpu.memory_space<hbm>> -> memref<128xi32, #tpu.memory_space<hbm>>
      tpu.wait_dma2 semaphore(%arg20 : memref<!tpu.dma_semaphore, #tpu.memory_space<semaphore_mem>>) src(%dma_wait3A_367 : memref<128xi32, #tpu.memory_space<hbm>>) dst(%arg9 : memref<128xi32, #tpu.memory_space<vmem>>)
      "tpu.region"() ({
        %run_scoped3A = tpu.sem_alloc : memref<!tpu.dma_semaphore, #tpu.memory_space<semaphore_mem>>
        %dma_start3A_711 = arith.constant 0 : i32
        %dma_start3A_712 = arith.constant 0 : i32
        %dma_start3A_713 = tpu.memref_slice %arg15[%dma_start3A_711, %dma_start3A_712] : memref<10112x128xf32, #tpu.memory_space<vmem_shared>> -> memref<10112x128xf32, #tpu.memory_space<vmem_shared>>
        tpu.enqueue_indirect_dma source(%arg14 : memref<128x128xf32, #tpu.memory_space<vmem>>) target(%dma_start3A_713 : memref<10112x128xf32, #tpu.memory_space<vmem_shared>>) offsets(%arg9 : memref<128xi32, #tpu.memory_space<vmem>>) semaphore(%run_scoped3A : memref<!tpu.dma_semaphore, #tpu.memory_space<semaphore_mem>>) {add = true}
        %dma_wait3A_714 = arith.constant 0 : i32
        %dma_wait3A_715 = arith.constant 0 : i32
        %dma_wait3A_716 = tpu.memref_slice %arg15[%dma_wait3A_714, %dma_wait3A_715] : memref<10112x128xf32, #tpu.memory_space<vmem_shared>> -> memref<10112x128xf32, #tpu.memory_space<vmem_shared>>
        tpu.wait_indirect_dma semaphore(%run_scoped3A : memref<!tpu.dma_semaphore, #tpu.memory_space<semaphore_mem>>) src(%arg14 : memref<128x128xf32, #tpu.memory_space<vmem>>) dst(%dma_wait3A_716 : memref<10112x128xf32, #tpu.memory_space<vmem_shared>>)
        tpu.yield
      }) : () -> ()
      %add3A_368 = arith.constant 1 : i32
      %add3A_369 = arith.addi %add3A_343, %add3A_368 : i32
      %add3A_370 = arith.constant 320000 : i32
      %add3A_371 = arith.addi %add3A_370, %mul3A_2 : i32
      %mul3A_372 = arith.constant 128 : i32
      %mul3A_373 = arith.muli %add3A_369, %mul3A_372 : i32
      %add3A_374 = arith.addi %add3A_371, %mul3A_373 : i32
      %dma_start3A_375 = tpu.memref_slice %arg3[%add3A_374] : memref<640000xi32, #tpu.memory_space<hbm>> -> memref<128xi32, #tpu.memory_space<hbm>>
      %dma_start3A_376 = tpu.memref_slice %arg3[%add3A_374] : memref<640000xi32, #tpu.memory_space<hbm>> -> memref<128xi32, #tpu.memory_space<hbm>>
      tpu.enqueue_dma source(%dma_start3A_376 : memref<128xi32, #tpu.memory_space<hbm>>) target(%arg10 : memref<128xi32, #tpu.memory_space<vmem>>) target_semaphore(%arg21 : memref<!tpu.dma_semaphore, #tpu.memory_space<semaphore_mem>>)
      %mul3A_377 = arith.constant 12 : i32
      %mul3A_378 = arith.muli %mul3A_377, %scan3A_264 : i32
      %add3A_379 = arith.constant 3 : i32
      %add3A_380 = arith.addi %mul3A_378, %add3A_379 : i32
      %dma_wait3A_381 = arith.constant 0 : i32
      %dma_wait3A_382 = arith.constant 0 : i32
      %dma_wait3A_383 = tpu.memref_slice %arg2[%dma_wait3A_381, %dma_wait3A_382] : memref<10000x128xf32, #tpu.memory_space<hbm>> -> memref<128x128xf32, #tpu.memory_space<hbm>>
      %dma_wait3A_384 = arith.constant 0 : i32
      %dma_wait3A_385 = arith.constant 0 : i32
      %dma_wait3A_386 = tpu.memref_slice %arg2[%dma_wait3A_384, %dma_wait3A_385] : memref<10000x128xf32, #tpu.memory_space<hbm>> -> memref<128x128xf32, #tpu.memory_space<hbm>>
      tpu.wait_dma2 semaphore(%arg22 : memref<!tpu.dma_semaphore, #tpu.memory_space<semaphore_mem>>) src(%dma_wait3A_386 : memref<128x128xf32, #tpu.memory_space<hbm>>) dst(%arg12 : memref<128x128xf32, #tpu.memory_space<vmem>>)
      %add3A_387 = arith.constant 4 : i32
      %add3A_388 = arith.addi %add3A_380, %add3A_387 : i32
      %mul3A_389 = arith.constant 128 : i32
      %mul3A_390 = arith.muli %add3A_388, %mul3A_389 : i32
      %add3A_391 = arith.addi %mul3A_2, %mul3A_390 : i32
      %dma_start3A_392 = tpu.memref_slice %arg3[%add3A_391] : memref<640000xi32, #tpu.memory_space<hbm>> -> memref<128xi32, #tpu.memory_space<hbm>>
      %dma_start3A_393 = tpu.memref_slice %arg3[%add3A_391] : memref<640000xi32, #tpu.memory_space<hbm>> -> memref<128xi32, #tpu.memory_space<hbm>>
      tpu.enqueue_dma source(%dma_start3A_393 : memref<128xi32, #tpu.memory_space<hbm>>) target(%arg8 : memref<128xi32, #tpu.memory_space<vmem>>) target_semaphore(%arg19 : memref<!tpu.dma_semaphore, #tpu.memory_space<semaphore_mem>>)
      %dma_wait3A_394 = arith.constant 0 : i32
      %dma_wait3A_395 = tpu.memref_slice %arg3[%dma_wait3A_394] : memref<640000xi32, #tpu.memory_space<hbm>> -> memref<128xi32, #tpu.memory_space<hbm>>
      %dma_wait3A_396 = arith.constant 0 : i32
      %dma_wait3A_397 = tpu.memref_slice %arg3[%dma_wait3A_396] : memref<640000xi32, #tpu.memory_space<hbm>> -> memref<128xi32, #tpu.memory_space<hbm>>
      tpu.wait_dma2 semaphore(%arg17 : memref<!tpu.dma_semaphore, #tpu.memory_space<semaphore_mem>>) src(%dma_wait3A_397 : memref<128xi32, #tpu.memory_space<hbm>>) dst(%arg6 : memref<128xi32, #tpu.memory_space<vmem>>)
      %dma_start3A_398 = arith.constant 0 : i32
      %dma_start3A_399 = arith.constant 0 : i32
      %dma_start3A_400 = tpu.memref_slice %arg2[%dma_start3A_398, %dma_start3A_399] : memref<10000x128xf32, #tpu.memory_space<hbm>> -> memref<10000x128xf32, #tpu.memory_space<hbm>>
      tpu.enqueue_indirect_dma source(%dma_start3A_400 : memref<10000x128xf32, #tpu.memory_space<hbm>>) target(%arg14 : memref<128x128xf32, #tpu.memory_space<vmem>>) offsets(%arg6 : memref<128xi32, #tpu.memory_space<vmem>>) semaphore(%arg24 : memref<!tpu.dma_semaphore, #tpu.memory_space<semaphore_mem>>)
      %dma_wait3A_401 = arith.constant 0 : i32
      %dma_wait3A_402 = tpu.memref_slice %arg3[%dma_wait3A_401] : memref<640000xi32, #tpu.memory_space<hbm>> -> memref<128xi32, #tpu.memory_space<hbm>>
      %dma_wait3A_403 = arith.constant 0 : i32
      %dma_wait3A_404 = tpu.memref_slice %arg3[%dma_wait3A_403] : memref<640000xi32, #tpu.memory_space<hbm>> -> memref<128xi32, #tpu.memory_space<hbm>>
      tpu.wait_dma2 semaphore(%arg21 : memref<!tpu.dma_semaphore, #tpu.memory_space<semaphore_mem>>) src(%dma_wait3A_404 : memref<128xi32, #tpu.memory_space<hbm>>) dst(%arg10 : memref<128xi32, #tpu.memory_space<vmem>>)
      "tpu.region"() ({
        %run_scoped3A = tpu.sem_alloc : memref<!tpu.dma_semaphore, #tpu.memory_space<semaphore_mem>>
        %dma_start3A_711 = arith.constant 0 : i32
        %dma_start3A_712 = arith.constant 0 : i32
        %dma_start3A_713 = tpu.memref_slice %arg15[%dma_start3A_711, %dma_start3A_712] : memref<10112x128xf32, #tpu.memory_space<vmem_shared>> -> memref<10112x128xf32, #tpu.memory_space<vmem_shared>>
        tpu.enqueue_indirect_dma source(%arg12 : memref<128x128xf32, #tpu.memory_space<vmem>>) target(%dma_start3A_713 : memref<10112x128xf32, #tpu.memory_space<vmem_shared>>) offsets(%arg10 : memref<128xi32, #tpu.memory_space<vmem>>) semaphore(%run_scoped3A : memref<!tpu.dma_semaphore, #tpu.memory_space<semaphore_mem>>) {add = true}
        %dma_wait3A_714 = arith.constant 0 : i32
        %dma_wait3A_715 = arith.constant 0 : i32
        %dma_wait3A_716 = tpu.memref_slice %arg15[%dma_wait3A_714, %dma_wait3A_715] : memref<10112x128xf32, #tpu.memory_space<vmem_shared>> -> memref<10112x128xf32, #tpu.memory_space<vmem_shared>>
        tpu.wait_indirect_dma semaphore(%run_scoped3A : memref<!tpu.dma_semaphore, #tpu.memory_space<semaphore_mem>>) src(%arg12 : memref<128x128xf32, #tpu.memory_space<vmem>>) dst(%dma_wait3A_716 : memref<10112x128xf32, #tpu.memory_space<vmem_shared>>)
        tpu.yield
      }) : () -> ()
      %add3A_405 = arith.constant 1 : i32
      %add3A_406 = arith.addi %add3A_380, %add3A_405 : i32
      %add3A_407 = arith.constant 320000 : i32
      %add3A_408 = arith.addi %add3A_407, %mul3A_2 : i32
      %mul3A_409 = arith.constant 128 : i32
      %mul3A_410 = arith.muli %add3A_406, %mul3A_409 : i32
      %add3A_411 = arith.addi %add3A_408, %mul3A_410 : i32
      %dma_start3A_412 = tpu.memref_slice %arg3[%add3A_411] : memref<640000xi32, #tpu.memory_space<hbm>> -> memref<128xi32, #tpu.memory_space<hbm>>
      %dma_start3A_413 = tpu.memref_slice %arg3[%add3A_411] : memref<640000xi32, #tpu.memory_space<hbm>> -> memref<128xi32, #tpu.memory_space<hbm>>
      tpu.enqueue_dma source(%dma_start3A_413 : memref<128xi32, #tpu.memory_space<hbm>>) target(%arg9 : memref<128xi32, #tpu.memory_space<vmem>>) target_semaphore(%arg20 : memref<!tpu.dma_semaphore, #tpu.memory_space<semaphore_mem>>)
      %mul3A_414 = arith.constant 12 : i32
      %mul3A_415 = arith.muli %mul3A_414, %scan3A_264 : i32
      %add3A_416 = arith.constant 4 : i32
      %add3A_417 = arith.addi %mul3A_415, %add3A_416 : i32
      %dma_wait3A_418 = arith.constant 0 : i32
      %dma_wait3A_419 = arith.constant 0 : i32
      %dma_wait3A_420 = tpu.memref_slice %arg2[%dma_wait3A_418, %dma_wait3A_419] : memref<10000x128xf32, #tpu.memory_space<hbm>> -> memref<128x128xf32, #tpu.memory_space<hbm>>
      %dma_wait3A_421 = arith.constant 0 : i32
      %dma_wait3A_422 = arith.constant 0 : i32
      %dma_wait3A_423 = tpu.memref_slice %arg2[%dma_wait3A_421, %dma_wait3A_422] : memref<10000x128xf32, #tpu.memory_space<hbm>> -> memref<128x128xf32, #tpu.memory_space<hbm>>
      tpu.wait_dma2 semaphore(%arg23 : memref<!tpu.dma_semaphore, #tpu.memory_space<semaphore_mem>>) src(%dma_wait3A_423 : memref<128x128xf32, #tpu.memory_space<hbm>>) dst(%arg13 : memref<128x128xf32, #tpu.memory_space<vmem>>)
      %add3A_424 = arith.constant 4 : i32
      %add3A_425 = arith.addi %add3A_417, %add3A_424 : i32
      %mul3A_426 = arith.constant 128 : i32
      %mul3A_427 = arith.muli %add3A_425, %mul3A_426 : i32
      %add3A_428 = arith.addi %mul3A_2, %mul3A_427 : i32
      %dma_start3A_429 = tpu.memref_slice %arg3[%add3A_428] : memref<640000xi32, #tpu.memory_space<hbm>> -> memref<128xi32, #tpu.memory_space<hbm>>
      %dma_start3A_430 = tpu.memref_slice %arg3[%add3A_428] : memref<640000xi32, #tpu.memory_space<hbm>> -> memref<128xi32, #tpu.memory_space<hbm>>
      tpu.enqueue_dma source(%dma_start3A_430 : memref<128xi32, #tpu.memory_space<hbm>>) target(%arg5 : memref<128xi32, #tpu.memory_space<vmem>>) target_semaphore(%arg16 : memref<!tpu.dma_semaphore, #tpu.memory_space<semaphore_mem>>)
      %dma_wait3A_431 = arith.constant 0 : i32
      %dma_wait3A_432 = tpu.memref_slice %arg3[%dma_wait3A_431] : memref<640000xi32, #tpu.memory_space<hbm>> -> memref<128xi32, #tpu.memory_space<hbm>>
      %dma_wait3A_433 = arith.constant 0 : i32
      %dma_wait3A_434 = tpu.memref_slice %arg3[%dma_wait3A_433] : memref<640000xi32, #tpu.memory_space<hbm>> -> memref<128xi32, #tpu.memory_space<hbm>>
      tpu.wait_dma2 semaphore(%arg18 : memref<!tpu.dma_semaphore, #tpu.memory_space<semaphore_mem>>) src(%dma_wait3A_434 : memref<128xi32, #tpu.memory_space<hbm>>) dst(%arg7 : memref<128xi32, #tpu.memory_space<vmem>>)
      %dma_start3A_435 = arith.constant 0 : i32
      %dma_start3A_436 = arith.constant 0 : i32
      %dma_start3A_437 = tpu.memref_slice %arg2[%dma_start3A_435, %dma_start3A_436] : memref<10000x128xf32, #tpu.memory_space<hbm>> -> memref<10000x128xf32, #tpu.memory_space<hbm>>
      tpu.enqueue_indirect_dma source(%dma_start3A_437 : memref<10000x128xf32, #tpu.memory_space<hbm>>) target(%arg12 : memref<128x128xf32, #tpu.memory_space<vmem>>) offsets(%arg7 : memref<128xi32, #tpu.memory_space<vmem>>) semaphore(%arg22 : memref<!tpu.dma_semaphore, #tpu.memory_space<semaphore_mem>>)
      %dma_wait3A_438 = arith.constant 0 : i32
      %dma_wait3A_439 = tpu.memref_slice %arg3[%dma_wait3A_438] : memref<640000xi32, #tpu.memory_space<hbm>> -> memref<128xi32, #tpu.memory_space<hbm>>
      %dma_wait3A_440 = arith.constant 0 : i32
      %dma_wait3A_441 = tpu.memref_slice %arg3[%dma_wait3A_440] : memref<640000xi32, #tpu.memory_space<hbm>> -> memref<128xi32, #tpu.memory_space<hbm>>
      tpu.wait_dma2 semaphore(%arg20 : memref<!tpu.dma_semaphore, #tpu.memory_space<semaphore_mem>>) src(%dma_wait3A_441 : memref<128xi32, #tpu.memory_space<hbm>>) dst(%arg9 : memref<128xi32, #tpu.memory_space<vmem>>)
      "tpu.region"() ({
        %run_scoped3A = tpu.sem_alloc : memref<!tpu.dma_semaphore, #tpu.memory_space<semaphore_mem>>
        %dma_start3A_711 = arith.constant 0 : i32
        %dma_start3A_712 = arith.constant 0 : i32
        %dma_start3A_713 = tpu.memref_slice %arg15[%dma_start3A_711, %dma_start3A_712] : memref<10112x128xf32, #tpu.memory_space<vmem_shared>> -> memref<10112x128xf32, #tpu.memory_space<vmem_shared>>
        tpu.enqueue_indirect_dma source(%arg13 : memref<128x128xf32, #tpu.memory_space<vmem>>) target(%dma_start3A_713 : memref<10112x128xf32, #tpu.memory_space<vmem_shared>>) offsets(%arg9 : memref<128xi32, #tpu.memory_space<vmem>>) semaphore(%run_scoped3A : memref<!tpu.dma_semaphore, #tpu.memory_space<semaphore_mem>>) {add = true}
        %dma_wait3A_714 = arith.constant 0 : i32
        %dma_wait3A_715 = arith.constant 0 : i32
        %dma_wait3A_716 = tpu.memref_slice %arg15[%dma_wait3A_714, %dma_wait3A_715] : memref<10112x128xf32, #tpu.memory_space<vmem_shared>> -> memref<10112x128xf32, #tpu.memory_space<vmem_shared>>
        tpu.wait_indirect_dma semaphore(%run_scoped3A : memref<!tpu.dma_semaphore, #tpu.memory_space<semaphore_mem>>) src(%arg13 : memref<128x128xf32, #tpu.memory_space<vmem>>) dst(%dma_wait3A_716 : memref<10112x128xf32, #tpu.memory_space<vmem_shared>>)
        tpu.yield
      }) : () -> ()
      %add3A_442 = arith.constant 1 : i32
      %add3A_443 = arith.addi %add3A_417, %add3A_442 : i32
      %add3A_444 = arith.constant 320000 : i32
      %add3A_445 = arith.addi %add3A_444, %mul3A_2 : i32
      %mul3A_446 = arith.constant 128 : i32
      %mul3A_447 = arith.muli %add3A_443, %mul3A_446 : i32
      %add3A_448 = arith.addi %add3A_445, %mul3A_447 : i32
      %dma_start3A_449 = tpu.memref_slice %arg3[%add3A_448] : memref<640000xi32, #tpu.memory_space<hbm>> -> memref<128xi32, #tpu.memory_space<hbm>>
      %dma_start3A_450 = tpu.memref_slice %arg3[%add3A_448] : memref<640000xi32, #tpu.memory_space<hbm>> -> memref<128xi32, #tpu.memory_space<hbm>>
      tpu.enqueue_dma source(%dma_start3A_450 : memref<128xi32, #tpu.memory_space<hbm>>) target(%arg10 : memref<128xi32, #tpu.memory_space<vmem>>) target_semaphore(%arg21 : memref<!tpu.dma_semaphore, #tpu.memory_space<semaphore_mem>>)
      %mul3A_451 = arith.constant 12 : i32
      %mul3A_452 = arith.muli %mul3A_451, %scan3A_264 : i32
      %add3A_453 = arith.constant 5 : i32
      %add3A_454 = arith.addi %mul3A_452, %add3A_453 : i32
      %dma_wait3A_455 = arith.constant 0 : i32
      %dma_wait3A_456 = arith.constant 0 : i32
      %dma_wait3A_457 = tpu.memref_slice %arg2[%dma_wait3A_455, %dma_wait3A_456] : memref<10000x128xf32, #tpu.memory_space<hbm>> -> memref<128x128xf32, #tpu.memory_space<hbm>>
      %dma_wait3A_458 = arith.constant 0 : i32
      %dma_wait3A_459 = arith.constant 0 : i32
      %dma_wait3A_460 = tpu.memref_slice %arg2[%dma_wait3A_458, %dma_wait3A_459] : memref<10000x128xf32, #tpu.memory_space<hbm>> -> memref<128x128xf32, #tpu.memory_space<hbm>>
      tpu.wait_dma2 semaphore(%arg24 : memref<!tpu.dma_semaphore, #tpu.memory_space<semaphore_mem>>) src(%dma_wait3A_460 : memref<128x128xf32, #tpu.memory_space<hbm>>) dst(%arg14 : memref<128x128xf32, #tpu.memory_space<vmem>>)
      %add3A_461 = arith.constant 4 : i32
      %add3A_462 = arith.addi %add3A_454, %add3A_461 : i32
      %mul3A_463 = arith.constant 128 : i32
      %mul3A_464 = arith.muli %add3A_462, %mul3A_463 : i32
      %add3A_465 = arith.addi %mul3A_2, %mul3A_464 : i32
      %dma_start3A_466 = tpu.memref_slice %arg3[%add3A_465] : memref<640000xi32, #tpu.memory_space<hbm>> -> memref<128xi32, #tpu.memory_space<hbm>>
      %dma_start3A_467 = tpu.memref_slice %arg3[%add3A_465] : memref<640000xi32, #tpu.memory_space<hbm>> -> memref<128xi32, #tpu.memory_space<hbm>>
      tpu.enqueue_dma source(%dma_start3A_467 : memref<128xi32, #tpu.memory_space<hbm>>) target(%arg6 : memref<128xi32, #tpu.memory_space<vmem>>) target_semaphore(%arg17 : memref<!tpu.dma_semaphore, #tpu.memory_space<semaphore_mem>>)
      %dma_wait3A_468 = arith.constant 0 : i32
      %dma_wait3A_469 = tpu.memref_slice %arg3[%dma_wait3A_468] : memref<640000xi32, #tpu.memory_space<hbm>> -> memref<128xi32, #tpu.memory_space<hbm>>
      %dma_wait3A_470 = arith.constant 0 : i32
      %dma_wait3A_471 = tpu.memref_slice %arg3[%dma_wait3A_470] : memref<640000xi32, #tpu.memory_space<hbm>> -> memref<128xi32, #tpu.memory_space<hbm>>
      tpu.wait_dma2 semaphore(%arg19 : memref<!tpu.dma_semaphore, #tpu.memory_space<semaphore_mem>>) src(%dma_wait3A_471 : memref<128xi32, #tpu.memory_space<hbm>>) dst(%arg8 : memref<128xi32, #tpu.memory_space<vmem>>)
      %dma_start3A_472 = arith.constant 0 : i32
      %dma_start3A_473 = arith.constant 0 : i32
      %dma_start3A_474 = tpu.memref_slice %arg2[%dma_start3A_472, %dma_start3A_473] : memref<10000x128xf32, #tpu.memory_space<hbm>> -> memref<10000x128xf32, #tpu.memory_space<hbm>>
      tpu.enqueue_indirect_dma source(%dma_start3A_474 : memref<10000x128xf32, #tpu.memory_space<hbm>>) target(%arg13 : memref<128x128xf32, #tpu.memory_space<vmem>>) offsets(%arg8 : memref<128xi32, #tpu.memory_space<vmem>>) semaphore(%arg23 : memref<!tpu.dma_semaphore, #tpu.memory_space<semaphore_mem>>)
      %dma_wait3A_475 = arith.constant 0 : i32
      %dma_wait3A_476 = tpu.memref_slice %arg3[%dma_wait3A_475] : memref<640000xi32, #tpu.memory_space<hbm>> -> memref<128xi32, #tpu.memory_space<hbm>>
      %dma_wait3A_477 = arith.constant 0 : i32
      %dma_wait3A_478 = tpu.memref_slice %arg3[%dma_wait3A_477] : memref<640000xi32, #tpu.memory_space<hbm>> -> memref<128xi32, #tpu.memory_space<hbm>>
      tpu.wait_dma2 semaphore(%arg21 : memref<!tpu.dma_semaphore, #tpu.memory_space<semaphore_mem>>) src(%dma_wait3A_478 : memref<128xi32, #tpu.memory_space<hbm>>) dst(%arg10 : memref<128xi32, #tpu.memory_space<vmem>>)
      "tpu.region"() ({
        %run_scoped3A = tpu.sem_alloc : memref<!tpu.dma_semaphore, #tpu.memory_space<semaphore_mem>>
        %dma_start3A_711 = arith.constant 0 : i32
        %dma_start3A_712 = arith.constant 0 : i32
        %dma_start3A_713 = tpu.memref_slice %arg15[%dma_start3A_711, %dma_start3A_712] : memref<10112x128xf32, #tpu.memory_space<vmem_shared>> -> memref<10112x128xf32, #tpu.memory_space<vmem_shared>>
        tpu.enqueue_indirect_dma source(%arg14 : memref<128x128xf32, #tpu.memory_space<vmem>>) target(%dma_start3A_713 : memref<10112x128xf32, #tpu.memory_space<vmem_shared>>) offsets(%arg10 : memref<128xi32, #tpu.memory_space<vmem>>) semaphore(%run_scoped3A : memref<!tpu.dma_semaphore, #tpu.memory_space<semaphore_mem>>) {add = true}
        %dma_wait3A_714 = arith.constant 0 : i32
        %dma_wait3A_715 = arith.constant 0 : i32
        %dma_wait3A_716 = tpu.memref_slice %arg15[%dma_wait3A_714, %dma_wait3A_715] : memref<10112x128xf32, #tpu.memory_space<vmem_shared>> -> memref<10112x128xf32, #tpu.memory_space<vmem_shared>>
        tpu.wait_indirect_dma semaphore(%run_scoped3A : memref<!tpu.dma_semaphore, #tpu.memory_space<semaphore_mem>>) src(%arg14 : memref<128x128xf32, #tpu.memory_space<vmem>>) dst(%dma_wait3A_716 : memref<10112x128xf32, #tpu.memory_space<vmem_shared>>)
        tpu.yield
      }) : () -> ()
      %add3A_479 = arith.constant 1 : i32
      %add3A_480 = arith.addi %add3A_454, %add3A_479 : i32
      %add3A_481 = arith.constant 320000 : i32
      %add3A_482 = arith.addi %add3A_481, %mul3A_2 : i32
      %mul3A_483 = arith.constant 128 : i32
      %mul3A_484 = arith.muli %add3A_480, %mul3A_483 : i32
      %add3A_485 = arith.addi %add3A_482, %mul3A_484 : i32
      %dma_start3A_486 = tpu.memref_slice %arg3[%add3A_485] : memref<640000xi32, #tpu.memory_space<hbm>> -> memref<128xi32, #tpu.memory_space<hbm>>
      %dma_start3A_487 = tpu.memref_slice %arg3[%add3A_485] : memref<640000xi32, #tpu.memory_space<hbm>> -> memref<128xi32, #tpu.memory_space<hbm>>
      tpu.enqueue_dma source(%dma_start3A_487 : memref<128xi32, #tpu.memory_space<hbm>>) target(%arg9 : memref<128xi32, #tpu.memory_space<vmem>>) target_semaphore(%arg20 : memref<!tpu.dma_semaphore, #tpu.memory_space<semaphore_mem>>)
      %mul3A_488 = arith.constant 12 : i32
      %mul3A_489 = arith.muli %mul3A_488, %scan3A_264 : i32
      %add3A_490 = arith.constant 6 : i32
      %add3A_491 = arith.addi %mul3A_489, %add3A_490 : i32
      %dma_wait3A_492 = arith.constant 0 : i32
      %dma_wait3A_493 = arith.constant 0 : i32
      %dma_wait3A_494 = tpu.memref_slice %arg2[%dma_wait3A_492, %dma_wait3A_493] : memref<10000x128xf32, #tpu.memory_space<hbm>> -> memref<128x128xf32, #tpu.memory_space<hbm>>
      %dma_wait3A_495 = arith.constant 0 : i32
      %dma_wait3A_496 = arith.constant 0 : i32
      %dma_wait3A_497 = tpu.memref_slice %arg2[%dma_wait3A_495, %dma_wait3A_496] : memref<10000x128xf32, #tpu.memory_space<hbm>> -> memref<128x128xf32, #tpu.memory_space<hbm>>
      tpu.wait_dma2 semaphore(%arg22 : memref<!tpu.dma_semaphore, #tpu.memory_space<semaphore_mem>>) src(%dma_wait3A_497 : memref<128x128xf32, #tpu.memory_space<hbm>>) dst(%arg12 : memref<128x128xf32, #tpu.memory_space<vmem>>)
      %add3A_498 = arith.constant 4 : i32
      %add3A_499 = arith.addi %add3A_491, %add3A_498 : i32
      %mul3A_500 = arith.constant 128 : i32
      %mul3A_501 = arith.muli %add3A_499, %mul3A_500 : i32
      %add3A_502 = arith.addi %mul3A_2, %mul3A_501 : i32
      %dma_start3A_503 = tpu.memref_slice %arg3[%add3A_502] : memref<640000xi32, #tpu.memory_space<hbm>> -> memref<128xi32, #tpu.memory_space<hbm>>
      %dma_start3A_504 = tpu.memref_slice %arg3[%add3A_502] : memref<640000xi32, #tpu.memory_space<hbm>> -> memref<128xi32, #tpu.memory_space<hbm>>
      tpu.enqueue_dma source(%dma_start3A_504 : memref<128xi32, #tpu.memory_space<hbm>>) target(%arg7 : memref<128xi32, #tpu.memory_space<vmem>>) target_semaphore(%arg18 : memref<!tpu.dma_semaphore, #tpu.memory_space<semaphore_mem>>)
      %dma_wait3A_505 = arith.constant 0 : i32
      %dma_wait3A_506 = tpu.memref_slice %arg3[%dma_wait3A_505] : memref<640000xi32, #tpu.memory_space<hbm>> -> memref<128xi32, #tpu.memory_space<hbm>>
      %dma_wait3A_507 = arith.constant 0 : i32
      %dma_wait3A_508 = tpu.memref_slice %arg3[%dma_wait3A_507] : memref<640000xi32, #tpu.memory_space<hbm>> -> memref<128xi32, #tpu.memory_space<hbm>>
      tpu.wait_dma2 semaphore(%arg16 : memref<!tpu.dma_semaphore, #tpu.memory_space<semaphore_mem>>) src(%dma_wait3A_508 : memref<128xi32, #tpu.memory_space<hbm>>) dst(%arg5 : memref<128xi32, #tpu.memory_space<vmem>>)
      %dma_start3A_509 = arith.constant 0 : i32
      %dma_start3A_510 = arith.constant 0 : i32
      %dma_start3A_511 = tpu.memref_slice %arg2[%dma_start3A_509, %dma_start3A_510] : memref<10000x128xf32, #tpu.memory_space<hbm>> -> memref<10000x128xf32, #tpu.memory_space<hbm>>
      tpu.enqueue_indirect_dma source(%dma_start3A_511 : memref<10000x128xf32, #tpu.memory_space<hbm>>) target(%arg14 : memref<128x128xf32, #tpu.memory_space<vmem>>) offsets(%arg5 : memref<128xi32, #tpu.memory_space<vmem>>) semaphore(%arg24 : memref<!tpu.dma_semaphore, #tpu.memory_space<semaphore_mem>>)
      %dma_wait3A_512 = arith.constant 0 : i32
      %dma_wait3A_513 = tpu.memref_slice %arg3[%dma_wait3A_512] : memref<640000xi32, #tpu.memory_space<hbm>> -> memref<128xi32, #tpu.memory_space<hbm>>
      %dma_wait3A_514 = arith.constant 0 : i32
      %dma_wait3A_515 = tpu.memref_slice %arg3[%dma_wait3A_514] : memref<640000xi32, #tpu.memory_space<hbm>> -> memref<128xi32, #tpu.memory_space<hbm>>
      tpu.wait_dma2 semaphore(%arg20 : memref<!tpu.dma_semaphore, #tpu.memory_space<semaphore_mem>>) src(%dma_wait3A_515 : memref<128xi32, #tpu.memory_space<hbm>>) dst(%arg9 : memref<128xi32, #tpu.memory_space<vmem>>)
      "tpu.region"() ({
        %run_scoped3A = tpu.sem_alloc : memref<!tpu.dma_semaphore, #tpu.memory_space<semaphore_mem>>
        %dma_start3A_711 = arith.constant 0 : i32
        %dma_start3A_712 = arith.constant 0 : i32
        %dma_start3A_713 = tpu.memref_slice %arg15[%dma_start3A_711, %dma_start3A_712] : memref<10112x128xf32, #tpu.memory_space<vmem_shared>> -> memref<10112x128xf32, #tpu.memory_space<vmem_shared>>
        tpu.enqueue_indirect_dma source(%arg12 : memref<128x128xf32, #tpu.memory_space<vmem>>) target(%dma_start3A_713 : memref<10112x128xf32, #tpu.memory_space<vmem_shared>>) offsets(%arg9 : memref<128xi32, #tpu.memory_space<vmem>>) semaphore(%run_scoped3A : memref<!tpu.dma_semaphore, #tpu.memory_space<semaphore_mem>>) {add = true}
        %dma_wait3A_714 = arith.constant 0 : i32
        %dma_wait3A_715 = arith.constant 0 : i32
        %dma_wait3A_716 = tpu.memref_slice %arg15[%dma_wait3A_714, %dma_wait3A_715] : memref<10112x128xf32, #tpu.memory_space<vmem_shared>> -> memref<10112x128xf32, #tpu.memory_space<vmem_shared>>
        tpu.wait_indirect_dma semaphore(%run_scoped3A : memref<!tpu.dma_semaphore, #tpu.memory_space<semaphore_mem>>) src(%arg12 : memref<128x128xf32, #tpu.memory_space<vmem>>) dst(%dma_wait3A_716 : memref<10112x128xf32, #tpu.memory_space<vmem_shared>>)
        tpu.yield
      }) : () -> ()
      %add3A_516 = arith.constant 1 : i32
      %add3A_517 = arith.addi %add3A_491, %add3A_516 : i32
      %add3A_518 = arith.constant 320000 : i32
      %add3A_519 = arith.addi %add3A_518, %mul3A_2 : i32
      %mul3A_520 = arith.constant 128 : i32
      %mul3A_521 = arith.muli %add3A_517, %mul3A_520 : i32
      %add3A_522 = arith.addi %add3A_519, %mul3A_521 : i32
      %dma_start3A_523 = tpu.memref_slice %arg3[%add3A_522] : memref<640000xi32, #tpu.memory_space<hbm>> -> memref<128xi32, #tpu.memory_space<hbm>>
      %dma_start3A_524 = tpu.memref_slice %arg3[%add3A_522] : memref<640000xi32, #tpu.memory_space<hbm>> -> memref<128xi32, #tpu.memory_space<hbm>>
      tpu.enqueue_dma source(%dma_start3A_524 : memref<128xi32, #tpu.memory_space<hbm>>) target(%arg10 : memref<128xi32, #tpu.memory_space<vmem>>) target_semaphore(%arg21 : memref<!tpu.dma_semaphore, #tpu.memory_space<semaphore_mem>>)
      %mul3A_525 = arith.constant 12 : i32
      %mul3A_526 = arith.muli %mul3A_525, %scan3A_264 : i32
      %add3A_527 = arith.constant 7 : i32
      %add3A_528 = arith.addi %mul3A_526, %add3A_527 : i32
      %dma_wait3A_529 = arith.constant 0 : i32
      %dma_wait3A_530 = arith.constant 0 : i32
      %dma_wait3A_531 = tpu.memref_slice %arg2[%dma_wait3A_529, %dma_wait3A_530] : memref<10000x128xf32, #tpu.memory_space<hbm>> -> memref<128x128xf32, #tpu.memory_space<hbm>>
      %dma_wait3A_532 = arith.constant 0 : i32
      %dma_wait3A_533 = arith.constant 0 : i32
      %dma_wait3A_534 = tpu.memref_slice %arg2[%dma_wait3A_532, %dma_wait3A_533] : memref<10000x128xf32, #tpu.memory_space<hbm>> -> memref<128x128xf32, #tpu.memory_space<hbm>>
      tpu.wait_dma2 semaphore(%arg23 : memref<!tpu.dma_semaphore, #tpu.memory_space<semaphore_mem>>) src(%dma_wait3A_534 : memref<128x128xf32, #tpu.memory_space<hbm>>) dst(%arg13 : memref<128x128xf32, #tpu.memory_space<vmem>>)
      %add3A_535 = arith.constant 4 : i32
      %add3A_536 = arith.addi %add3A_528, %add3A_535 : i32
      %mul3A_537 = arith.constant 128 : i32
      %mul3A_538 = arith.muli %add3A_536, %mul3A_537 : i32
      %add3A_539 = arith.addi %mul3A_2, %mul3A_538 : i32
      %dma_start3A_540 = tpu.memref_slice %arg3[%add3A_539] : memref<640000xi32, #tpu.memory_space<hbm>> -> memref<128xi32, #tpu.memory_space<hbm>>
      %dma_start3A_541 = tpu.memref_slice %arg3[%add3A_539] : memref<640000xi32, #tpu.memory_space<hbm>> -> memref<128xi32, #tpu.memory_space<hbm>>
      tpu.enqueue_dma source(%dma_start3A_541 : memref<128xi32, #tpu.memory_space<hbm>>) target(%arg8 : memref<128xi32, #tpu.memory_space<vmem>>) target_semaphore(%arg19 : memref<!tpu.dma_semaphore, #tpu.memory_space<semaphore_mem>>)
      %dma_wait3A_542 = arith.constant 0 : i32
      %dma_wait3A_543 = tpu.memref_slice %arg3[%dma_wait3A_542] : memref<640000xi32, #tpu.memory_space<hbm>> -> memref<128xi32, #tpu.memory_space<hbm>>
      %dma_wait3A_544 = arith.constant 0 : i32
      %dma_wait3A_545 = tpu.memref_slice %arg3[%dma_wait3A_544] : memref<640000xi32, #tpu.memory_space<hbm>> -> memref<128xi32, #tpu.memory_space<hbm>>
      tpu.wait_dma2 semaphore(%arg17 : memref<!tpu.dma_semaphore, #tpu.memory_space<semaphore_mem>>) src(%dma_wait3A_545 : memref<128xi32, #tpu.memory_space<hbm>>) dst(%arg6 : memref<128xi32, #tpu.memory_space<vmem>>)
      %dma_start3A_546 = arith.constant 0 : i32
      %dma_start3A_547 = arith.constant 0 : i32
      %dma_start3A_548 = tpu.memref_slice %arg2[%dma_start3A_546, %dma_start3A_547] : memref<10000x128xf32, #tpu.memory_space<hbm>> -> memref<10000x128xf32, #tpu.memory_space<hbm>>
      tpu.enqueue_indirect_dma source(%dma_start3A_548 : memref<10000x128xf32, #tpu.memory_space<hbm>>) target(%arg12 : memref<128x128xf32, #tpu.memory_space<vmem>>) offsets(%arg6 : memref<128xi32, #tpu.memory_space<vmem>>) semaphore(%arg22 : memref<!tpu.dma_semaphore, #tpu.memory_space<semaphore_mem>>)
      %dma_wait3A_549 = arith.constant 0 : i32
      %dma_wait3A_550 = tpu.memref_slice %arg3[%dma_wait3A_549] : memref<640000xi32, #tpu.memory_space<hbm>> -> memref<128xi32, #tpu.memory_space<hbm>>
      %dma_wait3A_551 = arith.constant 0 : i32
      %dma_wait3A_552 = tpu.memref_slice %arg3[%dma_wait3A_551] : memref<640000xi32, #tpu.memory_space<hbm>> -> memref<128xi32, #tpu.memory_space<hbm>>
      tpu.wait_dma2 semaphore(%arg21 : memref<!tpu.dma_semaphore, #tpu.memory_space<semaphore_mem>>) src(%dma_wait3A_552 : memref<128xi32, #tpu.memory_space<hbm>>) dst(%arg10 : memref<128xi32, #tpu.memory_space<vmem>>)
      "tpu.region"() ({
        %run_scoped3A = tpu.sem_alloc : memref<!tpu.dma_semaphore, #tpu.memory_space<semaphore_mem>>
        %dma_start3A_711 = arith.constant 0 : i32
        %dma_start3A_712 = arith.constant 0 : i32
        %dma_start3A_713 = tpu.memref_slice %arg15[%dma_start3A_711, %dma_start3A_712] : memref<10112x128xf32, #tpu.memory_space<vmem_shared>> -> memref<10112x128xf32, #tpu.memory_space<vmem_shared>>
        tpu.enqueue_indirect_dma source(%arg13 : memref<128x128xf32, #tpu.memory_space<vmem>>) target(%dma_start3A_713 : memref<10112x128xf32, #tpu.memory_space<vmem_shared>>) offsets(%arg10 : memref<128xi32, #tpu.memory_space<vmem>>) semaphore(%run_scoped3A : memref<!tpu.dma_semaphore, #tpu.memory_space<semaphore_mem>>) {add = true}
        %dma_wait3A_714 = arith.constant 0 : i32
        %dma_wait3A_715 = arith.constant 0 : i32
        %dma_wait3A_716 = tpu.memref_slice %arg15[%dma_wait3A_714, %dma_wait3A_715] : memref<10112x128xf32, #tpu.memory_space<vmem_shared>> -> memref<10112x128xf32, #tpu.memory_space<vmem_shared>>
        tpu.wait_indirect_dma semaphore(%run_scoped3A : memref<!tpu.dma_semaphore, #tpu.memory_space<semaphore_mem>>) src(%arg13 : memref<128x128xf32, #tpu.memory_space<vmem>>) dst(%dma_wait3A_716 : memref<10112x128xf32, #tpu.memory_space<vmem_shared>>)
        tpu.yield
      }) : () -> ()
      %add3A_553 = arith.constant 1 : i32
      %add3A_554 = arith.addi %add3A_528, %add3A_553 : i32
      %add3A_555 = arith.constant 320000 : i32
      %add3A_556 = arith.addi %add3A_555, %mul3A_2 : i32
      %mul3A_557 = arith.constant 128 : i32
      %mul3A_558 = arith.muli %add3A_554, %mul3A_557 : i32
      %add3A_559 = arith.addi %add3A_556, %mul3A_558 : i32
      %dma_start3A_560 = tpu.memref_slice %arg3[%add3A_559] : memref<640000xi32, #tpu.memory_space<hbm>> -> memref<128xi32, #tpu.memory_space<hbm>>
      %dma_start3A_561 = tpu.memref_slice %arg3[%add3A_559] : memref<640000xi32, #tpu.memory_space<hbm>> -> memref<128xi32, #tpu.memory_space<hbm>>
      tpu.enqueue_dma source(%dma_start3A_561 : memref<128xi32, #tpu.memory_space<hbm>>) target(%arg9 : memref<128xi32, #tpu.memory_space<vmem>>) target_semaphore(%arg20 : memref<!tpu.dma_semaphore, #tpu.memory_space<semaphore_mem>>)
      %mul3A_562 = arith.constant 12 : i32
      %mul3A_563 = arith.muli %mul3A_562, %scan3A_264 : i32
      %add3A_564 = arith.constant 8 : i32
      %add3A_565 = arith.addi %mul3A_563, %add3A_564 : i32
      %dma_wait3A_566 = arith.constant 0 : i32
      %dma_wait3A_567 = arith.constant 0 : i32
      %dma_wait3A_568 = tpu.memref_slice %arg2[%dma_wait3A_566, %dma_wait3A_567] : memref<10000x128xf32, #tpu.memory_space<hbm>> -> memref<128x128xf32, #tpu.memory_space<hbm>>
      %dma_wait3A_569 = arith.constant 0 : i32
      %dma_wait3A_570 = arith.constant 0 : i32
      %dma_wait3A_571 = tpu.memref_slice %arg2[%dma_wait3A_569, %dma_wait3A_570] : memref<10000x128xf32, #tpu.memory_space<hbm>> -> memref<128x128xf32, #tpu.memory_space<hbm>>
      tpu.wait_dma2 semaphore(%arg24 : memref<!tpu.dma_semaphore, #tpu.memory_space<semaphore_mem>>) src(%dma_wait3A_571 : memref<128x128xf32, #tpu.memory_space<hbm>>) dst(%arg14 : memref<128x128xf32, #tpu.memory_space<vmem>>)
      %add3A_572 = arith.constant 4 : i32
      %add3A_573 = arith.addi %add3A_565, %add3A_572 : i32
      %mul3A_574 = arith.constant 128 : i32
      %mul3A_575 = arith.muli %add3A_573, %mul3A_574 : i32
      %add3A_576 = arith.addi %mul3A_2, %mul3A_575 : i32
      %dma_start3A_577 = tpu.memref_slice %arg3[%add3A_576] : memref<640000xi32, #tpu.memory_space<hbm>> -> memref<128xi32, #tpu.memory_space<hbm>>
      %dma_start3A_578 = tpu.memref_slice %arg3[%add3A_576] : memref<640000xi32, #tpu.memory_space<hbm>> -> memref<128xi32, #tpu.memory_space<hbm>>
      tpu.enqueue_dma source(%dma_start3A_578 : memref<128xi32, #tpu.memory_space<hbm>>) target(%arg5 : memref<128xi32, #tpu.memory_space<vmem>>) target_semaphore(%arg16 : memref<!tpu.dma_semaphore, #tpu.memory_space<semaphore_mem>>)
      %dma_wait3A_579 = arith.constant 0 : i32
      %dma_wait3A_580 = tpu.memref_slice %arg3[%dma_wait3A_579] : memref<640000xi32, #tpu.memory_space<hbm>> -> memref<128xi32, #tpu.memory_space<hbm>>
      %dma_wait3A_581 = arith.constant 0 : i32
      %dma_wait3A_582 = tpu.memref_slice %arg3[%dma_wait3A_581] : memref<640000xi32, #tpu.memory_space<hbm>> -> memref<128xi32, #tpu.memory_space<hbm>>
      tpu.wait_dma2 semaphore(%arg18 : memref<!tpu.dma_semaphore, #tpu.memory_space<semaphore_mem>>) src(%dma_wait3A_582 : memref<128xi32, #tpu.memory_space<hbm>>) dst(%arg7 : memref<128xi32, #tpu.memory_space<vmem>>)
      %dma_start3A_583 = arith.constant 0 : i32
      %dma_start3A_584 = arith.constant 0 : i32
      %dma_start3A_585 = tpu.memref_slice %arg2[%dma_start3A_583, %dma_start3A_584] : memref<10000x128xf32, #tpu.memory_space<hbm>> -> memref<10000x128xf32, #tpu.memory_space<hbm>>
      tpu.enqueue_indirect_dma source(%dma_start3A_585 : memref<10000x128xf32, #tpu.memory_space<hbm>>) target(%arg13 : memref<128x128xf32, #tpu.memory_space<vmem>>) offsets(%arg7 : memref<128xi32, #tpu.memory_space<vmem>>) semaphore(%arg23 : memref<!tpu.dma_semaphore, #tpu.memory_space<semaphore_mem>>)
      %dma_wait3A_586 = arith.constant 0 : i32
      %dma_wait3A_587 = tpu.memref_slice %arg3[%dma_wait3A_586] : memref<640000xi32, #tpu.memory_space<hbm>> -> memref<128xi32, #tpu.memory_space<hbm>>
      %dma_wait3A_588 = arith.constant 0 : i32
      %dma_wait3A_589 = tpu.memref_slice %arg3[%dma_wait3A_588] : memref<640000xi32, #tpu.memory_space<hbm>> -> memref<128xi32, #tpu.memory_space<hbm>>
      tpu.wait_dma2 semaphore(%arg20 : memref<!tpu.dma_semaphore, #tpu.memory_space<semaphore_mem>>) src(%dma_wait3A_589 : memref<128xi32, #tpu.memory_space<hbm>>) dst(%arg9 : memref<128xi32, #tpu.memory_space<vmem>>)
      "tpu.region"() ({
        %run_scoped3A = tpu.sem_alloc : memref<!tpu.dma_semaphore, #tpu.memory_space<semaphore_mem>>
        %dma_start3A_711 = arith.constant 0 : i32
        %dma_start3A_712 = arith.constant 0 : i32
        %dma_start3A_713 = tpu.memref_slice %arg15[%dma_start3A_711, %dma_start3A_712] : memref<10112x128xf32, #tpu.memory_space<vmem_shared>> -> memref<10112x128xf32, #tpu.memory_space<vmem_shared>>
        tpu.enqueue_indirect_dma source(%arg14 : memref<128x128xf32, #tpu.memory_space<vmem>>) target(%dma_start3A_713 : memref<10112x128xf32, #tpu.memory_space<vmem_shared>>) offsets(%arg9 : memref<128xi32, #tpu.memory_space<vmem>>) semaphore(%run_scoped3A : memref<!tpu.dma_semaphore, #tpu.memory_space<semaphore_mem>>) {add = true}
        %dma_wait3A_714 = arith.constant 0 : i32
        %dma_wait3A_715 = arith.constant 0 : i32
        %dma_wait3A_716 = tpu.memref_slice %arg15[%dma_wait3A_714, %dma_wait3A_715] : memref<10112x128xf32, #tpu.memory_space<vmem_shared>> -> memref<10112x128xf32, #tpu.memory_space<vmem_shared>>
        tpu.wait_indirect_dma semaphore(%run_scoped3A : memref<!tpu.dma_semaphore, #tpu.memory_space<semaphore_mem>>) src(%arg14 : memref<128x128xf32, #tpu.memory_space<vmem>>) dst(%dma_wait3A_716 : memref<10112x128xf32, #tpu.memory_space<vmem_shared>>)
        tpu.yield
      }) : () -> ()
      %add3A_590 = arith.constant 1 : i32
      %add3A_591 = arith.addi %add3A_565, %add3A_590 : i32
      %add3A_592 = arith.constant 320000 : i32
      %add3A_593 = arith.addi %add3A_592, %mul3A_2 : i32
      %mul3A_594 = arith.constant 128 : i32
      %mul3A_595 = arith.muli %add3A_591, %mul3A_594 : i32
      %add3A_596 = arith.addi %add3A_593, %mul3A_595 : i32
      %dma_start3A_597 = tpu.memref_slice %arg3[%add3A_596] : memref<640000xi32, #tpu.memory_space<hbm>> -> memref<128xi32, #tpu.memory_space<hbm>>
      %dma_start3A_598 = tpu.memref_slice %arg3[%add3A_596] : memref<640000xi32, #tpu.memory_space<hbm>> -> memref<128xi32, #tpu.memory_space<hbm>>
      tpu.enqueue_dma source(%dma_start3A_598 : memref<128xi32, #tpu.memory_space<hbm>>) target(%arg10 : memref<128xi32, #tpu.memory_space<vmem>>) target_semaphore(%arg21 : memref<!tpu.dma_semaphore, #tpu.memory_space<semaphore_mem>>)
      %mul3A_599 = arith.constant 12 : i32
      %mul3A_600 = arith.muli %mul3A_599, %scan3A_264 : i32
      %add3A_601 = arith.constant 9 : i32
      %add3A_602 = arith.addi %mul3A_600, %add3A_601 : i32
      %dma_wait3A_603 = arith.constant 0 : i32
      %dma_wait3A_604 = arith.constant 0 : i32
      %dma_wait3A_605 = tpu.memref_slice %arg2[%dma_wait3A_603, %dma_wait3A_604] : memref<10000x128xf32, #tpu.memory_space<hbm>> -> memref<128x128xf32, #tpu.memory_space<hbm>>
      %dma_wait3A_606 = arith.constant 0 : i32
      %dma_wait3A_607 = arith.constant 0 : i32
      %dma_wait3A_608 = tpu.memref_slice %arg2[%dma_wait3A_606, %dma_wait3A_607] : memref<10000x128xf32, #tpu.memory_space<hbm>> -> memref<128x128xf32, #tpu.memory_space<hbm>>
      tpu.wait_dma2 semaphore(%arg22 : memref<!tpu.dma_semaphore, #tpu.memory_space<semaphore_mem>>) src(%dma_wait3A_608 : memref<128x128xf32, #tpu.memory_space<hbm>>) dst(%arg12 : memref<128x128xf32, #tpu.memory_space<vmem>>)
      %add3A_609 = arith.constant 4 : i32
      %add3A_610 = arith.addi %add3A_602, %add3A_609 : i32
      %mul3A_611 = arith.constant 128 : i32
      %mul3A_612 = arith.muli %add3A_610, %mul3A_611 : i32
      %add3A_613 = arith.addi %mul3A_2, %mul3A_612 : i32
      %dma_start3A_614 = tpu.memref_slice %arg3[%add3A_613] : memref<640000xi32, #tpu.memory_space<hbm>> -> memref<128xi32, #tpu.memory_space<hbm>>
      %dma_start3A_615 = tpu.memref_slice %arg3[%add3A_613] : memref<640000xi32, #tpu.memory_space<hbm>> -> memref<128xi32, #tpu.memory_space<hbm>>
      tpu.enqueue_dma source(%dma_start3A_615 : memref<128xi32, #tpu.memory_space<hbm>>) target(%arg6 : memref<128xi32, #tpu.memory_space<vmem>>) target_semaphore(%arg17 : memref<!tpu.dma_semaphore, #tpu.memory_space<semaphore_mem>>)
      %dma_wait3A_616 = arith.constant 0 : i32
      %dma_wait3A_617 = tpu.memref_slice %arg3[%dma_wait3A_616] : memref<640000xi32, #tpu.memory_space<hbm>> -> memref<128xi32, #tpu.memory_space<hbm>>
      %dma_wait3A_618 = arith.constant 0 : i32
      %dma_wait3A_619 = tpu.memref_slice %arg3[%dma_wait3A_618] : memref<640000xi32, #tpu.memory_space<hbm>> -> memref<128xi32, #tpu.memory_space<hbm>>
      tpu.wait_dma2 semaphore(%arg19 : memref<!tpu.dma_semaphore, #tpu.memory_space<semaphore_mem>>) src(%dma_wait3A_619 : memref<128xi32, #tpu.memory_space<hbm>>) dst(%arg8 : memref<128xi32, #tpu.memory_space<vmem>>)
      %dma_start3A_620 = arith.constant 0 : i32
      %dma_start3A_621 = arith.constant 0 : i32
      %dma_start3A_622 = tpu.memref_slice %arg2[%dma_start3A_620, %dma_start3A_621] : memref<10000x128xf32, #tpu.memory_space<hbm>> -> memref<10000x128xf32, #tpu.memory_space<hbm>>
      tpu.enqueue_indirect_dma source(%dma_start3A_622 : memref<10000x128xf32, #tpu.memory_space<hbm>>) target(%arg14 : memref<128x128xf32, #tpu.memory_space<vmem>>) offsets(%arg8 : memref<128xi32, #tpu.memory_space<vmem>>) semaphore(%arg24 : memref<!tpu.dma_semaphore, #tpu.memory_space<semaphore_mem>>)
      %dma_wait3A_623 = arith.constant 0 : i32
      %dma_wait3A_624 = tpu.memref_slice %arg3[%dma_wait3A_623] : memref<640000xi32, #tpu.memory_space<hbm>> -> memref<128xi32, #tpu.memory_space<hbm>>
      %dma_wait3A_625 = arith.constant 0 : i32
      %dma_wait3A_626 = tpu.memref_slice %arg3[%dma_wait3A_625] : memref<640000xi32, #tpu.memory_space<hbm>> -> memref<128xi32, #tpu.memory_space<hbm>>
      tpu.wait_dma2 semaphore(%arg21 : memref<!tpu.dma_semaphore, #tpu.memory_space<semaphore_mem>>) src(%dma_wait3A_626 : memref<128xi32, #tpu.memory_space<hbm>>) dst(%arg10 : memref<128xi32, #tpu.memory_space<vmem>>)
      "tpu.region"() ({
        %run_scoped3A = tpu.sem_alloc : memref<!tpu.dma_semaphore, #tpu.memory_space<semaphore_mem>>
        %dma_start3A_711 = arith.constant 0 : i32
        %dma_start3A_712 = arith.constant 0 : i32
        %dma_start3A_713 = tpu.memref_slice %arg15[%dma_start3A_711, %dma_start3A_712] : memref<10112x128xf32, #tpu.memory_space<vmem_shared>> -> memref<10112x128xf32, #tpu.memory_space<vmem_shared>>
        tpu.enqueue_indirect_dma source(%arg12 : memref<128x128xf32, #tpu.memory_space<vmem>>) target(%dma_start3A_713 : memref<10112x128xf32, #tpu.memory_space<vmem_shared>>) offsets(%arg10 : memref<128xi32, #tpu.memory_space<vmem>>) semaphore(%run_scoped3A : memref<!tpu.dma_semaphore, #tpu.memory_space<semaphore_mem>>) {add = true}
        %dma_wait3A_714 = arith.constant 0 : i32
        %dma_wait3A_715 = arith.constant 0 : i32
        %dma_wait3A_716 = tpu.memref_slice %arg15[%dma_wait3A_714, %dma_wait3A_715] : memref<10112x128xf32, #tpu.memory_space<vmem_shared>> -> memref<10112x128xf32, #tpu.memory_space<vmem_shared>>
        tpu.wait_indirect_dma semaphore(%run_scoped3A : memref<!tpu.dma_semaphore, #tpu.memory_space<semaphore_mem>>) src(%arg12 : memref<128x128xf32, #tpu.memory_space<vmem>>) dst(%dma_wait3A_716 : memref<10112x128xf32, #tpu.memory_space<vmem_shared>>)
        tpu.yield
      }) : () -> ()
      %add3A_627 = arith.constant 1 : i32
      %add3A_628 = arith.addi %add3A_602, %add3A_627 : i32
      %add3A_629 = arith.constant 320000 : i32
      %add3A_630 = arith.addi %add3A_629, %mul3A_2 : i32
      %mul3A_631 = arith.constant 128 : i32
      %mul3A_632 = arith.muli %add3A_628, %mul3A_631 : i32
      %add3A_633 = arith.addi %add3A_630, %mul3A_632 : i32
      %dma_start3A_634 = tpu.memref_slice %arg3[%add3A_633] : memref<640000xi32, #tpu.memory_space<hbm>> -> memref<128xi32, #tpu.memory_space<hbm>>
      %dma_start3A_635 = tpu.memref_slice %arg3[%add3A_633] : memref<640000xi32, #tpu.memory_space<hbm>> -> memref<128xi32, #tpu.memory_space<hbm>>
      tpu.enqueue_dma source(%dma_start3A_635 : memref<128xi32, #tpu.memory_space<hbm>>) target(%arg9 : memref<128xi32, #tpu.memory_space<vmem>>) target_semaphore(%arg20 : memref<!tpu.dma_semaphore, #tpu.memory_space<semaphore_mem>>)
      %mul3A_636 = arith.constant 12 : i32
      %mul3A_637 = arith.muli %mul3A_636, %scan3A_264 : i32
      %add3A_638 = arith.constant 10 : i32
      %add3A_639 = arith.addi %mul3A_637, %add3A_638 : i32
      %dma_wait3A_640 = arith.constant 0 : i32
      %dma_wait3A_641 = arith.constant 0 : i32
      %dma_wait3A_642 = tpu.memref_slice %arg2[%dma_wait3A_640, %dma_wait3A_641] : memref<10000x128xf32, #tpu.memory_space<hbm>> -> memref<128x128xf32, #tpu.memory_space<hbm>>
      %dma_wait3A_643 = arith.constant 0 : i32
      %dma_wait3A_644 = arith.constant 0 : i32
      %dma_wait3A_645 = tpu.memref_slice %arg2[%dma_wait3A_643, %dma_wait3A_644] : memref<10000x128xf32, #tpu.memory_space<hbm>> -> memref<128x128xf32, #tpu.memory_space<hbm>>
      tpu.wait_dma2 semaphore(%arg23 : memref<!tpu.dma_semaphore, #tpu.memory_space<semaphore_mem>>) src(%dma_wait3A_645 : memref<128x128xf32, #tpu.memory_space<hbm>>) dst(%arg13 : memref<128x128xf32, #tpu.memory_space<vmem>>)
      %add3A_646 = arith.constant 4 : i32
      %add3A_647 = arith.addi %add3A_639, %add3A_646 : i32
      %mul3A_648 = arith.constant 128 : i32
      %mul3A_649 = arith.muli %add3A_647, %mul3A_648 : i32
      %add3A_650 = arith.addi %mul3A_2, %mul3A_649 : i32
      %dma_start3A_651 = tpu.memref_slice %arg3[%add3A_650] : memref<640000xi32, #tpu.memory_space<hbm>> -> memref<128xi32, #tpu.memory_space<hbm>>
      %dma_start3A_652 = tpu.memref_slice %arg3[%add3A_650] : memref<640000xi32, #tpu.memory_space<hbm>> -> memref<128xi32, #tpu.memory_space<hbm>>
      tpu.enqueue_dma source(%dma_start3A_652 : memref<128xi32, #tpu.memory_space<hbm>>) target(%arg7 : memref<128xi32, #tpu.memory_space<vmem>>) target_semaphore(%arg18 : memref<!tpu.dma_semaphore, #tpu.memory_space<semaphore_mem>>)
      %dma_wait3A_653 = arith.constant 0 : i32
      %dma_wait3A_654 = tpu.memref_slice %arg3[%dma_wait3A_653] : memref<640000xi32, #tpu.memory_space<hbm>> -> memref<128xi32, #tpu.memory_space<hbm>>
      %dma_wait3A_655 = arith.constant 0 : i32
      %dma_wait3A_656 = tpu.memref_slice %arg3[%dma_wait3A_655] : memref<640000xi32, #tpu.memory_space<hbm>> -> memref<128xi32, #tpu.memory_space<hbm>>
      tpu.wait_dma2 semaphore(%arg16 : memref<!tpu.dma_semaphore, #tpu.memory_space<semaphore_mem>>) src(%dma_wait3A_656 : memref<128xi32, #tpu.memory_space<hbm>>) dst(%arg5 : memref<128xi32, #tpu.memory_space<vmem>>)
      %dma_start3A_657 = arith.constant 0 : i32
      %dma_start3A_658 = arith.constant 0 : i32
      %dma_start3A_659 = tpu.memref_slice %arg2[%dma_start3A_657, %dma_start3A_658] : memref<10000x128xf32, #tpu.memory_space<hbm>> -> memref<10000x128xf32, #tpu.memory_space<hbm>>
      tpu.enqueue_indirect_dma source(%dma_start3A_659 : memref<10000x128xf32, #tpu.memory_space<hbm>>) target(%arg12 : memref<128x128xf32, #tpu.memory_space<vmem>>) offsets(%arg5 : memref<128xi32, #tpu.memory_space<vmem>>) semaphore(%arg22 : memref<!tpu.dma_semaphore, #tpu.memory_space<semaphore_mem>>)
      %dma_wait3A_660 = arith.constant 0 : i32
      %dma_wait3A_661 = tpu.memref_slice %arg3[%dma_wait3A_660] : memref<640000xi32, #tpu.memory_space<hbm>> -> memref<128xi32, #tpu.memory_space<hbm>>
      %dma_wait3A_662 = arith.constant 0 : i32
      %dma_wait3A_663 = tpu.memref_slice %arg3[%dma_wait3A_662] : memref<640000xi32, #tpu.memory_space<hbm>> -> memref<128xi32, #tpu.memory_space<hbm>>
      tpu.wait_dma2 semaphore(%arg20 : memref<!tpu.dma_semaphore, #tpu.memory_space<semaphore_mem>>) src(%dma_wait3A_663 : memref<128xi32, #tpu.memory_space<hbm>>) dst(%arg9 : memref<128xi32, #tpu.memory_space<vmem>>)
      "tpu.region"() ({
        %run_scoped3A = tpu.sem_alloc : memref<!tpu.dma_semaphore, #tpu.memory_space<semaphore_mem>>
        %dma_start3A_711 = arith.constant 0 : i32
        %dma_start3A_712 = arith.constant 0 : i32
        %dma_start3A_713 = tpu.memref_slice %arg15[%dma_start3A_711, %dma_start3A_712] : memref<10112x128xf32, #tpu.memory_space<vmem_shared>> -> memref<10112x128xf32, #tpu.memory_space<vmem_shared>>
        tpu.enqueue_indirect_dma source(%arg13 : memref<128x128xf32, #tpu.memory_space<vmem>>) target(%dma_start3A_713 : memref<10112x128xf32, #tpu.memory_space<vmem_shared>>) offsets(%arg9 : memref<128xi32, #tpu.memory_space<vmem>>) semaphore(%run_scoped3A : memref<!tpu.dma_semaphore, #tpu.memory_space<semaphore_mem>>) {add = true}
        %dma_wait3A_714 = arith.constant 0 : i32
        %dma_wait3A_715 = arith.constant 0 : i32
        %dma_wait3A_716 = tpu.memref_slice %arg15[%dma_wait3A_714, %dma_wait3A_715] : memref<10112x128xf32, #tpu.memory_space<vmem_shared>> -> memref<10112x128xf32, #tpu.memory_space<vmem_shared>>
        tpu.wait_indirect_dma semaphore(%run_scoped3A : memref<!tpu.dma_semaphore, #tpu.memory_space<semaphore_mem>>) src(%arg13 : memref<128x128xf32, #tpu.memory_space<vmem>>) dst(%dma_wait3A_716 : memref<10112x128xf32, #tpu.memory_space<vmem_shared>>)
        tpu.yield
      }) : () -> ()
      %add3A_664 = arith.constant 1 : i32
      %add3A_665 = arith.addi %add3A_639, %add3A_664 : i32
      %add3A_666 = arith.constant 320000 : i32
      %add3A_667 = arith.addi %add3A_666, %mul3A_2 : i32
      %mul3A_668 = arith.constant 128 : i32
      %mul3A_669 = arith.muli %add3A_665, %mul3A_668 : i32
      %add3A_670 = arith.addi %add3A_667, %mul3A_669 : i32
      %dma_start3A_671 = tpu.memref_slice %arg3[%add3A_670] : memref<640000xi32, #tpu.memory_space<hbm>> -> memref<128xi32, #tpu.memory_space<hbm>>
      %dma_start3A_672 = tpu.memref_slice %arg3[%add3A_670] : memref<640000xi32, #tpu.memory_space<hbm>> -> memref<128xi32, #tpu.memory_space<hbm>>
      tpu.enqueue_dma source(%dma_start3A_672 : memref<128xi32, #tpu.memory_space<hbm>>) target(%arg10 : memref<128xi32, #tpu.memory_space<vmem>>) target_semaphore(%arg21 : memref<!tpu.dma_semaphore, #tpu.memory_space<semaphore_mem>>)
      %mul3A_673 = arith.constant 12 : i32
      %mul3A_674 = arith.muli %mul3A_673, %scan3A_264 : i32
      %add3A_675 = arith.constant 11 : i32
      %add3A_676 = arith.addi %mul3A_674, %add3A_675 : i32
      %dma_wait3A_677 = arith.constant 0 : i32
      %dma_wait3A_678 = arith.constant 0 : i32
      %dma_wait3A_679 = tpu.memref_slice %arg2[%dma_wait3A_677, %dma_wait3A_678] : memref<10000x128xf32, #tpu.memory_space<hbm>> -> memref<128x128xf32, #tpu.memory_space<hbm>>
      %dma_wait3A_680 = arith.constant 0 : i32
      %dma_wait3A_681 = arith.constant 0 : i32
      %dma_wait3A_682 = tpu.memref_slice %arg2[%dma_wait3A_680, %dma_wait3A_681] : memref<10000x128xf32, #tpu.memory_space<hbm>> -> memref<128x128xf32, #tpu.memory_space<hbm>>
      tpu.wait_dma2 semaphore(%arg24 : memref<!tpu.dma_semaphore, #tpu.memory_space<semaphore_mem>>) src(%dma_wait3A_682 : memref<128x128xf32, #tpu.memory_space<hbm>>) dst(%arg14 : memref<128x128xf32, #tpu.memory_space<vmem>>)
      %add3A_683 = arith.constant 4 : i32
      %add3A_684 = arith.addi %add3A_676, %add3A_683 : i32
      %mul3A_685 = arith.constant 128 : i32
      %mul3A_686 = arith.muli %add3A_684, %mul3A_685 : i32
      %add3A_687 = arith.addi %mul3A_2, %mul3A_686 : i32
      %dma_start3A_688 = tpu.memref_slice %arg3[%add3A_687] : memref<640000xi32, #tpu.memory_space<hbm>> -> memref<128xi32, #tpu.memory_space<hbm>>
      %dma_start3A_689 = tpu.memref_slice %arg3[%add3A_687] : memref<640000xi32, #tpu.memory_space<hbm>> -> memref<128xi32, #tpu.memory_space<hbm>>
      tpu.enqueue_dma source(%dma_start3A_689 : memref<128xi32, #tpu.memory_space<hbm>>) target(%arg8 : memref<128xi32, #tpu.memory_space<vmem>>) target_semaphore(%arg19 : memref<!tpu.dma_semaphore, #tpu.memory_space<semaphore_mem>>)
      %dma_wait3A_690 = arith.constant 0 : i32
      %dma_wait3A_691 = tpu.memref_slice %arg3[%dma_wait3A_690] : memref<640000xi32, #tpu.memory_space<hbm>> -> memref<128xi32, #tpu.memory_space<hbm>>
      %dma_wait3A_692 = arith.constant 0 : i32
      %dma_wait3A_693 = tpu.memref_slice %arg3[%dma_wait3A_692] : memref<640000xi32, #tpu.memory_space<hbm>> -> memref<128xi32, #tpu.memory_space<hbm>>
      tpu.wait_dma2 semaphore(%arg17 : memref<!tpu.dma_semaphore, #tpu.memory_space<semaphore_mem>>) src(%dma_wait3A_693 : memref<128xi32, #tpu.memory_space<hbm>>) dst(%arg6 : memref<128xi32, #tpu.memory_space<vmem>>)
      %dma_start3A_694 = arith.constant 0 : i32
      %dma_start3A_695 = arith.constant 0 : i32
      %dma_start3A_696 = tpu.memref_slice %arg2[%dma_start3A_694, %dma_start3A_695] : memref<10000x128xf32, #tpu.memory_space<hbm>> -> memref<10000x128xf32, #tpu.memory_space<hbm>>
      tpu.enqueue_indirect_dma source(%dma_start3A_696 : memref<10000x128xf32, #tpu.memory_space<hbm>>) target(%arg13 : memref<128x128xf32, #tpu.memory_space<vmem>>) offsets(%arg6 : memref<128xi32, #tpu.memory_space<vmem>>) semaphore(%arg23 : memref<!tpu.dma_semaphore, #tpu.memory_space<semaphore_mem>>)
      %dma_wait3A_697 = arith.constant 0 : i32
      %dma_wait3A_698 = tpu.memref_slice %arg3[%dma_wait3A_697] : memref<640000xi32, #tpu.memory_space<hbm>> -> memref<128xi32, #tpu.memory_space<hbm>>
      %dma_wait3A_699 = arith.constant 0 : i32
      %dma_wait3A_700 = tpu.memref_slice %arg3[%dma_wait3A_699] : memref<640000xi32, #tpu.memory_space<hbm>> -> memref<128xi32, #tpu.memory_space<hbm>>
      tpu.wait_dma2 semaphore(%arg21 : memref<!tpu.dma_semaphore, #tpu.memory_space<semaphore_mem>>) src(%dma_wait3A_700 : memref<128xi32, #tpu.memory_space<hbm>>) dst(%arg10 : memref<128xi32, #tpu.memory_space<vmem>>)
      "tpu.region"() ({
        %run_scoped3A = tpu.sem_alloc : memref<!tpu.dma_semaphore, #tpu.memory_space<semaphore_mem>>
        %dma_start3A_711 = arith.constant 0 : i32
        %dma_start3A_712 = arith.constant 0 : i32
        %dma_start3A_713 = tpu.memref_slice %arg15[%dma_start3A_711, %dma_start3A_712] : memref<10112x128xf32, #tpu.memory_space<vmem_shared>> -> memref<10112x128xf32, #tpu.memory_space<vmem_shared>>
        tpu.enqueue_indirect_dma source(%arg14 : memref<128x128xf32, #tpu.memory_space<vmem>>) target(%dma_start3A_713 : memref<10112x128xf32, #tpu.memory_space<vmem_shared>>) offsets(%arg10 : memref<128xi32, #tpu.memory_space<vmem>>) semaphore(%run_scoped3A : memref<!tpu.dma_semaphore, #tpu.memory_space<semaphore_mem>>) {add = true}
        %dma_wait3A_714 = arith.constant 0 : i32
        %dma_wait3A_715 = arith.constant 0 : i32
        %dma_wait3A_716 = tpu.memref_slice %arg15[%dma_wait3A_714, %dma_wait3A_715] : memref<10112x128xf32, #tpu.memory_space<vmem_shared>> -> memref<10112x128xf32, #tpu.memory_space<vmem_shared>>
        tpu.wait_indirect_dma semaphore(%run_scoped3A : memref<!tpu.dma_semaphore, #tpu.memory_space<semaphore_mem>>) src(%arg14 : memref<128x128xf32, #tpu.memory_space<vmem>>) dst(%dma_wait3A_716 : memref<10112x128xf32, #tpu.memory_space<vmem_shared>>)
        tpu.yield
      }) : () -> ()
      %add3A_701 = arith.constant 1 : i32
      %add3A_702 = arith.addi %add3A_676, %add3A_701 : i32
      %add3A_703 = arith.constant 320000 : i32
      %add3A_704 = arith.addi %add3A_703, %mul3A_2 : i32
      %mul3A_705 = arith.constant 128 : i32
      %mul3A_706 = arith.muli %add3A_702, %mul3A_705 : i32
      %add3A_707 = arith.addi %add3A_704, %mul3A_706 : i32
      %dma_start3A_708 = tpu.memref_slice %arg3[%add3A_707] : memref<640000xi32, #tpu.memory_space<hbm>> -> memref<128xi32, #tpu.memory_space<hbm>>
      %dma_start3A_709 = tpu.memref_slice %arg3[%add3A_707] : memref<640000xi32, #tpu.memory_space<hbm>> -> memref<128xi32, #tpu.memory_space<hbm>>
      tpu.enqueue_dma source(%dma_start3A_709 : memref<128xi32, #tpu.memory_space<hbm>>) target(%arg9 : memref<128xi32, #tpu.memory_space<vmem>>) target_semaphore(%arg20 : memref<!tpu.dma_semaphore, #tpu.memory_space<semaphore_mem>>)
      %scan3A_710 = arith.constant 0 : i32
      scf.yield %scan3A_710 : i32
    }
    %scan3A_90 = arith.constant 6 : i32
    %dma_wait3A_91 = arith.constant 0 : i32
    %dma_wait3A_92 = arith.constant 0 : i32
    %dma_wait3A_93 = tpu.memref_slice %arg2[%dma_wait3A_91, %dma_wait3A_92] : memref<10000x128xf32, #tpu.memory_space<hbm>> -> memref<128x128xf32, #tpu.memory_space<hbm>>
    %dma_wait3A_94 = arith.constant 0 : i32
    %dma_wait3A_95 = arith.constant 0 : i32
    %dma_wait3A_96 = tpu.memref_slice %arg2[%dma_wait3A_94, %dma_wait3A_95] : memref<10000x128xf32, #tpu.memory_space<hbm>> -> memref<128x128xf32, #tpu.memory_space<hbm>>
    tpu.wait_dma2 semaphore(%arg22 : memref<!tpu.dma_semaphore, #tpu.memory_space<semaphore_mem>>) src(%dma_wait3A_96 : memref<128x128xf32, #tpu.memory_space<hbm>>) dst(%arg12 : memref<128x128xf32, #tpu.memory_space<vmem>>)
    %add3A_97 = arith.constant 9728 : i32
    %add3A_98 = arith.addi %mul3A_2, %add3A_97 : i32
    %dma_start3A_99 = tpu.memref_slice %arg3[%add3A_98] : memref<640000xi32, #tpu.memory_space<hbm>> -> memref<128xi32, #tpu.memory_space<hbm>>
    %dma_start3A_100 = tpu.memref_slice %arg3[%add3A_98] : memref<640000xi32, #tpu.memory_space<hbm>> -> memref<128xi32, #tpu.memory_space<hbm>>
    tpu.enqueue_dma source(%dma_start3A_100 : memref<128xi32, #tpu.memory_space<hbm>>) target(%arg5 : memref<128xi32, #tpu.memory_space<vmem>>) target_semaphore(%arg16 : memref<!tpu.dma_semaphore, #tpu.memory_space<semaphore_mem>>)
    %dma_wait3A_101 = arith.constant 0 : i32
    %dma_wait3A_102 = tpu.memref_slice %arg3[%dma_wait3A_101] : memref<640000xi32, #tpu.memory_space<hbm>> -> memref<128xi32, #tpu.memory_space<hbm>>
    %dma_wait3A_103 = arith.constant 0 : i32
    %dma_wait3A_104 = tpu.memref_slice %arg3[%dma_wait3A_103] : memref<640000xi32, #tpu.memory_space<hbm>> -> memref<128xi32, #tpu.memory_space<hbm>>
    tpu.wait_dma2 semaphore(%arg18 : memref<!tpu.dma_semaphore, #tpu.memory_space<semaphore_mem>>) src(%dma_wait3A_104 : memref<128xi32, #tpu.memory_space<hbm>>) dst(%arg7 : memref<128xi32, #tpu.memory_space<vmem>>)
    %dma_start3A_105 = arith.constant 0 : i32
    %dma_start3A_106 = arith.constant 0 : i32
    %dma_start3A_107 = tpu.memref_slice %arg2[%dma_start3A_105, %dma_start3A_106] : memref<10000x128xf32, #tpu.memory_space<hbm>> -> memref<10000x128xf32, #tpu.memory_space<hbm>>
    tpu.enqueue_indirect_dma source(%dma_start3A_107 : memref<10000x128xf32, #tpu.memory_space<hbm>>) target(%arg14 : memref<128x128xf32, #tpu.memory_space<vmem>>) offsets(%arg7 : memref<128xi32, #tpu.memory_space<vmem>>) semaphore(%arg24 : memref<!tpu.dma_semaphore, #tpu.memory_space<semaphore_mem>>)
    %dma_wait3A_108 = arith.constant 0 : i32
    %dma_wait3A_109 = tpu.memref_slice %arg3[%dma_wait3A_108] : memref<640000xi32, #tpu.memory_space<hbm>> -> memref<128xi32, #tpu.memory_space<hbm>>
    %dma_wait3A_110 = arith.constant 0 : i32
    %dma_wait3A_111 = tpu.memref_slice %arg3[%dma_wait3A_110] : memref<640000xi32, #tpu.memory_space<hbm>> -> memref<128xi32, #tpu.memory_space<hbm>>
    tpu.wait_dma2 semaphore(%arg20 : memref<!tpu.dma_semaphore, #tpu.memory_space<semaphore_mem>>) src(%dma_wait3A_111 : memref<128xi32, #tpu.memory_space<hbm>>) dst(%arg9 : memref<128xi32, #tpu.memory_space<vmem>>)
    "tpu.region"() ({
      %run_scoped3A = tpu.sem_alloc : memref<!tpu.dma_semaphore, #tpu.memory_space<semaphore_mem>>
      %dma_start3A_264 = arith.constant 0 : i32
      %dma_start3A_265 = arith.constant 0 : i32
      %dma_start3A_266 = tpu.memref_slice %arg15[%dma_start3A_264, %dma_start3A_265] : memref<10112x128xf32, #tpu.memory_space<vmem_shared>> -> memref<10112x128xf32, #tpu.memory_space<vmem_shared>>
      tpu.enqueue_indirect_dma source(%arg12 : memref<128x128xf32, #tpu.memory_space<vmem>>) target(%dma_start3A_266 : memref<10112x128xf32, #tpu.memory_space<vmem_shared>>) offsets(%arg9 : memref<128xi32, #tpu.memory_space<vmem>>) semaphore(%run_scoped3A : memref<!tpu.dma_semaphore, #tpu.memory_space<semaphore_mem>>) {add = true}
      %dma_wait3A_267 = arith.constant 0 : i32
      %dma_wait3A_268 = arith.constant 0 : i32
      %dma_wait3A_269 = tpu.memref_slice %arg15[%dma_wait3A_267, %dma_wait3A_268] : memref<10112x128xf32, #tpu.memory_space<vmem_shared>> -> memref<10112x128xf32, #tpu.memory_space<vmem_shared>>
      tpu.wait_indirect_dma semaphore(%run_scoped3A : memref<!tpu.dma_semaphore, #tpu.memory_space<semaphore_mem>>) src(%arg12 : memref<128x128xf32, #tpu.memory_space<vmem>>) dst(%dma_wait3A_269 : memref<10112x128xf32, #tpu.memory_space<vmem_shared>>)
      tpu.yield
    }) : () -> ()
    %add3A_112 = arith.constant 320000 : i32
    %add3A_113 = arith.addi %add3A_112, %mul3A_2 : i32
    %add3A_114 = arith.constant 9344 : i32
    %add3A_115 = arith.addi %add3A_113, %add3A_114 : i32
    %dma_start3A_116 = tpu.memref_slice %arg3[%add3A_115] : memref<640000xi32, #tpu.memory_space<hbm>> -> memref<128xi32, #tpu.memory_space<hbm>>
    %dma_start3A_117 = tpu.memref_slice %arg3[%add3A_115] : memref<640000xi32, #tpu.memory_space<hbm>> -> memref<128xi32, #tpu.memory_space<hbm>>
    tpu.enqueue_dma source(%dma_start3A_117 : memref<128xi32, #tpu.memory_space<hbm>>) target(%arg10 : memref<128xi32, #tpu.memory_space<vmem>>) target_semaphore(%arg21 : memref<!tpu.dma_semaphore, #tpu.memory_space<semaphore_mem>>)
    %dma_wait3A_118 = arith.constant 0 : i32
    %dma_wait3A_119 = arith.constant 0 : i32
    %dma_wait3A_120 = tpu.memref_slice %arg2[%dma_wait3A_118, %dma_wait3A_119] : memref<10000x128xf32, #tpu.memory_space<hbm>> -> memref<128x128xf32, #tpu.memory_space<hbm>>
    %dma_wait3A_121 = arith.constant 0 : i32
    %dma_wait3A_122 = arith.constant 0 : i32
    %dma_wait3A_123 = tpu.memref_slice %arg2[%dma_wait3A_121, %dma_wait3A_122] : memref<10000x128xf32, #tpu.memory_space<hbm>> -> memref<128x128xf32, #tpu.memory_space<hbm>>
    tpu.wait_dma2 semaphore(%arg23 : memref<!tpu.dma_semaphore, #tpu.memory_space<semaphore_mem>>) src(%dma_wait3A_123 : memref<128x128xf32, #tpu.memory_space<hbm>>) dst(%arg13 : memref<128x128xf32, #tpu.memory_space<vmem>>)
    %add3A_124 = arith.constant 9856 : i32
    %add3A_125 = arith.addi %mul3A_2, %add3A_124 : i32
    %dma_start3A_126 = tpu.memref_slice %arg3[%add3A_125] : memref<640000xi32, #tpu.memory_space<hbm>> -> memref<128xi32, #tpu.memory_space<hbm>>
    %dma_start3A_127 = tpu.memref_slice %arg3[%add3A_125] : memref<640000xi32, #tpu.memory_space<hbm>> -> memref<128xi32, #tpu.memory_space<hbm>>
    tpu.enqueue_dma source(%dma_start3A_127 : memref<128xi32, #tpu.memory_space<hbm>>) target(%arg6 : memref<128xi32, #tpu.memory_space<vmem>>) target_semaphore(%arg17 : memref<!tpu.dma_semaphore, #tpu.memory_space<semaphore_mem>>)
    %dma_wait3A_128 = arith.constant 0 : i32
    %dma_wait3A_129 = tpu.memref_slice %arg3[%dma_wait3A_128] : memref<640000xi32, #tpu.memory_space<hbm>> -> memref<128xi32, #tpu.memory_space<hbm>>
    %dma_wait3A_130 = arith.constant 0 : i32
    %dma_wait3A_131 = tpu.memref_slice %arg3[%dma_wait3A_130] : memref<640000xi32, #tpu.memory_space<hbm>> -> memref<128xi32, #tpu.memory_space<hbm>>
    tpu.wait_dma2 semaphore(%arg19 : memref<!tpu.dma_semaphore, #tpu.memory_space<semaphore_mem>>) src(%dma_wait3A_131 : memref<128xi32, #tpu.memory_space<hbm>>) dst(%arg8 : memref<128xi32, #tpu.memory_space<vmem>>)
    %dma_start3A_132 = arith.constant 0 : i32
    %dma_start3A_133 = arith.constant 0 : i32
    %dma_start3A_134 = tpu.memref_slice %arg2[%dma_start3A_132, %dma_start3A_133] : memref<10000x128xf32, #tpu.memory_space<hbm>> -> memref<10000x128xf32, #tpu.memory_space<hbm>>
    tpu.enqueue_indirect_dma source(%dma_start3A_134 : memref<10000x128xf32, #tpu.memory_space<hbm>>) target(%arg12 : memref<128x128xf32, #tpu.memory_space<vmem>>) offsets(%arg8 : memref<128xi32, #tpu.memory_space<vmem>>) semaphore(%arg22 : memref<!tpu.dma_semaphore, #tpu.memory_space<semaphore_mem>>)
    %dma_wait3A_135 = arith.constant 0 : i32
    %dma_wait3A_136 = tpu.memref_slice %arg3[%dma_wait3A_135] : memref<640000xi32, #tpu.memory_space<hbm>> -> memref<128xi32, #tpu.memory_space<hbm>>
    %dma_wait3A_137 = arith.constant 0 : i32
    %dma_wait3A_138 = tpu.memref_slice %arg3[%dma_wait3A_137] : memref<640000xi32, #tpu.memory_space<hbm>> -> memref<128xi32, #tpu.memory_space<hbm>>
    tpu.wait_dma2 semaphore(%arg21 : memref<!tpu.dma_semaphore, #tpu.memory_space<semaphore_mem>>) src(%dma_wait3A_138 : memref<128xi32, #tpu.memory_space<hbm>>) dst(%arg10 : memref<128xi32, #tpu.memory_space<vmem>>)
    "tpu.region"() ({
      %run_scoped3A = tpu.sem_alloc : memref<!tpu.dma_semaphore, #tpu.memory_space<semaphore_mem>>
      %dma_start3A_264 = arith.constant 0 : i32
      %dma_start3A_265 = arith.constant 0 : i32
      %dma_start3A_266 = tpu.memref_slice %arg15[%dma_start3A_264, %dma_start3A_265] : memref<10112x128xf32, #tpu.memory_space<vmem_shared>> -> memref<10112x128xf32, #tpu.memory_space<vmem_shared>>
      tpu.enqueue_indirect_dma source(%arg13 : memref<128x128xf32, #tpu.memory_space<vmem>>) target(%dma_start3A_266 : memref<10112x128xf32, #tpu.memory_space<vmem_shared>>) offsets(%arg10 : memref<128xi32, #tpu.memory_space<vmem>>) semaphore(%run_scoped3A : memref<!tpu.dma_semaphore, #tpu.memory_space<semaphore_mem>>) {add = true}
      %dma_wait3A_267 = arith.constant 0 : i32
      %dma_wait3A_268 = arith.constant 0 : i32
      %dma_wait3A_269 = tpu.memref_slice %arg15[%dma_wait3A_267, %dma_wait3A_268] : memref<10112x128xf32, #tpu.memory_space<vmem_shared>> -> memref<10112x128xf32, #tpu.memory_space<vmem_shared>>
      tpu.wait_indirect_dma semaphore(%run_scoped3A : memref<!tpu.dma_semaphore, #tpu.memory_space<semaphore_mem>>) src(%arg13 : memref<128x128xf32, #tpu.memory_space<vmem>>) dst(%dma_wait3A_269 : memref<10112x128xf32, #tpu.memory_space<vmem_shared>>)
      tpu.yield
    }) : () -> ()
    %add3A_139 = arith.constant 320000 : i32
    %add3A_140 = arith.addi %add3A_139, %mul3A_2 : i32
    %add3A_141 = arith.constant 9472 : i32
    %add3A_142 = arith.addi %add3A_140, %add3A_141 : i32
    %dma_start3A_143 = tpu.memref_slice %arg3[%add3A_142] : memref<640000xi32, #tpu.memory_space<hbm>> -> memref<128xi32, #tpu.memory_space<hbm>>
    %dma_start3A_144 = tpu.memref_slice %arg3[%add3A_142] : memref<640000xi32, #tpu.memory_space<hbm>> -> memref<128xi32, #tpu.memory_space<hbm>>
    tpu.enqueue_dma source(%dma_start3A_144 : memref<128xi32, #tpu.memory_space<hbm>>) target(%arg9 : memref<128xi32, #tpu.memory_space<vmem>>) target_semaphore(%arg20 : memref<!tpu.dma_semaphore, #tpu.memory_space<semaphore_mem>>)
    %dma_wait3A_145 = arith.constant 0 : i32
    %dma_wait3A_146 = arith.constant 0 : i32
    %dma_wait3A_147 = tpu.memref_slice %arg2[%dma_wait3A_145, %dma_wait3A_146] : memref<10000x128xf32, #tpu.memory_space<hbm>> -> memref<128x128xf32, #tpu.memory_space<hbm>>
    %dma_wait3A_148 = arith.constant 0 : i32
    %dma_wait3A_149 = arith.constant 0 : i32
    %dma_wait3A_150 = tpu.memref_slice %arg2[%dma_wait3A_148, %dma_wait3A_149] : memref<10000x128xf32, #tpu.memory_space<hbm>> -> memref<128x128xf32, #tpu.memory_space<hbm>>
    tpu.wait_dma2 semaphore(%arg24 : memref<!tpu.dma_semaphore, #tpu.memory_space<semaphore_mem>>) src(%dma_wait3A_150 : memref<128x128xf32, #tpu.memory_space<hbm>>) dst(%arg14 : memref<128x128xf32, #tpu.memory_space<vmem>>)
    %dma_wait3A_151 = arith.constant 0 : i32
    %dma_wait3A_152 = tpu.memref_slice %arg3[%dma_wait3A_151] : memref<640000xi32, #tpu.memory_space<hbm>> -> memref<128xi32, #tpu.memory_space<hbm>>
    %dma_wait3A_153 = arith.constant 0 : i32
    %dma_wait3A_154 = tpu.memref_slice %arg3[%dma_wait3A_153] : memref<640000xi32, #tpu.memory_space<hbm>> -> memref<128xi32, #tpu.memory_space<hbm>>
    tpu.wait_dma2 semaphore(%arg16 : memref<!tpu.dma_semaphore, #tpu.memory_space<semaphore_mem>>) src(%dma_wait3A_154 : memref<128xi32, #tpu.memory_space<hbm>>) dst(%arg5 : memref<128xi32, #tpu.memory_space<vmem>>)
    %dma_start3A_155 = arith.constant 0 : i32
    %dma_start3A_156 = arith.constant 0 : i32
    %dma_start3A_157 = tpu.memref_slice %arg2[%dma_start3A_155, %dma_start3A_156] : memref<10000x128xf32, #tpu.memory_space<hbm>> -> memref<10000x128xf32, #tpu.memory_space<hbm>>
    tpu.enqueue_indirect_dma source(%dma_start3A_157 : memref<10000x128xf32, #tpu.memory_space<hbm>>) target(%arg13 : memref<128x128xf32, #tpu.memory_space<vmem>>) offsets(%arg5 : memref<128xi32, #tpu.memory_space<vmem>>) semaphore(%arg23 : memref<!tpu.dma_semaphore, #tpu.memory_space<semaphore_mem>>)
    %dma_wait3A_158 = arith.constant 0 : i32
    %dma_wait3A_159 = tpu.memref_slice %arg3[%dma_wait3A_158] : memref<640000xi32, #tpu.memory_space<hbm>> -> memref<128xi32, #tpu.memory_space<hbm>>
    %dma_wait3A_160 = arith.constant 0 : i32
    %dma_wait3A_161 = tpu.memref_slice %arg3[%dma_wait3A_160] : memref<640000xi32, #tpu.memory_space<hbm>> -> memref<128xi32, #tpu.memory_space<hbm>>
    tpu.wait_dma2 semaphore(%arg20 : memref<!tpu.dma_semaphore, #tpu.memory_space<semaphore_mem>>) src(%dma_wait3A_161 : memref<128xi32, #tpu.memory_space<hbm>>) dst(%arg9 : memref<128xi32, #tpu.memory_space<vmem>>)
    "tpu.region"() ({
      %run_scoped3A = tpu.sem_alloc : memref<!tpu.dma_semaphore, #tpu.memory_space<semaphore_mem>>
      %dma_start3A_264 = arith.constant 0 : i32
      %dma_start3A_265 = arith.constant 0 : i32
      %dma_start3A_266 = tpu.memref_slice %arg15[%dma_start3A_264, %dma_start3A_265] : memref<10112x128xf32, #tpu.memory_space<vmem_shared>> -> memref<10112x128xf32, #tpu.memory_space<vmem_shared>>
      tpu.enqueue_indirect_dma source(%arg14 : memref<128x128xf32, #tpu.memory_space<vmem>>) target(%dma_start3A_266 : memref<10112x128xf32, #tpu.memory_space<vmem_shared>>) offsets(%arg9 : memref<128xi32, #tpu.memory_space<vmem>>) semaphore(%run_scoped3A : memref<!tpu.dma_semaphore, #tpu.memory_space<semaphore_mem>>) {add = true}
      %dma_wait3A_267 = arith.constant 0 : i32
      %dma_wait3A_268 = arith.constant 0 : i32
      %dma_wait3A_269 = tpu.memref_slice %arg15[%dma_wait3A_267, %dma_wait3A_268] : memref<10112x128xf32, #tpu.memory_space<vmem_shared>> -> memref<10112x128xf32, #tpu.memory_space<vmem_shared>>
      tpu.wait_indirect_dma semaphore(%run_scoped3A : memref<!tpu.dma_semaphore, #tpu.memory_space<semaphore_mem>>) src(%arg14 : memref<128x128xf32, #tpu.memory_space<vmem>>) dst(%dma_wait3A_269 : memref<10112x128xf32, #tpu.memory_space<vmem_shared>>)
      tpu.yield
    }) : () -> ()
    %add3A_162 = arith.constant 320000 : i32
    %add3A_163 = arith.addi %add3A_162, %mul3A_2 : i32
    %add3A_164 = arith.constant 9600 : i32
    %add3A_165 = arith.addi %add3A_163, %add3A_164 : i32
    %dma_start3A_166 = tpu.memref_slice %arg3[%add3A_165] : memref<640000xi32, #tpu.memory_space<hbm>> -> memref<128xi32, #tpu.memory_space<hbm>>
    %dma_start3A_167 = tpu.memref_slice %arg3[%add3A_165] : memref<640000xi32, #tpu.memory_space<hbm>> -> memref<128xi32, #tpu.memory_space<hbm>>
    tpu.enqueue_dma source(%dma_start3A_167 : memref<128xi32, #tpu.memory_space<hbm>>) target(%arg10 : memref<128xi32, #tpu.memory_space<vmem>>) target_semaphore(%arg21 : memref<!tpu.dma_semaphore, #tpu.memory_space<semaphore_mem>>)
    %dma_wait3A_168 = arith.constant 0 : i32
    %dma_wait3A_169 = arith.constant 0 : i32
    %dma_wait3A_170 = tpu.memref_slice %arg2[%dma_wait3A_168, %dma_wait3A_169] : memref<10000x128xf32, #tpu.memory_space<hbm>> -> memref<128x128xf32, #tpu.memory_space<hbm>>
    %dma_wait3A_171 = arith.constant 0 : i32
    %dma_wait3A_172 = arith.constant 0 : i32
    %dma_wait3A_173 = tpu.memref_slice %arg2[%dma_wait3A_171, %dma_wait3A_172] : memref<10000x128xf32, #tpu.memory_space<hbm>> -> memref<128x128xf32, #tpu.memory_space<hbm>>
    tpu.wait_dma2 semaphore(%arg22 : memref<!tpu.dma_semaphore, #tpu.memory_space<semaphore_mem>>) src(%dma_wait3A_173 : memref<128x128xf32, #tpu.memory_space<hbm>>) dst(%arg12 : memref<128x128xf32, #tpu.memory_space<vmem>>)
    %dma_wait3A_174 = arith.constant 0 : i32
    %dma_wait3A_175 = tpu.memref_slice %arg3[%dma_wait3A_174] : memref<640000xi32, #tpu.memory_space<hbm>> -> memref<128xi32, #tpu.memory_space<hbm>>
    %dma_wait3A_176 = arith.constant 0 : i32
    %dma_wait3A_177 = tpu.memref_slice %arg3[%dma_wait3A_176] : memref<640000xi32, #tpu.memory_space<hbm>> -> memref<128xi32, #tpu.memory_space<hbm>>
    tpu.wait_dma2 semaphore(%arg17 : memref<!tpu.dma_semaphore, #tpu.memory_space<semaphore_mem>>) src(%dma_wait3A_177 : memref<128xi32, #tpu.memory_space<hbm>>) dst(%arg6 : memref<128xi32, #tpu.memory_space<vmem>>)
    %dma_start3A_178 = arith.constant 0 : i32
    %dma_start3A_179 = arith.constant 0 : i32
    %dma_start3A_180 = tpu.memref_slice %arg2[%dma_start3A_178, %dma_start3A_179] : memref<10000x128xf32, #tpu.memory_space<hbm>> -> memref<10000x128xf32, #tpu.memory_space<hbm>>
    tpu.enqueue_indirect_dma source(%dma_start3A_180 : memref<10000x128xf32, #tpu.memory_space<hbm>>) target(%arg14 : memref<128x128xf32, #tpu.memory_space<vmem>>) offsets(%arg6 : memref<128xi32, #tpu.memory_space<vmem>>) semaphore(%arg24 : memref<!tpu.dma_semaphore, #tpu.memory_space<semaphore_mem>>)
    %dma_wait3A_181 = arith.constant 0 : i32
    %dma_wait3A_182 = tpu.memref_slice %arg3[%dma_wait3A_181] : memref<640000xi32, #tpu.memory_space<hbm>> -> memref<128xi32, #tpu.memory_space<hbm>>
    %dma_wait3A_183 = arith.constant 0 : i32
    %dma_wait3A_184 = tpu.memref_slice %arg3[%dma_wait3A_183] : memref<640000xi32, #tpu.memory_space<hbm>> -> memref<128xi32, #tpu.memory_space<hbm>>
    tpu.wait_dma2 semaphore(%arg21 : memref<!tpu.dma_semaphore, #tpu.memory_space<semaphore_mem>>) src(%dma_wait3A_184 : memref<128xi32, #tpu.memory_space<hbm>>) dst(%arg10 : memref<128xi32, #tpu.memory_space<vmem>>)
    "tpu.region"() ({
      %run_scoped3A = tpu.sem_alloc : memref<!tpu.dma_semaphore, #tpu.memory_space<semaphore_mem>>
      %dma_start3A_264 = arith.constant 0 : i32
      %dma_start3A_265 = arith.constant 0 : i32
      %dma_start3A_266 = tpu.memref_slice %arg15[%dma_start3A_264, %dma_start3A_265] : memref<10112x128xf32, #tpu.memory_space<vmem_shared>> -> memref<10112x128xf32, #tpu.memory_space<vmem_shared>>
      tpu.enqueue_indirect_dma source(%arg12 : memref<128x128xf32, #tpu.memory_space<vmem>>) target(%dma_start3A_266 : memref<10112x128xf32, #tpu.memory_space<vmem_shared>>) offsets(%arg10 : memref<128xi32, #tpu.memory_space<vmem>>) semaphore(%run_scoped3A : memref<!tpu.dma_semaphore, #tpu.memory_space<semaphore_mem>>) {add = true}
      %dma_wait3A_267 = arith.constant 0 : i32
      %dma_wait3A_268 = arith.constant 0 : i32
      %dma_wait3A_269 = tpu.memref_slice %arg15[%dma_wait3A_267, %dma_wait3A_268] : memref<10112x128xf32, #tpu.memory_space<vmem_shared>> -> memref<10112x128xf32, #tpu.memory_space<vmem_shared>>
      tpu.wait_indirect_dma semaphore(%run_scoped3A : memref<!tpu.dma_semaphore, #tpu.memory_space<semaphore_mem>>) src(%arg12 : memref<128x128xf32, #tpu.memory_space<vmem>>) dst(%dma_wait3A_269 : memref<10112x128xf32, #tpu.memory_space<vmem_shared>>)
      tpu.yield
    }) : () -> ()
    %add3A_185 = arith.constant 320000 : i32
    %add3A_186 = arith.addi %add3A_185, %mul3A_2 : i32
    %add3A_187 = arith.constant 9728 : i32
    %add3A_188 = arith.addi %add3A_186, %add3A_187 : i32
    %dma_start3A_189 = tpu.memref_slice %arg3[%add3A_188] : memref<640000xi32, #tpu.memory_space<hbm>> -> memref<128xi32, #tpu.memory_space<hbm>>
    %dma_start3A_190 = tpu.memref_slice %arg3[%add3A_188] : memref<640000xi32, #tpu.memory_space<hbm>> -> memref<128xi32, #tpu.memory_space<hbm>>
    tpu.enqueue_dma source(%dma_start3A_190 : memref<128xi32, #tpu.memory_space<hbm>>) target(%arg9 : memref<128xi32, #tpu.memory_space<vmem>>) target_semaphore(%arg20 : memref<!tpu.dma_semaphore, #tpu.memory_space<semaphore_mem>>)
    %dma_wait3A_191 = arith.constant 0 : i32
    %dma_wait3A_192 = arith.constant 0 : i32
    %dma_wait3A_193 = tpu.memref_slice %arg2[%dma_wait3A_191, %dma_wait3A_192] : memref<10000x128xf32, #tpu.memory_space<hbm>> -> memref<128x128xf32, #tpu.memory_space<hbm>>
    %dma_wait3A_194 = arith.constant 0 : i32
    %dma_wait3A_195 = arith.constant 0 : i32
    %dma_wait3A_196 = tpu.memref_slice %arg2[%dma_wait3A_194, %dma_wait3A_195] : memref<10000x128xf32, #tpu.memory_space<hbm>> -> memref<128x128xf32, #tpu.memory_space<hbm>>
    tpu.wait_dma2 semaphore(%arg23 : memref<!tpu.dma_semaphore, #tpu.memory_space<semaphore_mem>>) src(%dma_wait3A_196 : memref<128x128xf32, #tpu.memory_space<hbm>>) dst(%arg13 : memref<128x128xf32, #tpu.memory_space<vmem>>)
    %dma_wait3A_197 = arith.constant 0 : i32
    %dma_wait3A_198 = tpu.memref_slice %arg3[%dma_wait3A_197] : memref<640000xi32, #tpu.memory_space<hbm>> -> memref<128xi32, #tpu.memory_space<hbm>>
    %dma_wait3A_199 = arith.constant 0 : i32
    %dma_wait3A_200 = tpu.memref_slice %arg3[%dma_wait3A_199] : memref<640000xi32, #tpu.memory_space<hbm>> -> memref<128xi32, #tpu.memory_space<hbm>>
    tpu.wait_dma2 semaphore(%arg20 : memref<!tpu.dma_semaphore, #tpu.memory_space<semaphore_mem>>) src(%dma_wait3A_200 : memref<128xi32, #tpu.memory_space<hbm>>) dst(%arg9 : memref<128xi32, #tpu.memory_space<vmem>>)
    "tpu.region"() ({
      %run_scoped3A = tpu.sem_alloc : memref<!tpu.dma_semaphore, #tpu.memory_space<semaphore_mem>>
      %dma_start3A_264 = arith.constant 0 : i32
      %dma_start3A_265 = arith.constant 0 : i32
      %dma_start3A_266 = tpu.memref_slice %arg15[%dma_start3A_264, %dma_start3A_265] : memref<10112x128xf32, #tpu.memory_space<vmem_shared>> -> memref<10112x128xf32, #tpu.memory_space<vmem_shared>>
      tpu.enqueue_indirect_dma source(%arg13 : memref<128x128xf32, #tpu.memory_space<vmem>>) target(%dma_start3A_266 : memref<10112x128xf32, #tpu.memory_space<vmem_shared>>) offsets(%arg9 : memref<128xi32, #tpu.memory_space<vmem>>) semaphore(%run_scoped3A : memref<!tpu.dma_semaphore, #tpu.memory_space<semaphore_mem>>) {add = true}
      %dma_wait3A_267 = arith.constant 0 : i32
      %dma_wait3A_268 = arith.constant 0 : i32
      %dma_wait3A_269 = tpu.memref_slice %arg15[%dma_wait3A_267, %dma_wait3A_268] : memref<10112x128xf32, #tpu.memory_space<vmem_shared>> -> memref<10112x128xf32, #tpu.memory_space<vmem_shared>>
      tpu.wait_indirect_dma semaphore(%run_scoped3A : memref<!tpu.dma_semaphore, #tpu.memory_space<semaphore_mem>>) src(%arg13 : memref<128x128xf32, #tpu.memory_space<vmem>>) dst(%dma_wait3A_269 : memref<10112x128xf32, #tpu.memory_space<vmem_shared>>)
      tpu.yield
    }) : () -> ()
    %add3A_201 = arith.constant 320000 : i32
    %add3A_202 = arith.addi %add3A_201, %mul3A_2 : i32
    %add3A_203 = arith.constant 9856 : i32
    %add3A_204 = arith.addi %add3A_202, %add3A_203 : i32
    %dma_start3A_205 = tpu.memref_slice %arg3[%add3A_204] : memref<640000xi32, #tpu.memory_space<hbm>> -> memref<128xi32, #tpu.memory_space<hbm>>
    %dma_start3A_206 = tpu.memref_slice %arg3[%add3A_204] : memref<640000xi32, #tpu.memory_space<hbm>> -> memref<128xi32, #tpu.memory_space<hbm>>
    tpu.enqueue_dma source(%dma_start3A_206 : memref<128xi32, #tpu.memory_space<hbm>>) target(%arg10 : memref<128xi32, #tpu.memory_space<vmem>>) target_semaphore(%arg21 : memref<!tpu.dma_semaphore, #tpu.memory_space<semaphore_mem>>)
    %dma_wait3A_207 = arith.constant 0 : i32
    %dma_wait3A_208 = arith.constant 0 : i32
    %dma_wait3A_209 = tpu.memref_slice %arg2[%dma_wait3A_207, %dma_wait3A_208] : memref<10000x128xf32, #tpu.memory_space<hbm>> -> memref<128x128xf32, #tpu.memory_space<hbm>>
    %dma_wait3A_210 = arith.constant 0 : i32
    %dma_wait3A_211 = arith.constant 0 : i32
    %dma_wait3A_212 = tpu.memref_slice %arg2[%dma_wait3A_210, %dma_wait3A_211] : memref<10000x128xf32, #tpu.memory_space<hbm>> -> memref<128x128xf32, #tpu.memory_space<hbm>>
    tpu.wait_dma2 semaphore(%arg24 : memref<!tpu.dma_semaphore, #tpu.memory_space<semaphore_mem>>) src(%dma_wait3A_212 : memref<128x128xf32, #tpu.memory_space<hbm>>) dst(%arg14 : memref<128x128xf32, #tpu.memory_space<vmem>>)
    %dma_wait3A_213 = arith.constant 0 : i32
    %dma_wait3A_214 = tpu.memref_slice %arg3[%dma_wait3A_213] : memref<640000xi32, #tpu.memory_space<hbm>> -> memref<128xi32, #tpu.memory_space<hbm>>
    %dma_wait3A_215 = arith.constant 0 : i32
    %dma_wait3A_216 = tpu.memref_slice %arg3[%dma_wait3A_215] : memref<640000xi32, #tpu.memory_space<hbm>> -> memref<128xi32, #tpu.memory_space<hbm>>
    tpu.wait_dma2 semaphore(%arg21 : memref<!tpu.dma_semaphore, #tpu.memory_space<semaphore_mem>>) src(%dma_wait3A_216 : memref<128xi32, #tpu.memory_space<hbm>>) dst(%arg10 : memref<128xi32, #tpu.memory_space<vmem>>)
    "tpu.region"() ({
      %run_scoped3A = tpu.sem_alloc : memref<!tpu.dma_semaphore, #tpu.memory_space<semaphore_mem>>
      %dma_start3A_264 = arith.constant 0 : i32
      %dma_start3A_265 = arith.constant 0 : i32
      %dma_start3A_266 = tpu.memref_slice %arg15[%dma_start3A_264, %dma_start3A_265] : memref<10112x128xf32, #tpu.memory_space<vmem_shared>> -> memref<10112x128xf32, #tpu.memory_space<vmem_shared>>
      tpu.enqueue_indirect_dma source(%arg14 : memref<128x128xf32, #tpu.memory_space<vmem>>) target(%dma_start3A_266 : memref<10112x128xf32, #tpu.memory_space<vmem_shared>>) offsets(%arg10 : memref<128xi32, #tpu.memory_space<vmem>>) semaphore(%run_scoped3A : memref<!tpu.dma_semaphore, #tpu.memory_space<semaphore_mem>>) {add = true}
      %dma_wait3A_267 = arith.constant 0 : i32
      %dma_wait3A_268 = arith.constant 0 : i32
      %dma_wait3A_269 = tpu.memref_slice %arg15[%dma_wait3A_267, %dma_wait3A_268] : memref<10112x128xf32, #tpu.memory_space<vmem_shared>> -> memref<10112x128xf32, #tpu.memory_space<vmem_shared>>
      tpu.wait_indirect_dma semaphore(%run_scoped3A : memref<!tpu.dma_semaphore, #tpu.memory_space<semaphore_mem>>) src(%arg14 : memref<128x128xf32, #tpu.memory_space<vmem>>) dst(%dma_wait3A_269 : memref<10112x128xf32, #tpu.memory_space<vmem_shared>>)
      tpu.yield
    }) : () -> ()
    %add3A_217 = arith.constant 320000 : i32
    %add3A_218 = arith.addi %add3A_217, %mul3A_2 : i32
    %add3A_219 = arith.constant 9984 : i32
    %add3A_220 = arith.addi %add3A_218, %add3A_219 : i32
    %dma_start3A_221 = tpu.memref_slice %arg3[%add3A_220] : memref<640000xi32, #tpu.memory_space<hbm>> -> memref<16xi32, #tpu.memory_space<hbm>>
    %dma_start3A_222 = tpu.memref_slice %arg3[%add3A_220] : memref<640000xi32, #tpu.memory_space<hbm>> -> memref<16xi32, #tpu.memory_space<hbm>>
    tpu.enqueue_dma source(%dma_start3A_222 : memref<16xi32, #tpu.memory_space<hbm>>) target(%arg11 : memref<16xi32, #tpu.memory_space<vmem>>) target_semaphore(%arg20 : memref<!tpu.dma_semaphore, #tpu.memory_space<semaphore_mem>>)
    %add3A_223 = arith.constant 9984 : i32
    %add3A_224 = arith.addi %mul3A_2, %add3A_223 : i32
    %dma_start3A_225 = arith.constant 0 : i32
    %dma_start3A_226 = tpu.memref_slice %arg5[%dma_start3A_225] : memref<128xi32, #tpu.memory_space<vmem>> -> memref<16xi32, #tpu.memory_space<vmem>>
    %dma_start3A_227 = tpu.memref_slice %arg3[%add3A_224] : memref<640000xi32, #tpu.memory_space<hbm>> -> memref<16xi32, #tpu.memory_space<hbm>>
    %dma_start3A_228 = arith.constant 0 : i32
    %dma_start3A_229 = tpu.memref_slice %arg5[%dma_start3A_228] : memref<128xi32, #tpu.memory_space<vmem>> -> memref<16xi32, #tpu.memory_space<vmem>>
    %dma_start3A_230 = tpu.memref_slice %arg3[%add3A_224] : memref<640000xi32, #tpu.memory_space<hbm>> -> memref<16xi32, #tpu.memory_space<hbm>>
    tpu.enqueue_dma source(%dma_start3A_230 : memref<16xi32, #tpu.memory_space<hbm>>) target(%dma_start3A_229 : memref<16xi32, #tpu.memory_space<vmem>>) target_semaphore(%arg16 : memref<!tpu.dma_semaphore, #tpu.memory_space<semaphore_mem>>)
    %dma_wait3A_231 = arith.constant 0 : i32
    %dma_wait3A_232 = tpu.memref_slice %arg3[%dma_wait3A_231] : memref<640000xi32, #tpu.memory_space<hbm>> -> memref<16xi32, #tpu.memory_space<hbm>>
    %dma_wait3A_233 = arith.constant 0 : i32
    %dma_wait3A_234 = tpu.memref_slice %arg3[%dma_wait3A_233] : memref<640000xi32, #tpu.memory_space<hbm>> -> memref<16xi32, #tpu.memory_space<hbm>>
    tpu.wait_dma2 semaphore(%arg20 : memref<!tpu.dma_semaphore, #tpu.memory_space<semaphore_mem>>) src(%dma_wait3A_234 : memref<16xi32, #tpu.memory_space<hbm>>) dst(%arg11 : memref<16xi32, #tpu.memory_space<vmem>>)
    %dma_wait3A_235 = arith.constant 0 : i32
    %dma_wait3A_236 = tpu.memref_slice %arg5[%dma_wait3A_235] : memref<128xi32, #tpu.memory_space<vmem>> -> memref<16xi32, #tpu.memory_space<vmem>>
    %dma_wait3A_237 = arith.constant 0 : i32
    %dma_wait3A_238 = tpu.memref_slice %arg3[%dma_wait3A_237] : memref<640000xi32, #tpu.memory_space<hbm>> -> memref<16xi32, #tpu.memory_space<hbm>>
    %dma_wait3A_239 = arith.constant 0 : i32
    %dma_wait3A_240 = tpu.memref_slice %arg5[%dma_wait3A_239] : memref<128xi32, #tpu.memory_space<vmem>> -> memref<16xi32, #tpu.memory_space<vmem>>
    %dma_wait3A_241 = arith.constant 0 : i32
    %dma_wait3A_242 = tpu.memref_slice %arg3[%dma_wait3A_241] : memref<640000xi32, #tpu.memory_space<hbm>> -> memref<16xi32, #tpu.memory_space<hbm>>
    tpu.wait_dma2 semaphore(%arg16 : memref<!tpu.dma_semaphore, #tpu.memory_space<semaphore_mem>>) src(%dma_wait3A_242 : memref<16xi32, #tpu.memory_space<hbm>>) dst(%dma_wait3A_240 : memref<16xi32, #tpu.memory_space<vmem>>)
    %dma_start3A_243 = arith.constant 0 : i32
    %dma_start3A_244 = arith.constant 0 : i32
    %dma_start3A_245 = tpu.memref_slice %arg12[%dma_start3A_243, %dma_start3A_244] : memref<128x128xf32, #tpu.memory_space<vmem>> -> memref<16x128xf32, #tpu.memory_space<vmem>>
    %dma_start3A_246 = arith.constant 0 : i32
    %dma_start3A_247 = tpu.memref_slice %arg5[%dma_start3A_246] : memref<128xi32, #tpu.memory_space<vmem>> -> memref<16xi32, #tpu.memory_space<vmem>>
    %dma_start3A_248 = arith.constant 0 : i32
    %dma_start3A_249 = arith.constant 0 : i32
    %dma_start3A_250 = tpu.memref_slice %arg2[%dma_start3A_248, %dma_start3A_249] : memref<10000x128xf32, #tpu.memory_space<hbm>> -> memref<10000x128xf32, #tpu.memory_space<hbm>>
    tpu.enqueue_indirect_dma source(%dma_start3A_250 : memref<10000x128xf32, #tpu.memory_space<hbm>>) target(%dma_start3A_245 : memref<16x128xf32, #tpu.memory_space<vmem>>) offsets(%dma_start3A_247 : memref<16xi32, #tpu.memory_space<vmem>>) semaphore(%arg22 : memref<!tpu.dma_semaphore, #tpu.memory_space<semaphore_mem>>)
    %dma_wait3A_251 = arith.constant 0 : i32
    %dma_wait3A_252 = arith.constant 0 : i32
    %dma_wait3A_253 = tpu.memref_slice %arg12[%dma_wait3A_251, %dma_wait3A_252] : memref<128x128xf32, #tpu.memory_space<vmem>> -> memref<16x128xf32, #tpu.memory_space<vmem>>
    %dma_wait3A_254 = arith.constant 0 : i32
    %dma_wait3A_255 = tpu.memref_slice %arg5[%dma_wait3A_254] : memref<128xi32, #tpu.memory_space<vmem>> -> memref<16xi32, #tpu.memory_space<vmem>>
    %dma_wait3A_256 = arith.constant 0 : i32
    %dma_wait3A_257 = arith.constant 0 : i32
    %dma_wait3A_258 = tpu.memref_slice %arg2[%dma_wait3A_256, %dma_wait3A_257] : memref<10000x128xf32, #tpu.memory_space<hbm>> -> memref<10000x128xf32, #tpu.memory_space<hbm>>
    tpu.wait_indirect_dma semaphore(%arg22 : memref<!tpu.dma_semaphore, #tpu.memory_space<semaphore_mem>>) src(%dma_wait3A_258 : memref<10000x128xf32, #tpu.memory_space<hbm>>) dst(%dma_wait3A_253 : memref<16x128xf32, #tpu.memory_space<vmem>>)
    "tpu.region"() ({
      %run_scoped3A = tpu.sem_alloc : memref<!tpu.dma_semaphore, #tpu.memory_space<semaphore_mem>>
      %dma_start3A_264 = arith.constant 0 : i32
      %dma_start3A_265 = arith.constant 0 : i32
      %dma_start3A_266 = tpu.memref_slice %arg12[%dma_start3A_264, %dma_start3A_265] : memref<128x128xf32, #tpu.memory_space<vmem>> -> memref<16x128xf32, #tpu.memory_space<vmem>>
      %dma_start3A_267 = arith.constant 0 : i32
      %dma_start3A_268 = arith.constant 0 : i32
      %dma_start3A_269 = tpu.memref_slice %arg15[%dma_start3A_267, %dma_start3A_268] : memref<10112x128xf32, #tpu.memory_space<vmem_shared>> -> memref<10112x128xf32, #tpu.memory_space<vmem_shared>>
      tpu.enqueue_indirect_dma source(%dma_start3A_266 : memref<16x128xf32, #tpu.memory_space<vmem>>) target(%dma_start3A_269 : memref<10112x128xf32, #tpu.memory_space<vmem_shared>>) offsets(%arg11 : memref<16xi32, #tpu.memory_space<vmem>>) semaphore(%run_scoped3A : memref<!tpu.dma_semaphore, #tpu.memory_space<semaphore_mem>>) {add = true}
      %dma_wait3A_270 = arith.constant 0 : i32
      %dma_wait3A_271 = arith.constant 0 : i32
      %dma_wait3A_272 = tpu.memref_slice %arg12[%dma_wait3A_270, %dma_wait3A_271] : memref<128x128xf32, #tpu.memory_space<vmem>> -> memref<16x128xf32, #tpu.memory_space<vmem>>
      %dma_wait3A_273 = arith.constant 0 : i32
      %dma_wait3A_274 = arith.constant 0 : i32
      %dma_wait3A_275 = tpu.memref_slice %arg15[%dma_wait3A_273, %dma_wait3A_274] : memref<10112x128xf32, #tpu.memory_space<vmem_shared>> -> memref<10112x128xf32, #tpu.memory_space<vmem_shared>>
      tpu.wait_indirect_dma semaphore(%run_scoped3A : memref<!tpu.dma_semaphore, #tpu.memory_space<semaphore_mem>>) src(%dma_wait3A_272 : memref<16x128xf32, #tpu.memory_space<vmem>>) dst(%dma_wait3A_275 : memref<10112x128xf32, #tpu.memory_space<vmem_shared>>)
      tpu.yield
    }) : () -> ()
    %barrier3A_259 = arith.constant 0 : index
    tpu.barrier barrier_id(%barrier3A_259)
    %mul3A_260 = arith.constant 632 : i32
    %mul3A_261 = arith.muli %arg1, %mul3A_260 : i32
    %mul3A_262 = arith.constant 632 : i32
    %mul3A_263 = arith.muli %arg1, %mul3A_262 : i32
    "tpu.region"() ({
      %run_scoped3A = tpu.sem_alloc : memref<!tpu.dma_semaphore, #tpu.memory_space<semaphore_mem>>
      %dma_start3A_264 = arith.constant 0 : i32
      %dma_start3A_265 = arith.constant 0 : i32
      %dma_start3A_266 = tpu.memref_slice %arg4[%arg0, %dma_start3A_264, %dma_start3A_265] : memref<2x10112x128xf32, #tpu.memory_space<hbm>> -> memref<1x10112x128xf32, #tpu.memory_space<hbm>>
      %dma_start3A_267 = tpu.memref_squeeze %dma_start3A_266 : memref<1x10112x128xf32, #tpu.memory_space<hbm>> -> memref<10112x128xf32, #tpu.memory_space<hbm>>
      %dma_start3A_268 = arith.constant 0 : i32
      %dma_start3A_269 = tpu.memref_slice %dma_start3A_267[%mul3A_263, %dma_start3A_268] : memref<10112x128xf32, #tpu.memory_space<hbm>> -> memref<632x128xf32, #tpu.memory_space<hbm>>
      %dma_start3A_270 = arith.constant 0 : i32
      %dma_start3A_271 = tpu.memref_slice %arg15[%mul3A_261, %dma_start3A_270] : memref<10112x128xf32, #tpu.memory_space<vmem_shared>> -> memref<632x128xf32, #tpu.memory_space<vmem_shared>>
      tpu.enqueue_dma source(%dma_start3A_271 : memref<632x128xf32, #tpu.memory_space<vmem_shared>>) target(%dma_start3A_269 : memref<632x128xf32, #tpu.memory_space<hbm>>) target_semaphore(%run_scoped3A : memref<!tpu.dma_semaphore, #tpu.memory_space<semaphore_mem>>)
      %dma_wait3A_272 = arith.constant 0 : i32
      %dma_wait3A_273 = arith.constant 0 : i32
      %dma_wait3A_274 = tpu.memref_slice %arg4[%arg0, %dma_wait3A_272, %dma_wait3A_273] : memref<2x10112x128xf32, #tpu.memory_space<hbm>> -> memref<1x10112x128xf32, #tpu.memory_space<hbm>>
      %dma_wait3A_275 = tpu.memref_squeeze %dma_wait3A_274 : memref<1x10112x128xf32, #tpu.memory_space<hbm>> -> memref<10112x128xf32, #tpu.memory_space<hbm>>
      %dma_wait3A_276 = arith.constant 0 : i32
      %dma_wait3A_277 = tpu.memref_slice %dma_wait3A_275[%mul3A_263, %dma_wait3A_276] : memref<10112x128xf32, #tpu.memory_space<hbm>> -> memref<632x128xf32, #tpu.memory_space<hbm>>
      %dma_wait3A_278 = arith.constant 0 : i32
      %dma_wait3A_279 = tpu.memref_slice %arg15[%mul3A_261, %dma_wait3A_278] : memref<10112x128xf32, #tpu.memory_space<vmem_shared>> -> memref<632x128xf32, #tpu.memory_space<vmem_shared>>
      tpu.wait_dma2 semaphore(%run_scoped3A : memref<!tpu.dma_semaphore, #tpu.memory_space<semaphore_mem>>) src(%dma_wait3A_279 : memref<632x128xf32, #tpu.memory_space<vmem_shared>>) dst(%dma_wait3A_277 : memref<632x128xf32, #tpu.memory_space<hbm>>)
      tpu.yield
    }) : () -> ()
    return
  }
}

module attributes {stable_mosaic.version = 14 : i64} {
  func.func @_combine_body(%arg0: i32, %arg1: memref<1x2000x128xf32, #tpu.memory_space<vmem>>, %arg2: memref<1x2000x128xf32, #tpu.memory_space<vmem>>, %arg3: memref<2000x128xf32, #tpu.memory_space<vmem>>, %arg4: memref<128x128xf32, #tpu.memory_space<vmem>>, %arg5: memref<2000x128xf32, #tpu.memory_space<vmem>>) attributes {dimension_semantics = [#tpu.dimension_semantics<arbitrary>], iteration_bounds = array<i64: 5>, scalar_prefetch = 0 : i64, scratch_operands = 0 : i64, tpu.core_type = #tpu.core_type<tc>, window_params = [{transform_indices = @transform_0, window_bounds = array<i64: 1, 2000, 128>}, {transform_indices = @transform_1, window_bounds = array<i64: 1, 2000, 128>}, {transform_indices = @transform_2, window_bounds = array<i64: 2000, 128>}, {pipeline_mode = #tpu.pipeline_mode<synchronous>, transform_indices = @transform_3, window_bounds = array<i64: 128, 128>}, {transform_indices = @transform_4, window_bounds = array<i64: 2000, 128>}]} {
    %get3A = arith.constant 0 : index
    %get3A_0 = arith.constant 0 : index
    %get3A_1 = arith.constant 0 : index
    %get3A_2 = vector.load %arg1[%get3A, %get3A_0, %get3A_1] : memref<1x2000x128xf32, #tpu.memory_space<vmem>>, vector<1x2000x128xf32>
    %get3A_3 = vector.shape_cast %get3A_2 : vector<1x2000x128xf32> to vector<2000x128xf32>
    %get3A_4 = arith.constant 0 : index
    %get3A_5 = arith.constant 0 : index
    %get3A_6 = arith.constant 0 : index
    %get3A_7 = vector.load %arg2[%get3A_4, %get3A_5, %get3A_6] : memref<1x2000x128xf32, #tpu.memory_space<vmem>>, vector<1x2000x128xf32>
    %get3A_8 = vector.shape_cast %get3A_7 : vector<1x2000x128xf32> to vector<2000x128xf32>
    %add3A = arith.addf %get3A_3, %get3A_8 : vector<2000x128xf32>
    %get3A_9 = arith.constant 0 : index
    %get3A_10 = arith.constant 0 : index
    %get3A_11 = vector.load %arg4[%get3A_9, %get3A_10] : memref<128x128xf32, #tpu.memory_space<vmem>>, vector<128x128xf32>
    %dot_general3A = arith.constant dense<0.000000e+00> : vector<2000x128xf32>
    %dot_general3A_12 = tpu.matmul %add3A, %get3A_11, %dot_general3A {dimension_numbers = #tpu.dot_dimension_numbers<[1], [0], [0], [1], [0, 0, 1, 1], [], []>, transpose_lhs_hint = false} : vector<2000x128xf32>, vector<128x128xf32>, vector<2000x128xf32> -> vector<2000x128xf32>
    %get3A_13 = arith.constant 0 : index
    %get3A_14 = arith.constant 0 : index
    %get3A_15 = vector.load %arg3[%get3A_13, %get3A_14] : memref<2000x128xf32, #tpu.memory_space<vmem>>, vector<2000x128xf32>
    %add3A_16 = arith.addf %dot_general3A_12, %get3A_15 : vector<2000x128xf32>
    %swap3A = arith.constant 0 : index
    %swap3A_17 = arith.constant 0 : index
    %swap3A_18 = vector.load %arg5[%swap3A, %swap3A_17] : memref<2000x128xf32, #tpu.memory_space<vmem>>, vector<2000x128xf32>
    tpu.vector_store %arg5[%swap3A, %swap3A_17], %add3A_16 {strides = array<i32>} : memref<2000x128xf32, #tpu.memory_space<vmem>>, vector<2000x128xf32>,
    return
  }
  func.func @transform_0(%arg0: i32) -> (i32, i32, i32) {
    %c0_i32 = arith.constant 0 : i32
    %c0_i32_0 = arith.constant 0 : i32
    %c0_i32_1 = arith.constant 0 : i32
    return %c0_i32, %arg0, %c0_i32_0 : i32, i32, i32
  }
  func.func @transform_1(%arg0: i32) -> (i32, i32, i32) {
    %c1_i32 = arith.constant 1 : i32
    %c0_i32 = arith.constant 0 : i32
    %c0_i32_0 = arith.constant 0 : i32
    return %c1_i32, %arg0, %c0_i32 : i32, i32, i32
  }
  func.func @transform_2(%arg0: i32) -> (i32, i32) {
    %c0_i32 = arith.constant 0 : i32
    %c0_i32_0 = arith.constant 0 : i32
    return %arg0, %c0_i32 : i32, i32
  }
  func.func @transform_3(%arg0: i32) -> (i32, i32) {
    %c0_i32 = arith.constant 0 : i32
    %c0_i32_0 = arith.constant 0 : i32
    %c0_i32_1 = arith.constant 0 : i32
    return %c0_i32, %c0_i32_0 : i32, i32
  }
  func.func @transform_4(%arg0: i32) -> (i32, i32) {
    %c0_i32 = arith.constant 0 : i32
    %c0_i32_0 = arith.constant 0 : i32
    return %arg0, %c0_i32 : i32, i32
  }
}

module attributes {stable_mosaic.version = 14 : i64} {
  func.func @_combine_body(%arg0: i32, %arg1: memref<1x2000x128xf32, #tpu.memory_space<vmem>>, %arg2: memref<1x2000x128xf32, #tpu.memory_space<vmem>>, %arg3: memref<2000x128xf32, #tpu.memory_space<vmem>>, %arg4: memref<128x128xf32, #tpu.memory_space<vmem>>, %arg5: memref<2000x128xf32, #tpu.memory_space<vmem>>) attributes {dimension_semantics = [#tpu.dimension_semantics<arbitrary>], iteration_bounds = array<i64: 5>, scalar_prefetch = 0 : i64, scratch_operands = 0 : i64, tpu.core_type = #tpu.core_type<tc>, window_params = [{transform_indices = @transform_0, window_bounds = array<i64: 1, 2000, 128>}, {transform_indices = @transform_1, window_bounds = array<i64: 1, 2000, 128>}, {transform_indices = @transform_2, window_bounds = array<i64: 2000, 128>}, {pipeline_mode = #tpu.pipeline_mode<synchronous>, transform_indices = @transform_3, window_bounds = array<i64: 128, 128>}, {transform_indices = @transform_4, window_bounds = array<i64: 2000, 128>}]} {
    %get3A = arith.constant 0 : index
    %get3A_0 = arith.constant 0 : index
    %get3A_1 = arith.constant 0 : index
    %get3A_2 = vector.load %arg1[%get3A, %get3A_0, %get3A_1] : memref<1x2000x128xf32, #tpu.memory_space<vmem>>, vector<1x2000x128xf32>
    %get3A_3 = vector.shape_cast %get3A_2 : vector<1x2000x128xf32> to vector<2000x128xf32>
    %get3A_4 = arith.constant 0 : index
    %get3A_5 = arith.constant 0 : index
    %get3A_6 = arith.constant 0 : index
    %get3A_7 = vector.load %arg2[%get3A_4, %get3A_5, %get3A_6] : memref<1x2000x128xf32, #tpu.memory_space<vmem>>, vector<1x2000x128xf32>
    %get3A_8 = vector.shape_cast %get3A_7 : vector<1x2000x128xf32> to vector<2000x128xf32>
    %add3A = arith.addf %get3A_3, %get3A_8 : vector<2000x128xf32>
    %get3A_9 = arith.constant 0 : index
    %get3A_10 = arith.constant 0 : index
    %get3A_11 = vector.load %arg4[%get3A_9, %get3A_10] : memref<128x128xf32, #tpu.memory_space<vmem>>, vector<128x128xf32>
    %dot_general3A = arith.constant dense<0.000000e+00> : vector<2000x128xf32>
    %dot_general3A_12 = tpu.matmul %add3A, %get3A_11, %dot_general3A {dimension_numbers = #tpu.dot_dimension_numbers<[1], [0], [0], [1], [0, 0, 1, 1], [], []>, transpose_lhs_hint = false} : vector<2000x128xf32>, vector<128x128xf32>, vector<2000x128xf32> -> vector<2000x128xf32>
    %get3A_13 = arith.constant 0 : index
    %get3A_14 = arith.constant 0 : index
    %get3A_15 = vector.load %arg3[%get3A_13, %get3A_14] : memref<2000x128xf32, #tpu.memory_space<vmem>>, vector<2000x128xf32>
    %add3A_16 = arith.addf %dot_general3A_12, %get3A_15 : vector<2000x128xf32>
    %max3A = arith.constant 0.000000e+00 : f32
    %max3A_17 = vector.broadcast %max3A : f32 to vector<2000x128xf32>
    %max3A_18 = arith.maximumf %add3A_16, %max3A_17 : vector<2000x128xf32>
    %swap3A = arith.constant 0 : index
    %swap3A_19 = arith.constant 0 : index
    %swap3A_20 = vector.load %arg5[%swap3A, %swap3A_19] : memref<2000x128xf32, #tpu.memory_space<vmem>>, vector<2000x128xf32>
    tpu.vector_store %arg5[%swap3A, %swap3A_19], %max3A_18 {strides = array<i32>} : memref<2000x128xf32, #tpu.memory_space<vmem>>, vector<2000x128xf32>,
    return
  }
  func.func @transform_0(%arg0: i32) -> (i32, i32, i32) {
    %c0_i32 = arith.constant 0 : i32
    %c0_i32_0 = arith.constant 0 : i32
    %c0_i32_1 = arith.constant 0 : i32
    return %c0_i32, %arg0, %c0_i32_0 : i32, i32, i32
  }
  func.func @transform_1(%arg0: i32) -> (i32, i32, i32) {
    %c1_i32 = arith.constant 1 : i32
    %c0_i32 = arith.constant 0 : i32
    %c0_i32_0 = arith.constant 0 : i32
    return %c1_i32, %arg0, %c0_i32 : i32, i32, i32
  }
  func.func @transform_2(%arg0: i32) -> (i32, i32) {
    %c0_i32 = arith.constant 0 : i32
    %c0_i32_0 = arith.constant 0 : i32
    return %arg0, %c0_i32 : i32, i32
  }
  func.func @transform_3(%arg0: i32) -> (i32, i32) {
    %c0_i32 = arith.constant 0 : i32
    %c0_i32_0 = arith.constant 0 : i32
    %c0_i32_1 = arith.constant 0 : i32
    return %c0_i32, %c0_i32_0 : i32, i32
  }
  func.func @transform_4(%arg0: i32) -> (i32, i32) {
    %c0_i32 = arith.constant 0 : i32
    %c0_i32_0 = arith.constant 0 : i32
    return %arg0, %c0_i32 : i32, i32
  }
}

module attributes {stable_mosaic.version = 14 : i64} {
  func.func @_root_body(%arg0: i32, %arg1: memref<2000x128xf32, #tpu.memory_space<vmem>>, %arg2: memref<128x128xf32, #tpu.memory_space<vmem>>, %arg3: memref<1x128xf32, #tpu.memory_space<vmem>>, %arg4: memref<2000x128xf32, #tpu.memory_space<vmem>>) attributes {dimension_semantics = [#tpu.dimension_semantics<arbitrary>], iteration_bounds = array<i64: 5>, scalar_prefetch = 0 : i64, scratch_operands = 0 : i64, tpu.core_type = #tpu.core_type<tc>, window_params = [{transform_indices = @transform_0, window_bounds = array<i64: 2000, 128>}, {pipeline_mode = #tpu.pipeline_mode<synchronous>, transform_indices = @transform_1, window_bounds = array<i64: 128, 128>}, {pipeline_mode = #tpu.pipeline_mode<synchronous>, transform_indices = @transform_2, window_bounds = array<i64: 1, 128>}, {transform_indices = @transform_3, window_bounds = array<i64: 2000, 128>}]} {
    %get3A = arith.constant 0 : index
    %get3A_0 = arith.constant 0 : index
    %get3A_1 = vector.load %arg1[%get3A, %get3A_0] : memref<2000x128xf32, #tpu.memory_space<vmem>>, vector<2000x128xf32>
    %get3A_2 = arith.constant 0 : index
    %get3A_3 = arith.constant 0 : index
    %get3A_4 = vector.load %arg2[%get3A_2, %get3A_3] : memref<128x128xf32, #tpu.memory_space<vmem>>, vector<128x128xf32>
    %dot_general3A = arith.constant dense<0.000000e+00> : vector<2000x128xf32>
    %dot_general3A_5 = tpu.matmul %get3A_1, %get3A_4, %dot_general3A {dimension_numbers = #tpu.dot_dimension_numbers<[1], [0], [0], [1], [0, 0, 1, 1], [], []>, transpose_lhs_hint = false} : vector<2000x128xf32>, vector<128x128xf32>, vector<2000x128xf32> -> vector<2000x128xf32>
    %get3A_6 = arith.constant 0 : index
    %get3A_7 = arith.constant 0 : index
    %get3A_8 = vector.load %arg3[%get3A_6, %get3A_7] : memref<1x128xf32, #tpu.memory_space<vmem>>, vector<1x128xf32>
    %add3A = vector.broadcast %get3A_8 : vector<1x128xf32> to vector<2000x128xf32>
    %add3A_9 = arith.addf %dot_general3A_5, %add3A : vector<2000x128xf32>
    %swap3A = arith.constant 0 : index
    %swap3A_10 = arith.constant 0 : index
    %swap3A_11 = vector.load %arg4[%swap3A, %swap3A_10] : memref<2000x128xf32, #tpu.memory_space<vmem>>, vector<2000x128xf32>
    tpu.vector_store %arg4[%swap3A, %swap3A_10], %add3A_9 {strides = array<i32>} : memref<2000x128xf32, #tpu.memory_space<vmem>>, vector<2000x128xf32>,
    return
  }
  func.func @transform_0(%arg0: i32) -> (i32, i32) {
    %c0_i32 = arith.constant 0 : i32
    %c0_i32_0 = arith.constant 0 : i32
    return %arg0, %c0_i32 : i32, i32
  }
  func.func @transform_1(%arg0: i32) -> (i32, i32) {
    %c0_i32 = arith.constant 0 : i32
    %c0_i32_0 = arith.constant 0 : i32
    %c0_i32_1 = arith.constant 0 : i32
    return %c0_i32, %c0_i32_0 : i32, i32
  }
  func.func @transform_2(%arg0: i32) -> (i32, i32) {
    %c0_i32 = arith.constant 0 : i32
    %c0_i32_0 = arith.constant 0 : i32
    %c0_i32_1 = arith.constant 0 : i32
    return %c0_i32, %c0_i32_0 : i32, i32
  }
  func.func @transform_3(%arg0: i32) -> (i32, i32) {
    %c0_i32 = arith.constant 0 : i32
    %c0_i32_0 = arith.constant 0 : i32
    return %arg0, %c0_i32 : i32, i32
  }
}

</mosaic_0001>

<sc_bundles>
// kernel: kernel.11.cloned.1.call-start
scs
__scs_entry_jumppad:
0x0: {  	(pc) =	sbr.rel $0x88, $3  }
0x1: {  	(tag) =	ssettag $0x0;
	lr =	simm.s32 $0x1  }
0x2: {  	[smem:$0x3F99] =	sst lr;
	_ =	strace $0xD0000000  }
0x3: {  	_ = 	snop  }
0x4: {  	_ = 	snop  }
0x5: {  	_ = 	snop  }
0x6: {  	_ = 	snop  }
0x7: {  	_ = 	snop  }
__scs_overlays_trampoline_lowered:
0x8: {  	[smem:$0x3FA8] =	sst s0  }
0x9: {  	[smem:$0x3FA9] =	sst s1  }
0xa: {  	[smem:$0x3FAA] =	sst s2  }
0xb: {  	[smem:$0x3FAB] =	sst s3  }
0xc: {  	[smem:$0x3FAC] =	sst s4  }
0xd: {  	[smem:$0x3FAD] =	sst s5  }
0xe: {  	[smem:$0x3FAE] =	sst s6  }
0xf: {  	[smem:$0x3FAF] =	sst s7  }
0x10: {  	[smem:$0x3FB0] =	sst s8  }
0x11: {  	[smem:$0x3FB1] =	sst s9;
	s0 =	simm.s32 @!p0 $0x0  }
0x12: {  	s1 =	sld [smem:$0x3F97];
	s0 =	simm.s32 @p0 $0x1  }
0x13: {  	[smem:$0x3FB2] =	sst s0;
	s0 =	simm.s32 @!p1 $0x0  }
0x14: {  	s2 =	sld [smem:$0x3F96];
	s0 =	simm.s32 @p1 $0x1  }
0x15: {  	[smem:$0x3FB3] =	sst s0;
	s0 =	simm.s32 @!p2 $0x0  }
0x16: {  	s3 =	sld [smem:$0x3FDB];
	s0 =	simm.s32 @p2 $0x1  }
0x17: {  	s4 =	simm.s32 $0x1BF5;
	[smem:$0x3FB5] =	sst s0  }
0x18: {  	s0 =	sld [smem:$0x3F98];
	_ =	swait.ge [sflag:s4], $0x0  }
0x19: {  	s7 =	sld [smem:$0x3F99]  }
0x1a: {  	s8 =	sadd.s32 $0xFFFFE003, lr  }
0x1b: {  	s9 =	sadd.s32 $0xFFFFFEF7, lr;
	s5 =	simm.s32 $0xFFFFFFFF;
	p2 =	slt.u32 s8, $0xFFFFF086  }
0x1c: {  	p1 =	slt.u32 s9, $0xF7A;
	s5 =	simm.s32 @!p2 $0x0  }
0x1d: {  	s5 =	simm.s32 @p1 $0x1;
	p0 =	seq.s32 s7, s2  }
0x1e: {  	s7 =	smul.u32 @!p0 $0xF7A, s2;
	p2 =	seq.s32 @!p0 s5, $0x0  }
0x1f: {  	s9 =	smul.u32 $0xF7A, s1;
	s8 =	simm.s32 @!p0 $0x1BF5;
	p2 =	por !p2, p0  }
0x20: {  	[sflag:s8] =	ssyncset.s32 @!p0 $0xFFFFF086;
	s6 =	sadd.s32 @!p0 s3, s7;
	s7 =	simm.s32 @!p0 $0x108  }
0x21: {  	s3 =	sadd.s32 s3, s9;
	s6 =	sadd.s32 @!p0 $0x88, s6;
	s7 =	simm.s32 @p2 $0x1082  }
0x22: {  	[simem:s7], [sflag:s8] =	dma.local @!p0 [hbm:s6], $0xF7A  }
0x23: {  	s9 =	sor.u32 $0xD0000000, s2;
	s6 =	simm.s32 $0x108;
	_ =	swait.ge @!p0 [sflag:s8], $0x0  }
0x24: {  	s3 =	sadd.s32 $0x88, s3;
	s6 =	simm.s32 @!p1 $0x1082;
	[sflag:s4] =	ssyncset.s32 $0xFFFFF086  }
0x25: {  	[simem:s6], [sflag:s4] =	dma.local [hbm:s3], $0xF7A  }
0x26: {  	[smem:$0x3F99] =	sst s1;
	(tag) =	ssettag s2;
	_ =	strace s9  }
0x27: {  	s1 =	sld [smem:$0x3FA9]  }
0x28: {  	s2 =	sld [smem:$0x3FAA]  }
0x29: {  	s4 =	sld [smem:$0x3FAC]  }
0x2a: {  	p0 =	seq.s32 s5, $0x0;
	s5 =	sld [smem:$0x3FAD]  }
0x2b: {  	s6 =	sld [smem:$0x3FAE]  }
0x2c: {  	s7 =	sld [smem:$0x3FAF]  }
0x2d: {  	s3 =	simm.s32 $0x108;
	s8 =	sld [smem:$0x3FB0]  }
0x2e: {  	s3 =	simm.s32 @!p0 $0x1082;
	s9 =	sld [smem:$0x3FB1]  }
0x2f: {  	lr =	sadd.s32 s0, s3;
	s0 =	sld [smem:$0x3FA8]  }
0x30: {  	s3 =	sld [smem:$0x3FAB]  }
0x31: {  	[smem:$0x3FB4] =	sst s10  }
0x32: {  	s10 =	sld [smem:$0x3FB2];
	_ =	sdelay $0x3  }
0x33: {  	p0 =	seq.s32 s10, $0x1;
	s10 =	sld [smem:$0x3FB4];
	_ =	sdelay $0x3  }
0x34: {  	[smem:$0x3FB4] =	sst s10  }
0x35: {  	s10 =	sld [smem:$0x3FB3];
	_ =	sdelay $0x3  }
0x36: {  	p1 =	seq.s32 s10, $0x1;
	s10 =	sld [smem:$0x3FB4];
	_ =	sdelay $0x3  }
0x37: {  	[smem:$0x3FB4] =	sst s10  }
0x38: {  	s10 =	sld [smem:$0x3FB5]  }
0x39: {  	_ = 	snop;
	(pc) =	sbr.ind lr, $3  }
0x3a: {  	_ = 	snop  }
0x3b: {  	_ = 	snop  }
0x3c: {  	p2 =	seq.s32 s10, $0x1;
	s10 =	sld [smem:$0x3FB4]  }
0x3d: {  	_ =	shalt  }
0x3e: {  	_ =	shalt  }
0x3f: {  	_ =	shalt  }
0x40: {  	_ =	shalt  }
0x41: {  	_ =	shalt  }
0x42: {  	_ =	shalt  }
0x43: {  	_ =	shalt  }
0x44: {  	_ =	shalt  }
0x45: {  	_ =	shalt  }
0x46: {  	_ =	shalt  }
0x47: {  	_ =	shalt  }
0x48: {  	_ =	shalt  }
0x49: {  	_ =	shalt  }
0x4a: {  	_ =	shalt  }
0x4b: {  	_ =	shalt  }
0x4c: {  	_ =	shalt  }
0x4d: {  	_ =	shalt  }
0x4e: {  	_ =	shalt  }
0x4f: {  	_ =	shalt  }
0x50: {  	_ =	shalt  }
0x51: {  	_ =	shalt  }
0x52: {  	_ =	shalt  }
0x53: {  	_ =	shalt  }
0x54: {  	_ =	shalt  }
0x55: {  	_ =	shalt  }
0x56: {  	_ =	shalt  }
0x57: {  	_ =	shalt  }
0x58: {  	_ =	shalt  }
0x59: {  	_ =	shalt  }
0x5a: {  	_ =	shalt  }
0x5b: {  	_ =	shalt  }
0x5c: {  	_ =	shalt  }
0x5d: {  	_ =	shalt  }
0x5e: {  	_ =	shalt  }
0x5f: {  	_ =	shalt  }
0x60: {  	_ =	shalt  }
0x61: {  	_ =	shalt  }
0x62: {  	_ =	shalt  }
0x63: {  	_ =	shalt  }
0x64: {  	_ =	shalt  }
0x65: {  	_ =	shalt  }
0x66: {  	_ =	shalt  }
0x67: {  	_ =	shalt  }
0x68: {  	_ =	shalt  }
0x69: {  	_ =	shalt  }
0x6a: {  	_ =	shalt  }
0x6b: {  	_ =	shalt  }
0x6c: {  	_ =	shalt  }
0x6d: {  	_ =	shalt  }
0x6e: {  	_ =	shalt  }
0x6f: {  	_ =	shalt  }
0x70: {  	_ =	shalt  }
0x71: {  	_ =	shalt  }
0x72: {  	_ =	shalt  }
0x73: {  	_ =	shalt  }
0x74: {  	_ =	shalt  }
0x75: {  	_ =	shalt  }
0x76: {  	_ =	shalt  }
0x77: {  	_ =	shalt  }
0x78: {  	_ =	shalt  }
0x79: {  	_ =	shalt  }
0x7a: {  	_ =	shalt  }
0x7b: {  	_ =	shalt  }
0x7c: {  	_ =	shalt  }
0x7d: {  	_ =	shalt  }
0x7e: {  	_ =	shalt  }
0x7f: {  	_ =	shalt  }
0x80: {  	_ =	shalt  }
0x81: {  	_ =	shalt  }
0x82: {  	_ =	shalt  }
0x83: {  	_ =	shalt  }
0x84: {  	_ =	shalt  }
0x85: {  	_ =	shalt  }
0x86: {  	_ =	shalt  }
0x87: {  	_ =	shalt  }
.Lfunc_end0:
.L_simem_size_0:
called_computation.1_lowered:
.L_overlay_start_0:
0x88: {  	s2 =	sld [smem:$0x3FD9]  }
0x89: {  	s3 =	sld [smem:$0x3FFE];
	_ =	sdelay $0x1  }
0x8a: {  	s1 =	srdreg.scid  }
0x8b: {  	s0 =	sand.u32 $0x1, s1  }
0x8c: {  	s17 =	sshll.u32 s0, $0xA;
	s2 =	sadd.s32 s3, s2  }
0x8d: {  	s2 =	sadd.s32 s2, s17  }
0x8e: {  	[smem:$0x3FC0] =	sst s2  }
0x8f: {  	_ = 	snop  }
0x90: {  	s2 =	sld [smem:$0x3FD0];
	(tm) =	ssettm $0x1  }
0x91: {  	s18 =	sld [smem:$0x3FFB];
	_ =	sdelay $0x3  }
0x92: {  	_ =	strace s18  }
0x93: {  	s3 =	sld [smem:$0x3FFC];
	_ =	sdelay $0x3  }
0x94: {  	_ =	strace s3  }
0x95: {  	s3 =	sld [smem:$0x3FFD];
	_ =	sdelay $0x3  }
0x96: {  	_ =	strace s3  }
0x97: {  	_ =	strace $0x8FFFFFFF  }
0x98: {  	s19 =	sld [smem:$0x3FDB];
	_ =	sdelay $0x1  }
0x99: {  	s4 =	simm.s32 $_scs_section_size  }
0x9a: {  	s5 =	simm.s32 $_size__tile_overlayer_lowered;
	s6 =	simm.s32 $_tile_overlayer_lowered  }
0x9b: {  	s22 =	simm.s32 $0x1BFF;
	s21 =	sshll.u32 s6, $0x1;
	s3 =	sadd.s32 s4, s19  }
0x9c: {  	s7 =	simm.s32 $0x0;
	s20 =	sshll.u32 s5, $0x1;
	s5 =	sadd.s32 s21, s3  }
0x9d: {  	[timem:s7], [sflag:s22] =	dma.local [hbm:s5], s20  }
0x9e: {  	_ =	swait.ge [sflag:s22], s20  }
0x9f: {  	s4 =	ssub.s32 $0x0, s20;
	[sflag:s22] =	ssyncset.done $0x0  }
0xa0: {  	[sflag:s22] =	ssyncadd.s32 s4;
	_ =	sdelay $0x1  }
0xa1: {  	s23 =	simm.s32 $0x1B8B  }
0xa2: {  	_ =	swait.ge [sflag:s23], $0x1  }
0xa3: {  	[sflag:s23] =	ssyncset.done $0x0  }
0xa4: {  	s25 =	simm.s32 $0x1B8E;
	s24 =	sld [smem:$0x3FFE];
	[sflag:s23] =	ssyncadd.s32 $0xFFFFFFFF  }
0xa5: {  	s26 =	simm.s32 $execute0_lowered;
	[smem:$0x3FD2] =	sst s25  }
0xa6: {  	s5 =	sshll.u32 s26, $0x1;
	_ =	strace $0x80000049;
	[dreg:$0x1] =	wrdreg $0xFFFFFFFF  }
0xa7: {  	s28 =	simm.s32 $_size_execute0_lowered;
	s3 =	sadd.s32 s3, s5;
	[dreg:$0x0] =	wrdreg $0x0  }
0xa8: {  	s5 =	sshll.u32 s28, $0x1;
	[dreg:$0x2] =	wrdreg s3  }
0xa9: {  	[dreg:$0x3] =	wrdreg s5  }
0xaa: {  	[dreg:$0x4] =	wrdreg $0xC0  }
0xab: {  	_ =	task [dreg:s7], $0x5FFFF  }
0xac: {  	[dreg:$0x1] =	wrdreg $0xFFFFFFFF  }
0xad: {  	[dreg:$0x0] =	wrdreg $0x60  }
0xae: {  	[dreg:$0x2] =	wrdreg s2  }
0xaf: {  	[dreg:$0x3] =	wrdreg s24  }
0xb0: {  	[dreg:$0x4] =	wrdreg $0xC3800  }
0xb1: {  	[dreg:$0x5] =	wrdreg $0x9  }
0xb2: {  	_ =	task.clear_ibuf [dreg:s7], $0x6FFFF;
	_ =	strace $0x90000049  }
0xb3: {  	s29 =	simm.s32 $0x9;
	_ =	strace $0x8000004B  }
0xb4: {  	_ =	swait.ge [sflag:s29], $0x1  }
0xb5: {  	[sflag:s29] =	ssyncadd.s32 $0xFFFFFFFF  }
0xb6: {  	_ =	strace $0x9000004B  }
0xb7: {  	_ =	sfence  }
0xb8: {  	s30 =	sld [smem:$0x0];
	_ =	sdelay $0x2  }
0xb9: {  	s31 =	sshll.u32 s1, $0xD;
	s1 =	sshrl.u32 s1, $0x2  }
0xba: {  	s3 =	sand.u32 $0x4000, s31;
	s1 =	sadd.s32 s1, s30  }
0xbb: {  	s0 =	sor.u32 s3, s0;
	s1 =	sshll.u32 s1, $0x11  }
0xbc: {  	s0 =	sor.u32 s1, s0  }
0xbd: {  	s0 =	sadd.s32 $0x8F2B, s0  }
0xbe: {  	[sflag:s0] =	ssyncadd.remote.s32 $0x1  }
0xbf: {  	_ =	sfence.sel $0xFFFF  }
0xc0: {  	[dreg:$0x0] =	wrdreg $0xFFFFFFFF;
	(pc) =	sbr.abs _section_cstart, $3  }
0xc1: {  	[dreg:$0x1] =	wrdreg $0xFFFFFFFF  }
0xc2: {  	_ =	task.clear_ibuf [dreg:s7], $0x2FFFF;
	_ =	strace $0x9FFFFFFF  }
0xc3: {  	(tm) =	ssettm $0x7FFFFFFF  }
tec
execute0_lowered:
.L_overlay_start_1:
0x0: {  	(tag) =	ssettag $0x1  }
0x1: {  	s1 =	rddreg [dreg:$0x0]  }
0x2: {  	s0 =	rddreg [dreg:$0x1];
	s2 =	srdreg.scid  }
0x3: {  	s3 =	rddreg [dreg:$0x2];
	s12 =	stileid.u32  }
0x4: {  	s4 =	simm.s32 $0x0;
	s28 =	simm.s32 $0x4380;
	s29 =	simm.s32 $0x3  }
0x5: {  	s30 =	simm.s32 $0x8380;
	s7 =	sand.u32 $0x1, s2;
	s10 =	smul.u32 $0x4F000, s12  }
0x6: {  	s31 =	simm.s32 $0x5;
	s23 =	smul.u32 $0x2710, s12;
	s2 =	sshll.u32 s7, $0x4  }
0x7: {  	[smem:$0x7FF] =	sst s4;
	s6 =	smul.u32 $0x27800, s7;
	s2 =	sor.u32 s12, s2  }
0x8: {  	s5 =	sadd.s32 $0x2400, s0;
	_ =	strace $0x8000004A;
	s2 =	smul.u32 $0x2710, s2  }
0x9: {  	s8 =	ssub.s32 $0x2, s7;
	s7 =	smul.u32 $0x27100, s7;
	s21 =	sshrl.u32 s10, $0x2  }
0xa: {  	s9 =	sshrl.u32 s8, $0x1;
	s11 =	sadd.s32 s21, s3;
	s2 =	sshrl.u32 s2, $0x3  }
0xb: {  	s0 =	sadd.s32 s6, s0;
	s24 =	sadd.s32 $0x13000, s11;
	s6 =	sadd.s32 s5, s2  }
0xc: {  	s7 =	sadd.s32 s23, s7;
	[dreg:$0x1f] =	wrdreg s24;
	s18 =	sadd.s32 $0x10, s6  }
0xd: {  	s16 =	sadd.s32 $0x780, s7;
	s19 =	sadd.s32 $0x20, s6;
	[dreg:$0x1b] =	wrdreg s18  }
0xe: {  	s23 =	sadd.s32 $0x4E380, s7;
	s20 =	sadd.s32 $0x30, s6;
	[dreg:$0x1c] =	wrdreg s19  }
0xf: {  	s0 =	sadd.s32 $0x15E00, s0;
	s22 =	sadd.s32 $0x9C40, s6;
	[dreg:$0x1d] =	wrdreg s20  }
0x10: {  	s24 =	sshrl.u32 s23, $0x3;
	s25 =	sadd.s32 $0x4C0, s6;
	[dreg:$0x1e] =	wrdreg s22  }
0x11: {  	s23 =	sadd.s32 $0x4E700, s7;
	s26 =	sadd.s32 $0xA0D0, s6;
	[smem:$0x7E1] =	sst s25  }
0x12: {  	s2 =	ssub.s32 s8, s9;
	s10 =	sadd.s32 $0x4D0, s6;
	[smem:$0x7E2] =	sst s26  }
0x13: {  	s8 =	sshrl.u32 s16, $0x3;
	s13 =	sadd.s32 $0xA0E0, s6;
	[smem:$0x7E3] =	sst s10  }
0x14: {  	s16 =	sadd.s32 $0x4E800, s7;
	s14 =	sadd.s32 $0xA0F0, s6;
	[smem:$0x7E4] =	sst s13  }
0x15: {  	s15 =	sadd.s32 $0xA100, s6;
	s17 =	sadd.s32 $0xA110, s6;
	[smem:$0x7E5] =	sst s14  }
0x16: {  	s8 =	sadd.s32 s8, s5;
	s2 =	smax.u32 s2, $0x1;
	[smem:$0x7E6] =	sst s15  }
0x17: {  	[smem:$0x7E7] =	sst s17;
	s18 =	sadd.s32 $0x700, s7;
	s19 =	sadd.s32 $0x680, s7  }
0x18: {  	[dreg:$0x4] =	wrdreg s8;
	s25 =	sadd.s32 $0x4E300, s7;
	s8 =	sadd.s32 s24, s5  }
0x19: {  	s26 =	sadd.s32 $0x4E280, s7;
	s17 =	sshrl.u32 s16, $0x3;
	s24 =	sshrl.u32 s23, $0x3  }
0x1a: {  	s16 =	sadd.s32 $0x480, s7;
	s23 =	sadd.s32 $0x4E580, s7;
	[smem:$0x7EA] =	sst s2  }
0x1b: {  	s2 =	sadd.s32 $0x1000, s11;
	s9 =	sshrl.u32 s18, $0x3;
	s21 =	sshrl.u32 s19, $0x3  }
0x1c: {  	[dreg:$0x7] =	wrdreg s8;
	s14 =	sshrl.u32 s26, $0x3;
	s18 =	sadd.s32 $0x4E780, s7  }
0x1d: {  	s8 =	sadd.s32 s17, s5;
	s19 =	sadd.s32 $0x580, s7;
	s26 =	sadd.s32 $0x4E680, s7  }
0x1e: {  	s17 =	sshrl.u32 s16, $0x3;
	s16 =	sadd.s32 $0x4E480, s7;
	[smem:$0x7EC] =	sst s2  }
0x1f: {  	s2 =	simm.s32 $0x280;
	s20 =	sadd.s32 s9, s5;
	[dreg:$0xa] =	wrdreg s8  }
0x20: {  	s22 =	sadd.s32 s21, s5;
	s9 =	sshrl.u32 s25, $0x3;
	[dreg:$0x5] =	wrdreg s20  }
0x21: {  	s15 =	sadd.s32 s14, s5;
	s21 =	sshrl.u32 s19, $0x3;
	[dreg:$0x6] =	wrdreg s22  }
0x22: {  	s25 =	sadd.s32 $0x500, s7;
	s8 =	sadd.s32 s24, s5;
	[dreg:$0x9] =	wrdreg s15  }
0x23: {  	s14 =	sshrl.u32 s26, $0x3;
	s13 =	sadd.s32 s9, s5;
	[dreg:$0xd] =	wrdreg s8  }
0x24: {  	s19 =	sadd.s32 $0x400, s7;
	s22 =	sadd.s32 s21, s5;
	[dreg:$0x8] =	wrdreg s13  }
0x25: {  	s26 =	sadd.s32 $0x4E500, s7;
	s15 =	sadd.s32 s14, s5;
	[dreg:$0xc] =	wrdreg s22  }
0x26: {  	s9 =	sshrl.u32 s18, $0x3;
	s8 =	sadd.s32 s17, s5;
	[dreg:$0xf] =	wrdreg s15  }
0x27: {  	s10 =	sshrl.u32 s26, $0x3;
	s26 =	sadd.s32 $0x4E0, s6;
	[dreg:$0x10] =	wrdreg s8  }
0x28: {  	s21 =	sshrl.u32 s19, $0x3;
	s20 =	sadd.s32 s9, s5;
	[smem:$0x7E9] =	sst s26  }
0x29: {  	s24 =	sshrl.u32 s23, $0x3;
	s22 =	sadd.s32 s21, s5;
	[dreg:$0xb] =	wrdreg s20  }
0x2a: {  	s14 =	sadd.s32 $0x300, s7;
	s8 =	sadd.s32 s24, s5;
	[dreg:$0x12] =	wrdreg s22  }
0x2b: {  	s17 =	sadd.s32 $0x280, s7;
	s24 =	sadd.s32 $0xA120, s6;
	[dreg:$0x13] =	wrdreg s8  }
0x2c: {  	s15 =	sshrl.u32 s14, $0x3;
	s14 =	sadd.s32 $0x7000, s11;
	[smem:$0x7E8] =	sst s24  }
0x2d: {  	s19 =	sshrl.u32 s17, $0x3;
	s17 =	sadd.s32 $0xA000, s11;
	[smem:$0x7F2] =	sst s14  }
0x2e: {  	s9 =	sshrl.u32 s25, $0x3;
	s26 =	sadd.s32 $0x12000, s11;
	[smem:$0x7F5] =	sst s17  }
0x2f: {  	s23 =	sadd.s32 $0x200, s7;
	s13 =	sadd.s32 s9, s5;
	[smem:$0x7FD] =	sst s26  }
0x30: {  	s18 =	sadd.s32 $0x4E600, s7;
	s8 =	sadd.s32 s15, s5;
	[dreg:$0xe] =	wrdreg s13  }
0x31: {  	s21 =	sadd.s32 $0x4E400, s7;
	s15 =	sadd.s32 $0x8000, s11;
	[dreg:$0x16] =	wrdreg s8  }
0x32: {  	s22 =	sshrl.u32 s21, $0x3;
	s21 =	sadd.s32 $0xE000, s11;
	[smem:$0x7F3] =	sst s15  }
0x33: {  	s9 =	sshrl.u32 s18, $0x3;
	s24 =	sadd.s32 $0x11000, s11;
	[smem:$0x7F9] =	sst s21  }
0x34: {  	s25 =	sadd.s32 $0x380, s7;
	s20 =	sadd.s32 s9, s5;
	[smem:$0x7FC] =	sst s24  }
0x35: {  	s26 =	simm.s32 $0x2;
	s13 =	sadd.s32 s10, s5;
	[dreg:$0x11] =	wrdreg s20  }
0x36: {  	s14 =	simm.s32 $0x0;
	s8 =	sadd.s32 s22, s5;
	[dreg:$0x15] =	wrdreg s13  }
0x37: {  	s9 =	sshrl.u32 s25, $0x3;
	s10 =	sadd.s32 $0x4000, s11;
	[dreg:$0x19] =	wrdreg s8  }
0x38: {  	s25 =	smul.u32 $0x2780, s12;
	s12 =	sadd.s32 $0x5000, s11;
	[smem:$0x7EF] =	sst s10  }
0x39: {  	s22 =	sadd.s32 $0xF000, s11;
	s21 =	simm.s32 $0x200;
	[smem:$0x7F0] =	sst s12  }
0x3a: {  	s24 =	simm.s32 $0x1;
	s9 =	sadd.s32 s9, s5;
	[smem:$0x7FA] =	sst s22  }
0x3b: {  	s20 =	sadd.s32 s19, s5;
	s8 =	sadd.s32 $0x2000, s11;
	[dreg:$0x14] =	wrdreg s9  }
0x3c: {  	s13 =	sadd.s32 $0x6000, s11;
	s19 =	sadd.s32 $0xC000, s11;
	[dreg:$0x18] =	wrdreg s20  }
0x3d: {  	s22 =	simm.s32 $0x380;
	s10 =	simm.s32 $0x9;
	[smem:$0x7ED] =	sst s8  }
0x3e: {  	s9 =	sshrl.u32 s16, $0x3;
	s0 =	sadd.s32 s25, s0;
	[smem:$0x7F1] =	sst s13  }
0x3f: {  	s25 =	sadd.s32 $0x600, s7;
	s16 =	sadd.s32 $0x9000, s11;
	[smem:$0x7F7] =	sst s19  }
0x40: {  	s20 =	sadd.s32 $0xD000, s11;
	s19 =	simm.s32 $0x100;
	[smem:$0x7EB] =	sst s0  }
0x41: {  	s7 =	simm.s32 $0x8;
	s8 =	simm.s32 $0x4;
	[smem:$0x7F4] =	sst s16  }
0x42: {  	s13 =	simm.s32 $0x10;
	s18 =	sadd.s32 s9, s5;
	[smem:$0x7F8] =	sst s20  }
0x43: {  	s9 =	sshrl.u32 s23, $0x3;
	s23 =	sadd.s32 $0x10000, s11;
	[dreg:$0x17] =	wrdreg s18  }
0x44: {  	s20 =	simm.s32 $0x180;
	s9 =	sadd.s32 s9, s5;
	[smem:$0x7FB] =	sst s23  }
0x45: {  	s0 =	simm.s32 $0xA;
	s18 =	sadd.s32 $0xB000, s11;
	[dreg:$0x1a] =	wrdreg s9  }
0x46: {  	s23 =	simm.s32 $0x7;
	s9 =	sadd.s32 $0x3000, s11;
	[smem:$0x7F6] =	sst s18  }
0x47: {  	v0 =	vimm.f32 $0.0e+00;
	s18 =	simm.s32 $0x80;
	[smem:$0x7EE] =	sst s9;
	s9 =	simm.s32 $0x6  }
.LBB2_1:
0x48: {  	[tilespmem:s4], [sflag:$0x1] =	stream.linear.gather [hbm4b:s6+s4], $0x80, $0x38;
	[tilespmem:$0x1FF80] =	vst v63  }
0x49: {  	s12 =	rddreg [dreg:$0x1b]  }
0x4a: {  	[tilespmem:s18], [sflag:$0x2] =	stream.linear.gather [hbm4b:s12+s4], $0x80, $0x38;
	[tilespmem:$0x1FF80] =	vst v63  }
0x4b: {  	s15 =	rddreg [dreg:$0x1c]  }
0x4c: {  	[tilespmem:s19], [sflag:$0x3] =	stream.linear.gather [hbm4b:s15+s4], $0x80, $0x38;
	[tilespmem:$0x1FF80] =	vst v63  }
0x4d: {  	s16 =	rddreg [dreg:$0x1d]  }
0x4e: {  	[tilespmem:s20], [sflag:$0x4] =	stream.linear.gather [hbm4b:s16+s4], $0x80, $0x38;
	[tilespmem:$0x1FF80] =	vst v63  }
0x4f: {  	s17 =	rddreg [dreg:$0x1e];
	s15 =	sand.u32 $0x3E00, s4  }
0x50: {  	[tilespmem:s21], [sflag:$0x5] =	stream.linear.gather [hbm4b:s17+s4], $0x80, $0x38;
	[tilespmem:$0x1FF80] =	vst v63  }
0x51: {  	s16 =	sand.u32 $0x70, s4;
	s17 =	sshrl.u32 s15, $0x2  }
0x52: {  	s15 =	simm.s32 $0x40;
	s17 =	sor.u32 s16, s17;
	s16 =	simm.s32 $0x0  }
.LBB2_2:
0x53: {  	p0 =	sne.s32 s15, $0x3FC0  }
0x54: {  	[tilespmem:s17+$0x380] =	vst v0;
	s16 =	sadd.s32 $0x10, s16;
	s17 =	smov.u32 s15;
	s15 =	sadd.s32 $0x40, s15  }
.Ltmp0:
0x55: {  	(pc) =	sbr.rel @p0 .LBB2_2-.Ltmp0, $4  }
0x56: {  	_ = 	snop  }
0x57: {  	s17 =	sand.u32 $0x3E00, s17  }
0x58: {  	s12 =	sand.u32 $0x70, s16;
	s17 =	sshrl.u32 s17, $0x2  }
0x59: {  	s17 =	sor.u32 s12, s17  }
0x5a: {  	[tilespmem:s17+$0x380] =	vst v0;
	s12 =	sld [smem:$0x7EC]  }
0x5b: {  	[spmem:s11] =	stream.linear.scatter [tilespmem:s22], [sflag:$0x7], $0x1000, $0x38;
	[tilespmem:$0x1FF80] =	vst v63  }
0x5c: {  	s17 =	sld [smem:$0x7ED]  }
0x5d: {  	[spmem:s12] =	stream.linear.scatter [tilespmem:s22], [sflag:$0x7], $0x1000, $0x38;
	[tilespmem:$0x1FF80] =	vst v63  }
0x5e: {  	s15 =	sld [smem:$0x7EE]  }
0x5f: {  	[spmem:s17] =	stream.linear.scatter [tilespmem:s22], [sflag:$0x7], $0x1000, $0x38;
	[tilespmem:$0x1FF80] =	vst v63  }
0x60: {  	s16 =	sld [smem:$0x7EF]  }
0x61: {  	[spmem:s15] =	stream.linear.scatter [tilespmem:s22], [sflag:$0x7], $0x1000, $0x38;
	[tilespmem:$0x1FF80] =	vst v63  }
0x62: {  	s17 =	sld [smem:$0x7F0]  }
0x63: {  	[spmem:s16] =	stream.linear.scatter [tilespmem:s22], [sflag:$0x7], $0x1000, $0x38;
	[tilespmem:$0x1FF80] =	vst v63  }
0x64: {  	s15 =	sld [smem:$0x7F1]  }
0x65: {  	[spmem:s17] =	stream.linear.scatter [tilespmem:s22], [sflag:$0x7], $0x1000, $0x38;
	[tilespmem:$0x1FF80] =	vst v63  }
0x66: {  	s16 =	sld [smem:$0x7F2]  }
0x67: {  	[spmem:s15] =	stream.linear.scatter [tilespmem:s22], [sflag:$0x7], $0x1000, $0x38;
	[tilespmem:$0x1FF80] =	vst v63  }
0x68: {  	s17 =	sld [smem:$0x7F3]  }
0x69: {  	[spmem:s16] =	stream.linear.scatter [tilespmem:s22], [sflag:$0x7], $0x1000, $0x38;
	[tilespmem:$0x1FF80] =	vst v63  }
0x6a: {  	s15 =	sld [smem:$0x7F4]  }
0x6b: {  	[spmem:s17] =	stream.linear.scatter [tilespmem:s22], [sflag:$0x7], $0x1000, $0x38;
	[tilespmem:$0x1FF80] =	vst v63  }
0x6c: {  	s16 =	sld [smem:$0x7F5]  }
0x6d: {  	[spmem:s15] =	stream.linear.scatter [tilespmem:s22], [sflag:$0x7], $0x1000, $0x38;
	[tilespmem:$0x1FF80] =	vst v63  }
0x6e: {  	s17 =	sld [smem:$0x7F6]  }
0x6f: {  	[spmem:s16] =	stream.linear.scatter [tilespmem:s22], [sflag:$0x7], $0x1000, $0x38;
	[tilespmem:$0x1FF80] =	vst v63  }
0x70: {  	s15 =	sld [smem:$0x7F7]  }
0x71: {  	[spmem:s17] =	stream.linear.scatter [tilespmem:s22], [sflag:$0x7], $0x1000, $0x38;
	[tilespmem:$0x1FF80] =	vst v63  }
0x72: {  	s16 =	sld [smem:$0x7F8]  }
0x73: {  	[spmem:s15] =	stream.linear.scatter [tilespmem:s22], [sflag:$0x7], $0x1000, $0x38;
	[tilespmem:$0x1FF80] =	vst v63  }
0x74: {  	s17 =	sld [smem:$0x7F9]  }
0x75: {  	[spmem:s16] =	stream.linear.scatter [tilespmem:s22], [sflag:$0x7], $0x1000, $0x38;
	[tilespmem:$0x1FF80] =	vst v63  }
0x76: {  	s15 =	sld [smem:$0x7FA]  }
0x77: {  	[spmem:s17] =	stream.linear.scatter [tilespmem:s22], [sflag:$0x7], $0x1000, $0x38;
	[tilespmem:$0x1FF80] =	vst v63  }
0x78: {  	s16 =	sld [smem:$0x7FB]  }
0x79: {  	[spmem:s15] =	stream.linear.scatter [tilespmem:s22], [sflag:$0x7], $0x1000, $0x38;
	[tilespmem:$0x1FF80] =	vst v63  }
0x7a: {  	s17 =	sld [smem:$0x7FC]  }
0x7b: {  	[spmem:s16] =	stream.linear.scatter [tilespmem:s22], [sflag:$0x7], $0x1000, $0x38;
	[tilespmem:$0x1FF80] =	vst v63  }
0x7c: {  	s15 =	sld [smem:$0x7FD]  }
0x7d: {  	[spmem:s17] =	stream.linear.scatter [tilespmem:s22], [sflag:$0x7], $0x1000, $0x38;
	[tilespmem:$0x1FF80] =	vst v63  }
0x7e: {  	_ = 	snop  }
0x7f: {  	[spmem:s15] =	stream.linear.scatter [tilespmem:s22], [sflag:$0x7], $0x1000, $0x38;
	[tilespmem:$0x1FF80] =	vst v63  }
0x80: {  	s16 =	rddreg [dreg:$0x1f]  }
0x81: {  	[spmem:s16] =	stream.linear.scatter [tilespmem:s22], [sflag:$0x7], $0xC00, $0x38;
	[tilespmem:$0x1FF80] =	vst v63  }
0x82: {  	_ =	swait.ge [sflag:s23], $0x1000  }
0x83: {  	[sflag:s23] =	ssyncset.done $0x0  }
0x84: {  	[sflag:s23] =	ssyncadd.s32 $0xFFFFF000  }
0x85: {  	_ =	swait.ge [sflag:s23], $0x1000  }
0x86: {  	[sflag:s23] =	ssyncset.done $0x0  }
0x87: {  	[sflag:s23] =	ssyncadd.s32 $0xFFFFF000  }
0x88: {  	_ =	swait.ge [sflag:s23], $0x1000  }
0x89: {  	[sflag:s23] =	ssyncset.done $0x0  }
0x8a: {  	[sflag:s23] =	ssyncadd.s32 $0xFFFFF000  }
0x8b: {  	_ =	swait.ge [sflag:s23], $0x1000  }
0x8c: {  	[sflag:s23] =	ssyncset.done $0x0  }
0x8d: {  	[sflag:s23] =	ssyncadd.s32 $0xFFFFF000  }
0x8e: {  	_ =	swait.ge [sflag:s23], $0x1000  }
0x8f: {  	[sflag:s23] =	ssyncset.done $0x0  }
0x90: {  	[sflag:s23] =	ssyncadd.s32 $0xFFFFF000  }
0x91: {  	_ =	swait.ge [sflag:s23], $0x1000  }
0x92: {  	[sflag:s23] =	ssyncset.done $0x0  }
0x93: {  	[sflag:s23] =	ssyncadd.s32 $0xFFFFF000  }
0x94: {  	_ =	swait.ge [sflag:s23], $0x1000  }
0x95: {  	[sflag:s23] =	ssyncset.done $0x0  }
0x96: {  	[sflag:s23] =	ssyncadd.s32 $0xFFFFF000  }
0x97: {  	_ =	swait.ge [sflag:s23], $0x1000  }
0x98: {  	[sflag:s23] =	ssyncset.done $0x0  }
0x99: {  	[sflag:s23] =	ssyncadd.s32 $0xFFFFF000  }
0x9a: {  	_ =	swait.ge [sflag:s23], $0x1000  }
0x9b: {  	[sflag:s23] =	ssyncset.done $0x0  }
0x9c: {  	[sflag:s23] =	ssyncadd.s32 $0xFFFFF000  }
0x9d: {  	_ =	swait.ge [sflag:s23], $0x1000  }
0x9e: {  	[sflag:s23] =	ssyncset.done $0x0  }
0x9f: {  	[sflag:s23] =	ssyncadd.s32 $0xFFFFF000  }
0xa0: {  	_ =	swait.ge [sflag:s23], $0x1000  }
0xa1: {  	[sflag:s23] =	ssyncset.done $0x0  }
0xa2: {  	[sflag:s23] =	ssyncadd.s32 $0xFFFFF000  }
0xa3: {  	_ =	swait.ge [sflag:s23], $0x1000  }
0xa4: {  	[sflag:s23] =	ssyncset.done $0x0  }
0xa5: {  	[sflag:s23] =	ssyncadd.s32 $0xFFFFF000  }
0xa6: {  	_ =	swait.ge [sflag:s23], $0x1000  }
0xa7: {  	[sflag:s23] =	ssyncset.done $0x0  }
0xa8: {  	[sflag:s23] =	ssyncadd.s32 $0xFFFFF000  }
0xa9: {  	_ =	swait.ge [sflag:s23], $0x1000  }
0xaa: {  	[sflag:s23] =	ssyncset.done $0x0  }
0xab: {  	[sflag:s23] =	ssyncadd.s32 $0xFFFFF000  }
0xac: {  	_ =	swait.ge [sflag:s23], $0x1000  }
0xad: {  	[sflag:s23] =	ssyncset.done $0x0  }
0xae: {  	[sflag:s23] =	ssyncadd.s32 $0xFFFFF000  }
0xaf: {  	_ =	swait.ge [sflag:s23], $0x1000  }
0xb0: {  	[sflag:s23] =	ssyncset.done $0x0  }
0xb1: {  	[sflag:s23] =	ssyncadd.s32 $0xFFFFF000  }
0xb2: {  	_ =	swait.ge [sflag:s23], $0x1000  }
0xb3: {  	[sflag:s23] =	ssyncset.done $0x0  }
0xb4: {  	[sflag:s23] =	ssyncadd.s32 $0xFFFFF000  }
0xb5: {  	_ =	swait.ge [sflag:s23], $0x1000  }
0xb6: {  	[sflag:s23] =	ssyncset.done $0x0  }
0xb7: {  	[sflag:s23] =	ssyncadd.s32 $0xFFFFF000  }
0xb8: {  	_ =	swait.ge [sflag:s23], $0x1000  }
0xb9: {  	[sflag:s23] =	ssyncset.done $0x0  }
0xba: {  	[sflag:s23] =	ssyncadd.s32 $0xFFFFF000  }
0xbb: {  	_ =	swait.ge [sflag:s23], $0xC00  }
0xbc: {  	[sflag:s23] =	ssyncset.done $0x0  }
0xbd: {  	[sflag:s23] =	ssyncadd.s32 $0xFFFFF400  }
0xbe: {  	[bflag:$0x0] =	sbarrier.arrive $0xFFFF  }
0xbf: {  	_ =	swait.ge [sflag:s24], $0x80  }
0xc0: {  	[sflag:s24] =	ssyncset.done $0x0  }
0xc1: {  	s17 =	simm.s32 $0x0;
	[sflag:s24] =	ssyncadd.s32 $0xFFFFFF80  }
0xc2: {  	[tilespmem:s22], [sflag:$0x7] =	stream.indirect.gather [hbm4b:s1+s18], $0x80, s17, s18, $0xb8;
	[tilespmem:$0x1FF80] =	vst v63  }
0xc3: {  	_ =	swait.ge [sflag:s26], $0x80  }
0xc4: {  	[sflag:s26] =	ssyncset.done $0x0  }
0xc5: {  	[sflag:s26] =	ssyncadd.s32 $0xFFFFFF80  }
0xc6: {  	[tilespmem:s28], [sflag:$0x8] =	stream.indirect.gather [hbm4b:s1+s18], $0x80, s18, s18, $0xb8;
	[tilespmem:$0x1FF80] =	vst v63  }
0xc7: {  	_ =	swait.ge [sflag:s23], $0x4000  }
0xc8: {  	s15 =	rddreg [dreg:$0x1a];
	[sflag:s23] =	ssyncset.done $0x0  }
0xc9: {  	[sflag:s23] =	ssyncadd.s32 $0xFFFFC000;
	s12 =	sadd.s32 $0x0, s15  }
0xca: {  	[tilespmem:s4], [sflag:$0x1] =	stream.linear.gather [hbm4b:s12+s4], $0x80, $0x38;
	[tilespmem:$0x1FF80] =	vst v63  }
0xcb: {  	_ =	swait.ge [sflag:s29], $0x80  }
0xcc: {  	[sflag:s29] =	ssyncset.done $0x0  }
0xcd: {  	[sflag:s29] =	ssyncadd.s32 $0xFFFFFF80  }
0xce: {  	[tilespmem:s30], [sflag:$0x9] =	stream.indirect.gather [hbm4b:s1+s18], $0x80, s19, s18, $0xb8;
	[tilespmem:$0x1FF80] =	vst v63  }
0xcf: {  	_ =	swait.ge [sflag:s31], $0x80  }
0xd0: {  	[sflag:s31] =	ssyncset.done $0x0  }
0xd1: {  	[sflag:s31] =	ssyncadd.s32 $0xFFFFFF80  }
0xd2: {  	[spmem:s3] =	stream.indirect.scatter.add.f32 [tilespmem:s22], [sflag:$0xA], $0x80, s21, s18, $0xb8;
	[tilespmem:$0x1FF80] =	vst v63  }
0xd3: {  	_ =	swait.ge [sflag:s0], $0x4000  }
0xd4: {  	s16 =	rddreg [dreg:$0x9];
	[sflag:s0] =	ssyncset.done $0x0  }
0xd5: {  	[sflag:s0] =	ssyncadd.s32 $0xFFFFC000;
	s12 =	sadd.s32 $0x0, s16  }
0xd6: {  	[tilespmem:s2], [sflag:$0x6] =	stream.linear.gather [hbm4b:s12+s4], $0x80, $0x38;
	[tilespmem:$0x1FF80] =	vst v63  }
0xd7: {  	_ =	swait.ge [sflag:s7], $0x4000  }
0xd8: {  	s17 =	rddreg [dreg:$0x18];
	[sflag:s7] =	ssyncset.done $0x0  }
0xd9: {  	[sflag:s7] =	ssyncadd.s32 $0xFFFFC000;
	s12 =	sadd.s32 $0x0, s17  }
0xda: {  	[tilespmem:s18], [sflag:$0x2] =	stream.linear.gather [hbm4b:s12+s4], $0x80, $0x38;
	[tilespmem:$0x1FF80] =	vst v63  }
0xdb: {  	_ =	swait.ge [sflag:s8], $0x80  }
0xdc: {  	[sflag:s8] =	ssyncset.done $0x0  }
0xdd: {  	[sflag:s8] =	ssyncadd.s32 $0xFFFFFF80  }
0xde: {  	[tilespmem:s22], [sflag:$0x7] =	stream.indirect.gather [hbm4b:s1+s18], $0x80, s20, s18, $0xb8;
	[tilespmem:$0x1FF80] =	vst v63  }
0xdf: {  	_ =	swait.ge [sflag:s9], $0x80  }
0xe0: {  	[sflag:s9] =	ssyncset.done $0x0  }
0xe1: {  	[sflag:s9] =	ssyncadd.s32 $0xFFFFFF80  }
0xe2: {  	[spmem:s3] =	stream.indirect.scatter.add.f32 [tilespmem:s28], [sflag:$0xA], $0x80, s2, s18, $0xb8;
	[tilespmem:$0x1FF80] =	vst v63  }
0xe3: {  	_ =	swait.ge [sflag:s0], $0x4000  }
0xe4: {  	s15 =	rddreg [dreg:$0x8];
	[sflag:s0] =	ssyncset.done $0x0  }
0xe5: {  	[sflag:s0] =	ssyncadd.s32 $0xFFFFC000;
	s12 =	sadd.s32 $0x0, s15  }
0xe6: {  	[tilespmem:s21], [sflag:$0x5] =	stream.linear.gather [hbm4b:s12+s4], $0x80, $0x38;
	[tilespmem:$0x1FF80] =	vst v63  }
0xe7: {  	_ =	swait.ge [sflag:s10], $0x4000  }
0xe8: {  	s16 =	rddreg [dreg:$0x16];
	[sflag:s10] =	ssyncset.done $0x0  }
0xe9: {  	[sflag:s10] =	ssyncadd.s32 $0xFFFFC000;
	s12 =	sadd.s32 $0x0, s16  }
0xea: {  	[tilespmem:s19], [sflag:$0x3] =	stream.linear.gather [hbm4b:s12+s4], $0x80, $0x38;
	[tilespmem:$0x1FF80] =	vst v63  }
0xeb: {  	_ =	swait.ge [sflag:s24], $0x80  }
0xec: {  	[sflag:s24] =	ssyncset.done $0x0  }
0xed: {  	[sflag:s24] =	ssyncadd.s32 $0xFFFFFF80  }
0xee: {  	[tilespmem:s28], [sflag:$0x8] =	stream.indirect.gather [hbm4b:s1+s18], $0x80, s4, s18, $0xb8;
	[tilespmem:$0x1FF80] =	vst v63  }
0xef: {  	_ =	swait.ge [sflag:s31], $0x80  }
0xf0: {  	[sflag:s31] =	ssyncset.done $0x0  }
0xf1: {  	[sflag:s31] =	ssyncadd.s32 $0xFFFFFF80  }
0xf2: {  	[spmem:s3] =	stream.indirect.scatter.add.f32 [tilespmem:s30], [sflag:$0xA], $0x80, s21, s18, $0xb8;
	[tilespmem:$0x1FF80] =	vst v63  }
0xf3: {  	_ =	swait.ge [sflag:s0], $0x4000  }
0xf4: {  	s17 =	rddreg [dreg:$0x7];
	[sflag:s0] =	ssyncset.done $0x0  }
0xf5: {  	[sflag:s0] =	ssyncadd.s32 $0xFFFFC000;
	s12 =	sadd.s32 $0x0, s17  }
0xf6: {  	[tilespmem:s2], [sflag:$0x6] =	stream.linear.gather [hbm4b:s12+s4], $0x80, $0x38;
	[tilespmem:$0x1FF80] =	vst v63  }
0xf7: {  	_ =	swait.ge [sflag:s23], $0x4000  }
0xf8: {  	s15 =	rddreg [dreg:$0x14];
	[sflag:s23] =	ssyncset.done $0x0  }
0xf9: {  	[sflag:s23] =	ssyncadd.s32 $0xFFFFC000;
	s12 =	sadd.s32 $0x0, s15  }
0xfa: {  	[tilespmem:s20], [sflag:$0x4] =	stream.linear.gather [hbm4b:s12+s4], $0x80, $0x38;
	[tilespmem:$0x1FF80] =	vst v63  }
0xfb: {  	_ =	swait.ge [sflag:s26], $0x80  }
0xfc: {  	[sflag:s26] =	ssyncset.done $0x0  }
0xfd: {  	[sflag:s26] =	ssyncadd.s32 $0xFFFFFF80  }
0xfe: {  	[tilespmem:s30], [sflag:$0x9] =	stream.indirect.gather [hbm4b:s1+s18], $0x80, s18, s18, $0xb8;
	[tilespmem:$0x1FF80] =	vst v63  }
0xff: {  	_ =	swait.ge [sflag:s9], $0x80  }
0x100: {  	[sflag:s9] =	ssyncset.done $0x0  }
0x101: {  	[sflag:s9] =	ssyncadd.s32 $0xFFFFFF80  }
0x102: {  	[spmem:s3] =	stream.indirect.scatter.add.f32 [tilespmem:s22], [sflag:$0xA], $0x80, s2, s18, $0xb8;
	[tilespmem:$0x1FF80] =	vst v63  }
0x103: {  	_ =	swait.ge [sflag:s0], $0x4000  }
0x104: {  	s16 =	rddreg [dreg:$0x19];
	[sflag:s0] =	ssyncset.done $0x0  }
0x105: {  	[sflag:s0] =	ssyncadd.s32 $0xFFFFC000;
	s12 =	sadd.s32 $0x0, s16  }
0x106: {  	[tilespmem:s21], [sflag:$0x5] =	stream.linear.gather [hbm4b:s12+s4], $0x80, $0x38;
	[tilespmem:$0x1FF80] =	vst v63  }
0x107: {  	_ =	swait.ge [sflag:s7], $0x4000  }
0x108: {  	s17 =	rddreg [dreg:$0x12];
	[sflag:s7] =	ssyncset.done $0x0  }
0x109: {  	[sflag:s7] =	ssyncadd.s32 $0xFFFFC000;
	s12 =	sadd.s32 $0x0, s17  }
0x10a: {  	[tilespmem:s4], [sflag:$0x1] =	stream.linear.gather [hbm4b:s12+s4], $0x80, $0x38;
	[tilespmem:$0x1FF80] =	vst v63  }
0x10b: {  	_ =	swait.ge [sflag:s29], $0x80  }
0x10c: {  	[sflag:s29] =	ssyncset.done $0x0  }
0x10d: {  	[sflag:s29] =	ssyncadd.s32 $0xFFFFFF80  }
0x10e: {  	[tilespmem:s22], [sflag:$0x7] =	stream.indirect.gather [hbm4b:s1+s18], $0x80, s19, s18, $0xb8;
	[tilespmem:$0x1FF80] =	vst v63  }
0x10f: {  	_ =	swait.ge [sflag:s31], $0x80  }
0x110: {  	[sflag:s31] =	ssyncset.done $0x0  }
0x111: {  	[sflag:s31] =	ssyncadd.s32 $0xFFFFFF80  }
0x112: {  	[spmem:s3] =	stream.indirect.scatter.add.f32 [tilespmem:s28], [sflag:$0xA], $0x80, s21, s18, $0xb8;
	[tilespmem:$0x1FF80] =	vst v63  }
0x113: {  	_ =	swait.ge [sflag:s0], $0x4000  }
0x114: {  	s15 =	rddreg [dreg:$0x17];
	[sflag:s0] =	ssyncset.done $0x0  }
0x115: {  	[sflag:s0] =	ssyncadd.s32 $0xFFFFC000;
	s12 =	sadd.s32 $0x0, s15  }
0x116: {  	[tilespmem:s2], [sflag:$0x6] =	stream.linear.gather [hbm4b:s12+s4], $0x80, $0x38;
	[tilespmem:$0x1FF80] =	vst v63  }
0x117: {  	_ =	swait.ge [sflag:s10], $0x4000  }
0x118: {  	s16 =	rddreg [dreg:$0x10];
	[sflag:s10] =	ssyncset.done $0x0  }
0x119: {  	[sflag:s10] =	ssyncadd.s32 $0xFFFFC000;
	s12 =	sadd.s32 $0x0, s16  }
0x11a: {  	[tilespmem:s18], [sflag:$0x2] =	stream.linear.gather [hbm4b:s12+s4], $0x80, $0x38;
	[tilespmem:$0x1FF80] =	vst v63  }
0x11b: {  	_ =	swait.ge [sflag:s8], $0x80  }
0x11c: {  	[sflag:s8] =	ssyncset.done $0x0  }
0x11d: {  	[sflag:s8] =	ssyncadd.s32 $0xFFFFFF80  }
0x11e: {  	[tilespmem:s28], [sflag:$0x8] =	stream.indirect.gather [hbm4b:s1+s18], $0x80, s20, s18, $0xb8;
	[tilespmem:$0x1FF80] =	vst v63  }
0x11f: {  	_ =	swait.ge [sflag:s9], $0x80  }
0x120: {  	[sflag:s9] =	ssyncset.done $0x0  }
0x121: {  	[sflag:s9] =	ssyncadd.s32 $0xFFFFFF80  }
0x122: {  	[spmem:s3] =	stream.indirect.scatter.add.f32 [tilespmem:s30], [sflag:$0xA], $0x80, s2, s18, $0xb8;
	[tilespmem:$0x1FF80] =	vst v63  }
0x123: {  	_ =	swait.ge [sflag:s0], $0x4000  }
0x124: {  	s17 =	rddreg [dreg:$0x15];
	[sflag:s0] =	ssyncset.done $0x0  }
0x125: {  	[sflag:s0] =	ssyncadd.s32 $0xFFFFC000;
	s12 =	sadd.s32 $0x0, s17  }
0x126: {  	[tilespmem:s21], [sflag:$0x5] =	stream.linear.gather [hbm4b:s12+s4], $0x80, $0x38;
	[tilespmem:$0x1FF80] =	vst v63  }
0x127: {  	_ =	swait.ge [sflag:s23], $0x4000  }
0x128: {  	s15 =	rddreg [dreg:$0xe];
	[sflag:s23] =	ssyncset.done $0x0  }
0x129: {  	[sflag:s23] =	ssyncadd.s32 $0xFFFFC000;
	s12 =	sadd.s32 $0x0, s15  }
0x12a: {  	[tilespmem:s19], [sflag:$0x3] =	stream.linear.gather [hbm4b:s12+s4], $0x80, $0x38;
	[tilespmem:$0x1FF80] =	vst v63  }
0x12b: {  	_ =	swait.ge [sflag:s24], $0x80  }
0x12c: {  	[sflag:s24] =	ssyncset.done $0x0  }
0x12d: {  	[sflag:s24] =	ssyncadd.s32 $0xFFFFFF80  }
0x12e: {  	[tilespmem:s30], [sflag:$0x9] =	stream.indirect.gather [hbm4b:s1+s18], $0x80, s4, s18, $0xb8;
	[tilespmem:$0x1FF80] =	vst v63  }
0x12f: {  	_ =	swait.ge [sflag:s31], $0x80  }
0x130: {  	[sflag:s31] =	ssyncset.done $0x0  }
0x131: {  	[sflag:s31] =	ssyncadd.s32 $0xFFFFFF80  }
0x132: {  	[spmem:s3] =	stream.indirect.scatter.add.f32 [tilespmem:s22], [sflag:$0xA], $0x80, s21, s18, $0xb8;
	[tilespmem:$0x1FF80] =	vst v63  }
0x133: {  	_ =	swait.ge [sflag:s0], $0x4000  }
0x134: {  	s16 =	rddreg [dreg:$0x13];
	[sflag:s0] =	ssyncset.done $0x0  }
0x135: {  	[sflag:s0] =	ssyncadd.s32 $0xFFFFC000;
	s12 =	sadd.s32 $0x0, s16  }
0x136: {  	[tilespmem:s2], [sflag:$0x6] =	stream.linear.gather [hbm4b:s12+s4], $0x80, $0x38;
	[tilespmem:$0x1FF80] =	vst v63  }
0x137: {  	_ =	swait.ge [sflag:s7], $0x4000  }
0x138: {  	s17 =	rddreg [dreg:$0xc];
	[sflag:s7] =	ssyncset.done $0x0  }
0x139: {  	[sflag:s7] =	ssyncadd.s32 $0xFFFFC000;
	s12 =	sadd.s32 $0x0, s17  }
0x13a: {  	[tilespmem:s20], [sflag:$0x4] =	stream.linear.gather [hbm4b:s12+s4], $0x80, $0x38;
	[tilespmem:$0x1FF80] =	vst v63  }
0x13b: {  	_ =	swait.ge [sflag:s26], $0x80  }
0x13c: {  	[sflag:s26] =	ssyncset.done $0x0  }
0x13d: {  	[sflag:s26] =	ssyncadd.s32 $0xFFFFFF80  }
0x13e: {  	[tilespmem:s22], [sflag:$0x7] =	stream.indirect.gather [hbm4b:s1+s18], $0x80, s18, s18, $0xb8;
	[tilespmem:$0x1FF80] =	vst v63  }
0x13f: {  	_ =	swait.ge [sflag:s9], $0x80  }
0x140: {  	[sflag:s9] =	ssyncset.done $0x0  }
0x141: {  	[sflag:s9] =	ssyncadd.s32 $0xFFFFFF80  }
0x142: {  	[spmem:s3] =	stream.indirect.scatter.add.f32 [tilespmem:s28], [sflag:$0xA], $0x80, s2, s18, $0xb8;
	[tilespmem:$0x1FF80] =	vst v63  }
0x143: {  	_ =	swait.ge [sflag:s0], $0x4000  }
0x144: {  	s15 =	rddreg [dreg:$0x11];
	[sflag:s0] =	ssyncset.done $0x0  }
0x145: {  	[sflag:s0] =	ssyncadd.s32 $0xFFFFC000;
	s12 =	sadd.s32 $0x0, s15  }
0x146: {  	[tilespmem:s21], [sflag:$0x5] =	stream.linear.gather [hbm4b:s12+s4], $0x80, $0x38;
	[tilespmem:$0x1FF80] =	vst v63  }
0x147: {  	_ =	swait.ge [sflag:s10], $0x4000  }
0x148: {  	s16 =	sshrl.u32 s25, $0x3;
	[sflag:s10] =	ssyncset.done $0x0  }
0x149: {  	s12 =	sadd.s32 s5, s16;
	[sflag:s10] =	ssyncadd.s32 $0xFFFFC000  }
0x14a: {  	[tilespmem:s4], [sflag:$0x1] =	stream.linear.gather [hbm4b:s12+s4], $0x80, $0x38;
	[tilespmem:$0x1FF80] =	vst v63  }
0x14b: {  	_ =	swait.ge [sflag:s29], $0x80  }
0x14c: {  	[sflag:s29] =	ssyncset.done $0x0  }
0x14d: {  	[sflag:s29] =	ssyncadd.s32 $0xFFFFFF80  }
0x14e: {  	[tilespmem:s28], [sflag:$0x8] =	stream.indirect.gather [hbm4b:s1+s18], $0x80, s19, s18, $0xb8;
	[tilespmem:$0x1FF80] =	vst v63  }
0x14f: {  	_ =	swait.ge [sflag:s31], $0x80  }
0x150: {  	[sflag:s31] =	ssyncset.done $0x0  }
0x151: {  	[sflag:s31] =	ssyncadd.s32 $0xFFFFFF80  }
0x152: {  	[spmem:s3] =	stream.indirect.scatter.add.f32 [tilespmem:s30], [sflag:$0xA], $0x80, s21, s18, $0xb8;
	[tilespmem:$0x1FF80] =	vst v63  }
0x153: {  	_ =	swait.ge [sflag:s0], $0x4000  }
0x154: {  	s17 =	rddreg [dreg:$0xf];
	[sflag:s0] =	ssyncset.done $0x0  }
0x155: {  	[sflag:s0] =	ssyncadd.s32 $0xFFFFC000;
	s12 =	sadd.s32 $0x0, s17  }
0x156: {  	[tilespmem:s2], [sflag:$0x6] =	stream.linear.gather [hbm4b:s12+s4], $0x80, $0x38;
	[tilespmem:$0x1FF80] =	vst v63  }
0x157: {  	_ =	swait.ge [sflag:s23], $0x4000  }
0x158: {  	s15 =	rddreg [dreg:$0x6];
	[sflag:s23] =	ssyncset.done $0x0  }
0x159: {  	[sflag:s23] =	ssyncadd.s32 $0xFFFFC000;
	s12 =	sadd.s32 $0x0, s15  }
0x15a: {  	[tilespmem:s18], [sflag:$0x2] =	stream.linear.gather [hbm4b:s12+s4], $0x80, $0x38;
	[tilespmem:$0x1FF80] =	vst v63  }
0x15b: {  	_ =	swait.ge [sflag:s8], $0x80  }
0x15c: {  	[sflag:s8] =	ssyncset.done $0x0  }
0x15d: {  	[sflag:s8] =	ssyncadd.s32 $0xFFFFFF80  }
0x15e: {  	[tilespmem:s30], [sflag:$0x9] =	stream.indirect.gather [hbm4b:s1+s18], $0x80, s20, s18, $0xb8;
	[tilespmem:$0x1FF80] =	vst v63  }
0x15f: {  	_ =	swait.ge [sflag:s9], $0x80  }
0x160: {  	[sflag:s9] =	ssyncset.done $0x0  }
0x161: {  	[sflag:s9] =	ssyncadd.s32 $0xFFFFFF80  }
0x162: {  	[spmem:s3] =	stream.indirect.scatter.add.f32 [tilespmem:s22], [sflag:$0xA], $0x80, s2, s18, $0xb8;
	[tilespmem:$0x1FF80] =	vst v63  }
0x163: {  	_ =	swait.ge [sflag:s0], $0x4000  }
0x164: {  	s16 =	rddreg [dreg:$0xd];
	[sflag:s0] =	ssyncset.done $0x0  }
0x165: {  	[sflag:s0] =	ssyncadd.s32 $0xFFFFC000;
	s12 =	sadd.s32 $0x0, s16  }
0x166: {  	[tilespmem:s21], [sflag:$0x5] =	stream.linear.gather [hbm4b:s12+s4], $0x80, $0x38;
	[tilespmem:$0x1FF80] =	vst v63  }
0x167: {  	_ =	swait.ge [sflag:s7], $0x4000  }
0x168: {  	s17 =	rddreg [dreg:$0x5];
	[sflag:s7] =	ssyncset.done $0x0  }
0x169: {  	[sflag:s7] =	ssyncadd.s32 $0xFFFFC000;
	s12 =	sadd.s32 $0x0, s17  }
0x16a: {  	[tilespmem:s19], [sflag:$0x3] =	stream.linear.gather [hbm4b:s12+s4], $0x80, $0x38;
	[tilespmem:$0x1FF80] =	vst v63  }
0x16b: {  	_ =	swait.ge [sflag:s24], $0x80  }
0x16c: {  	[sflag:s24] =	ssyncset.done $0x0  }
0x16d: {  	[sflag:s24] =	ssyncadd.s32 $0xFFFFFF80  }
0x16e: {  	[tilespmem:s22], [sflag:$0x7] =	stream.indirect.gather [hbm4b:s1+s18], $0x80, s4, s18, $0xb8;
	[tilespmem:$0x1FF80] =	vst v63  }
0x16f: {  	_ =	swait.ge [sflag:s31], $0x80  }
0x170: {  	[sflag:s31] =	ssyncset.done $0x0  }
0x171: {  	[sflag:s31] =	ssyncadd.s32 $0xFFFFFF80  }
0x172: {  	[spmem:s3] =	stream.indirect.scatter.add.f32 [tilespmem:s28], [sflag:$0xA], $0x80, s21, s18, $0xb8;
	[tilespmem:$0x1FF80] =	vst v63  }
0x173: {  	_ =	swait.ge [sflag:s0], $0x4000  }
0x174: {  	s15 =	rddreg [dreg:$0xb];
	[sflag:s0] =	ssyncset.done $0x0  }
0x175: {  	[sflag:s0] =	ssyncadd.s32 $0xFFFFC000;
	s12 =	sadd.s32 $0x0, s15  }
0x176: {  	[tilespmem:s2], [sflag:$0x6] =	stream.linear.gather [hbm4b:s12+s4], $0x80, $0x38;
	[tilespmem:$0x1FF80] =	vst v63  }
0x177: {  	_ =	swait.ge [sflag:s10], $0x4000  }
0x178: {  	s16 =	rddreg [dreg:$0x4];
	[sflag:s10] =	ssyncset.done $0x0  }
0x179: {  	[sflag:s10] =	ssyncadd.s32 $0xFFFFC000;
	s12 =	sadd.s32 $0x0, s16  }
0x17a: {  	[tilespmem:s20], [sflag:$0x4] =	stream.linear.gather [hbm4b:s12+s4], $0x80, $0x38;
	[tilespmem:$0x1FF80] =	vst v63  }
0x17b: {  	_ =	swait.ge [sflag:s26], $0x80  }
0x17c: {  	[sflag:s26] =	ssyncset.done $0x0  }
0x17d: {  	[sflag:s26] =	ssyncadd.s32 $0xFFFFFF80  }
0x17e: {  	[tilespmem:s28], [sflag:$0x8] =	stream.indirect.gather [hbm4b:s1+s18], $0x80, s18, s18, $0xb8;
	[tilespmem:$0x1FF80] =	vst v63  }
0x17f: {  	_ =	swait.ge [sflag:s9], $0x80  }
0x180: {  	[sflag:s9] =	ssyncset.done $0x0  }
0x181: {  	[sflag:s9] =	ssyncadd.s32 $0xFFFFFF80  }
0x182: {  	[spmem:s3] =	stream.indirect.scatter.add.f32 [tilespmem:s30], [sflag:$0xA], $0x80, s2, s18, $0xb8;
	[tilespmem:$0x1FF80] =	vst v63  }
0x183: {  	_ =	swait.ge [sflag:s0], $0x4000  }
0x184: {  	s15 =	simm.s32 $0xC0;
	s17 =	rddreg [dreg:$0xa];
	[sflag:s0] =	ssyncset.done $0x0  }
0x185: {  	s16 =	sadd.s32 $0x600, s25;
	[sflag:s0] =	ssyncadd.s32 $0xFFFFC000;
	s17 =	sadd.s32 $0x0, s17  }
.LBB2_4:
0x186: {  	[tilespmem:s21], [sflag:$0x5] =	stream.linear.gather [hbm4b:s17+s4], $0x80, $0x38;
	[tilespmem:$0x1FF80] =	vst v63  }
0x187: {  	_ =	swait.ge [sflag:s23], $0x4000  }
0x188: {  	s17 =	smov.u32 s15;
	s12 =	rddreg [dreg:$0x1a];
	[sflag:s23] =	ssyncset.done $0x0  }
0x189: {  	[sflag:s23] =	ssyncadd.s32 $0xFFFFC000;
	s12 =	sadd.s32 s17, s12  }
0x18a: {  	[tilespmem:s4], [sflag:$0x1] =	stream.linear.gather [hbm4b:s12+s4], $0x80, $0x38;
	[tilespmem:$0x1FF80] =	vst v63  }
0x18b: {  	_ =	swait.ge [sflag:s29], $0x80  }
0x18c: {  	[sflag:s29] =	ssyncset.done $0x0  }
0x18d: {  	[sflag:s29] =	ssyncadd.s32 $0xFFFFFF80  }
0x18e: {  	[tilespmem:s30], [sflag:$0x9] =	stream.indirect.gather [hbm4b:s1+s18], $0x80, s19, s18, $0xb8;
	[tilespmem:$0x1FF80] =	vst v63  }
0x18f: {  	_ =	swait.ge [sflag:s31], $0x80  }
0x190: {  	[sflag:s31] =	ssyncset.done $0x0  }
0x191: {  	[sflag:s31] =	ssyncadd.s32 $0xFFFFFF80  }
0x192: {  	[spmem:s3] =	stream.indirect.scatter.add.f32 [tilespmem:s22], [sflag:$0xA], $0x80, s21, s18, $0xb8;
	[tilespmem:$0x1FF80] =	vst v63  }
0x193: {  	_ =	swait.ge [sflag:s0], $0x4000  }
0x194: {  	s12 =	rddreg [dreg:$0x9];
	[sflag:s0] =	ssyncset.done $0x0  }
0x195: {  	[sflag:s0] =	ssyncadd.s32 $0xFFFFC000;
	s12 =	sadd.s32 s17, s12  }
0x196: {  	[tilespmem:s2], [sflag:$0x6] =	stream.linear.gather [hbm4b:s12+s4], $0x80, $0x38;
	[tilespmem:$0x1FF80] =	vst v63  }
0x197: {  	_ =	swait.ge [sflag:s7], $0x4000  }
0x198: {  	s12 =	rddreg [dreg:$0x18];
	[sflag:s7] =	ssyncset.done $0x0  }
0x199: {  	[sflag:s7] =	ssyncadd.s32 $0xFFFFC000;
	s12 =	sadd.s32 s17, s12  }
0x19a: {  	[tilespmem:s18], [sflag:$0x2] =	stream.linear.gather [hbm4b:s12+s4], $0x80, $0x38;
	[tilespmem:$0x1FF80] =	vst v63  }
0x19b: {  	_ =	swait.ge [sflag:s8], $0x80  }
0x19c: {  	[sflag:s8] =	ssyncset.done $0x0  }
0x19d: {  	[sflag:s8] =	ssyncadd.s32 $0xFFFFFF80  }
0x19e: {  	[tilespmem:s22], [sflag:$0x7] =	stream.indirect.gather [hbm4b:s1+s18], $0x80, s20, s18, $0xb8;
	[tilespmem:$0x1FF80] =	vst v63  }
0x19f: {  	_ =	swait.ge [sflag:s9], $0x80  }
0x1a0: {  	[sflag:s9] =	ssyncset.done $0x0  }
0x1a1: {  	[sflag:s9] =	ssyncadd.s32 $0xFFFFFF80  }
0x1a2: {  	[spmem:s3] =	stream.indirect.scatter.add.f32 [tilespmem:s28], [sflag:$0xA], $0x80, s2, s18, $0xb8;
	[tilespmem:$0x1FF80] =	vst v63  }
0x1a3: {  	_ =	swait.ge [sflag:s0], $0x4000  }
0x1a4: {  	s12 =	rddreg [dreg:$0x8];
	[sflag:s0] =	ssyncset.done $0x0  }
0x1a5: {  	[sflag:s0] =	ssyncadd.s32 $0xFFFFC000;
	s12 =	sadd.s32 s17, s12  }
0x1a6: {  	[tilespmem:s21], [sflag:$0x5] =	stream.linear.gather [hbm4b:s12+s4], $0x80, $0x38;
	[tilespmem:$0x1FF80] =	vst v63  }
0x1a7: {  	_ =	swait.ge [sflag:s10], $0x4000  }
0x1a8: {  	s12 =	rddreg [dreg:$0x16];
	[sflag:s10] =	ssyncset.done $0x0  }
0x1a9: {  	[sflag:s10] =	ssyncadd.s32 $0xFFFFC000;
	s12 =	sadd.s32 s17, s12  }
0x1aa: {  	[tilespmem:s19], [sflag:$0x3] =	stream.linear.gather [hbm4b:s12+s4], $0x80, $0x38;
	[tilespmem:$0x1FF80] =	vst v63  }
0x1ab: {  	_ =	swait.ge [sflag:s24], $0x80  }
0x1ac: {  	[sflag:s24] =	ssyncset.done $0x0  }
0x1ad: {  	[sflag:s24] =	ssyncadd.s32 $0xFFFFFF80  }
0x1ae: {  	[tilespmem:s28], [sflag:$0x8] =	stream.indirect.gather [hbm4b:s1+s18], $0x80, s4, s18, $0xb8;
	[tilespmem:$0x1FF80] =	vst v63  }
0x1af: {  	_ =	swait.ge [sflag:s31], $0x80  }
0x1b0: {  	[sflag:s31] =	ssyncset.done $0x0  }
0x1b1: {  	[sflag:s31] =	ssyncadd.s32 $0xFFFFFF80  }
0x1b2: {  	[spmem:s3] =	stream.indirect.scatter.add.f32 [tilespmem:s30], [sflag:$0xA], $0x80, s21, s18, $0xb8;
	[tilespmem:$0x1FF80] =	vst v63  }
0x1b3: {  	_ =	swait.ge [sflag:s0], $0x4000  }
0x1b4: {  	s12 =	rddreg [dreg:$0x7];
	[sflag:s0] =	ssyncset.done $0x0  }
0x1b5: {  	[sflag:s0] =	ssyncadd.s32 $0xFFFFC000;
	s12 =	sadd.s32 s17, s12  }
0x1b6: {  	[tilespmem:s2], [sflag:$0x6] =	stream.linear.gather [hbm4b:s12+s4], $0x80, $0x38;
	[tilespmem:$0x1FF80] =	vst v63  }
0x1b7: {  	_ =	swait.ge [sflag:s23], $0x4000  }
0x1b8: {  	s12 =	rddreg [dreg:$0x14];
	[sflag:s23] =	ssyncset.done $0x0  }
0x1b9: {  	[sflag:s23] =	ssyncadd.s32 $0xFFFFC000;
	s12 =	sadd.s32 s17, s12  }
0x1ba: {  	[tilespmem:s20], [sflag:$0x4] =	stream.linear.gather [hbm4b:s12+s4], $0x80, $0x38;
	[tilespmem:$0x1FF80] =	vst v63  }
0x1bb: {  	_ =	swait.ge [sflag:s26], $0x80  }
0x1bc: {  	[sflag:s26] =	ssyncset.done $0x0  }
0x1bd: {  	[sflag:s26] =	ssyncadd.s32 $0xFFFFFF80  }
0x1be: {  	[tilespmem:s30], [sflag:$0x9] =	stream.indirect.gather [hbm4b:s1+s18], $0x80, s18, s18, $0xb8;
	[tilespmem:$0x1FF80] =	vst v63  }
0x1bf: {  	_ =	swait.ge [sflag:s9], $0x80  }
0x1c0: {  	[sflag:s9] =	ssyncset.done $0x0  }
0x1c1: {  	[sflag:s9] =	ssyncadd.s32 $0xFFFFFF80  }
0x1c2: {  	[spmem:s3] =	stream.indirect.scatter.add.f32 [tilespmem:s22], [sflag:$0xA], $0x80, s2, s18, $0xb8;
	[tilespmem:$0x1FF80] =	vst v63  }
0x1c3: {  	_ =	swait.ge [sflag:s0], $0x4000  }
0x1c4: {  	s12 =	rddreg [dreg:$0x19];
	[sflag:s0] =	ssyncset.done $0x0  }
0x1c5: {  	[sflag:s0] =	ssyncadd.s32 $0xFFFFC000;
	s12 =	sadd.s32 s17, s12  }
0x1c6: {  	[tilespmem:s21], [sflag:$0x5] =	stream.linear.gather [hbm4b:s12+s4], $0x80, $0x38;
	[tilespmem:$0x1FF80] =	vst v63  }
0x1c7: {  	_ =	swait.ge [sflag:s7], $0x4000  }
0x1c8: {  	s12 =	rddreg [dreg:$0x12];
	[sflag:s7] =	ssyncset.done $0x0  }
0x1c9: {  	[sflag:s7] =	ssyncadd.s32 $0xFFFFC000;
	s12 =	sadd.s32 s17, s12  }
0x1ca: {  	[tilespmem:s4], [sflag:$0x1] =	stream.linear.gather [hbm4b:s12+s4], $0x80, $0x38;
	[tilespmem:$0x1FF80] =	vst v63  }
0x1cb: {  	_ =	swait.ge [sflag:s29], $0x80  }
0x1cc: {  	[sflag:s29] =	ssyncset.done $0x0  }
0x1cd: {  	[sflag:s29] =	ssyncadd.s32 $0xFFFFFF80  }
0x1ce: {  	[tilespmem:s22], [sflag:$0x7] =	stream.indirect.gather [hbm4b:s1+s18], $0x80, s19, s18, $0xb8;
	[tilespmem:$0x1FF80] =	vst v63  }
0x1cf: {  	_ =	swait.ge [sflag:s31], $0x80  }
0x1d0: {  	[sflag:s31] =	ssyncset.done $0x0  }
0x1d1: {  	[sflag:s31] =	ssyncadd.s32 $0xFFFFFF80  }
0x1d2: {  	[spmem:s3] =	stream.indirect.scatter.add.f32 [tilespmem:s28], [sflag:$0xA], $0x80, s21, s18, $0xb8;
	[tilespmem:$0x1FF80] =	vst v63  }
0x1d3: {  	_ =	swait.ge [sflag:s0], $0x4000  }
0x1d4: {  	s12 =	rddreg [dreg:$0x17];
	[sflag:s0] =	ssyncset.done $0x0  }
0x1d5: {  	[sflag:s0] =	ssyncadd.s32 $0xFFFFC000;
	s12 =	sadd.s32 s17, s12  }
0x1d6: {  	[tilespmem:s2], [sflag:$0x6] =	stream.linear.gather [hbm4b:s12+s4], $0x80, $0x38;
	[tilespmem:$0x1FF80] =	vst v63  }
0x1d7: {  	_ =	swait.ge [sflag:s10], $0x4000  }
0x1d8: {  	s12 =	rddreg [dreg:$0x10];
	[sflag:s10] =	ssyncset.done $0x0  }
0x1d9: {  	[sflag:s10] =	ssyncadd.s32 $0xFFFFC000;
	s12 =	sadd.s32 s17, s12  }
0x1da: {  	[tilespmem:s18], [sflag:$0x2] =	stream.linear.gather [hbm4b:s12+s4], $0x80, $0x38;
	[tilespmem:$0x1FF80] =	vst v63  }
0x1db: {  	_ =	swait.ge [sflag:s8], $0x80  }
0x1dc: {  	[sflag:s8] =	ssyncset.done $0x0  }
0x1dd: {  	[sflag:s8] =	ssyncadd.s32 $0xFFFFFF80  }
0x1de: {  	[tilespmem:s28], [sflag:$0x8] =	stream.indirect.gather [hbm4b:s1+s18], $0x80, s20, s18, $0xb8;
	[tilespmem:$0x1FF80] =	vst v63  }
0x1df: {  	_ =	swait.ge [sflag:s9], $0x80  }
0x1e0: {  	[sflag:s9] =	ssyncset.done $0x0  }
0x1e1: {  	[sflag:s9] =	ssyncadd.s32 $0xFFFFFF80  }
0x1e2: {  	[spmem:s3] =	stream.indirect.scatter.add.f32 [tilespmem:s30], [sflag:$0xA], $0x80, s2, s18, $0xb8;
	[tilespmem:$0x1FF80] =	vst v63  }
0x1e3: {  	_ =	swait.ge [sflag:s0], $0x4000  }
0x1e4: {  	s12 =	rddreg [dreg:$0x15];
	[sflag:s0] =	ssyncset.done $0x0  }
0x1e5: {  	[sflag:s0] =	ssyncadd.s32 $0xFFFFC000;
	s12 =	sadd.s32 s17, s12  }
0x1e6: {  	[tilespmem:s21], [sflag:$0x5] =	stream.linear.gather [hbm4b:s12+s4], $0x80, $0x38;
	[tilespmem:$0x1FF80] =	vst v63  }
0x1e7: {  	_ =	swait.ge [sflag:s23], $0x4000  }
0x1e8: {  	s12 =	rddreg [dreg:$0xe];
	[sflag:s23] =	ssyncset.done $0x0  }
0x1e9: {  	[sflag:s23] =	ssyncadd.s32 $0xFFFFC000;
	s12 =	sadd.s32 s17, s12  }
0x1ea: {  	[tilespmem:s19], [sflag:$0x3] =	stream.linear.gather [hbm4b:s12+s4], $0x80, $0x38;
	[tilespmem:$0x1FF80] =	vst v63  }
0x1eb: {  	_ =	swait.ge [sflag:s24], $0x80  }
0x1ec: {  	[sflag:s24] =	ssyncset.done $0x0  }
0x1ed: {  	[sflag:s24] =	ssyncadd.s32 $0xFFFFFF80  }
0x1ee: {  	[tilespmem:s30], [sflag:$0x9] =	stream.indirect.gather [hbm4b:s1+s18], $0x80, s4, s18, $0xb8;
	[tilespmem:$0x1FF80] =	vst v63  }
0x1ef: {  	_ =	swait.ge [sflag:s31], $0x80  }
0x1f0: {  	[sflag:s31] =	ssyncset.done $0x0  }
0x1f1: {  	[sflag:s31] =	ssyncadd.s32 $0xFFFFFF80  }
0x1f2: {  	[spmem:s3] =	stream.indirect.scatter.add.f32 [tilespmem:s22], [sflag:$0xA], $0x80, s21, s18, $0xb8;
	[tilespmem:$0x1FF80] =	vst v63  }
0x1f3: {  	_ =	swait.ge [sflag:s0], $0x4000  }
0x1f4: {  	s12 =	rddreg [dreg:$0x13];
	[sflag:s0] =	ssyncset.done $0x0  }
0x1f5: {  	[sflag:s0] =	ssyncadd.s32 $0xFFFFC000;
	s12 =	sadd.s32 s17, s12  }
0x1f6: {  	[tilespmem:s2], [sflag:$0x6] =	stream.linear.gather [hbm4b:s12+s4], $0x80, $0x38;
	[tilespmem:$0x1FF80] =	vst v63  }
0x1f7: {  	_ =	swait.ge [sflag:s7], $0x4000  }
0x1f8: {  	s12 =	rddreg [dreg:$0xc];
	[sflag:s7] =	ssyncset.done $0x0  }
0x1f9: {  	[sflag:s7] =	ssyncadd.s32 $0xFFFFC000;
	s12 =	sadd.s32 s17, s12  }
0x1fa: {  	[tilespmem:s20], [sflag:$0x4] =	stream.linear.gather [hbm4b:s12+s4], $0x80, $0x38;
	[tilespmem:$0x1FF80] =	vst v63  }
0x1fb: {  	_ =	swait.ge [sflag:s26], $0x80  }
0x1fc: {  	[sflag:s26] =	ssyncset.done $0x0  }
0x1fd: {  	[sflag:s26] =	ssyncadd.s32 $0xFFFFFF80  }
0x1fe: {  	[tilespmem:s22], [sflag:$0x7] =	stream.indirect.gather [hbm4b:s1+s18], $0x80, s18, s18, $0xb8;
	[tilespmem:$0x1FF80] =	vst v63  }
0x1ff: {  	_ =	swait.ge [sflag:s9], $0x80  }
0x200: {  	[sflag:s9] =	ssyncset.done $0x0  }
0x201: {  	[sflag:s9] =	ssyncadd.s32 $0xFFFFFF80  }
0x202: {  	[spmem:s3] =	stream.indirect.scatter.add.f32 [tilespmem:s28], [sflag:$0xA], $0x80, s2, s18, $0xb8;
	[tilespmem:$0x1FF80] =	vst v63  }
0x203: {  	_ =	swait.ge [sflag:s0], $0x4000  }
0x204: {  	s12 =	rddreg [dreg:$0x11];
	[sflag:s0] =	ssyncset.done $0x0  }
0x205: {  	[sflag:s0] =	ssyncadd.s32 $0xFFFFC000;
	s12 =	sadd.s32 s17, s12  }
0x206: {  	[tilespmem:s21], [sflag:$0x5] =	stream.linear.gather [hbm4b:s12+s4], $0x80, $0x38;
	[tilespmem:$0x1FF80] =	vst v63  }
0x207: {  	_ =	swait.ge [sflag:s10], $0x4000  }
0x208: {  	s12 =	sshrl.u32 s16, $0x3;
	[sflag:s10] =	ssyncset.done $0x0  }
0x209: {  	s12 =	sadd.s32 s5, s12;
	[sflag:s10] =	ssyncadd.s32 $0xFFFFC000  }
0x20a: {  	[tilespmem:s4], [sflag:$0x1] =	stream.linear.gather [hbm4b:s12+s4], $0x80, $0x38;
	[tilespmem:$0x1FF80] =	vst v63  }
0x20b: {  	_ =	swait.ge [sflag:s29], $0x80  }
0x20c: {  	[sflag:s29] =	ssyncset.done $0x0  }
0x20d: {  	[sflag:s29] =	ssyncadd.s32 $0xFFFFFF80  }
0x20e: {  	[tilespmem:s28], [sflag:$0x8] =	stream.indirect.gather [hbm4b:s1+s18], $0x80, s19, s18, $0xb8;
	[tilespmem:$0x1FF80] =	vst v63  }
0x20f: {  	_ =	swait.ge [sflag:s31], $0x80  }
0x210: {  	[sflag:s31] =	ssyncset.done $0x0  }
0x211: {  	[sflag:s31] =	ssyncadd.s32 $0xFFFFFF80  }
0x212: {  	[spmem:s3] =	stream.indirect.scatter.add.f32 [tilespmem:s30], [sflag:$0xA], $0x80, s21, s18, $0xb8;
	[tilespmem:$0x1FF80] =	vst v63  }
0x213: {  	_ =	swait.ge [sflag:s0], $0x4000  }
0x214: {  	s12 =	rddreg [dreg:$0xf];
	[sflag:s0] =	ssyncset.done $0x0  }
0x215: {  	[sflag:s0] =	ssyncadd.s32 $0xFFFFC000;
	s12 =	sadd.s32 s17, s12  }
0x216: {  	[tilespmem:s2], [sflag:$0x6] =	stream.linear.gather [hbm4b:s12+s4], $0x80, $0x38;
	[tilespmem:$0x1FF80] =	vst v63  }
0x217: {  	_ =	swait.ge [sflag:s23], $0x4000  }
0x218: {  	s12 =	rddreg [dreg:$0x6];
	[sflag:s23] =	ssyncset.done $0x0  }
0x219: {  	[sflag:s23] =	ssyncadd.s32 $0xFFFFC000;
	s12 =	sadd.s32 s17, s12  }
0x21a: {  	[tilespmem:s18], [sflag:$0x2] =	stream.linear.gather [hbm4b:s12+s4], $0x80, $0x38;
	[tilespmem:$0x1FF80] =	vst v63  }
0x21b: {  	_ =	swait.ge [sflag:s8], $0x80  }
0x21c: {  	[sflag:s8] =	ssyncset.done $0x0  }
0x21d: {  	[sflag:s8] =	ssyncadd.s32 $0xFFFFFF80  }
0x21e: {  	[tilespmem:s30], [sflag:$0x9] =	stream.indirect.gather [hbm4b:s1+s18], $0x80, s20, s18, $0xb8;
	[tilespmem:$0x1FF80] =	vst v63  }
0x21f: {  	_ =	swait.ge [sflag:s9], $0x80  }
0x220: {  	[sflag:s9] =	ssyncset.done $0x0  }
0x221: {  	[sflag:s9] =	ssyncadd.s32 $0xFFFFFF80  }
0x222: {  	[spmem:s3] =	stream.indirect.scatter.add.f32 [tilespmem:s22], [sflag:$0xA], $0x80, s2, s18, $0xb8;
	[tilespmem:$0x1FF80] =	vst v63  }
0x223: {  	_ =	swait.ge [sflag:s0], $0x4000  }
0x224: {  	s12 =	rddreg [dreg:$0xd];
	[sflag:s0] =	ssyncset.done $0x0  }
0x225: {  	[sflag:s0] =	ssyncadd.s32 $0xFFFFC000;
	s12 =	sadd.s32 s17, s12  }
0x226: {  	[tilespmem:s21], [sflag:$0x5] =	stream.linear.gather [hbm4b:s12+s4], $0x80, $0x38;
	[tilespmem:$0x1FF80] =	vst v63  }
0x227: {  	_ =	swait.ge [sflag:s7], $0x4000  }
0x228: {  	s12 =	rddreg [dreg:$0x5];
	[sflag:s7] =	ssyncset.done $0x0  }
0x229: {  	[sflag:s7] =	ssyncadd.s32 $0xFFFFC000;
	s12 =	sadd.s32 s17, s12  }
0x22a: {  	[tilespmem:s19], [sflag:$0x3] =	stream.linear.gather [hbm4b:s12+s4], $0x80, $0x38;
	[tilespmem:$0x1FF80] =	vst v63  }
0x22b: {  	_ =	swait.ge [sflag:s24], $0x80  }
0x22c: {  	[sflag:s24] =	ssyncset.done $0x0  }
0x22d: {  	[sflag:s24] =	ssyncadd.s32 $0xFFFFFF80  }
0x22e: {  	[tilespmem:s22], [sflag:$0x7] =	stream.indirect.gather [hbm4b:s1+s18], $0x80, s4, s18, $0xb8;
	[tilespmem:$0x1FF80] =	vst v63  }
0x22f: {  	_ =	swait.ge [sflag:s31], $0x80  }
0x230: {  	[sflag:s31] =	ssyncset.done $0x0  }
0x231: {  	[sflag:s31] =	ssyncadd.s32 $0xFFFFFF80  }
0x232: {  	[spmem:s3] =	stream.indirect.scatter.add.f32 [tilespmem:s28], [sflag:$0xA], $0x80, s21, s18, $0xb8;
	[tilespmem:$0x1FF80] =	vst v63  }
0x233: {  	_ =	swait.ge [sflag:s0], $0x4000  }
0x234: {  	s12 =	rddreg [dreg:$0xb];
	[sflag:s0] =	ssyncset.done $0x0  }
0x235: {  	[sflag:s0] =	ssyncadd.s32 $0xFFFFC000;
	s12 =	sadd.s32 s17, s12  }
0x236: {  	[tilespmem:s2], [sflag:$0x6] =	stream.linear.gather [hbm4b:s12+s4], $0x80, $0x38;
	[tilespmem:$0x1FF80] =	vst v63  }
0x237: {  	_ =	swait.ge [sflag:s10], $0x4000  }
0x238: {  	s12 =	rddreg [dreg:$0x4];
	[sflag:s10] =	ssyncset.done $0x0  }
0x239: {  	[sflag:s10] =	ssyncadd.s32 $0xFFFFC000;
	s12 =	sadd.s32 s17, s12  }
0x23a: {  	[tilespmem:s20], [sflag:$0x4] =	stream.linear.gather [hbm4b:s12+s4], $0x80, $0x38;
	[tilespmem:$0x1FF80] =	vst v63  }
0x23b: {  	_ =	swait.ge [sflag:s26], $0x80  }
0x23c: {  	[sflag:s26] =	ssyncset.done $0x0  }
0x23d: {  	[sflag:s26] =	ssyncadd.s32 $0xFFFFFF80  }
0x23e: {  	[tilespmem:s28], [sflag:$0x8] =	stream.indirect.gather [hbm4b:s1+s18], $0x80, s18, s18, $0xb8;
	[tilespmem:$0x1FF80] =	vst v63  }
0x23f: {  	_ =	swait.ge [sflag:s9], $0x80  }
0x240: {  	p0 =	sne.s32 s15, $0x3C0;
	[sflag:s9] =	ssyncset.done $0x0  }
.Ltmp1:
0x241: {  	[sflag:s9] =	ssyncadd.s32 $0xFFFFFF80;
	(pc) =	sbr.rel @p0 .LBB2_4-.Ltmp1, $4  }
0x242: {  	[spmem:s3] =	stream.indirect.scatter.add.f32 [tilespmem:s30], [sflag:$0xA], $0x80, s2, s18, $0xb8;
	[tilespmem:$0x1FF80] =	vst v63  }
0x243: {  	_ =	swait.ge [sflag:s0], $0x4000  }
0x244: {  	s15 =	sadd.s32 $0xC0, s15;
	[sflag:s0] =	ssyncset.done $0x0;
	s12 =	rddreg [dreg:$0xa]  }
0x245: {  	s16 =	sadd.s32 $0x600, s16;
	[sflag:s0] =	ssyncadd.s32 $0xFFFFC000;
	s17 =	sadd.s32 s17, s12  }
0x246: {  	[tilespmem:s21], [sflag:$0x5] =	stream.linear.gather [hbm4b:s17+s4], $0x80, $0x38;
	[tilespmem:$0x1FF80] =	vst v63  }
0x247: {  	_ =	swait.ge [sflag:s23], $0x4000  }
0x248: {  	s12 =	sld [smem:$0x7E1]  }
0x249: {  	[sflag:s23] =	ssyncset.done $0x0  }
0x24a: {  	[sflag:s23] =	ssyncadd.s32 $0xFFFFC000  }
0x24b: {  	[tilespmem:s4], [sflag:$0x1] =	stream.linear.gather [hbm4b:s12+s4], $0x80, $0x38;
	[tilespmem:$0x1FF80] =	vst v63  }
0x24c: {  	_ =	swait.ge [sflag:s29], $0x80  }
0x24d: {  	[sflag:s29] =	ssyncset.done $0x0  }
0x24e: {  	[sflag:s29] =	ssyncadd.s32 $0xFFFFFF80  }
0x24f: {  	[tilespmem:s30], [sflag:$0x9] =	stream.indirect.gather [hbm4b:s1+s18], $0x80, s19, s18, $0xb8;
	[tilespmem:$0x1FF80] =	vst v63  }
0x250: {  	_ =	swait.ge [sflag:s31], $0x80  }
0x251: {  	[sflag:s31] =	ssyncset.done $0x0  }
0x252: {  	[sflag:s31] =	ssyncadd.s32 $0xFFFFFF80  }
0x253: {  	[spmem:s3] =	stream.indirect.scatter.add.f32 [tilespmem:s22], [sflag:$0xA], $0x80, s21, s18, $0xb8;
	[tilespmem:$0x1FF80] =	vst v63  }
0x254: {  	_ =	swait.ge [sflag:s0], $0x4000  }
0x255: {  	s16 =	sld [smem:$0x7E2]  }
0x256: {  	[sflag:s0] =	ssyncset.done $0x0  }
0x257: {  	[sflag:s0] =	ssyncadd.s32 $0xFFFFC000  }
0x258: {  	[tilespmem:s2], [sflag:$0x6] =	stream.linear.gather [hbm4b:s16+s4], $0x80, $0x38;
	[tilespmem:$0x1FF80] =	vst v63  }
0x259: {  	_ =	swait.ge [sflag:s7], $0x4000  }
0x25a: {  	s17 =	sld [smem:$0x7E3]  }
0x25b: {  	[sflag:s7] =	ssyncset.done $0x0  }
0x25c: {  	[sflag:s7] =	ssyncadd.s32 $0xFFFFC000  }
0x25d: {  	[tilespmem:s18], [sflag:$0x2] =	stream.linear.gather [hbm4b:s17+s4], $0x80, $0x38;
	[tilespmem:$0x1FF80] =	vst v63  }
0x25e: {  	_ =	swait.ge [sflag:s8], $0x80  }
0x25f: {  	[sflag:s8] =	ssyncset.done $0x0  }
0x260: {  	[sflag:s8] =	ssyncadd.s32 $0xFFFFFF80  }
0x261: {  	[tilespmem:s22], [sflag:$0x7] =	stream.indirect.gather [hbm4b:s1+s18], $0x80, s20, s18, $0xb8;
	[tilespmem:$0x1FF80] =	vst v63  }
0x262: {  	_ =	swait.ge [sflag:s9], $0x80  }
0x263: {  	[sflag:s9] =	ssyncset.done $0x0  }
0x264: {  	[sflag:s9] =	ssyncadd.s32 $0xFFFFFF80  }
0x265: {  	[spmem:s3] =	stream.indirect.scatter.add.f32 [tilespmem:s28], [sflag:$0xA], $0x80, s2, s18, $0xb8;
	[tilespmem:$0x1FF80] =	vst v63  }
0x266: {  	_ =	swait.ge [sflag:s0], $0x4000  }
0x267: {  	s15 =	sld [smem:$0x7E4]  }
0x268: {  	[sflag:s0] =	ssyncset.done $0x0  }
0x269: {  	[sflag:s0] =	ssyncadd.s32 $0xFFFFC000  }
0x26a: {  	[tilespmem:s21], [sflag:$0x5] =	stream.linear.gather [hbm4b:s15+s4], $0x80, $0x38;
	[tilespmem:$0x1FF80] =	vst v63  }
0x26b: {  	_ =	swait.ge [sflag:s10], $0x4000  }
0x26c: {  	[sflag:s10] =	ssyncset.done $0x0  }
0x26d: {  	[sflag:s10] =	ssyncadd.s32 $0xFFFFC000  }
0x26e: {  	_ =	swait.ge [sflag:s24], $0x80  }
0x26f: {  	[sflag:s24] =	ssyncset.done $0x0  }
0x270: {  	[sflag:s24] =	ssyncadd.s32 $0xFFFFFF80  }
0x271: {  	[tilespmem:s28], [sflag:$0x8] =	stream.indirect.gather [hbm4b:s1+s18], $0x80, s4, s18, $0xb8;
	[tilespmem:$0x1FF80] =	vst v63  }
0x272: {  	_ =	swait.ge [sflag:s31], $0x80  }
0x273: {  	[sflag:s31] =	ssyncset.done $0x0  }
0x274: {  	[sflag:s31] =	ssyncadd.s32 $0xFFFFFF80  }
0x275: {  	[spmem:s3] =	stream.indirect.scatter.add.f32 [tilespmem:s30], [sflag:$0xA], $0x80, s21, s18, $0xb8;
	[tilespmem:$0x1FF80] =	vst v63  }
0x276: {  	_ =	swait.ge [sflag:s0], $0x4000  }
0x277: {  	s16 =	sld [smem:$0x7E5]  }
0x278: {  	[sflag:s0] =	ssyncset.done $0x0  }
0x279: {  	[sflag:s0] =	ssyncadd.s32 $0xFFFFC000  }
0x27a: {  	[tilespmem:s2], [sflag:$0x6] =	stream.linear.gather [hbm4b:s16+s4], $0x80, $0x38;
	[tilespmem:$0x1FF80] =	vst v63  }
0x27b: {  	_ =	swait.ge [sflag:s23], $0x4000  }
0x27c: {  	[sflag:s23] =	ssyncset.done $0x0  }
0x27d: {  	[sflag:s23] =	ssyncadd.s32 $0xFFFFC000  }
0x27e: {  	_ =	swait.ge [sflag:s26], $0x80  }
0x27f: {  	[sflag:s26] =	ssyncset.done $0x0  }
0x280: {  	[sflag:s26] =	ssyncadd.s32 $0xFFFFFF80  }
0x281: {  	[tilespmem:s30], [sflag:$0x9] =	stream.indirect.gather [hbm4b:s1+s18], $0x80, s18, s18, $0xb8;
	[tilespmem:$0x1FF80] =	vst v63  }
0x282: {  	_ =	swait.ge [sflag:s9], $0x80  }
0x283: {  	[sflag:s9] =	ssyncset.done $0x0  }
0x284: {  	[sflag:s9] =	ssyncadd.s32 $0xFFFFFF80  }
0x285: {  	[spmem:s3] =	stream.indirect.scatter.add.f32 [tilespmem:s22], [sflag:$0xA], $0x80, s2, s18, $0xb8;
	[tilespmem:$0x1FF80] =	vst v63  }
0x286: {  	_ =	swait.ge [sflag:s0], $0x4000  }
0x287: {  	s17 =	sld [smem:$0x7E6]  }
0x288: {  	[sflag:s0] =	ssyncset.done $0x0  }
0x289: {  	[sflag:s0] =	ssyncadd.s32 $0xFFFFC000  }
0x28a: {  	[tilespmem:s21], [sflag:$0x5] =	stream.linear.gather [hbm4b:s17+s4], $0x80, $0x38;
	[tilespmem:$0x1FF80] =	vst v63  }
0x28b: {  	_ =	swait.ge [sflag:s7], $0x4000  }
0x28c: {  	[sflag:s7] =	ssyncset.done $0x0  }
0x28d: {  	[sflag:s7] =	ssyncadd.s32 $0xFFFFC000  }
0x28e: {  	_ =	swait.ge [sflag:s31], $0x80  }
0x28f: {  	[sflag:s31] =	ssyncset.done $0x0  }
0x290: {  	[sflag:s31] =	ssyncadd.s32 $0xFFFFFF80  }
0x291: {  	[spmem:s3] =	stream.indirect.scatter.add.f32 [tilespmem:s28], [sflag:$0xA], $0x80, s21, s18, $0xb8;
	[tilespmem:$0x1FF80] =	vst v63  }
0x292: {  	_ =	swait.ge [sflag:s0], $0x4000  }
0x293: {  	s15 =	sld [smem:$0x7E7]  }
0x294: {  	[sflag:s0] =	ssyncset.done $0x0  }
0x295: {  	[sflag:s0] =	ssyncadd.s32 $0xFFFFC000  }
0x296: {  	[tilespmem:s2], [sflag:$0x6] =	stream.linear.gather [hbm4b:s15+s4], $0x80, $0x38;
	[tilespmem:$0x1FF80] =	vst v63  }
0x297: {  	_ =	swait.ge [sflag:s10], $0x4000  }
0x298: {  	[sflag:s10] =	ssyncset.done $0x0  }
0x299: {  	[sflag:s10] =	ssyncadd.s32 $0xFFFFC000  }
0x29a: {  	_ =	swait.ge [sflag:s9], $0x80  }
0x29b: {  	[sflag:s9] =	ssyncset.done $0x0  }
0x29c: {  	[sflag:s9] =	ssyncadd.s32 $0xFFFFFF80  }
0x29d: {  	[spmem:s3] =	stream.indirect.scatter.add.f32 [tilespmem:s30], [sflag:$0xA], $0x80, s2, s18, $0xb8;
	[tilespmem:$0x1FF80] =	vst v63  }
0x29e: {  	_ =	swait.ge [sflag:s0], $0x4000  }
0x29f: {  	s16 =	sld [smem:$0x7E8]  }
0x2a0: {  	[sflag:s0] =	ssyncset.done $0x0  }
0x2a1: {  	s15 =	simm.s32 $0x300;
	s17 =	sld [smem:$0x7E9];
	[sflag:s0] =	ssyncadd.s32 $0xFFFFC000  }
0x2a2: {  	[tilespmem:s15], [sflag:$0x5] =	stream.linear.gather [hbm4b:s16+s4], $0x10, $0x38;
	[tilespmem:$0x1FF80] =	vst v63  }
0x2a3: {  	_ = 	snop  }
0x2a4: {  	[tilespmem:s4], [sflag:$0x1] =	stream.linear.gather [hbm4b:s17+s4], $0x10, $0x38;
	[tilespmem:$0x1FF80] =	vst v63  }
0x2a5: {  	_ =	swait.ge [sflag:s31], $0x10  }
0x2a6: {  	[sflag:s31] =	ssyncset.done $0x0  }
0x2a7: {  	[sflag:s31] =	ssyncadd.s32 $0xFFFFFFF0  }
0x2a8: {  	_ =	swait.ge [sflag:s24], $0x10  }
0x2a9: {  	[sflag:s24] =	ssyncset.done $0x0  }
0x2aa: {  	[sflag:s24] =	ssyncadd.s32 $0xFFFFFFF0  }
0x2ab: {  	[tilespmem:s22], [sflag:$0x7] =	stream.indirect.gather [hbm4b:s1+s13], $0x80, s4, s13, $0xb8;
	[tilespmem:$0x1FF80] =	vst v63  }
0x2ac: {  	_ =	swait.ge [sflag:s23], $0x800  }
0x2ad: {  	[sflag:s23] =	ssyncset.done $0x0  }
0x2ae: {  	[sflag:s23] =	ssyncadd.s32 $0xFFFFF800  }
0x2af: {  	[spmem:s3] =	stream.indirect.scatter.add.f32 [tilespmem:s22], [sflag:$0xA], $0x80, s15, s13, $0xb8;
	[tilespmem:$0x1FF80] =	vst v63  }
0x2b0: {  	_ =	swait.ge [sflag:s0], $0x800  }
0x2b1: {  	[sflag:s0] =	ssyncset.done $0x0  }
0x2b2: {  	[sflag:s0] =	ssyncadd.s32 $0xFFFFF800  }
0x2b3: {  	s16 =	stileid.u32;
	[bflag:$0x0] =	sbarrier.arrive $0xFFFF  }
0x2b4: {  	s12 =	sshll.u32 s16, $0x6;
	s16 =	sld [smem:$0x7EB];
	_ =	sdelay $0x1  }
0x2b5: {  	s12 =	sor.u32 $0x1C0A, s12;
	s17 =	sshrl.u32 s11, $0x3  }
0x2b6: {  	[hbm:s16], [sflag:s12] =	dma.local [spmem:s17], $0x2780  }
0x2b7: {  	_ =	swait.ge [sflag:s0], $0x2780  }
0x2b8: {  	s17 =	sld [smem:$0x7EA];
	_ =	sdelay $0x1  }
0x2b9: {  	s14 =	sadd.s32 $0x1, s14  }
0x2ba: {  	p0 =	sne.s32 s14, s17  }
.Ltmp2:
0x2bb: {  	_ = 	snop;
	(pc) =	sbr.rel @p0 .LBB2_1-.Ltmp2, $3  }
0x2bc: {  	_ =	sdelay $0x1  }
0x2bd: {  	[sflag:s0] =	ssyncset.done $0x0  }
0x2be: {  	[sflag:s0] =	ssyncadd.s32 $0xFFFFD880  }
0x2bf: {  	_ =	sfence.sel $0x180000  }
0x2c0: {  	[bflag:$0x0] =	sbarrier.arrive $0xFFFF  }
0x2c1: {  	_ =	strace $0x9000004A  }
0x2c2: {  	s0 =	stileid.u32;
	[bflag:$0x2] =	sbarrier.arrive $0xFFFF  }
0x2c3: {  	p0 =	sne.s32 s0, $0x0;
	s0 =	rddreg [dreg:$0x3]  }
0x2c4: {  	s0 =	sadd.s32 @!p0 $0x100000, s0  }
0x2c5: {  	[sflag:s0] =	ssyncadd.tile.s32 @!p0 $0x1;
	_ =	shalt  }
.Lfunc_end2:
_tile_overlayer_lowered:
.L_overlay_start_2:
0x2c6: {  	(tag) =	ssettag $0x2  }
0x2c7: {  	s0 =	rddreg [dreg:$0x0];
	s2 =	stileid.u32  }
0x2c8: {  	s1 =	rddreg [dreg:$0x1];
	p0 =	sne.s32 s2, $0x0  }
0x2c9: {  	s3 =	rddreg [dreg:$0x2];
	[bflag:$0x3] =	sbarrier.arrive $0xFFFF;
	s2 =	simm.s32 @!p0 $0x1C0A  }
0x2ca: {  	[timem:s3], [sflag:s2] =	dma.local @!p0 [hbm:s0], s1  }
0x2cb: {  	s0 =	simm.s32 @!p0 $0xA  }
0x2cc: {  	_ =	swait.ge @!p0 [sflag:s0], s1  }
0x2cd: {  	s1 =	ssub.s32 @!p0 $0x0, s1;
	[sflag:s0] =	ssyncset.done @!p0 $0x0  }
0x2ce: {  	[sflag:s0] =	ssyncadd.s32 @!p0 s1  }
0x2cf: {  	[bflag:$0x3] =	sbarrier.arrive $0xFFFF  }
0x2d0: {  	_ =	shalt  }

// kernel: kernel.8.cloned.1.call-start
scs
__scs_entry_jumppad:
0x0: {  	(pc) =	sbr.rel $0x88, $3  }
0x1: {  	(tag) =	ssettag $0x0;
	lr =	simm.s32 $0x1  }
0x2: {  	[smem:$0x3F99] =	sst lr;
	_ =	strace $0xD0000000  }
0x3: {  	_ = 	snop  }
0x4: {  	_ = 	snop  }
0x5: {  	_ = 	snop  }
0x6: {  	_ = 	snop  }
0x7: {  	_ = 	snop  }
__scs_overlays_trampoline_lowered:
0x8: {  	[smem:$0x3FA8] =	sst s0  }
0x9: {  	[smem:$0x3FA9] =	sst s1  }
0xa: {  	[smem:$0x3FAA] =	sst s2  }
0xb: {  	[smem:$0x3FAB] =	sst s3  }
0xc: {  	[smem:$0x3FAC] =	sst s4  }
0xd: {  	[smem:$0x3FAD] =	sst s5  }
0xe: {  	[smem:$0x3FAE] =	sst s6  }
0xf: {  	[smem:$0x3FAF] =	sst s7  }
0x10: {  	[smem:$0x3FB0] =	sst s8  }
0x11: {  	[smem:$0x3FB1] =	sst s9;
	s0 =	simm.s32 @!p0 $0x0  }
0x12: {  	s1 =	sld [smem:$0x3F97];
	s0 =	simm.s32 @p0 $0x1  }
0x13: {  	[smem:$0x3FB2] =	sst s0;
	s0 =	simm.s32 @!p1 $0x0  }
0x14: {  	s2 =	sld [smem:$0x3F96];
	s0 =	simm.s32 @p1 $0x1  }
0x15: {  	[smem:$0x3FB3] =	sst s0;
	s0 =	simm.s32 @!p2 $0x0  }
0x16: {  	s3 =	sld [smem:$0x3FDB];
	s0 =	simm.s32 @p2 $0x1  }
0x17: {  	s4 =	simm.s32 $0x1BF5;
	[smem:$0x3FB5] =	sst s0  }
0x18: {  	s0 =	sld [smem:$0x3F98];
	_ =	swait.ge [sflag:s4], $0x0  }
0x19: {  	s7 =	sld [smem:$0x3F99]  }
0x1a: {  	s8 =	sadd.s32 $0xFFFFE003, lr  }
0x1b: {  	s9 =	sadd.s32 $0xFFFFFEF7, lr;
	s5 =	simm.s32 $0xFFFFFFFF;
	p2 =	slt.u32 s8, $0xFFFFF086  }
0x1c: {  	p1 =	slt.u32 s9, $0xF7A;
	s5 =	simm.s32 @!p2 $0x0  }
0x1d: {  	s5 =	simm.s32 @p1 $0x1;
	p0 =	seq.s32 s7, s2  }
0x1e: {  	s7 =	smul.u32 @!p0 $0xF7A, s2;
	p2 =	seq.s32 @!p0 s5, $0x0  }
0x1f: {  	s9 =	smul.u32 $0xF7A, s1;
	s8 =	simm.s32 @!p0 $0x1BF5;
	p2 =	por !p2, p0  }
0x20: {  	[sflag:s8] =	ssyncset.s32 @!p0 $0xFFFFF086;
	s6 =	sadd.s32 @!p0 s3, s7;
	s7 =	simm.s32 @!p0 $0x108  }
0x21: {  	s3 =	sadd.s32 s3, s9;
	s6 =	sadd.s32 @!p0 $0x88, s6;
	s7 =	simm.s32 @p2 $0x1082  }
0x22: {  	[simem:s7], [sflag:s8] =	dma.local @!p0 [hbm:s6], $0xF7A  }
0x23: {  	s9 =	sor.u32 $0xD0000000, s2;
	s6 =	simm.s32 $0x108;
	_ =	swait.ge @!p0 [sflag:s8], $0x0  }
0x24: {  	s3 =	sadd.s32 $0x88, s3;
	s6 =	simm.s32 @!p1 $0x1082;
	[sflag:s4] =	ssyncset.s32 $0xFFFFF086  }
0x25: {  	[simem:s6], [sflag:s4] =	dma.local [hbm:s3], $0xF7A  }
0x26: {  	[smem:$0x3F99] =	sst s1;
	(tag) =	ssettag s2;
	_ =	strace s9  }
0x27: {  	s1 =	sld [smem:$0x3FA9]  }
0x28: {  	s2 =	sld [smem:$0x3FAA]  }
0x29: {  	s4 =	sld [smem:$0x3FAC]  }
0x2a: {  	p0 =	seq.s32 s5, $0x0;
	s5 =	sld [smem:$0x3FAD]  }
0x2b: {  	s6 =	sld [smem:$0x3FAE]  }
0x2c: {  	s7 =	sld [smem:$0x3FAF]  }
0x2d: {  	s3 =	simm.s32 $0x108;
	s8 =	sld [smem:$0x3FB0]  }
0x2e: {  	s3 =	simm.s32 @!p0 $0x1082;
	s9 =	sld [smem:$0x3FB1]  }
0x2f: {  	lr =	sadd.s32 s0, s3;
	s0 =	sld [smem:$0x3FA8]  }
0x30: {  	s3 =	sld [smem:$0x3FAB]  }
0x31: {  	[smem:$0x3FB4] =	sst s10  }
0x32: {  	s10 =	sld [smem:$0x3FB2];
	_ =	sdelay $0x3  }
0x33: {  	p0 =	seq.s32 s10, $0x1;
	s10 =	sld [smem:$0x3FB4];
	_ =	sdelay $0x3  }
0x34: {  	[smem:$0x3FB4] =	sst s10  }
0x35: {  	s10 =	sld [smem:$0x3FB3];
	_ =	sdelay $0x3  }
0x36: {  	p1 =	seq.s32 s10, $0x1;
	s10 =	sld [smem:$0x3FB4];
	_ =	sdelay $0x3  }
0x37: {  	[smem:$0x3FB4] =	sst s10  }
0x38: {  	s10 =	sld [smem:$0x3FB5]  }
0x39: {  	_ = 	snop;
	(pc) =	sbr.ind lr, $3  }
0x3a: {  	_ = 	snop  }
0x3b: {  	_ = 	snop  }
0x3c: {  	p2 =	seq.s32 s10, $0x1;
	s10 =	sld [smem:$0x3FB4]  }
0x3d: {  	_ =	shalt  }
0x3e: {  	_ =	shalt  }
0x3f: {  	_ =	shalt  }
0x40: {  	_ =	shalt  }
0x41: {  	_ =	shalt  }
0x42: {  	_ =	shalt  }
0x43: {  	_ =	shalt  }
0x44: {  	_ =	shalt  }
0x45: {  	_ =	shalt  }
0x46: {  	_ =	shalt  }
0x47: {  	_ =	shalt  }
0x48: {  	_ =	shalt  }
0x49: {  	_ =	shalt  }
0x4a: {  	_ =	shalt  }
0x4b: {  	_ =	shalt  }
0x4c: {  	_ =	shalt  }
0x4d: {  	_ =	shalt  }
0x4e: {  	_ =	shalt  }
0x4f: {  	_ =	shalt  }
0x50: {  	_ =	shalt  }
0x51: {  	_ =	shalt  }
0x52: {  	_ =	shalt  }
0x53: {  	_ =	shalt  }
0x54: {  	_ =	shalt  }
0x55: {  	_ =	shalt  }
0x56: {  	_ =	shalt  }
0x57: {  	_ =	shalt  }
0x58: {  	_ =	shalt  }
0x59: {  	_ =	shalt  }
0x5a: {  	_ =	shalt  }
0x5b: {  	_ =	shalt  }
0x5c: {  	_ =	shalt  }
0x5d: {  	_ =	shalt  }
0x5e: {  	_ =	shalt  }
0x5f: {  	_ =	shalt  }
0x60: {  	_ =	shalt  }
0x61: {  	_ =	shalt  }
0x62: {  	_ =	shalt  }
0x63: {  	_ =	shalt  }
0x64: {  	_ =	shalt  }
0x65: {  	_ =	shalt  }
0x66: {  	_ =	shalt  }
0x67: {  	_ =	shalt  }
0x68: {  	_ =	shalt  }
0x69: {  	_ =	shalt  }
0x6a: {  	_ =	shalt  }
0x6b: {  	_ =	shalt  }
0x6c: {  	_ =	shalt  }
0x6d: {  	_ =	shalt  }
0x6e: {  	_ =	shalt  }
0x6f: {  	_ =	shalt  }
0x70: {  	_ =	shalt  }
0x71: {  	_ =	shalt  }
0x72: {  	_ =	shalt  }
0x73: {  	_ =	shalt  }
0x74: {  	_ =	shalt  }
0x75: {  	_ =	shalt  }
0x76: {  	_ =	shalt  }
0x77: {  	_ =	shalt  }
0x78: {  	_ =	shalt  }
0x79: {  	_ =	shalt  }
0x7a: {  	_ =	shalt  }
0x7b: {  	_ =	shalt  }
0x7c: {  	_ =	shalt  }
0x7d: {  	_ =	shalt  }
0x7e: {  	_ =	shalt  }
0x7f: {  	_ =	shalt  }
0x80: {  	_ =	shalt  }
0x81: {  	_ =	shalt  }
0x82: {  	_ =	shalt  }
0x83: {  	_ =	shalt  }
0x84: {  	_ =	shalt  }
0x85: {  	_ =	shalt  }
0x86: {  	_ =	shalt  }
0x87: {  	_ =	shalt  }
.Lfunc_end0:
.L_simem_size_0:
called_computation_lowered:
.L_overlay_start_0:
0x88: {  	s2 =	sld [smem:$0x3FD9]  }
0x89: {  	s3 =	sld [smem:$0x3FFE];
	_ =	sdelay $0x1  }
0x8a: {  	s1 =	srdreg.scid  }
0x8b: {  	s0 =	sand.u32 $0x1, s1  }
0x8c: {  	s17 =	sshll.u32 s0, $0xA;
	s2 =	sadd.s32 s3, s2  }
0x8d: {  	s2 =	sadd.s32 s2, s17  }
0x8e: {  	[smem:$0x3FC0] =	sst s2  }
0x8f: {  	_ = 	snop  }
0x90: {  	s2 =	sld [smem:$0x3FC9];
	(tm) =	ssettm $0x1  }
0x91: {  	s18 =	sld [smem:$0x3FFB];
	_ =	sdelay $0x3  }
0x92: {  	_ =	strace s18  }
0x93: {  	s3 =	sld [smem:$0x3FFC];
	_ =	sdelay $0x3  }
0x94: {  	_ =	strace s3  }
0x95: {  	s3 =	sld [smem:$0x3FFD];
	_ =	sdelay $0x3  }
0x96: {  	_ =	strace s3  }
0x97: {  	_ =	strace $0x8FFFFFFF  }
0x98: {  	s19 =	sld [smem:$0x3FDB];
	_ =	sdelay $0x1  }
0x99: {  	s4 =	simm.s32 $_scs_section_size  }
0x9a: {  	s5 =	simm.s32 $_size__tile_overlayer_lowered;
	s6 =	simm.s32 $_tile_overlayer_lowered  }
0x9b: {  	s22 =	simm.s32 $0x1BFF;
	s21 =	sshll.u32 s6, $0x1;
	s3 =	sadd.s32 s4, s19  }
0x9c: {  	s7 =	simm.s32 $0x0;
	s20 =	sshll.u32 s5, $0x1;
	s5 =	sadd.s32 s21, s3  }
0x9d: {  	[timem:s7], [sflag:s22] =	dma.local [hbm:s5], s20  }
0x9e: {  	_ =	swait.ge [sflag:s22], s20  }
0x9f: {  	s4 =	ssub.s32 $0x0, s20;
	[sflag:s22] =	ssyncset.done $0x0  }
0xa0: {  	[sflag:s22] =	ssyncadd.s32 s4;
	_ =	sdelay $0x1  }
0xa1: {  	s23 =	simm.s32 $0x1B8B  }
0xa2: {  	_ =	swait.ge [sflag:s23], $0x1  }
0xa3: {  	[sflag:s23] =	ssyncset.done $0x0  }
0xa4: {  	s25 =	simm.s32 $0x1B8E;
	s24 =	sld [smem:$0x3FFE];
	[sflag:s23] =	ssyncadd.s32 $0xFFFFFFFF  }
0xa5: {  	s26 =	simm.s32 $execute0_lowered;
	[smem:$0x3FD2] =	sst s25  }
0xa6: {  	s5 =	sshll.u32 s26, $0x1;
	_ =	strace $0x80000046;
	[dreg:$0x1] =	wrdreg $0xFFFFFFFF  }
0xa7: {  	s28 =	simm.s32 $_size_execute0_lowered;
	s3 =	sadd.s32 s3, s5;
	[dreg:$0x0] =	wrdreg $0x0  }
0xa8: {  	s5 =	sshll.u32 s28, $0x1;
	[dreg:$0x2] =	wrdreg s3  }
0xa9: {  	[dreg:$0x3] =	wrdreg s5  }
0xaa: {  	[dreg:$0x4] =	wrdreg $0xC0  }
0xab: {  	_ =	task [dreg:s7], $0x5FFFF  }
0xac: {  	[dreg:$0x1] =	wrdreg $0xFFFFFFFF  }
0xad: {  	[dreg:$0x0] =	wrdreg $0x60  }
0xae: {  	[dreg:$0x2] =	wrdreg s2  }
0xaf: {  	[dreg:$0x3] =	wrdreg s24  }
0xb0: {  	[dreg:$0x4] =	wrdreg $0xC3800  }
0xb1: {  	[dreg:$0x5] =	wrdreg $0x9  }
0xb2: {  	_ =	task.clear_ibuf [dreg:s7], $0x6FFFF;
	_ =	strace $0x90000046  }
0xb3: {  	s29 =	simm.s32 $0x9;
	_ =	strace $0x80000048  }
0xb4: {  	_ =	swait.ge [sflag:s29], $0x1  }
0xb5: {  	[sflag:s29] =	ssyncadd.s32 $0xFFFFFFFF  }
0xb6: {  	_ =	strace $0x90000048  }
0xb7: {  	_ =	sfence  }
0xb8: {  	s30 =	sld [smem:$0x0];
	_ =	sdelay $0x2  }
0xb9: {  	s31 =	sshll.u32 s1, $0xD;
	s1 =	sshrl.u32 s1, $0x2  }
0xba: {  	s3 =	sand.u32 $0x4000, s31;
	s1 =	sadd.s32 s1, s30  }
0xbb: {  	s0 =	sor.u32 s3, s0;
	s1 =	sshll.u32 s1, $0x11  }
0xbc: {  	s0 =	sor.u32 s1, s0  }
0xbd: {  	s0 =	sadd.s32 $0x8F2B, s0  }
0xbe: {  	[sflag:s0] =	ssyncadd.remote.s32 $0x1  }
0xbf: {  	_ =	sfence.sel $0xFFFF  }
0xc0: {  	[dreg:$0x0] =	wrdreg $0xFFFFFFFF;
	(pc) =	sbr.abs _section_cstart, $3  }
0xc1: {  	[dreg:$0x1] =	wrdreg $0xFFFFFFFF  }
0xc2: {  	_ =	task.clear_ibuf [dreg:s7], $0x2FFFF;
	_ =	strace $0x9FFFFFFF  }
0xc3: {  	(tm) =	ssettm $0x7FFFFFFF  }
tec
execute0_lowered:
.L_overlay_start_1:
0x0: {  	(tag) =	ssettag $0x1  }
0x1: {  	s1 =	rddreg [dreg:$0x0]  }
0x2: {  	s0 =	rddreg [dreg:$0x1];
	s2 =	srdreg.scid  }
0x3: {  	s3 =	rddreg [dreg:$0x2];
	s12 =	stileid.u32  }
0x4: {  	s4 =	simm.s32 $0x0;
	s28 =	simm.s32 $0x4380;
	s29 =	simm.s32 $0x3  }
0x5: {  	s30 =	simm.s32 $0x8380;
	s7 =	sand.u32 $0x1, s2;
	s10 =	smul.u32 $0x4F000, s12  }
0x6: {  	s31 =	simm.s32 $0x5;
	s23 =	smul.u32 $0x2710, s12;
	s2 =	sshll.u32 s7, $0x4  }
0x7: {  	[smem:$0x7FF] =	sst s4;
	s6 =	smul.u32 $0x27800, s7;
	s2 =	sor.u32 s12, s2  }
0x8: {  	s5 =	sadd.s32 $0x2400, s0;
	_ =	strace $0x80000047;
	s2 =	smul.u32 $0x2710, s2  }
0x9: {  	s8 =	ssub.s32 $0x2, s7;
	s7 =	smul.u32 $0x27100, s7;
	s21 =	sshrl.u32 s10, $0x2  }
0xa: {  	s9 =	sshrl.u32 s8, $0x1;
	s11 =	sadd.s32 s21, s3;
	s2 =	sshrl.u32 s2, $0x3  }
0xb: {  	s0 =	sadd.s32 s6, s0;
	s24 =	sadd.s32 $0x13000, s11;
	s6 =	sadd.s32 s5, s2  }
0xc: {  	s7 =	sadd.s32 s23, s7;
	[dreg:$0x1f] =	wrdreg s24;
	s18 =	sadd.s32 $0x10, s6  }
0xd: {  	s16 =	sadd.s32 $0x780, s7;
	s19 =	sadd.s32 $0x20, s6;
	[dreg:$0x1b] =	wrdreg s18  }
0xe: {  	s23 =	sadd.s32 $0x4E380, s7;
	s20 =	sadd.s32 $0x30, s6;
	[dreg:$0x1c] =	wrdreg s19  }
0xf: {  	s0 =	sadd.s32 $0x15E00, s0;
	s22 =	sadd.s32 $0x9C40, s6;
	[dreg:$0x1d] =	wrdreg s20  }
0x10: {  	s24 =	sshrl.u32 s23, $0x3;
	s25 =	sadd.s32 $0x4C0, s6;
	[dreg:$0x1e] =	wrdreg s22  }
0x11: {  	s23 =	sadd.s32 $0x4E700, s7;
	s26 =	sadd.s32 $0xA0D0, s6;
	[smem:$0x7E1] =	sst s25  }
0x12: {  	s2 =	ssub.s32 s8, s9;
	s10 =	sadd.s32 $0x4D0, s6;
	[smem:$0x7E2] =	sst s26  }
0x13: {  	s8 =	sshrl.u32 s16, $0x3;
	s13 =	sadd.s32 $0xA0E0, s6;
	[smem:$0x7E3] =	sst s10  }
0x14: {  	s16 =	sadd.s32 $0x4E800, s7;
	s14 =	sadd.s32 $0xA0F0, s6;
	[smem:$0x7E4] =	sst s13  }
0x15: {  	s15 =	sadd.s32 $0xA100, s6;
	s17 =	sadd.s32 $0xA110, s6;
	[smem:$0x7E5] =	sst s14  }
0x16: {  	s8 =	sadd.s32 s8, s5;
	s2 =	smax.u32 s2, $0x1;
	[smem:$0x7E6] =	sst s15  }
0x17: {  	[smem:$0x7E7] =	sst s17;
	s18 =	sadd.s32 $0x700, s7;
	s19 =	sadd.s32 $0x680, s7  }
0x18: {  	[dreg:$0x4] =	wrdreg s8;
	s25 =	sadd.s32 $0x4E300, s7;
	s8 =	sadd.s32 s24, s5  }
0x19: {  	s26 =	sadd.s32 $0x4E280, s7;
	s17 =	sshrl.u32 s16, $0x3;
	s24 =	sshrl.u32 s23, $0x3  }
0x1a: {  	s16 =	sadd.s32 $0x480, s7;
	s23 =	sadd.s32 $0x4E580, s7;
	[smem:$0x7EA] =	sst s2  }
0x1b: {  	s2 =	sadd.s32 $0x1000, s11;
	s9 =	sshrl.u32 s18, $0x3;
	s21 =	sshrl.u32 s19, $0x3  }
0x1c: {  	[dreg:$0x7] =	wrdreg s8;
	s14 =	sshrl.u32 s26, $0x3;
	s18 =	sadd.s32 $0x4E780, s7  }
0x1d: {  	s8 =	sadd.s32 s17, s5;
	s19 =	sadd.s32 $0x580, s7;
	s26 =	sadd.s32 $0x4E680, s7  }
0x1e: {  	s17 =	sshrl.u32 s16, $0x3;
	s16 =	sadd.s32 $0x4E480, s7;
	[smem:$0x7EC] =	sst s2  }
0x1f: {  	s2 =	simm.s32 $0x280;
	s20 =	sadd.s32 s9, s5;
	[dreg:$0xa] =	wrdreg s8  }
0x20: {  	s22 =	sadd.s32 s21, s5;
	s9 =	sshrl.u32 s25, $0x3;
	[dreg:$0x5] =	wrdreg s20  }
0x21: {  	s15 =	sadd.s32 s14, s5;
	s21 =	sshrl.u32 s19, $0x3;
	[dreg:$0x6] =	wrdreg s22  }
0x22: {  	s25 =	sadd.s32 $0x500, s7;
	s8 =	sadd.s32 s24, s5;
	[dreg:$0x9] =	wrdreg s15  }
0x23: {  	s14 =	sshrl.u32 s26, $0x3;
	s13 =	sadd.s32 s9, s5;
	[dreg:$0xd] =	wrdreg s8  }
0x24: {  	s19 =	sadd.s32 $0x400, s7;
	s22 =	sadd.s32 s21, s5;
	[dreg:$0x8] =	wrdreg s13  }
0x25: {  	s26 =	sadd.s32 $0x4E500, s7;
	s15 =	sadd.s32 s14, s5;
	[dreg:$0xc] =	wrdreg s22  }
0x26: {  	s9 =	sshrl.u32 s18, $0x3;
	s8 =	sadd.s32 s17, s5;
	[dreg:$0xf] =	wrdreg s15  }
0x27: {  	s10 =	sshrl.u32 s26, $0x3;
	s26 =	sadd.s32 $0x4E0, s6;
	[dreg:$0x10] =	wrdreg s8  }
0x28: {  	s21 =	sshrl.u32 s19, $0x3;
	s20 =	sadd.s32 s9, s5;
	[smem:$0x7E9] =	sst s26  }
0x29: {  	s24 =	sshrl.u32 s23, $0x3;
	s22 =	sadd.s32 s21, s5;
	[dreg:$0xb] =	wrdreg s20  }
0x2a: {  	s14 =	sadd.s32 $0x300, s7;
	s8 =	sadd.s32 s24, s5;
	[dreg:$0x12] =	wrdreg s22  }
0x2b: {  	s17 =	sadd.s32 $0x280, s7;
	s24 =	sadd.s32 $0xA120, s6;
	[dreg:$0x13] =	wrdreg s8  }
0x2c: {  	s15 =	sshrl.u32 s14, $0x3;
	s14 =	sadd.s32 $0x7000, s11;
	[smem:$0x7E8] =	sst s24  }
0x2d: {  	s19 =	sshrl.u32 s17, $0x3;
	s17 =	sadd.s32 $0xA000, s11;
	[smem:$0x7F2] =	sst s14  }
0x2e: {  	s9 =	sshrl.u32 s25, $0x3;
	s26 =	sadd.s32 $0x12000, s11;
	[smem:$0x7F5] =	sst s17  }
0x2f: {  	s23 =	sadd.s32 $0x200, s7;
	s13 =	sadd.s32 s9, s5;
	[smem:$0x7FD] =	sst s26  }
0x30: {  	s18 =	sadd.s32 $0x4E600, s7;
	s8 =	sadd.s32 s15, s5;
	[dreg:$0xe] =	wrdreg s13  }
0x31: {  	s21 =	sadd.s32 $0x4E400, s7;
	s15 =	sadd.s32 $0x8000, s11;
	[dreg:$0x16] =	wrdreg s8  }
0x32: {  	s22 =	sshrl.u32 s21, $0x3;
	s21 =	sadd.s32 $0xE000, s11;
	[smem:$0x7F3] =	sst s15  }
0x33: {  	s9 =	sshrl.u32 s18, $0x3;
	s24 =	sadd.s32 $0x11000, s11;
	[smem:$0x7F9] =	sst s21  }
0x34: {  	s25 =	sadd.s32 $0x380, s7;
	s20 =	sadd.s32 s9, s5;
	[smem:$0x7FC] =	sst s24  }
0x35: {  	s26 =	simm.s32 $0x2;
	s13 =	sadd.s32 s10, s5;
	[dreg:$0x11] =	wrdreg s20  }
0x36: {  	s14 =	simm.s32 $0x0;
	s8 =	sadd.s32 s22, s5;
	[dreg:$0x15] =	wrdreg s13  }
0x37: {  	s9 =	sshrl.u32 s25, $0x3;
	s10 =	sadd.s32 $0x4000, s11;
	[dreg:$0x19] =	wrdreg s8  }
0x38: {  	s25 =	smul.u32 $0x2780, s12;
	s12 =	sadd.s32 $0x5000, s11;
	[smem:$0x7EF] =	sst s10  }
0x39: {  	s22 =	sadd.s32 $0xF000, s11;
	s21 =	simm.s32 $0x200;
	[smem:$0x7F0] =	sst s12  }
0x3a: {  	s24 =	simm.s32 $0x1;
	s9 =	sadd.s32 s9, s5;
	[smem:$0x7FA] =	sst s22  }
0x3b: {  	s20 =	sadd.s32 s19, s5;
	s8 =	sadd.s32 $0x2000, s11;
	[dreg:$0x14] =	wrdreg s9  }
0x3c: {  	s13 =	sadd.s32 $0x6000, s11;
	s19 =	sadd.s32 $0xC000, s11;
	[dreg:$0x18] =	wrdreg s20  }
0x3d: {  	s22 =	simm.s32 $0x380;
	s10 =	simm.s32 $0x9;
	[smem:$0x7ED] =	sst s8  }
0x3e: {  	s9 =	sshrl.u32 s16, $0x3;
	s0 =	sadd.s32 s25, s0;
	[smem:$0x7F1] =	sst s13  }
0x3f: {  	s25 =	sadd.s32 $0x600, s7;
	s16 =	sadd.s32 $0x9000, s11;
	[smem:$0x7F7] =	sst s19  }
0x40: {  	s20 =	sadd.s32 $0xD000, s11;
	s19 =	simm.s32 $0x100;
	[smem:$0x7EB] =	sst s0  }
0x41: {  	s7 =	simm.s32 $0x8;
	s8 =	simm.s32 $0x4;
	[smem:$0x7F4] =	sst s16  }
0x42: {  	s13 =	simm.s32 $0x10;
	s18 =	sadd.s32 s9, s5;
	[smem:$0x7F8] =	sst s20  }
0x43: {  	s9 =	sshrl.u32 s23, $0x3;
	s23 =	sadd.s32 $0x10000, s11;
	[dreg:$0x17] =	wrdreg s18  }
0x44: {  	s20 =	simm.s32 $0x180;
	s9 =	sadd.s32 s9, s5;
	[smem:$0x7FB] =	sst s23  }
0x45: {  	s0 =	simm.s32 $0xA;
	s18 =	sadd.s32 $0xB000, s11;
	[dreg:$0x1a] =	wrdreg s9  }
0x46: {  	s23 =	simm.s32 $0x7;
	s9 =	sadd.s32 $0x3000, s11;
	[smem:$0x7F6] =	sst s18  }
0x47: {  	v0 =	vimm.f32 $0.0e+00;
	s18 =	simm.s32 $0x80;
	[smem:$0x7EE] =	sst s9;
	s9 =	simm.s32 $0x6  }
.LBB2_1:
0x48: {  	[tilespmem:s4], [sflag:$0x1] =	stream.linear.gather [hbm4b:s6+s4], $0x80, $0x38;
	[tilespmem:$0x1FF80] =	vst v63  }
0x49: {  	s12 =	rddreg [dreg:$0x1b]  }
0x4a: {  	[tilespmem:s18], [sflag:$0x2] =	stream.linear.gather [hbm4b:s12+s4], $0x80, $0x38;
	[tilespmem:$0x1FF80] =	vst v63  }
0x4b: {  	s15 =	rddreg [dreg:$0x1c]  }
0x4c: {  	[tilespmem:s19], [sflag:$0x3] =	stream.linear.gather [hbm4b:s15+s4], $0x80, $0x38;
	[tilespmem:$0x1FF80] =	vst v63  }
0x4d: {  	s16 =	rddreg [dreg:$0x1d]  }
0x4e: {  	[tilespmem:s20], [sflag:$0x4] =	stream.linear.gather [hbm4b:s16+s4], $0x80, $0x38;
	[tilespmem:$0x1FF80] =	vst v63  }
0x4f: {  	s17 =	rddreg [dreg:$0x1e];
	s15 =	sand.u32 $0x3E00, s4  }
0x50: {  	[tilespmem:s21], [sflag:$0x5] =	stream.linear.gather [hbm4b:s17+s4], $0x80, $0x38;
	[tilespmem:$0x1FF80] =	vst v63  }
0x51: {  	s16 =	sand.u32 $0x70, s4;
	s17 =	sshrl.u32 s15, $0x2  }
0x52: {  	s15 =	simm.s32 $0x40;
	s17 =	sor.u32 s16, s17;
	s16 =	simm.s32 $0x0  }
.LBB2_2:
0x53: {  	p0 =	sne.s32 s15, $0x3FC0  }
0x54: {  	[tilespmem:s17+$0x380] =	vst v0;
	s16 =	sadd.s32 $0x10, s16;
	s17 =	smov.u32 s15;
	s15 =	sadd.s32 $0x40, s15  }
.Ltmp0:
0x55: {  	(pc) =	sbr.rel @p0 .LBB2_2-.Ltmp0, $4  }
0x56: {  	_ = 	snop  }
0x57: {  	s17 =	sand.u32 $0x3E00, s17  }
0x58: {  	s12 =	sand.u32 $0x70, s16;
	s17 =	sshrl.u32 s17, $0x2  }
0x59: {  	s17 =	sor.u32 s12, s17  }
0x5a: {  	[tilespmem:s17+$0x380] =	vst v0;
	s12 =	sld [smem:$0x7EC]  }
0x5b: {  	[spmem:s11] =	stream.linear.scatter [tilespmem:s22], [sflag:$0x7], $0x1000, $0x38;
	[tilespmem:$0x1FF80] =	vst v63  }
0x5c: {  	s17 =	sld [smem:$0x7ED]  }
0x5d: {  	[spmem:s12] =	stream.linear.scatter [tilespmem:s22], [sflag:$0x7], $0x1000, $0x38;
	[tilespmem:$0x1FF80] =	vst v63  }
0x5e: {  	s15 =	sld [smem:$0x7EE]  }
0x5f: {  	[spmem:s17] =	stream.linear.scatter [tilespmem:s22], [sflag:$0x7], $0x1000, $0x38;
	[tilespmem:$0x1FF80] =	vst v63  }
0x60: {  	s16 =	sld [smem:$0x7EF]  }
0x61: {  	[spmem:s15] =	stream.linear.scatter [tilespmem:s22], [sflag:$0x7], $0x1000, $0x38;
	[tilespmem:$0x1FF80] =	vst v63  }
0x62: {  	s17 =	sld [smem:$0x7F0]  }
0x63: {  	[spmem:s16] =	stream.linear.scatter [tilespmem:s22], [sflag:$0x7], $0x1000, $0x38;
	[tilespmem:$0x1FF80] =	vst v63  }
0x64: {  	s15 =	sld [smem:$0x7F1]  }
0x65: {  	[spmem:s17] =	stream.linear.scatter [tilespmem:s22], [sflag:$0x7], $0x1000, $0x38;
	[tilespmem:$0x1FF80] =	vst v63  }
0x66: {  	s16 =	sld [smem:$0x7F2]  }
0x67: {  	[spmem:s15] =	stream.linear.scatter [tilespmem:s22], [sflag:$0x7], $0x1000, $0x38;
	[tilespmem:$0x1FF80] =	vst v63  }
0x68: {  	s17 =	sld [smem:$0x7F3]  }
0x69: {  	[spmem:s16] =	stream.linear.scatter [tilespmem:s22], [sflag:$0x7], $0x1000, $0x38;
	[tilespmem:$0x1FF80] =	vst v63  }
0x6a: {  	s15 =	sld [smem:$0x7F4]  }
0x6b: {  	[spmem:s17] =	stream.linear.scatter [tilespmem:s22], [sflag:$0x7], $0x1000, $0x38;
	[tilespmem:$0x1FF80] =	vst v63  }
0x6c: {  	s16 =	sld [smem:$0x7F5]  }
0x6d: {  	[spmem:s15] =	stream.linear.scatter [tilespmem:s22], [sflag:$0x7], $0x1000, $0x38;
	[tilespmem:$0x1FF80] =	vst v63  }
0x6e: {  	s17 =	sld [smem:$0x7F6]  }
0x6f: {  	[spmem:s16] =	stream.linear.scatter [tilespmem:s22], [sflag:$0x7], $0x1000, $0x38;
	[tilespmem:$0x1FF80] =	vst v63  }
0x70: {  	s15 =	sld [smem:$0x7F7]  }
0x71: {  	[spmem:s17] =	stream.linear.scatter [tilespmem:s22], [sflag:$0x7], $0x1000, $0x38;
	[tilespmem:$0x1FF80] =	vst v63  }
0x72: {  	s16 =	sld [smem:$0x7F8]  }
0x73: {  	[spmem:s15] =	stream.linear.scatter [tilespmem:s22], [sflag:$0x7], $0x1000, $0x38;
	[tilespmem:$0x1FF80] =	vst v63  }
0x74: {  	s17 =	sld [smem:$0x7F9]  }
0x75: {  	[spmem:s16] =	stream.linear.scatter [tilespmem:s22], [sflag:$0x7], $0x1000, $0x38;
	[tilespmem:$0x1FF80] =	vst v63  }
0x76: {  	s15 =	sld [smem:$0x7FA]  }
0x77: {  	[spmem:s17] =	stream.linear.scatter [tilespmem:s22], [sflag:$0x7], $0x1000, $0x38;
	[tilespmem:$0x1FF80] =	vst v63  }
0x78: {  	s16 =	sld [smem:$0x7FB]  }
0x79: {  	[spmem:s15] =	stream.linear.scatter [tilespmem:s22], [sflag:$0x7], $0x1000, $0x38;
	[tilespmem:$0x1FF80] =	vst v63  }
0x7a: {  	s17 =	sld [smem:$0x7FC]  }
0x7b: {  	[spmem:s16] =	stream.linear.scatter [tilespmem:s22], [sflag:$0x7], $0x1000, $0x38;
	[tilespmem:$0x1FF80] =	vst v63  }
0x7c: {  	s15 =	sld [smem:$0x7FD]  }
0x7d: {  	[spmem:s17] =	stream.linear.scatter [tilespmem:s22], [sflag:$0x7], $0x1000, $0x38;
	[tilespmem:$0x1FF80] =	vst v63  }
0x7e: {  	_ = 	snop  }
0x7f: {  	[spmem:s15] =	stream.linear.scatter [tilespmem:s22], [sflag:$0x7], $0x1000, $0x38;
	[tilespmem:$0x1FF80] =	vst v63  }
0x80: {  	s16 =	rddreg [dreg:$0x1f]  }
0x81: {  	[spmem:s16] =	stream.linear.scatter [tilespmem:s22], [sflag:$0x7], $0xC00, $0x38;
	[tilespmem:$0x1FF80] =	vst v63  }
0x82: {  	_ =	swait.ge [sflag:s23], $0x1000  }
0x83: {  	[sflag:s23] =	ssyncset.done $0x0  }
0x84: {  	[sflag:s23] =	ssyncadd.s32 $0xFFFFF000  }
0x85: {  	_ =	swait.ge [sflag:s23], $0x1000  }
0x86: {  	[sflag:s23] =	ssyncset.done $0x0  }
0x87: {  	[sflag:s23] =	ssyncadd.s32 $0xFFFFF000  }
0x88: {  	_ =	swait.ge [sflag:s23], $0x1000  }
0x89: {  	[sflag:s23] =	ssyncset.done $0x0  }
0x8a: {  	[sflag:s23] =	ssyncadd.s32 $0xFFFFF000  }
0x8b: {  	_ =	swait.ge [sflag:s23], $0x1000  }
0x8c: {  	[sflag:s23] =	ssyncset.done $0x0  }
0x8d: {  	[sflag:s23] =	ssyncadd.s32 $0xFFFFF000  }
0x8e: {  	_ =	swait.ge [sflag:s23], $0x1000  }
0x8f: {  	[sflag:s23] =	ssyncset.done $0x0  }
0x90: {  	[sflag:s23] =	ssyncadd.s32 $0xFFFFF000  }
0x91: {  	_ =	swait.ge [sflag:s23], $0x1000  }
0x92: {  	[sflag:s23] =	ssyncset.done $0x0  }
0x93: {  	[sflag:s23] =	ssyncadd.s32 $0xFFFFF000  }
0x94: {  	_ =	swait.ge [sflag:s23], $0x1000  }
0x95: {  	[sflag:s23] =	ssyncset.done $0x0  }
0x96: {  	[sflag:s23] =	ssyncadd.s32 $0xFFFFF000  }
0x97: {  	_ =	swait.ge [sflag:s23], $0x1000  }
0x98: {  	[sflag:s23] =	ssyncset.done $0x0  }
0x99: {  	[sflag:s23] =	ssyncadd.s32 $0xFFFFF000  }
0x9a: {  	_ =	swait.ge [sflag:s23], $0x1000  }
0x9b: {  	[sflag:s23] =	ssyncset.done $0x0  }
0x9c: {  	[sflag:s23] =	ssyncadd.s32 $0xFFFFF000  }
0x9d: {  	_ =	swait.ge [sflag:s23], $0x1000  }
0x9e: {  	[sflag:s23] =	ssyncset.done $0x0  }
0x9f: {  	[sflag:s23] =	ssyncadd.s32 $0xFFFFF000  }
0xa0: {  	_ =	swait.ge [sflag:s23], $0x1000  }
0xa1: {  	[sflag:s23] =	ssyncset.done $0x0  }
0xa2: {  	[sflag:s23] =	ssyncadd.s32 $0xFFFFF000  }
0xa3: {  	_ =	swait.ge [sflag:s23], $0x1000  }
0xa4: {  	[sflag:s23] =	ssyncset.done $0x0  }
0xa5: {  	[sflag:s23] =	ssyncadd.s32 $0xFFFFF000  }
0xa6: {  	_ =	swait.ge [sflag:s23], $0x1000  }
0xa7: {  	[sflag:s23] =	ssyncset.done $0x0  }
0xa8: {  	[sflag:s23] =	ssyncadd.s32 $0xFFFFF000  }
0xa9: {  	_ =	swait.ge [sflag:s23], $0x1000  }
0xaa: {  	[sflag:s23] =	ssyncset.done $0x0  }
0xab: {  	[sflag:s23] =	ssyncadd.s32 $0xFFFFF000  }
0xac: {  	_ =	swait.ge [sflag:s23], $0x1000  }
0xad: {  	[sflag:s23] =	ssyncset.done $0x0  }
0xae: {  	[sflag:s23] =	ssyncadd.s32 $0xFFFFF000  }
0xaf: {  	_ =	swait.ge [sflag:s23], $0x1000  }
0xb0: {  	[sflag:s23] =	ssyncset.done $0x0  }
0xb1: {  	[sflag:s23] =	ssyncadd.s32 $0xFFFFF000  }
0xb2: {  	_ =	swait.ge [sflag:s23], $0x1000  }
0xb3: {  	[sflag:s23] =	ssyncset.done $0x0  }
0xb4: {  	[sflag:s23] =	ssyncadd.s32 $0xFFFFF000  }
0xb5: {  	_ =	swait.ge [sflag:s23], $0x1000  }
0xb6: {  	[sflag:s23] =	ssyncset.done $0x0  }
0xb7: {  	[sflag:s23] =	ssyncadd.s32 $0xFFFFF000  }
0xb8: {  	_ =	swait.ge [sflag:s23], $0x1000  }
0xb9: {  	[sflag:s23] =	ssyncset.done $0x0  }
0xba: {  	[sflag:s23] =	ssyncadd.s32 $0xFFFFF000  }
0xbb: {  	_ =	swait.ge [sflag:s23], $0xC00  }
0xbc: {  	[sflag:s23] =	ssyncset.done $0x0  }
0xbd: {  	[sflag:s23] =	ssyncadd.s32 $0xFFFFF400  }
0xbe: {  	[bflag:$0x0] =	sbarrier.arrive $0xFFFF  }
0xbf: {  	_ =	swait.ge [sflag:s24], $0x80  }
0xc0: {  	[sflag:s24] =	ssyncset.done $0x0  }
0xc1: {  	s17 =	simm.s32 $0x0;
	[sflag:s24] =	ssyncadd.s32 $0xFFFFFF80  }
0xc2: {  	[tilespmem:s22], [sflag:$0x7] =	stream.indirect.gather [hbm4b:s1+s18], $0x80, s17, s18, $0xb8;
	[tilespmem:$0x1FF80] =	vst v63  }
0xc3: {  	_ =	swait.ge [sflag:s26], $0x80  }
0xc4: {  	[sflag:s26] =	ssyncset.done $0x0  }
0xc5: {  	[sflag:s26] =	ssyncadd.s32 $0xFFFFFF80  }
0xc6: {  	[tilespmem:s28], [sflag:$0x8] =	stream.indirect.gather [hbm4b:s1+s18], $0x80, s18, s18, $0xb8;
	[tilespmem:$0x1FF80] =	vst v63  }
0xc7: {  	_ =	swait.ge [sflag:s23], $0x4000  }
0xc8: {  	s15 =	rddreg [dreg:$0x1a];
	[sflag:s23] =	ssyncset.done $0x0  }
0xc9: {  	[sflag:s23] =	ssyncadd.s32 $0xFFFFC000;
	s12 =	sadd.s32 $0x0, s15  }
0xca: {  	[tilespmem:s4], [sflag:$0x1] =	stream.linear.gather [hbm4b:s12+s4], $0x80, $0x38;
	[tilespmem:$0x1FF80] =	vst v63  }
0xcb: {  	_ =	swait.ge [sflag:s29], $0x80  }
0xcc: {  	[sflag:s29] =	ssyncset.done $0x0  }
0xcd: {  	[sflag:s29] =	ssyncadd.s32 $0xFFFFFF80  }
0xce: {  	[tilespmem:s30], [sflag:$0x9] =	stream.indirect.gather [hbm4b:s1+s18], $0x80, s19, s18, $0xb8;
	[tilespmem:$0x1FF80] =	vst v63  }
0xcf: {  	_ =	swait.ge [sflag:s31], $0x80  }
0xd0: {  	[sflag:s31] =	ssyncset.done $0x0  }
0xd1: {  	[sflag:s31] =	ssyncadd.s32 $0xFFFFFF80  }
0xd2: {  	[spmem:s3] =	stream.indirect.scatter.add.f32 [tilespmem:s22], [sflag:$0xA], $0x80, s21, s18, $0xb8;
	[tilespmem:$0x1FF80] =	vst v63  }
0xd3: {  	_ =	swait.ge [sflag:s0], $0x4000  }
0xd4: {  	s16 =	rddreg [dreg:$0x9];
	[sflag:s0] =	ssyncset.done $0x0  }
0xd5: {  	[sflag:s0] =	ssyncadd.s32 $0xFFFFC000;
	s12 =	sadd.s32 $0x0, s16  }
0xd6: {  	[tilespmem:s2], [sflag:$0x6] =	stream.linear.gather [hbm4b:s12+s4], $0x80, $0x38;
	[tilespmem:$0x1FF80] =	vst v63  }
0xd7: {  	_ =	swait.ge [sflag:s7], $0x4000  }
0xd8: {  	s17 =	rddreg [dreg:$0x18];
	[sflag:s7] =	ssyncset.done $0x0  }
0xd9: {  	[sflag:s7] =	ssyncadd.s32 $0xFFFFC000;
	s12 =	sadd.s32 $0x0, s17  }
0xda: {  	[tilespmem:s18], [sflag:$0x2] =	stream.linear.gather [hbm4b:s12+s4], $0x80, $0x38;
	[tilespmem:$0x1FF80] =	vst v63  }
0xdb: {  	_ =	swait.ge [sflag:s8], $0x80  }
0xdc: {  	[sflag:s8] =	ssyncset.done $0x0  }
0xdd: {  	[sflag:s8] =	ssyncadd.s32 $0xFFFFFF80  }
0xde: {  	[tilespmem:s22], [sflag:$0x7] =	stream.indirect.gather [hbm4b:s1+s18], $0x80, s20, s18, $0xb8;
	[tilespmem:$0x1FF80] =	vst v63  }
0xdf: {  	_ =	swait.ge [sflag:s9], $0x80  }
0xe0: {  	[sflag:s9] =	ssyncset.done $0x0  }
0xe1: {  	[sflag:s9] =	ssyncadd.s32 $0xFFFFFF80  }
0xe2: {  	[spmem:s3] =	stream.indirect.scatter.add.f32 [tilespmem:s28], [sflag:$0xA], $0x80, s2, s18, $0xb8;
	[tilespmem:$0x1FF80] =	vst v63  }
0xe3: {  	_ =	swait.ge [sflag:s0], $0x4000  }
0xe4: {  	s15 =	rddreg [dreg:$0x8];
	[sflag:s0] =	ssyncset.done $0x0  }
0xe5: {  	[sflag:s0] =	ssyncadd.s32 $0xFFFFC000;
	s12 =	sadd.s32 $0x0, s15  }
0xe6: {  	[tilespmem:s21], [sflag:$0x5] =	stream.linear.gather [hbm4b:s12+s4], $0x80, $0x38;
	[tilespmem:$0x1FF80] =	vst v63  }
0xe7: {  	_ =	swait.ge [sflag:s10], $0x4000  }
0xe8: {  	s16 =	rddreg [dreg:$0x16];
	[sflag:s10] =	ssyncset.done $0x0  }
0xe9: {  	[sflag:s10] =	ssyncadd.s32 $0xFFFFC000;
	s12 =	sadd.s32 $0x0, s16  }
0xea: {  	[tilespmem:s19], [sflag:$0x3] =	stream.linear.gather [hbm4b:s12+s4], $0x80, $0x38;
	[tilespmem:$0x1FF80] =	vst v63  }
0xeb: {  	_ =	swait.ge [sflag:s24], $0x80  }
0xec: {  	[sflag:s24] =	ssyncset.done $0x0  }
0xed: {  	[sflag:s24] =	ssyncadd.s32 $0xFFFFFF80  }
0xee: {  	[tilespmem:s28], [sflag:$0x8] =	stream.indirect.gather [hbm4b:s1+s18], $0x80, s4, s18, $0xb8;
	[tilespmem:$0x1FF80] =	vst v63  }
0xef: {  	_ =	swait.ge [sflag:s31], $0x80  }
0xf0: {  	[sflag:s31] =	ssyncset.done $0x0  }
0xf1: {  	[sflag:s31] =	ssyncadd.s32 $0xFFFFFF80  }
0xf2: {  	[spmem:s3] =	stream.indirect.scatter.add.f32 [tilespmem:s30], [sflag:$0xA], $0x80, s21, s18, $0xb8;
	[tilespmem:$0x1FF80] =	vst v63  }
0xf3: {  	_ =	swait.ge [sflag:s0], $0x4000  }
0xf4: {  	s17 =	rddreg [dreg:$0x7];
	[sflag:s0] =	ssyncset.done $0x0  }
0xf5: {  	[sflag:s0] =	ssyncadd.s32 $0xFFFFC000;
	s12 =	sadd.s32 $0x0, s17  }
0xf6: {  	[tilespmem:s2], [sflag:$0x6] =	stream.linear.gather [hbm4b:s12+s4], $0x80, $0x38;
	[tilespmem:$0x1FF80] =	vst v63  }
0xf7: {  	_ =	swait.ge [sflag:s23], $0x4000  }
0xf8: {  	s15 =	rddreg [dreg:$0x14];
	[sflag:s23] =	ssyncset.done $0x0  }
0xf9: {  	[sflag:s23] =	ssyncadd.s32 $0xFFFFC000;
	s12 =	sadd.s32 $0x0, s15  }
0xfa: {  	[tilespmem:s20], [sflag:$0x4] =	stream.linear.gather [hbm4b:s12+s4], $0x80, $0x38;
	[tilespmem:$0x1FF80] =	vst v63  }
0xfb: {  	_ =	swait.ge [sflag:s26], $0x80  }
0xfc: {  	[sflag:s26] =	ssyncset.done $0x0  }
0xfd: {  	[sflag:s26] =	ssyncadd.s32 $0xFFFFFF80  }
0xfe: {  	[tilespmem:s30], [sflag:$0x9] =	stream.indirect.gather [hbm4b:s1+s18], $0x80, s18, s18, $0xb8;
	[tilespmem:$0x1FF80] =	vst v63  }
0xff: {  	_ =	swait.ge [sflag:s9], $0x80  }
0x100: {  	[sflag:s9] =	ssyncset.done $0x0  }
0x101: {  	[sflag:s9] =	ssyncadd.s32 $0xFFFFFF80  }
0x102: {  	[spmem:s3] =	stream.indirect.scatter.add.f32 [tilespmem:s22], [sflag:$0xA], $0x80, s2, s18, $0xb8;
	[tilespmem:$0x1FF80] =	vst v63  }
0x103: {  	_ =	swait.ge [sflag:s0], $0x4000  }
0x104: {  	s16 =	rddreg [dreg:$0x19];
	[sflag:s0] =	ssyncset.done $0x0  }
0x105: {  	[sflag:s0] =	ssyncadd.s32 $0xFFFFC000;
	s12 =	sadd.s32 $0x0, s16  }
0x106: {  	[tilespmem:s21], [sflag:$0x5] =	stream.linear.gather [hbm4b:s12+s4], $0x80, $0x38;
	[tilespmem:$0x1FF80] =	vst v63  }
0x107: {  	_ =	swait.ge [sflag:s7], $0x4000  }
0x108: {  	s17 =	rddreg [dreg:$0x12];
	[sflag:s7] =	ssyncset.done $0x0  }
0x109: {  	[sflag:s7] =	ssyncadd.s32 $0xFFFFC000;
	s12 =	sadd.s32 $0x0, s17  }
0x10a: {  	[tilespmem:s4], [sflag:$0x1] =	stream.linear.gather [hbm4b:s12+s4], $0x80, $0x38;
	[tilespmem:$0x1FF80] =	vst v63  }
0x10b: {  	_ =	swait.ge [sflag:s29], $0x80  }
0x10c: {  	[sflag:s29] =	ssyncset.done $0x0  }
0x10d: {  	[sflag:s29] =	ssyncadd.s32 $0xFFFFFF80  }
0x10e: {  	[tilespmem:s22], [sflag:$0x7] =	stream.indirect.gather [hbm4b:s1+s18], $0x80, s19, s18, $0xb8;
	[tilespmem:$0x1FF80] =	vst v63  }
0x10f: {  	_ =	swait.ge [sflag:s31], $0x80  }
0x110: {  	[sflag:s31] =	ssyncset.done $0x0  }
0x111: {  	[sflag:s31] =	ssyncadd.s32 $0xFFFFFF80  }
0x112: {  	[spmem:s3] =	stream.indirect.scatter.add.f32 [tilespmem:s28], [sflag:$0xA], $0x80, s21, s18, $0xb8;
	[tilespmem:$0x1FF80] =	vst v63  }
0x113: {  	_ =	swait.ge [sflag:s0], $0x4000  }
0x114: {  	s15 =	rddreg [dreg:$0x17];
	[sflag:s0] =	ssyncset.done $0x0  }
0x115: {  	[sflag:s0] =	ssyncadd.s32 $0xFFFFC000;
	s12 =	sadd.s32 $0x0, s15  }
0x116: {  	[tilespmem:s2], [sflag:$0x6] =	stream.linear.gather [hbm4b:s12+s4], $0x80, $0x38;
	[tilespmem:$0x1FF80] =	vst v63  }
0x117: {  	_ =	swait.ge [sflag:s10], $0x4000  }
0x118: {  	s16 =	rddreg [dreg:$0x10];
	[sflag:s10] =	ssyncset.done $0x0  }
0x119: {  	[sflag:s10] =	ssyncadd.s32 $0xFFFFC000;
	s12 =	sadd.s32 $0x0, s16  }
0x11a: {  	[tilespmem:s18], [sflag:$0x2] =	stream.linear.gather [hbm4b:s12+s4], $0x80, $0x38;
	[tilespmem:$0x1FF80] =	vst v63  }
0x11b: {  	_ =	swait.ge [sflag:s8], $0x80  }
0x11c: {  	[sflag:s8] =	ssyncset.done $0x0  }
0x11d: {  	[sflag:s8] =	ssyncadd.s32 $0xFFFFFF80  }
0x11e: {  	[tilespmem:s28], [sflag:$0x8] =	stream.indirect.gather [hbm4b:s1+s18], $0x80, s20, s18, $0xb8;
	[tilespmem:$0x1FF80] =	vst v63  }
0x11f: {  	_ =	swait.ge [sflag:s9], $0x80  }
0x120: {  	[sflag:s9] =	ssyncset.done $0x0  }
0x121: {  	[sflag:s9] =	ssyncadd.s32 $0xFFFFFF80  }
0x122: {  	[spmem:s3] =	stream.indirect.scatter.add.f32 [tilespmem:s30], [sflag:$0xA], $0x80, s2, s18, $0xb8;
	[tilespmem:$0x1FF80] =	vst v63  }
0x123: {  	_ =	swait.ge [sflag:s0], $0x4000  }
0x124: {  	s17 =	rddreg [dreg:$0x15];
	[sflag:s0] =	ssyncset.done $0x0  }
0x125: {  	[sflag:s0] =	ssyncadd.s32 $0xFFFFC000;
	s12 =	sadd.s32 $0x0, s17  }
0x126: {  	[tilespmem:s21], [sflag:$0x5] =	stream.linear.gather [hbm4b:s12+s4], $0x80, $0x38;
	[tilespmem:$0x1FF80] =	vst v63  }
0x127: {  	_ =	swait.ge [sflag:s23], $0x4000  }
0x128: {  	s15 =	rddreg [dreg:$0xe];
	[sflag:s23] =	ssyncset.done $0x0  }
0x129: {  	[sflag:s23] =	ssyncadd.s32 $0xFFFFC000;
	s12 =	sadd.s32 $0x0, s15  }
0x12a: {  	[tilespmem:s19], [sflag:$0x3] =	stream.linear.gather [hbm4b:s12+s4], $0x80, $0x38;
	[tilespmem:$0x1FF80] =	vst v63  }
0x12b: {  	_ =	swait.ge [sflag:s24], $0x80  }
0x12c: {  	[sflag:s24] =	ssyncset.done $0x0  }
0x12d: {  	[sflag:s24] =	ssyncadd.s32 $0xFFFFFF80  }
0x12e: {  	[tilespmem:s30], [sflag:$0x9] =	stream.indirect.gather [hbm4b:s1+s18], $0x80, s4, s18, $0xb8;
	[tilespmem:$0x1FF80] =	vst v63  }
0x12f: {  	_ =	swait.ge [sflag:s31], $0x80  }
0x130: {  	[sflag:s31] =	ssyncset.done $0x0  }
0x131: {  	[sflag:s31] =	ssyncadd.s32 $0xFFFFFF80  }
0x132: {  	[spmem:s3] =	stream.indirect.scatter.add.f32 [tilespmem:s22], [sflag:$0xA], $0x80, s21, s18, $0xb8;
	[tilespmem:$0x1FF80] =	vst v63  }
0x133: {  	_ =	swait.ge [sflag:s0], $0x4000  }
0x134: {  	s16 =	rddreg [dreg:$0x13];
	[sflag:s0] =	ssyncset.done $0x0  }
0x135: {  	[sflag:s0] =	ssyncadd.s32 $0xFFFFC000;
	s12 =	sadd.s32 $0x0, s16  }
0x136: {  	[tilespmem:s2], [sflag:$0x6] =	stream.linear.gather [hbm4b:s12+s4], $0x80, $0x38;
	[tilespmem:$0x1FF80] =	vst v63  }
0x137: {  	_ =	swait.ge [sflag:s7], $0x4000  }
0x138: {  	s17 =	rddreg [dreg:$0xc];
	[sflag:s7] =	ssyncset.done $0x0  }
0x139: {  	[sflag:s7] =	ssyncadd.s32 $0xFFFFC000;
	s12 =	sadd.s32 $0x0, s17  }
0x13a: {  	[tilespmem:s20], [sflag:$0x4] =	stream.linear.gather [hbm4b:s12+s4], $0x80, $0x38;
	[tilespmem:$0x1FF80] =	vst v63  }
0x13b: {  	_ =	swait.ge [sflag:s26], $0x80  }
0x13c: {  	[sflag:s26] =	ssyncset.done $0x0  }
0x13d: {  	[sflag:s26] =	ssyncadd.s32 $0xFFFFFF80  }
0x13e: {  	[tilespmem:s22], [sflag:$0x7] =	stream.indirect.gather [hbm4b:s1+s18], $0x80, s18, s18, $0xb8;
	[tilespmem:$0x1FF80] =	vst v63  }
0x13f: {  	_ =	swait.ge [sflag:s9], $0x80  }
0x140: {  	[sflag:s9] =	ssyncset.done $0x0  }
0x141: {  	[sflag:s9] =	ssyncadd.s32 $0xFFFFFF80  }
0x142: {  	[spmem:s3] =	stream.indirect.scatter.add.f32 [tilespmem:s28], [sflag:$0xA], $0x80, s2, s18, $0xb8;
	[tilespmem:$0x1FF80] =	vst v63  }
0x143: {  	_ =	swait.ge [sflag:s0], $0x4000  }
0x144: {  	s15 =	rddreg [dreg:$0x11];
	[sflag:s0] =	ssyncset.done $0x0  }
0x145: {  	[sflag:s0] =	ssyncadd.s32 $0xFFFFC000;
	s12 =	sadd.s32 $0x0, s15  }
0x146: {  	[tilespmem:s21], [sflag:$0x5] =	stream.linear.gather [hbm4b:s12+s4], $0x80, $0x38;
	[tilespmem:$0x1FF80] =	vst v63  }
0x147: {  	_ =	swait.ge [sflag:s10], $0x4000  }
0x148: {  	s16 =	sshrl.u32 s25, $0x3;
	[sflag:s10] =	ssyncset.done $0x0  }
0x149: {  	s12 =	sadd.s32 s5, s16;
	[sflag:s10] =	ssyncadd.s32 $0xFFFFC000  }
0x14a: {  	[tilespmem:s4], [sflag:$0x1] =	stream.linear.gather [hbm4b:s12+s4], $0x80, $0x38;
	[tilespmem:$0x1FF80] =	vst v63  }
0x14b: {  	_ =	swait.ge [sflag:s29], $0x80  }
0x14c: {  	[sflag:s29] =	ssyncset.done $0x0  }
0x14d: {  	[sflag:s29] =	ssyncadd.s32 $0xFFFFFF80  }
0x14e: {  	[tilespmem:s28], [sflag:$0x8] =	stream.indirect.gather [hbm4b:s1+s18], $0x80, s19, s18, $0xb8;
	[tilespmem:$0x1FF80] =	vst v63  }
0x14f: {  	_ =	swait.ge [sflag:s31], $0x80  }
0x150: {  	[sflag:s31] =	ssyncset.done $0x0  }
0x151: {  	[sflag:s31] =	ssyncadd.s32 $0xFFFFFF80  }
0x152: {  	[spmem:s3] =	stream.indirect.scatter.add.f32 [tilespmem:s30], [sflag:$0xA], $0x80, s21, s18, $0xb8;
	[tilespmem:$0x1FF80] =	vst v63  }
0x153: {  	_ =	swait.ge [sflag:s0], $0x4000  }
0x154: {  	s17 =	rddreg [dreg:$0xf];
	[sflag:s0] =	ssyncset.done $0x0  }
0x155: {  	[sflag:s0] =	ssyncadd.s32 $0xFFFFC000;
	s12 =	sadd.s32 $0x0, s17  }
0x156: {  	[tilespmem:s2], [sflag:$0x6] =	stream.linear.gather [hbm4b:s12+s4], $0x80, $0x38;
	[tilespmem:$0x1FF80] =	vst v63  }
0x157: {  	_ =	swait.ge [sflag:s23], $0x4000  }
0x158: {  	s15 =	rddreg [dreg:$0x6];
	[sflag:s23] =	ssyncset.done $0x0  }
0x159: {  	[sflag:s23] =	ssyncadd.s32 $0xFFFFC000;
	s12 =	sadd.s32 $0x0, s15  }
0x15a: {  	[tilespmem:s18], [sflag:$0x2] =	stream.linear.gather [hbm4b:s12+s4], $0x80, $0x38;
	[tilespmem:$0x1FF80] =	vst v63  }
0x15b: {  	_ =	swait.ge [sflag:s8], $0x80  }
0x15c: {  	[sflag:s8] =	ssyncset.done $0x0  }
0x15d: {  	[sflag:s8] =	ssyncadd.s32 $0xFFFFFF80  }
0x15e: {  	[tilespmem:s30], [sflag:$0x9] =	stream.indirect.gather [hbm4b:s1+s18], $0x80, s20, s18, $0xb8;
	[tilespmem:$0x1FF80] =	vst v63  }
0x15f: {  	_ =	swait.ge [sflag:s9], $0x80  }
0x160: {  	[sflag:s9] =	ssyncset.done $0x0  }
0x161: {  	[sflag:s9] =	ssyncadd.s32 $0xFFFFFF80  }
0x162: {  	[spmem:s3] =	stream.indirect.scatter.add.f32 [tilespmem:s22], [sflag:$0xA], $0x80, s2, s18, $0xb8;
	[tilespmem:$0x1FF80] =	vst v63  }
0x163: {  	_ =	swait.ge [sflag:s0], $0x4000  }
0x164: {  	s16 =	rddreg [dreg:$0xd];
	[sflag:s0] =	ssyncset.done $0x0  }
0x165: {  	[sflag:s0] =	ssyncadd.s32 $0xFFFFC000;
	s12 =	sadd.s32 $0x0, s16  }
0x166: {  	[tilespmem:s21], [sflag:$0x5] =	stream.linear.gather [hbm4b:s12+s4], $0x80, $0x38;
	[tilespmem:$0x1FF80] =	vst v63  }
0x167: {  	_ =	swait.ge [sflag:s7], $0x4000  }
0x168: {  	s17 =	rddreg [dreg:$0x5];
	[sflag:s7] =	ssyncset.done $0x0  }
0x169: {  	[sflag:s7] =	ssyncadd.s32 $0xFFFFC000;
	s12 =	sadd.s32 $0x0, s17  }
0x16a: {  	[tilespmem:s19], [sflag:$0x3] =	stream.linear.gather [hbm4b:s12+s4], $0x80, $0x38;
	[tilespmem:$0x1FF80] =	vst v63  }
0x16b: {  	_ =	swait.ge [sflag:s24], $0x80  }
0x16c: {  	[sflag:s24] =	ssyncset.done $0x0  }
0x16d: {  	[sflag:s24] =	ssyncadd.s32 $0xFFFFFF80  }
0x16e: {  	[tilespmem:s22], [sflag:$0x7] =	stream.indirect.gather [hbm4b:s1+s18], $0x80, s4, s18, $0xb8;
	[tilespmem:$0x1FF80] =	vst v63  }
0x16f: {  	_ =	swait.ge [sflag:s31], $0x80  }
0x170: {  	[sflag:s31] =	ssyncset.done $0x0  }
0x171: {  	[sflag:s31] =	ssyncadd.s32 $0xFFFFFF80  }
0x172: {  	[spmem:s3] =	stream.indirect.scatter.add.f32 [tilespmem:s28], [sflag:$0xA], $0x80, s21, s18, $0xb8;
	[tilespmem:$0x1FF80] =	vst v63  }
0x173: {  	_ =	swait.ge [sflag:s0], $0x4000  }
0x174: {  	s15 =	rddreg [dreg:$0xb];
	[sflag:s0] =	ssyncset.done $0x0  }
0x175: {  	[sflag:s0] =	ssyncadd.s32 $0xFFFFC000;
	s12 =	sadd.s32 $0x0, s15  }
0x176: {  	[tilespmem:s2], [sflag:$0x6] =	stream.linear.gather [hbm4b:s12+s4], $0x80, $0x38;
	[tilespmem:$0x1FF80] =	vst v63  }
0x177: {  	_ =	swait.ge [sflag:s10], $0x4000  }
0x178: {  	s16 =	rddreg [dreg:$0x4];
	[sflag:s10] =	ssyncset.done $0x0  }
0x179: {  	[sflag:s10] =	ssyncadd.s32 $0xFFFFC000;
	s12 =	sadd.s32 $0x0, s16  }
0x17a: {  	[tilespmem:s20], [sflag:$0x4] =	stream.linear.gather [hbm4b:s12+s4], $0x80, $0x38;
	[tilespmem:$0x1FF80] =	vst v63  }
0x17b: {  	_ =	swait.ge [sflag:s26], $0x80  }
0x17c: {  	[sflag:s26] =	ssyncset.done $0x0  }
0x17d: {  	[sflag:s26] =	ssyncadd.s32 $0xFFFFFF80  }
0x17e: {  	[tilespmem:s28], [sflag:$0x8] =	stream.indirect.gather [hbm4b:s1+s18], $0x80, s18, s18, $0xb8;
	[tilespmem:$0x1FF80] =	vst v63  }
0x17f: {  	_ =	swait.ge [sflag:s9], $0x80  }
0x180: {  	[sflag:s9] =	ssyncset.done $0x0  }
0x181: {  	[sflag:s9] =	ssyncadd.s32 $0xFFFFFF80  }
0x182: {  	[spmem:s3] =	stream.indirect.scatter.add.f32 [tilespmem:s30], [sflag:$0xA], $0x80, s2, s18, $0xb8;
	[tilespmem:$0x1FF80] =	vst v63  }
0x183: {  	_ =	swait.ge [sflag:s0], $0x4000  }
0x184: {  	s15 =	simm.s32 $0xC0;
	s17 =	rddreg [dreg:$0xa];
	[sflag:s0] =	ssyncset.done $0x0  }
0x185: {  	s16 =	sadd.s32 $0x600, s25;
	[sflag:s0] =	ssyncadd.s32 $0xFFFFC000;
	s17 =	sadd.s32 $0x0, s17  }
.LBB2_4:
0x186: {  	[tilespmem:s21], [sflag:$0x5] =	stream.linear.gather [hbm4b:s17+s4], $0x80, $0x38;
	[tilespmem:$0x1FF80] =	vst v63  }
0x187: {  	_ =	swait.ge [sflag:s23], $0x4000  }
0x188: {  	s17 =	smov.u32 s15;
	s12 =	rddreg [dreg:$0x1a];
	[sflag:s23] =	ssyncset.done $0x0  }
0x189: {  	[sflag:s23] =	ssyncadd.s32 $0xFFFFC000;
	s12 =	sadd.s32 s17, s12  }
0x18a: {  	[tilespmem:s4], [sflag:$0x1] =	stream.linear.gather [hbm4b:s12+s4], $0x80, $0x38;
	[tilespmem:$0x1FF80] =	vst v63  }
0x18b: {  	_ =	swait.ge [sflag:s29], $0x80  }
0x18c: {  	[sflag:s29] =	ssyncset.done $0x0  }
0x18d: {  	[sflag:s29] =	ssyncadd.s32 $0xFFFFFF80  }
0x18e: {  	[tilespmem:s30], [sflag:$0x9] =	stream.indirect.gather [hbm4b:s1+s18], $0x80, s19, s18, $0xb8;
	[tilespmem:$0x1FF80] =	vst v63  }
0x18f: {  	_ =	swait.ge [sflag:s31], $0x80  }
0x190: {  	[sflag:s31] =	ssyncset.done $0x0  }
0x191: {  	[sflag:s31] =	ssyncadd.s32 $0xFFFFFF80  }
0x192: {  	[spmem:s3] =	stream.indirect.scatter.add.f32 [tilespmem:s22], [sflag:$0xA], $0x80, s21, s18, $0xb8;
	[tilespmem:$0x1FF80] =	vst v63  }
0x193: {  	_ =	swait.ge [sflag:s0], $0x4000  }
0x194: {  	s12 =	rddreg [dreg:$0x9];
	[sflag:s0] =	ssyncset.done $0x0  }
0x195: {  	[sflag:s0] =	ssyncadd.s32 $0xFFFFC000;
	s12 =	sadd.s32 s17, s12  }
0x196: {  	[tilespmem:s2], [sflag:$0x6] =	stream.linear.gather [hbm4b:s12+s4], $0x80, $0x38;
	[tilespmem:$0x1FF80] =	vst v63  }
0x197: {  	_ =	swait.ge [sflag:s7], $0x4000  }
0x198: {  	s12 =	rddreg [dreg:$0x18];
	[sflag:s7] =	ssyncset.done $0x0  }
0x199: {  	[sflag:s7] =	ssyncadd.s32 $0xFFFFC000;
	s12 =	sadd.s32 s17, s12  }
0x19a: {  	[tilespmem:s18], [sflag:$0x2] =	stream.linear.gather [hbm4b:s12+s4], $0x80, $0x38;
	[tilespmem:$0x1FF80] =	vst v63  }
0x19b: {  	_ =	swait.ge [sflag:s8], $0x80  }
0x19c: {  	[sflag:s8] =	ssyncset.done $0x0  }
0x19d: {  	[sflag:s8] =	ssyncadd.s32 $0xFFFFFF80  }
0x19e: {  	[tilespmem:s22], [sflag:$0x7] =	stream.indirect.gather [hbm4b:s1+s18], $0x80, s20, s18, $0xb8;
	[tilespmem:$0x1FF80] =	vst v63  }
0x19f: {  	_ =	swait.ge [sflag:s9], $0x80  }
0x1a0: {  	[sflag:s9] =	ssyncset.done $0x0  }
0x1a1: {  	[sflag:s9] =	ssyncadd.s32 $0xFFFFFF80  }
0x1a2: {  	[spmem:s3] =	stream.indirect.scatter.add.f32 [tilespmem:s28], [sflag:$0xA], $0x80, s2, s18, $0xb8;
	[tilespmem:$0x1FF80] =	vst v63  }
0x1a3: {  	_ =	swait.ge [sflag:s0], $0x4000  }
0x1a4: {  	s12 =	rddreg [dreg:$0x8];
	[sflag:s0] =	ssyncset.done $0x0  }
0x1a5: {  	[sflag:s0] =	ssyncadd.s32 $0xFFFFC000;
	s12 =	sadd.s32 s17, s12  }
0x1a6: {  	[tilespmem:s21], [sflag:$0x5] =	stream.linear.gather [hbm4b:s12+s4], $0x80, $0x38;
	[tilespmem:$0x1FF80] =	vst v63  }
0x1a7: {  	_ =	swait.ge [sflag:s10], $0x4000  }
0x1a8: {  	s12 =	rddreg [dreg:$0x16];
	[sflag:s10] =	ssyncset.done $0x0  }
0x1a9: {  	[sflag:s10] =	ssyncadd.s32 $0xFFFFC000;
	s12 =	sadd.s32 s17, s12  }
0x1aa: {  	[tilespmem:s19], [sflag:$0x3] =	stream.linear.gather [hbm4b:s12+s4], $0x80, $0x38;
	[tilespmem:$0x1FF80] =	vst v63  }
0x1ab: {  	_ =	swait.ge [sflag:s24], $0x80  }
0x1ac: {  	[sflag:s24] =	ssyncset.done $0x0  }
0x1ad: {  	[sflag:s24] =	ssyncadd.s32 $0xFFFFFF80  }
0x1ae: {  	[tilespmem:s28], [sflag:$0x8] =	stream.indirect.gather [hbm4b:s1+s18], $0x80, s4, s18, $0xb8;
	[tilespmem:$0x1FF80] =	vst v63  }
0x1af: {  	_ =	swait.ge [sflag:s31], $0x80  }
0x1b0: {  	[sflag:s31] =	ssyncset.done $0x0  }
0x1b1: {  	[sflag:s31] =	ssyncadd.s32 $0xFFFFFF80  }
0x1b2: {  	[spmem:s3] =	stream.indirect.scatter.add.f32 [tilespmem:s30], [sflag:$0xA], $0x80, s21, s18, $0xb8;
	[tilespmem:$0x1FF80] =	vst v63  }
0x1b3: {  	_ =	swait.ge [sflag:s0], $0x4000  }
0x1b4: {  	s12 =	rddreg [dreg:$0x7];
	[sflag:s0] =	ssyncset.done $0x0  }
0x1b5: {  	[sflag:s0] =	ssyncadd.s32 $0xFFFFC000;
	s12 =	sadd.s32 s17, s12  }
0x1b6: {  	[tilespmem:s2], [sflag:$0x6] =	stream.linear.gather [hbm4b:s12+s4], $0x80, $0x38;
	[tilespmem:$0x1FF80] =	vst v63  }
0x1b7: {  	_ =	swait.ge [sflag:s23], $0x4000  }
0x1b8: {  	s12 =	rddreg [dreg:$0x14];
	[sflag:s23] =	ssyncset.done $0x0  }
0x1b9: {  	[sflag:s23] =	ssyncadd.s32 $0xFFFFC000;
	s12 =	sadd.s32 s17, s12  }
0x1ba: {  	[tilespmem:s20], [sflag:$0x4] =	stream.linear.gather [hbm4b:s12+s4], $0x80, $0x38;
	[tilespmem:$0x1FF80] =	vst v63  }
0x1bb: {  	_ =	swait.ge [sflag:s26], $0x80  }
0x1bc: {  	[sflag:s26] =	ssyncset.done $0x0  }
0x1bd: {  	[sflag:s26] =	ssyncadd.s32 $0xFFFFFF80  }
0x1be: {  	[tilespmem:s30], [sflag:$0x9] =	stream.indirect.gather [hbm4b:s1+s18], $0x80, s18, s18, $0xb8;
	[tilespmem:$0x1FF80] =	vst v63  }
0x1bf: {  	_ =	swait.ge [sflag:s9], $0x80  }
0x1c0: {  	[sflag:s9] =	ssyncset.done $0x0  }
0x1c1: {  	[sflag:s9] =	ssyncadd.s32 $0xFFFFFF80  }
0x1c2: {  	[spmem:s3] =	stream.indirect.scatter.add.f32 [tilespmem:s22], [sflag:$0xA], $0x80, s2, s18, $0xb8;
	[tilespmem:$0x1FF80] =	vst v63  }
0x1c3: {  	_ =	swait.ge [sflag:s0], $0x4000  }
0x1c4: {  	s12 =	rddreg [dreg:$0x19];
	[sflag:s0] =	ssyncset.done $0x0  }
0x1c5: {  	[sflag:s0] =	ssyncadd.s32 $0xFFFFC000;
	s12 =	sadd.s32 s17, s12  }
0x1c6: {  	[tilespmem:s21], [sflag:$0x5] =	stream.linear.gather [hbm4b:s12+s4], $0x80, $0x38;
	[tilespmem:$0x1FF80] =	vst v63  }
0x1c7: {  	_ =	swait.ge [sflag:s7], $0x4000  }
0x1c8: {  	s12 =	rddreg [dreg:$0x12];
	[sflag:s7] =	ssyncset.done $0x0  }
0x1c9: {  	[sflag:s7] =	ssyncadd.s32 $0xFFFFC000;
	s12 =	sadd.s32 s17, s12  }
0x1ca: {  	[tilespmem:s4], [sflag:$0x1] =	stream.linear.gather [hbm4b:s12+s4], $0x80, $0x38;
	[tilespmem:$0x1FF80] =	vst v63  }
0x1cb: {  	_ =	swait.ge [sflag:s29], $0x80  }
0x1cc: {  	[sflag:s29] =	ssyncset.done $0x0  }
0x1cd: {  	[sflag:s29] =	ssyncadd.s32 $0xFFFFFF80  }
0x1ce: {  	[tilespmem:s22], [sflag:$0x7] =	stream.indirect.gather [hbm4b:s1+s18], $0x80, s19, s18, $0xb8;
	[tilespmem:$0x1FF80] =	vst v63  }
0x1cf: {  	_ =	swait.ge [sflag:s31], $0x80  }
0x1d0: {  	[sflag:s31] =	ssyncset.done $0x0  }
0x1d1: {  	[sflag:s31] =	ssyncadd.s32 $0xFFFFFF80  }
0x1d2: {  	[spmem:s3] =	stream.indirect.scatter.add.f32 [tilespmem:s28], [sflag:$0xA], $0x80, s21, s18, $0xb8;
	[tilespmem:$0x1FF80] =	vst v63  }
0x1d3: {  	_ =	swait.ge [sflag:s0], $0x4000  }
0x1d4: {  	s12 =	rddreg [dreg:$0x17];
	[sflag:s0] =	ssyncset.done $0x0  }
0x1d5: {  	[sflag:s0] =	ssyncadd.s32 $0xFFFFC000;
	s12 =	sadd.s32 s17, s12  }
0x1d6: {  	[tilespmem:s2], [sflag:$0x6] =	stream.linear.gather [hbm4b:s12+s4], $0x80, $0x38;
	[tilespmem:$0x1FF80] =	vst v63  }
0x1d7: {  	_ =	swait.ge [sflag:s10], $0x4000  }
0x1d8: {  	s12 =	rddreg [dreg:$0x10];
	[sflag:s10] =	ssyncset.done $0x0  }
0x1d9: {  	[sflag:s10] =	ssyncadd.s32 $0xFFFFC000;
	s12 =	sadd.s32 s17, s12  }
0x1da: {  	[tilespmem:s18], [sflag:$0x2] =	stream.linear.gather [hbm4b:s12+s4], $0x80, $0x38;
	[tilespmem:$0x1FF80] =	vst v63  }
0x1db: {  	_ =	swait.ge [sflag:s8], $0x80  }
0x1dc: {  	[sflag:s8] =	ssyncset.done $0x0  }
0x1dd: {  	[sflag:s8] =	ssyncadd.s32 $0xFFFFFF80  }
0x1de: {  	[tilespmem:s28], [sflag:$0x8] =	stream.indirect.gather [hbm4b:s1+s18], $0x80, s20, s18, $0xb8;
	[tilespmem:$0x1FF80] =	vst v63  }
0x1df: {  	_ =	swait.ge [sflag:s9], $0x80  }
0x1e0: {  	[sflag:s9] =	ssyncset.done $0x0  }
0x1e1: {  	[sflag:s9] =	ssyncadd.s32 $0xFFFFFF80  }
0x1e2: {  	[spmem:s3] =	stream.indirect.scatter.add.f32 [tilespmem:s30], [sflag:$0xA], $0x80, s2, s18, $0xb8;
	[tilespmem:$0x1FF80] =	vst v63  }
0x1e3: {  	_ =	swait.ge [sflag:s0], $0x4000  }
0x1e4: {  	s12 =	rddreg [dreg:$0x15];
	[sflag:s0] =	ssyncset.done $0x0  }
0x1e5: {  	[sflag:s0] =	ssyncadd.s32 $0xFFFFC000;
	s12 =	sadd.s32 s17, s12  }
0x1e6: {  	[tilespmem:s21], [sflag:$0x5] =	stream.linear.gather [hbm4b:s12+s4], $0x80, $0x38;
	[tilespmem:$0x1FF80] =	vst v63  }
0x1e7: {  	_ =	swait.ge [sflag:s23], $0x4000  }
0x1e8: {  	s12 =	rddreg [dreg:$0xe];
	[sflag:s23] =	ssyncset.done $0x0  }
0x1e9: {  	[sflag:s23] =	ssyncadd.s32 $0xFFFFC000;
	s12 =	sadd.s32 s17, s12  }
0x1ea: {  	[tilespmem:s19], [sflag:$0x3] =	stream.linear.gather [hbm4b:s12+s4], $0x80, $0x38;
	[tilespmem:$0x1FF80] =	vst v63  }
0x1eb: {  	_ =	swait.ge [sflag:s24], $0x80  }
0x1ec: {  	[sflag:s24] =	ssyncset.done $0x0  }
0x1ed: {  	[sflag:s24] =	ssyncadd.s32 $0xFFFFFF80  }
0x1ee: {  	[tilespmem:s30], [sflag:$0x9] =	stream.indirect.gather [hbm4b:s1+s18], $0x80, s4, s18, $0xb8;
	[tilespmem:$0x1FF80] =	vst v63  }
0x1ef: {  	_ =	swait.ge [sflag:s31], $0x80  }
0x1f0: {  	[sflag:s31] =	ssyncset.done $0x0  }
0x1f1: {  	[sflag:s31] =	ssyncadd.s32 $0xFFFFFF80  }
0x1f2: {  	[spmem:s3] =	stream.indirect.scatter.add.f32 [tilespmem:s22], [sflag:$0xA], $0x80, s21, s18, $0xb8;
	[tilespmem:$0x1FF80] =	vst v63  }
0x1f3: {  	_ =	swait.ge [sflag:s0], $0x4000  }
0x1f4: {  	s12 =	rddreg [dreg:$0x13];
	[sflag:s0] =	ssyncset.done $0x0  }
0x1f5: {  	[sflag:s0] =	ssyncadd.s32 $0xFFFFC000;
	s12 =	sadd.s32 s17, s12  }
0x1f6: {  	[tilespmem:s2], [sflag:$0x6] =	stream.linear.gather [hbm4b:s12+s4], $0x80, $0x38;
	[tilespmem:$0x1FF80] =	vst v63  }
0x1f7: {  	_ =	swait.ge [sflag:s7], $0x4000  }
0x1f8: {  	s12 =	rddreg [dreg:$0xc];
	[sflag:s7] =	ssyncset.done $0x0  }
0x1f9: {  	[sflag:s7] =	ssyncadd.s32 $0xFFFFC000;
	s12 =	sadd.s32 s17, s12  }
0x1fa: {  	[tilespmem:s20], [sflag:$0x4] =	stream.linear.gather [hbm4b:s12+s4], $0x80, $0x38;
	[tilespmem:$0x1FF80] =	vst v63  }
0x1fb: {  	_ =	swait.ge [sflag:s26], $0x80  }
0x1fc: {  	[sflag:s26] =	ssyncset.done $0x0  }
0x1fd: {  	[sflag:s26] =	ssyncadd.s32 $0xFFFFFF80  }
0x1fe: {  	[tilespmem:s22], [sflag:$0x7] =	stream.indirect.gather [hbm4b:s1+s18], $0x80, s18, s18, $0xb8;
	[tilespmem:$0x1FF80] =	vst v63  }
0x1ff: {  	_ =	swait.ge [sflag:s9], $0x80  }
0x200: {  	[sflag:s9] =	ssyncset.done $0x0  }
0x201: {  	[sflag:s9] =	ssyncadd.s32 $0xFFFFFF80  }
0x202: {  	[spmem:s3] =	stream.indirect.scatter.add.f32 [tilespmem:s28], [sflag:$0xA], $0x80, s2, s18, $0xb8;
	[tilespmem:$0x1FF80] =	vst v63  }
0x203: {  	_ =	swait.ge [sflag:s0], $0x4000  }
0x204: {  	s12 =	rddreg [dreg:$0x11];
	[sflag:s0] =	ssyncset.done $0x0  }
0x205: {  	[sflag:s0] =	ssyncadd.s32 $0xFFFFC000;
	s12 =	sadd.s32 s17, s12  }
0x206: {  	[tilespmem:s21], [sflag:$0x5] =	stream.linear.gather [hbm4b:s12+s4], $0x80, $0x38;
	[tilespmem:$0x1FF80] =	vst v63  }
0x207: {  	_ =	swait.ge [sflag:s10], $0x4000  }
0x208: {  	s12 =	sshrl.u32 s16, $0x3;
	[sflag:s10] =	ssyncset.done $0x0  }
0x209: {  	s12 =	sadd.s32 s5, s12;
	[sflag:s10] =	ssyncadd.s32 $0xFFFFC000  }
0x20a: {  	[tilespmem:s4], [sflag:$0x1] =	stream.linear.gather [hbm4b:s12+s4], $0x80, $0x38;
	[tilespmem:$0x1FF80] =	vst v63  }
0x20b: {  	_ =	swait.ge [sflag:s29], $0x80  }
0x20c: {  	[sflag:s29] =	ssyncset.done $0x0  }
0x20d: {  	[sflag:s29] =	ssyncadd.s32 $0xFFFFFF80  }
0x20e: {  	[tilespmem:s28], [sflag:$0x8] =	stream.indirect.gather [hbm4b:s1+s18], $0x80, s19, s18, $0xb8;
	[tilespmem:$0x1FF80] =	vst v63  }
0x20f: {  	_ =	swait.ge [sflag:s31], $0x80  }
0x210: {  	[sflag:s31] =	ssyncset.done $0x0  }
0x211: {  	[sflag:s31] =	ssyncadd.s32 $0xFFFFFF80  }
0x212: {  	[spmem:s3] =	stream.indirect.scatter.add.f32 [tilespmem:s30], [sflag:$0xA], $0x80, s21, s18, $0xb8;
	[tilespmem:$0x1FF80] =	vst v63  }
0x213: {  	_ =	swait.ge [sflag:s0], $0x4000  }
0x214: {  	s12 =	rddreg [dreg:$0xf];
	[sflag:s0] =	ssyncset.done $0x0  }
0x215: {  	[sflag:s0] =	ssyncadd.s32 $0xFFFFC000;
	s12 =	sadd.s32 s17, s12  }
0x216: {  	[tilespmem:s2], [sflag:$0x6] =	stream.linear.gather [hbm4b:s12+s4], $0x80, $0x38;
	[tilespmem:$0x1FF80] =	vst v63  }
0x217: {  	_ =	swait.ge [sflag:s23], $0x4000  }
0x218: {  	s12 =	rddreg [dreg:$0x6];
	[sflag:s23] =	ssyncset.done $0x0  }
0x219: {  	[sflag:s23] =	ssyncadd.s32 $0xFFFFC000;
	s12 =	sadd.s32 s17, s12  }
0x21a: {  	[tilespmem:s18], [sflag:$0x2] =	stream.linear.gather [hbm4b:s12+s4], $0x80, $0x38;
	[tilespmem:$0x1FF80] =	vst v63  }
0x21b: {  	_ =	swait.ge [sflag:s8], $0x80  }
0x21c: {  	[sflag:s8] =	ssyncset.done $0x0  }
0x21d: {  	[sflag:s8] =	ssyncadd.s32 $0xFFFFFF80  }
0x21e: {  	[tilespmem:s30], [sflag:$0x9] =	stream.indirect.gather [hbm4b:s1+s18], $0x80, s20, s18, $0xb8;
	[tilespmem:$0x1FF80] =	vst v63  }
0x21f: {  	_ =	swait.ge [sflag:s9], $0x80  }
0x220: {  	[sflag:s9] =	ssyncset.done $0x0  }
0x221: {  	[sflag:s9] =	ssyncadd.s32 $0xFFFFFF80  }
0x222: {  	[spmem:s3] =	stream.indirect.scatter.add.f32 [tilespmem:s22], [sflag:$0xA], $0x80, s2, s18, $0xb8;
	[tilespmem:$0x1FF80] =	vst v63  }
0x223: {  	_ =	swait.ge [sflag:s0], $0x4000  }
0x224: {  	s12 =	rddreg [dreg:$0xd];
	[sflag:s0] =	ssyncset.done $0x0  }
0x225: {  	[sflag:s0] =	ssyncadd.s32 $0xFFFFC000;
	s12 =	sadd.s32 s17, s12  }
0x226: {  	[tilespmem:s21], [sflag:$0x5] =	stream.linear.gather [hbm4b:s12+s4], $0x80, $0x38;
	[tilespmem:$0x1FF80] =	vst v63  }
0x227: {  	_ =	swait.ge [sflag:s7], $0x4000  }
0x228: {  	s12 =	rddreg [dreg:$0x5];
	[sflag:s7] =	ssyncset.done $0x0  }
0x229: {  	[sflag:s7] =	ssyncadd.s32 $0xFFFFC000;
	s12 =	sadd.s32 s17, s12  }
0x22a: {  	[tilespmem:s19], [sflag:$0x3] =	stream.linear.gather [hbm4b:s12+s4], $0x80, $0x38;
	[tilespmem:$0x1FF80] =	vst v63  }
0x22b: {  	_ =	swait.ge [sflag:s24], $0x80  }
0x22c: {  	[sflag:s24] =	ssyncset.done $0x0  }
0x22d: {  	[sflag:s24] =	ssyncadd.s32 $0xFFFFFF80  }
0x22e: {  	[tilespmem:s22], [sflag:$0x7] =	stream.indirect.gather [hbm4b:s1+s18], $0x80, s4, s18, $0xb8;
	[tilespmem:$0x1FF80] =	vst v63  }
0x22f: {  	_ =	swait.ge [sflag:s31], $0x80  }
0x230: {  	[sflag:s31] =	ssyncset.done $0x0  }
0x231: {  	[sflag:s31] =	ssyncadd.s32 $0xFFFFFF80  }
0x232: {  	[spmem:s3] =	stream.indirect.scatter.add.f32 [tilespmem:s28], [sflag:$0xA], $0x80, s21, s18, $0xb8;
	[tilespmem:$0x1FF80] =	vst v63  }
0x233: {  	_ =	swait.ge [sflag:s0], $0x4000  }
0x234: {  	s12 =	rddreg [dreg:$0xb];
	[sflag:s0] =	ssyncset.done $0x0  }
0x235: {  	[sflag:s0] =	ssyncadd.s32 $0xFFFFC000;
	s12 =	sadd.s32 s17, s12  }
0x236: {  	[tilespmem:s2], [sflag:$0x6] =	stream.linear.gather [hbm4b:s12+s4], $0x80, $0x38;
	[tilespmem:$0x1FF80] =	vst v63  }
0x237: {  	_ =	swait.ge [sflag:s10], $0x4000  }
0x238: {  	s12 =	rddreg [dreg:$0x4];
	[sflag:s10] =	ssyncset.done $0x0  }
0x239: {  	[sflag:s10] =	ssyncadd.s32 $0xFFFFC000;
	s12 =	sadd.s32 s17, s12  }
0x23a: {  	[tilespmem:s20], [sflag:$0x4] =	stream.linear.gather [hbm4b:s12+s4], $0x80, $0x38;
	[tilespmem:$0x1FF80] =	vst v63  }
0x23b: {  	_ =	swait.ge [sflag:s26], $0x80  }
0x23c: {  	[sflag:s26] =	ssyncset.done $0x0  }
0x23d: {  	[sflag:s26] =	ssyncadd.s32 $0xFFFFFF80  }
0x23e: {  	[tilespmem:s28], [sflag:$0x8] =	stream.indirect.gather [hbm4b:s1+s18], $0x80, s18, s18, $0xb8;
	[tilespmem:$0x1FF80] =	vst v63  }
0x23f: {  	_ =	swait.ge [sflag:s9], $0x80  }
0x240: {  	p0 =	sne.s32 s15, $0x3C0;
	[sflag:s9] =	ssyncset.done $0x0  }
.Ltmp1:
0x241: {  	[sflag:s9] =	ssyncadd.s32 $0xFFFFFF80;
	(pc) =	sbr.rel @p0 .LBB2_4-.Ltmp1, $4  }
0x242: {  	[spmem:s3] =	stream.indirect.scatter.add.f32 [tilespmem:s30], [sflag:$0xA], $0x80, s2, s18, $0xb8;
	[tilespmem:$0x1FF80] =	vst v63  }
0x243: {  	_ =	swait.ge [sflag:s0], $0x4000  }
0x244: {  	s15 =	sadd.s32 $0xC0, s15;
	[sflag:s0] =	ssyncset.done $0x0;
	s12 =	rddreg [dreg:$0xa]  }
0x245: {  	s16 =	sadd.s32 $0x600, s16;
	[sflag:s0] =	ssyncadd.s32 $0xFFFFC000;
	s17 =	sadd.s32 s17, s12  }
0x246: {  	[tilespmem:s21], [sflag:$0x5] =	stream.linear.gather [hbm4b:s17+s4], $0x80, $0x38;
	[tilespmem:$0x1FF80] =	vst v63  }
0x247: {  	_ =	swait.ge [sflag:s23], $0x4000  }
0x248: {  	s12 =	sld [smem:$0x7E1]  }
0x249: {  	[sflag:s23] =	ssyncset.done $0x0  }
0x24a: {  	[sflag:s23] =	ssyncadd.s32 $0xFFFFC000  }
0x24b: {  	[tilespmem:s4], [sflag:$0x1] =	stream.linear.gather [hbm4b:s12+s4], $0x80, $0x38;
	[tilespmem:$0x1FF80] =	vst v63  }
0x24c: {  	_ =	swait.ge [sflag:s29], $0x80  }
0x24d: {  	[sflag:s29] =	ssyncset.done $0x0  }
0x24e: {  	[sflag:s29] =	ssyncadd.s32 $0xFFFFFF80  }
0x24f: {  	[tilespmem:s30], [sflag:$0x9] =	stream.indirect.gather [hbm4b:s1+s18], $0x80, s19, s18, $0xb8;
	[tilespmem:$0x1FF80] =	vst v63  }
0x250: {  	_ =	swait.ge [sflag:s31], $0x80  }
0x251: {  	[sflag:s31] =	ssyncset.done $0x0  }
0x252: {  	[sflag:s31] =	ssyncadd.s32 $0xFFFFFF80  }
0x253: {  	[spmem:s3] =	stream.indirect.scatter.add.f32 [tilespmem:s22], [sflag:$0xA], $0x80, s21, s18, $0xb8;
	[tilespmem:$0x1FF80] =	vst v63  }
0x254: {  	_ =	swait.ge [sflag:s0], $0x4000  }
0x255: {  	s16 =	sld [smem:$0x7E2]  }
0x256: {  	[sflag:s0] =	ssyncset.done $0x0  }
0x257: {  	[sflag:s0] =	ssyncadd.s32 $0xFFFFC000  }
0x258: {  	[tilespmem:s2], [sflag:$0x6] =	stream.linear.gather [hbm4b:s16+s4], $0x80, $0x38;
	[tilespmem:$0x1FF80] =	vst v63  }
0x259: {  	_ =	swait.ge [sflag:s7], $0x4000  }
0x25a: {  	s17 =	sld [smem:$0x7E3]  }
0x25b: {  	[sflag:s7] =	ssyncset.done $0x0  }
0x25c: {  	[sflag:s7] =	ssyncadd.s32 $0xFFFFC000  }
0x25d: {  	[tilespmem:s18], [sflag:$0x2] =	stream.linear.gather [hbm4b:s17+s4], $0x80, $0x38;
	[tilespmem:$0x1FF80] =	vst v63  }
0x25e: {  	_ =	swait.ge [sflag:s8], $0x80  }
0x25f: {  	[sflag:s8] =	ssyncset.done $0x0  }
0x260: {  	[sflag:s8] =	ssyncadd.s32 $0xFFFFFF80  }
0x261: {  	[tilespmem:s22], [sflag:$0x7] =	stream.indirect.gather [hbm4b:s1+s18], $0x80, s20, s18, $0xb8;
	[tilespmem:$0x1FF80] =	vst v63  }
0x262: {  	_ =	swait.ge [sflag:s9], $0x80  }
0x263: {  	[sflag:s9] =	ssyncset.done $0x0  }
0x264: {  	[sflag:s9] =	ssyncadd.s32 $0xFFFFFF80  }
0x265: {  	[spmem:s3] =	stream.indirect.scatter.add.f32 [tilespmem:s28], [sflag:$0xA], $0x80, s2, s18, $0xb8;
	[tilespmem:$0x1FF80] =	vst v63  }
0x266: {  	_ =	swait.ge [sflag:s0], $0x4000  }
0x267: {  	s15 =	sld [smem:$0x7E4]  }
0x268: {  	[sflag:s0] =	ssyncset.done $0x0  }
0x269: {  	[sflag:s0] =	ssyncadd.s32 $0xFFFFC000  }
0x26a: {  	[tilespmem:s21], [sflag:$0x5] =	stream.linear.gather [hbm4b:s15+s4], $0x80, $0x38;
	[tilespmem:$0x1FF80] =	vst v63  }
0x26b: {  	_ =	swait.ge [sflag:s10], $0x4000  }
0x26c: {  	[sflag:s10] =	ssyncset.done $0x0  }
0x26d: {  	[sflag:s10] =	ssyncadd.s32 $0xFFFFC000  }
0x26e: {  	_ =	swait.ge [sflag:s24], $0x80  }
0x26f: {  	[sflag:s24] =	ssyncset.done $0x0  }
0x270: {  	[sflag:s24] =	ssyncadd.s32 $0xFFFFFF80  }
0x271: {  	[tilespmem:s28], [sflag:$0x8] =	stream.indirect.gather [hbm4b:s1+s18], $0x80, s4, s18, $0xb8;
	[tilespmem:$0x1FF80] =	vst v63  }
0x272: {  	_ =	swait.ge [sflag:s31], $0x80  }
0x273: {  	[sflag:s31] =	ssyncset.done $0x0  }
0x274: {  	[sflag:s31] =	ssyncadd.s32 $0xFFFFFF80  }
0x275: {  	[spmem:s3] =	stream.indirect.scatter.add.f32 [tilespmem:s30], [sflag:$0xA], $0x80, s21, s18, $0xb8;
	[tilespmem:$0x1FF80] =	vst v63  }
0x276: {  	_ =	swait.ge [sflag:s0], $0x4000  }
0x277: {  	s16 =	sld [smem:$0x7E5]  }
0x278: {  	[sflag:s0] =	ssyncset.done $0x0  }
0x279: {  	[sflag:s0] =	ssyncadd.s32 $0xFFFFC000  }
0x27a: {  	[tilespmem:s2], [sflag:$0x6] =	stream.linear.gather [hbm4b:s16+s4], $0x80, $0x38;
	[tilespmem:$0x1FF80] =	vst v63  }
0x27b: {  	_ =	swait.ge [sflag:s23], $0x4000  }
0x27c: {  	[sflag:s23] =	ssyncset.done $0x0  }
0x27d: {  	[sflag:s23] =	ssyncadd.s32 $0xFFFFC000  }
0x27e: {  	_ =	swait.ge [sflag:s26], $0x80  }
0x27f: {  	[sflag:s26] =	ssyncset.done $0x0  }
0x280: {  	[sflag:s26] =	ssyncadd.s32 $0xFFFFFF80  }
0x281: {  	[tilespmem:s30], [sflag:$0x9] =	stream.indirect.gather [hbm4b:s1+s18], $0x80, s18, s18, $0xb8;
	[tilespmem:$0x1FF80] =	vst v63  }
0x282: {  	_ =	swait.ge [sflag:s9], $0x80  }
0x283: {  	[sflag:s9] =	ssyncset.done $0x0  }
0x284: {  	[sflag:s9] =	ssyncadd.s32 $0xFFFFFF80  }
0x285: {  	[spmem:s3] =	stream.indirect.scatter.add.f32 [tilespmem:s22], [sflag:$0xA], $0x80, s2, s18, $0xb8;
	[tilespmem:$0x1FF80] =	vst v63  }
0x286: {  	_ =	swait.ge [sflag:s0], $0x4000  }
0x287: {  	s17 =	sld [smem:$0x7E6]  }
0x288: {  	[sflag:s0] =	ssyncset.done $0x0  }
0x289: {  	[sflag:s0] =	ssyncadd.s32 $0xFFFFC000  }
0x28a: {  	[tilespmem:s21], [sflag:$0x5] =	stream.linear.gather [hbm4b:s17+s4], $0x80, $0x38;
	[tilespmem:$0x1FF80] =	vst v63  }
0x28b: {  	_ =	swait.ge [sflag:s7], $0x4000  }
0x28c: {  	[sflag:s7] =	ssyncset.done $0x0  }
0x28d: {  	[sflag:s7] =	ssyncadd.s32 $0xFFFFC000  }
0x28e: {  	_ =	swait.ge [sflag:s31], $0x80  }
0x28f: {  	[sflag:s31] =	ssyncset.done $0x0  }
0x290: {  	[sflag:s31] =	ssyncadd.s32 $0xFFFFFF80  }
0x291: {  	[spmem:s3] =	stream.indirect.scatter.add.f32 [tilespmem:s28], [sflag:$0xA], $0x80, s21, s18, $0xb8;
	[tilespmem:$0x1FF80] =	vst v63  }
0x292: {  	_ =	swait.ge [sflag:s0], $0x4000  }
0x293: {  	s15 =	sld [smem:$0x7E7]  }
0x294: {  	[sflag:s0] =	ssyncset.done $0x0  }
0x295: {  	[sflag:s0] =	ssyncadd.s32 $0xFFFFC000  }
0x296: {  	[tilespmem:s2], [sflag:$0x6] =	stream.linear.gather [hbm4b:s15+s4], $0x80, $0x38;
	[tilespmem:$0x1FF80] =	vst v63  }
0x297: {  	_ =	swait.ge [sflag:s10], $0x4000  }
0x298: {  	[sflag:s10] =	ssyncset.done $0x0  }
0x299: {  	[sflag:s10] =	ssyncadd.s32 $0xFFFFC000  }
0x29a: {  	_ =	swait.ge [sflag:s9], $0x80  }
0x29b: {  	[sflag:s9] =	ssyncset.done $0x0  }
0x29c: {  	[sflag:s9] =	ssyncadd.s32 $0xFFFFFF80  }
0x29d: {  	[spmem:s3] =	stream.indirect.scatter.add.f32 [tilespmem:s30], [sflag:$0xA], $0x80, s2, s18, $0xb8;
	[tilespmem:$0x1FF80] =	vst v63  }
0x29e: {  	_ =	swait.ge [sflag:s0], $0x4000  }
0x29f: {  	s16 =	sld [smem:$0x7E8]  }
0x2a0: {  	[sflag:s0] =	ssyncset.done $0x0  }
0x2a1: {  	s15 =	simm.s32 $0x300;
	s17 =	sld [smem:$0x7E9];
	[sflag:s0] =	ssyncadd.s32 $0xFFFFC000  }
0x2a2: {  	[tilespmem:s15], [sflag:$0x5] =	stream.linear.gather [hbm4b:s16+s4], $0x10, $0x38;
	[tilespmem:$0x1FF80] =	vst v63  }
0x2a3: {  	_ = 	snop  }
0x2a4: {  	[tilespmem:s4], [sflag:$0x1] =	stream.linear.gather [hbm4b:s17+s4], $0x10, $0x38;
	[tilespmem:$0x1FF80] =	vst v63  }
0x2a5: {  	_ =	swait.ge [sflag:s31], $0x10  }
0x2a6: {  	[sflag:s31] =	ssyncset.done $0x0  }
0x2a7: {  	[sflag:s31] =	ssyncadd.s32 $0xFFFFFFF0  }
0x2a8: {  	_ =	swait.ge [sflag:s24], $0x10  }
0x2a9: {  	[sflag:s24] =	ssyncset.done $0x0  }
0x2aa: {  	[sflag:s24] =	ssyncadd.s32 $0xFFFFFFF0  }
0x2ab: {  	[tilespmem:s22], [sflag:$0x7] =	stream.indirect.gather [hbm4b:s1+s13], $0x80, s4, s13, $0xb8;
	[tilespmem:$0x1FF80] =	vst v63  }
0x2ac: {  	_ =	swait.ge [sflag:s23], $0x800  }
0x2ad: {  	[sflag:s23] =	ssyncset.done $0x0  }
0x2ae: {  	[sflag:s23] =	ssyncadd.s32 $0xFFFFF800  }
0x2af: {  	[spmem:s3] =	stream.indirect.scatter.add.f32 [tilespmem:s22], [sflag:$0xA], $0x80, s15, s13, $0xb8;
	[tilespmem:$0x1FF80] =	vst v63  }
0x2b0: {  	_ =	swait.ge [sflag:s0], $0x800  }
0x2b1: {  	[sflag:s0] =	ssyncset.done $0x0  }
0x2b2: {  	[sflag:s0] =	ssyncadd.s32 $0xFFFFF800  }
0x2b3: {  	s16 =	stileid.u32;
	[bflag:$0x0] =	sbarrier.arrive $0xFFFF  }
0x2b4: {  	s12 =	sshll.u32 s16, $0x6;
	s16 =	sld [smem:$0x7EB];
	_ =	sdelay $0x1  }
0x2b5: {  	s12 =	sor.u32 $0x1C0A, s12;
	s17 =	sshrl.u32 s11, $0x3  }
0x2b6: {  	[hbm:s16], [sflag:s12] =	dma.local [spmem:s17], $0x2780  }
0x2b7: {  	_ =	swait.ge [sflag:s0], $0x2780  }
0x2b8: {  	s17 =	sld [smem:$0x7EA];
	_ =	sdelay $0x1  }
0x2b9: {  	s14 =	sadd.s32 $0x1, s14  }
0x2ba: {  	p0 =	sne.s32 s14, s17  }
.Ltmp2:
0x2bb: {  	_ = 	snop;
	(pc) =	sbr.rel @p0 .LBB2_1-.Ltmp2, $3  }
0x2bc: {  	_ =	sdelay $0x1  }
0x2bd: {  	[sflag:s0] =	ssyncset.done $0x0  }
0x2be: {  	[sflag:s0] =	ssyncadd.s32 $0xFFFFD880  }
0x2bf: {  	_ =	sfence.sel $0x180000  }
0x2c0: {  	[bflag:$0x0] =	sbarrier.arrive $0xFFFF  }
0x2c1: {  	_ =	strace $0x90000047  }
0x2c2: {  	s0 =	stileid.u32;
	[bflag:$0x2] =	sbarrier.arrive $0xFFFF  }
0x2c3: {  	p0 =	sne.s32 s0, $0x0;
	s0 =	rddreg [dreg:$0x3]  }
0x2c4: {  	s0 =	sadd.s32 @!p0 $0x100000, s0  }
0x2c5: {  	[sflag:s0] =	ssyncadd.tile.s32 @!p0 $0x1;
	_ =	shalt  }
.Lfunc_end2:
_tile_overlayer_lowered:
.L_overlay_start_2:
0x2c6: {  	(tag) =	ssettag $0x2  }
0x2c7: {  	s0 =	rddreg [dreg:$0x0];
	s2 =	stileid.u32  }
0x2c8: {  	s1 =	rddreg [dreg:$0x1];
	p0 =	sne.s32 s2, $0x0  }
0x2c9: {  	s3 =	rddreg [dreg:$0x2];
	[bflag:$0x3] =	sbarrier.arrive $0xFFFF;
	s2 =	simm.s32 @!p0 $0x1C0A  }
0x2ca: {  	[timem:s3], [sflag:s2] =	dma.local @!p0 [hbm:s0], s1  }
0x2cb: {  	s0 =	simm.s32 @!p0 $0xA  }
0x2cc: {  	_ =	swait.ge @!p0 [sflag:s0], s1  }
0x2cd: {  	s1 =	ssub.s32 @!p0 $0x0, s1;
	[sflag:s0] =	ssyncset.done @!p0 $0x0  }
0x2ce: {  	[sflag:s0] =	ssyncadd.s32 @!p0 s1  }
0x2cf: {  	[bflag:$0x3] =	sbarrier.arrive $0xFFFF  }
0x2d0: {  	_ =	shalt  }

</sc_bundles>
